<compile_context>
chip_gen: v7x
topology: tpu7x:2x2x1
jax: 0.10.2.dev20260603
libtpu: 0.0.44.dev20260713+nightly
codegen_flags: <defaults>
</compile_context>

<pallas_src>
import functools

import jax
import jax.numpy as jnp
from jax import lax
from jax.experimental import pallas as pl
from jax.experimental.pallas import tpu as pltpu
from jax.experimental.pallas import tpu_sc as plsc

LEAK = 0.2
EPS = 1e-5
K = 16
NWORKERS = 32
PTS_PER_CHUNK = 8


def _proj_body(x_ref, wc_ref, y_ref, z_ref, *, c_out):
    xb = x_ref[...]
    yz = lax.dot_general(xb, wc_ref[...], (((1,), (0,)), ((), ())),
                         preferred_element_type=jnp.float32,
                         precision=lax.Precision.HIGHEST)
    y_ref[...] = yz[:, :c_out]
    z_ref[...] = yz[:, c_out:]


def _knn_body(xb_ref, xs_ref, xst_ref, idx_ref, *, k, s_seg):
    seg = pl.program_id(0)
    xb = xb_ref[...]
    xs = xs_ref[...]
    xst = xst_ref[...]
    dots = lax.dot_general(xb, xs, (((1,), (1,)), ((), ())),
                           preferred_element_type=jnp.float32)
    sq_i = jnp.sum(xb * xb, axis=1, keepdims=True)
    sq_j = jnp.sum(xst * xst, axis=0, keepdims=True)
    d2 = (sq_i + sq_j) - 2.0 * dots
    big = jnp.float32(3.0e38)
    nch = d2.shape[1] // 128
    iota = lax.broadcasted_iota(jnp.int32, (d2.shape[0], 128), 1)
    ds = [d2[:, c * 128:(c + 1) * 128] for c in range(nch)]
    io = [iota + c * 128 for c in range(nch)]
    idx_cols = []
    for _ in range(k):
        v = ds[0]
        ii = io[0]
        for c in range(1, nch):
            take = ds[c] < v
            v = jnp.where(take, ds[c], v)
            ii = jnp.where(take, io[c], ii)
        mv = jnp.min(v, axis=1, keepdims=True)
        cand = jnp.where(v == mv, ii, s_seg)
        am = jnp.min(cand, axis=1, keepdims=True)
        for c in range(nch):
            ds[c] = jnp.where(io[c] == am, big, ds[c])
        idx_cols.append(am)
    idx_ref[...] = jnp.concatenate(idx_cols, axis=1) + seg * s_seg


def _sc_body(y_hbm, idx_hbm, out_hbm, idx_v, gbuf, stage,
             gs0, gs1, os0, os1, *, c_out, chunks_per_w, k, pts):
    gsem = (gs0, gs1)
    osem = (os0, os1)
    wid = lax.axis_index("s") * 2 + lax.axis_index("c")
    rows_per_chunk = pts * k
    chunk0 = wid * chunks_per_w

    pltpu.sync_copy(idx_hbm.at[pl.ds(chunk0, chunks_per_w)], idx_v)

    def fire_gather(c, b):
        pltpu.async_copy(y_hbm.at[idx_v.at[c]], gbuf.at[b], gsem[b])

    def wait_gather(c, b):
        pltpu.make_async_copy(y_hbm.at[idx_v.at[c]], gbuf.at[b], gsem[b]).wait()

    def fire_out(c, b):
        base = (chunk0 + c) * pts
        pltpu.async_copy(stage.at[b], out_hbm.at[pl.ds(base, pts)], osem[b])

    def wait_out(c, b):
        base = (chunk0 + c) * pts
        pltpu.make_async_copy(stage.at[b], out_hbm.at[pl.ds(base, pts)],
                              osem[b]).wait()

    fire_gather(0, 0)
    fire_gather(1, 1)

    def do_phase(c, b):
        wait_gather(c, b)

        @pl.when(c >= 2)
        def _():
            wait_out(c - 2, b)

        gb = gbuf.at[b]
        st = stage.at[b]

        @pl.loop(0, pts)
        def _pt(p):
            r0 = p * k
            for v in range(c_out // 16):
                sl = pl.ds(v * 16, 16)
                a0 = gb[r0, sl]
                amax = a0
                amin = a0
                asum = a0
                asq = a0 * a0
                for r in range(1, k):
                    av = gb[r0 + r, sl]
                    amax = jnp.maximum(amax, av)
                    amin = jnp.minimum(amin, av)
                    asum = asum + av
                    asq = asq + av * av
                st[p, pl.ds(v * 16, 16)] = amax
                st[p, pl.ds(c_out + v * 16, 16)] = amin
                st[p, pl.ds(2 * c_out + v * 16, 16)] = asum
                st[p, pl.ds(3 * c_out + v * 16, 16)] = asq

        fire_out(c, b)

        @pl.when(c + 2 < chunks_per_w)
        def _():
            fire_gather(c + 2, b)

    @pl.loop(0, chunks_per_w, step=2)
    def _chunk(c):
        do_phase(c, 0)
        do_phase(c + 1, 1)

    wait_out(chunks_per_w - 2, 0)
    wait_out(chunks_per_w - 1, 1)


def _stats_body(sc_ref, z_ref, gam_ref, bet_ref, out_ref, acc_ref,
                *, nblocks, n_total, k, c_out):
    i = pl.program_id(0)

    @pl.when(i == 0)
    def _init():
        acc_ref[...] = jnp.zeros_like(acc_ref)

    blk = sc_ref[...]
    g = blk[:, 2 * c_out:3 * c_out]
    q = blk[:, 3 * c_out:4 * c_out]
    z = z_ref[...]
    acc_ref[0:1, :] += jnp.sum(g, axis=0, keepdims=True)
    acc_ref[1:2, :] += jnp.sum(q, axis=0, keepdims=True)
    acc_ref[2:3, :] += jnp.sum(z * g, axis=0, keepdims=True)
    acc_ref[3:4, :] += jnp.sum(z, axis=0, keepdims=True)
    acc_ref[4:5, :] += jnp.sum(z * z, axis=0, keepdims=True)

    @pl.when(i == nblocks - 1)
    def _fin():
        cnt = jnp.float32(n_total * k)
        kf = jnp.float32(k)
        sum_g = acc_ref[0:1, :]
        sum_q = acc_ref[1:2, :]
        sum_zg = acc_ref[2:3, :]
        sum_z = acc_ref[3:4, :]
        sum_z2 = acc_ref[4:5, :]
        mean = (sum_g + kf * sum_z) / cnt
        e2 = (sum_q + 2.0 * sum_zg + kf * sum_z2) / cnt
        var = e2 - mean * mean
        scale = gam_ref[...] * lax.rsqrt(var + EPS)
        shift = bet_ref[...] - mean * scale
        out_ref[0:1, :] = scale
        out_ref[1:2, :] = shift


def _fin_body(z_ref, sc_ref, stat_ref, out_ref, *, c_out):
    scale = stat_ref[0:1, :]
    shift = stat_ref[1:2, :]
    blk = sc_ref[...]
    m = jnp.where(scale >= 0.0, blk[:, :c_out], blk[:, c_out:2 * c_out])
    v = (z_ref[...] + m) * scale + shift
    out_ref[...] = jnp.where(v >= 0.0, v, LEAK * v)


def kernel(p, x, o, W, gamma, beta):
    n, d = x.shape
    bseg = o.shape[0]
    s_seg = n // bseg
    c_out = W.shape[1]
    k = K

    w1 = W[:d]
    w2 = W[d:]
    wc = jnp.concatenate([w1, w2 - w1], axis=1)
    xt = x.T

    rb = 512
    f32 = jnp.float32
    y, z = pl.pallas_call(
        functools.partial(_proj_body, c_out=c_out),
        grid=(n // rb,),
        in_specs=[
            pl.BlockSpec((rb, d), lambda i: (i, 0)),
            pl.BlockSpec((d, 2 * c_out), lambda i: (0, 0)),
        ],
        out_specs=[
            pl.BlockSpec((rb, c_out), lambda i: (i, 0)),
            pl.BlockSpec((rb, c_out), lambda i: (i, 0)),
        ],
        out_shape=[
            jax.ShapeDtypeStruct((n, c_out), f32),
            jax.ShapeDtypeStruct((n, c_out), f32),
        ],
    )(x, wc)

    r = 256
    nrb = s_seg // r
    idx = pl.pallas_call(
        functools.partial(_knn_body, k=k, s_seg=s_seg),
        grid=(bseg, nrb),
        in_specs=[
            pl.BlockSpec((r, d), lambda s, rr: (s * nrb + rr, 0)),
            pl.BlockSpec((s_seg, d), lambda s, rr: (s, 0)),
            pl.BlockSpec((d, s_seg), lambda s, rr: (0, s)),
        ],
        out_specs=pl.BlockSpec((r, k), lambda s, rr: (s * nrb + rr, 0)),
        out_shape=jax.ShapeDtypeStruct((n, k), jnp.int32),
    )(x, x, xt)

    pts = PTS_PER_CHUNK
    rows_per_chunk = pts * k
    n_chunks = n // pts
    chunks_per_w = n_chunks // NWORKERS
    idx2d = idx.reshape(n_chunks, rows_per_chunk)

    mesh = plsc.VectorSubcoreMesh(core_axis_name="c", subcore_axis_name="s")
    sc_out = pl.kernel(
        functools.partial(_sc_body, c_out=c_out, chunks_per_w=chunks_per_w,
                          k=k, pts=pts),
        out_type=jax.ShapeDtypeStruct((n, 4 * c_out), f32),
        mesh=mesh,
        scratch_types=[
            pltpu.VMEM((chunks_per_w, rows_per_chunk), jnp.int32),
            pltpu.VMEM((2, rows_per_chunk, c_out), f32),
            pltpu.VMEM((2, pts, 4 * c_out), f32),
            pltpu.SemaphoreType.DMA,
            pltpu.SemaphoreType.DMA,
            pltpu.SemaphoreType.DMA,
            pltpu.SemaphoreType.DMA,
        ],
        compiler_params=pltpu.CompilerParams(use_tc_tiling_on_sc=False),
    )(y, idx2d)

    nblocks = n // rb
    stat = pl.pallas_call(
        functools.partial(_stats_body, nblocks=nblocks, n_total=n, k=k,
                          c_out=c_out),
        grid=(nblocks,),
        in_specs=[
            pl.BlockSpec((rb, 4 * c_out), lambda i: (i, 0)),
            pl.BlockSpec((rb, c_out), lambda i: (i, 0)),
            pl.BlockSpec((1, c_out), lambda i: (0, 0)),
            pl.BlockSpec((1, c_out), lambda i: (0, 0)),
        ],
        out_specs=pl.BlockSpec((2, c_out), lambda i: (0, 0)),
        out_shape=jax.ShapeDtypeStruct((2, c_out), f32),
        scratch_shapes=[pltpu.VMEM((8, c_out), f32)],
    )(sc_out, z, gamma.reshape(1, c_out), beta.reshape(1, c_out))

    out = pl.pallas_call(
        functools.partial(_fin_body, c_out=c_out),
        grid=(nblocks,),
        in_specs=[
            pl.BlockSpec((rb, c_out), lambda i: (i, 0)),
            pl.BlockSpec((rb, 4 * c_out), lambda i: (i, 0)),
            pl.BlockSpec((2, c_out), lambda i: (0, 0)),
        ],
        out_specs=pl.BlockSpec((rb, c_out), lambda i: (i, 0)),
        out_shape=jax.ShapeDtypeStruct((n, c_out), f32),
    )(z, sc_out, stat)
    return out

# --- scband reference (transcript-rebuilt; emitter-appended) ---
"""Pipeline reference for scband-edge-conv-7705171329409 (READ-ONLY COPY).

The authoritative reference and input builder live on the scoring server;
editing this copy changes nothing except your own understanding.
"""

import jax, jax.numpy as jnp
import numpy as np

N = 16384
B = 8
S = N // B
D = 64
K = 16
C_OUT = 64


def setup_inputs(seed: int = 0) -> dict:
    key = jax.random.key(seed)
    k1, k2, k3 = jax.random.split(key, 3)
    p = jax.random.normal(k1, (N, 3), dtype=jnp.float32)
    x = jax.random.normal(k2, (N, D), dtype=jnp.float32)
    # o are cumulative batch offsets (pointops convention): [2048, 4096, ..., 16384]
    o = (jnp.arange(B, dtype=jnp.int32) + 1) * S
    # Linear(2*D -> C_OUT, bias=False)
    W = jax.random.normal(k3, (2 * D, C_OUT), dtype=jnp.float32) * (1.0 / np.sqrt(2 * D))
    # BatchNorm1d affine params (fresh module => training-mode batch stats)
    gamma = jnp.ones((C_OUT,), dtype=jnp.float32)
    beta = jnp.zeros((C_OUT,), dtype=jnp.float32)
    return {"p": p, "x": x, "o": o, "W": W, "gamma": gamma, "beta": beta}


def _knn_query(k, x, o):
    # kNN in feature space, restricted to each batch segment (equal-sized segments).
    b = o.shape[0]
    s = x.shape[0] // b
    xb = x.reshape(b, s, -1)
    sq = jnp.sum(xb * xb, axis=-1)
    d2 = sq[:, :, None] + sq[:, None, :] - 2.0 * jnp.einsum('bnd,bmd->bnm', xb, xb)
    _, idx_local = jax.lax.top_k(-d2, k)  # (b, s, k), includes self
    offs = (jnp.arange(b, dtype=idx_local.dtype) * s)[:, None, None]
    return (idx_local + offs).reshape(b * s, k)


def reference(p, x, o, W, gamma, beta):
    idx = _knn_query(K, x, o)                     # (N, K) global indices
    grouped_feats = jnp.take(x, idx, axis=0)      # pointops.grouping, with_xyz=False -> (N, K, D)
    exp_feats = jnp.broadcast_to(x[:, None, :], (N, K, D))
    x_graph = jnp.concatenate([grouped_feats - exp_feats, exp_feats], axis=-1)  # (N, K, 2D)
    h = x_graph @ W                               # Linear, no bias -> (N, K, C_OUT)
    # PointBatchNorm on 3D input: BatchNorm1d over (N, K) per channel (training-mode batch stats)
    mean = jnp.mean(h, axis=(0, 1))
    var = jnp.var(h, axis=(0, 1))
    h = (h - mean) / jnp.sqrt(var + 1e-5) * gamma + beta
    # LeakyReLU(0.2)
    h = jnp.where(h >= 0, h, 0.2 * h)
    out = jnp.max(h, axis=1)                      # max over k neighbors -> (N, C_OUT)
    return out

if __name__ == "__main__":
    import jax
    _d = setup_inputs()
    print(jax.jit(kernel)(*tuple(_d.values())))

</pallas_src>

<mosaic_0001>
#map = affine_map<(d0, d1) -> (0, 0)>
module attributes {stable_mosaic.version = 14 : i64} {
  func.func @_sc_body(%arg0: i32, %arg1: i32, %arg2: memref<16384x64xf32, #tpu.memory_space<hbm>>, %arg3: memref<2048x128xi32, #tpu.memory_space<hbm>>, %arg4: memref<16384x256xf32, #tpu.memory_space<hbm>>, %arg5: memref<64x128xi32, #tpu.memory_space<vmem>>, %arg6: memref<2x128x64xf32, #tpu.memory_space<vmem>>, %arg7: memref<2x8x256xf32, #tpu.memory_space<vmem>>, %arg8: memref<!tpu.dma_semaphore, #tpu.memory_space<semaphore_mem>>, %arg9: memref<!tpu.dma_semaphore, #tpu.memory_space<semaphore_mem>>, %arg10: memref<!tpu.dma_semaphore, #tpu.memory_space<semaphore_mem>>, %arg11: memref<!tpu.dma_semaphore, #tpu.memory_space<semaphore_mem>>) attributes {dimension_semantics = [#tpu.dimension_semantics<core_parallel>, #tpu.dimension_semantics<subcore_parallel>], iteration_bounds = array<i64: 2, 16>, scalar_prefetch = 0 : i64, scratch_operands = 7 : i64, tpu.core_type = #tpu.core_type<sc_vector_subcore>, window_params = [{transform_indices = #map}, {transform_indices = #map}, {transform_indices = #map}]} {
    %mul3A = arith.constant 2 : i32
    %mul3A_0 = arith.muli %arg1, %mul3A : i32
    %add3A = arith.addi %mul3A_0, %arg0 : i32
    %mul3A_1 = arith.constant 64 : i32
    %mul3A_2 = arith.muli %add3A, %mul3A_1 : i32
    "tpu.region"() ({
      %run_scoped3A = tpu.sem_alloc : memref<!tpu.dma_semaphore, #tpu.memory_space<semaphore_mem>>
      %dma_start3A_63 = arith.constant 0 : i32
      %dma_start3A_64 = tpu.memref_slice %arg3[%mul3A_2, %dma_start3A_63] : memref<2048x128xi32, #tpu.memory_space<hbm>> -> memref<64x128xi32, #tpu.memory_space<hbm>>
      %dma_start3A_65 = arith.constant 0 : i32
      %dma_start3A_66 = tpu.memref_slice %arg3[%mul3A_2, %dma_start3A_65] : memref<2048x128xi32, #tpu.memory_space<hbm>> -> memref<64x128xi32, #tpu.memory_space<hbm>>
      tpu.enqueue_dma source(%dma_start3A_66 : memref<64x128xi32, #tpu.memory_space<hbm>>) target(%arg5 : memref<64x128xi32, #tpu.memory_space<vmem>>) target_semaphore(%run_scoped3A : memref<!tpu.dma_semaphore, #tpu.memory_space<semaphore_mem>>)
      %dma_wait3A_67 = arith.constant 0 : i32
      %dma_wait3A_68 = tpu.memref_slice %arg3[%mul3A_2, %dma_wait3A_67] : memref<2048x128xi32, #tpu.memory_space<hbm>> -> memref<64x128xi32, #tpu.memory_space<hbm>>
      %dma_wait3A_69 = arith.constant 0 : i32
      %dma_wait3A_70 = tpu.memref_slice %arg3[%mul3A_2, %dma_wait3A_69] : memref<2048x128xi32, #tpu.memory_space<hbm>> -> memref<64x128xi32, #tpu.memory_space<hbm>>
      tpu.wait_dma2 semaphore(%run_scoped3A : memref<!tpu.dma_semaphore, #tpu.memory_space<semaphore_mem>>) src(%dma_wait3A_70 : memref<64x128xi32, #tpu.memory_space<hbm>>) dst(%arg5 : memref<64x128xi32, #tpu.memory_space<vmem>>)
      tpu.yield
    }) : () -> ()
    %dma_start3A = arith.constant 0 : i32
    %dma_start3A_3 = arith.constant 0 : i32
    %dma_start3A_4 = arith.constant 0 : i32
    %dma_start3A_5 = arith.constant 0 : i32
    %dma_start3A_6 = tpu.memref_slice %arg6[%dma_start3A_3, %dma_start3A_4, %dma_start3A_5] : memref<2x128x64xf32, #tpu.memory_space<vmem>> -> memref<1x128x64xf32, #tpu.memory_space<vmem>>
    %dma_start3A_7 = tpu.memref_squeeze %dma_start3A_6 : memref<1x128x64xf32, #tpu.memory_space<vmem>> -> memref<128x64xf32, #tpu.memory_space<vmem>>
    %dma_start3A_8 = arith.constant 0 : i32
    %dma_start3A_9 = tpu.memref_slice %arg5[%dma_start3A, %dma_start3A_8] : memref<64x128xi32, #tpu.memory_space<vmem>> -> memref<1x128xi32, #tpu.memory_space<vmem>>
    %dma_start3A_10 = tpu.memref_squeeze %dma_start3A_9 : memref<1x128xi32, #tpu.memory_space<vmem>> -> memref<128xi32, #tpu.memory_space<vmem>>
    %dma_start3A_11 = arith.constant 0 : i32
    %dma_start3A_12 = arith.constant 0 : i32
    %dma_start3A_13 = tpu.memref_slice %arg2[%dma_start3A_11, %dma_start3A_12] : memref<16384x64xf32, #tpu.memory_space<hbm>> -> memref<16384x64xf32, #tpu.memory_space<hbm>>
    tpu.enqueue_indirect_dma source(%dma_start3A_13 : memref<16384x64xf32, #tpu.memory_space<hbm>>) target(%dma_start3A_7 : memref<128x64xf32, #tpu.memory_space<vmem>>) offsets(%dma_start3A_10 : memref<128xi32, #tpu.memory_space<vmem>>) semaphore(%arg8 : memref<!tpu.dma_semaphore, #tpu.memory_space<semaphore_mem>>)
    %dma_start3A_14 = arith.constant 1 : i32
    %dma_start3A_15 = arith.constant 1 : i32
    %dma_start3A_16 = arith.constant 0 : i32
    %dma_start3A_17 = arith.constant 0 : i32
    %dma_start3A_18 = tpu.memref_slice %arg6[%dma_start3A_15, %dma_start3A_16, %dma_start3A_17] : memref<2x128x64xf32, #tpu.memory_space<vmem>> -> memref<1x128x64xf32, #tpu.memory_space<vmem>>
    %dma_start3A_19 = tpu.memref_squeeze %dma_start3A_18 : memref<1x128x64xf32, #tpu.memory_space<vmem>> -> memref<128x64xf32, #tpu.memory_space<vmem>>
    %dma_start3A_20 = arith.constant 0 : i32
    %dma_start3A_21 = tpu.memref_slice %arg5[%dma_start3A_14, %dma_start3A_20] : memref<64x128xi32, #tpu.memory_space<vmem>> -> memref<1x128xi32, #tpu.memory_space<vmem>>
    %dma_start3A_22 = tpu.memref_squeeze %dma_start3A_21 : memref<1x128xi32, #tpu.memory_space<vmem>> -> memref<128xi32, #tpu.memory_space<vmem>>
    %dma_start3A_23 = arith.constant 0 : i32
    %dma_start3A_24 = arith.constant 0 : i32
    %dma_start3A_25 = tpu.memref_slice %arg2[%dma_start3A_23, %dma_start3A_24] : memref<16384x64xf32, #tpu.memory_space<hbm>> -> memref<16384x64xf32, #tpu.memory_space<hbm>>
    tpu.enqueue_indirect_dma source(%dma_start3A_25 : memref<16384x64xf32, #tpu.memory_space<hbm>>) target(%dma_start3A_19 : memref<128x64xf32, #tpu.memory_space<vmem>>) offsets(%dma_start3A_22 : memref<128xi32, #tpu.memory_space<vmem>>) semaphore(%arg9 : memref<!tpu.dma_semaphore, #tpu.memory_space<semaphore_mem>>)
    %scan3A = arith.constant 0 : i32
    %scan3A_26 = arith.constant 32 : i32
    %scan3A_27 = arith.addi %scan3A, %scan3A_26 : i32
    %scan3A_28 = arith.constant 1 : i32
    scf.for %scan3A_63 = %scan3A to %scan3A_27 step %scan3A_28  : i32 {
      %mul3A_64 = arith.constant 2 : i32
      %mul3A_65 = arith.muli %scan3A_63, %mul3A_64 : i32
      %add3A_66 = arith.constant 0 : i32
      %add3A_67 = arith.addi %add3A_66, %mul3A_65 : i32
      %dma_wait3A_68 = arith.constant 0 : i32
      %dma_wait3A_69 = arith.constant 0 : i32
      %dma_wait3A_70 = arith.constant 0 : i32
      %dma_wait3A_71 = tpu.memref_slice %arg6[%dma_wait3A_68, %dma_wait3A_69, %dma_wait3A_70] : memref<2x128x64xf32, #tpu.memory_space<vmem>> -> memref<1x128x64xf32, #tpu.memory_space<vmem>>
      %dma_wait3A_72 = tpu.memref_squeeze %dma_wait3A_71 : memref<1x128x64xf32, #tpu.memory_space<vmem>> -> memref<128x64xf32, #tpu.memory_space<vmem>>
      %dma_wait3A_73 = arith.constant 0 : i32
      %dma_wait3A_74 = tpu.memref_slice %arg5[%add3A_67, %dma_wait3A_73] : memref<64x128xi32, #tpu.memory_space<vmem>> -> memref<1x128xi32, #tpu.memory_space<vmem>>
      %dma_wait3A_75 = tpu.memref_squeeze %dma_wait3A_74 : memref<1x128xi32, #tpu.memory_space<vmem>> -> memref<128xi32, #tpu.memory_space<vmem>>
      %dma_wait3A_76 = arith.constant 0 : i32
      %dma_wait3A_77 = arith.constant 0 : i32
      %dma_wait3A_78 = tpu.memref_slice %arg2[%dma_wait3A_76, %dma_wait3A_77] : memref<16384x64xf32, #tpu.memory_space<hbm>> -> memref<16384x64xf32, #tpu.memory_space<hbm>>
      tpu.wait_indirect_dma semaphore(%arg8 : memref<!tpu.dma_semaphore, #tpu.memory_space<semaphore_mem>>) src(%dma_wait3A_78 : memref<16384x64xf32, #tpu.memory_space<hbm>>) dst(%dma_wait3A_72 : memref<128x64xf32, #tpu.memory_space<vmem>>)
      %ge3A = arith.constant 2 : i32
      %ge3A_79 = arith.cmpi sge, %add3A_67, %ge3A : i32
      %convert_element_type3A = arith.extui %ge3A_79 : i1 to i32
      %cond3A = arith.constant 0 : i32
      %cond3A_80 = arith.cmpi ne, %convert_element_type3A, %cond3A : i32
      scf.if %cond3A_80 {
        %sub3A = arith.constant 2 : i32
        %sub3A_158 = arith.subi %add3A_67, %sub3A : i32
        %add3A_159 = arith.addi %mul3A_2, %sub3A_158 : i32
        %mul3A_160 = arith.constant 8 : i32
        %mul3A_161 = arith.muli %add3A_159, %mul3A_160 : i32
        %dma_wait3A_162 = arith.constant 0 : i32
        %dma_wait3A_163 = arith.constant 0 : i32
        %dma_wait3A_164 = arith.constant 0 : i32
        %dma_wait3A_165 = tpu.memref_slice %arg7[%dma_wait3A_162, %dma_wait3A_163, %dma_wait3A_164] : memref<2x8x256xf32, #tpu.memory_space<vmem>> -> memref<1x8x256xf32, #tpu.memory_space<vmem>>
        %dma_wait3A_166 = tpu.memref_squeeze %dma_wait3A_165 : memref<1x8x256xf32, #tpu.memory_space<vmem>> -> memref<8x256xf32, #tpu.memory_space<vmem>>
        %dma_wait3A_167 = arith.constant 0 : i32
        %dma_wait3A_168 = tpu.memref_slice %arg4[%mul3A_161, %dma_wait3A_167] : memref<16384x256xf32, #tpu.memory_space<hbm>> -> memref<8x256xf32, #tpu.memory_space<hbm>>
        %dma_wait3A_169 = arith.constant 0 : i32
        %dma_wait3A_170 = tpu.memref_slice %arg4[%mul3A_161, %dma_wait3A_169] : memref<16384x256xf32, #tpu.memory_space<hbm>> -> memref<8x256xf32, #tpu.memory_space<hbm>>
        %dma_wait3A_171 = arith.constant 0 : i32
        %dma_wait3A_172 = arith.constant 0 : i32
        %dma_wait3A_173 = tpu.memref_slice %arg7[%dma_wait3A_162, %dma_wait3A_171, %dma_wait3A_172] : memref<2x8x256xf32, #tpu.memory_space<vmem>> -> memref<1x8x256xf32, #tpu.memory_space<vmem>>
        %dma_wait3A_174 = tpu.memref_squeeze %dma_wait3A_173 : memref<1x8x256xf32, #tpu.memory_space<vmem>> -> memref<8x256xf32, #tpu.memory_space<vmem>>
        tpu.wait_dma2 semaphore(%arg10 : memref<!tpu.dma_semaphore, #tpu.memory_space<semaphore_mem>>) src(%dma_wait3A_174 : memref<8x256xf32, #tpu.memory_space<vmem>>) dst(%dma_wait3A_170 : memref<8x256xf32, #tpu.memory_space<hbm>>)
      } else {
      }
      %scan3A_81 = arith.constant 0 : i32
      %scan3A_82 = arith.constant 0 : i32
      %scan3A_83 = arith.constant 0 : i32
      %scan3A_84 = arith.constant 8 : i32
      %scan3A_85 = arith.addi %scan3A_83, %scan3A_84 : i32
      %scan3A_86 = arith.constant 1 : i32
      scf.for %scan3A_158 = %scan3A_83 to %scan3A_85 step %scan3A_86  : i32 {
        %mul3A_159 = arith.constant 1 : i32
        %mul3A_160 = arith.muli %scan3A_158, %mul3A_159 : i32
        %add3A_161 = arith.constant 0 : i32
        %add3A_162 = arith.addi %add3A_161, %mul3A_160 : i32
        %mul3A_163 = arith.constant 16 : i32
        %mul3A_164 = arith.muli %add3A_162, %mul3A_163 : i32
        %get3A = arith.constant 0 : i32
        %get3A_165 = arith.constant 0 : i32
        %get3A_166 = tpu.memref_slice %arg6[%scan3A_81, %get3A, %get3A_165] : memref<2x128x64xf32, #tpu.memory_space<vmem>> -> memref<1x128x64xf32, #tpu.memory_space<vmem>>
        %get3A_167 = tpu.memref_squeeze %get3A_166 : memref<1x128x64xf32, #tpu.memory_space<vmem>> -> memref<128x64xf32, #tpu.memory_space<vmem>>
        %get3A_168 = arith.index_cast %mul3A_164 : i32 to index
        %get3A_169 = arith.constant 0 : index
        %get3A_170 = tpu.vector_load %get3A_167[%get3A_168, %get3A_169] {strides = array<i32>} : memref<128x64xf32, #tpu.memory_space<vmem>>, vector<1x16xf32>,
        %get3A_171 = vector.shape_cast %get3A_170 : vector<1x16xf32> to vector<16xf32>
        %mul3A_172 = arith.mulf %get3A_171, %get3A_171 : vector<16xf32>
        %add3A_173 = arith.constant 1 : i32
        %add3A_174 = arith.addi %mul3A_164, %add3A_173 : i32
        %get3A_175 = arith.constant 0 : i32
        %get3A_176 = arith.constant 0 : i32
        %get3A_177 = tpu.memref_slice %arg6[%scan3A_81, %get3A_175, %get3A_176] : memref<2x128x64xf32, #tpu.memory_space<vmem>> -> memref<1x128x64xf32, #tpu.memory_space<vmem>>
        %get3A_178 = tpu.memref_squeeze %get3A_177 : memref<1x128x64xf32, #tpu.memory_space<vmem>> -> memref<128x64xf32, #tpu.memory_space<vmem>>
        %get3A_179 = arith.index_cast %add3A_174 : i32 to index
        %get3A_180 = arith.constant 0 : index
        %get3A_181 = tpu.vector_load %get3A_178[%get3A_179, %get3A_180] {strides = array<i32>} : memref<128x64xf32, #tpu.memory_space<vmem>>, vector<1x16xf32>,
        %get3A_182 = vector.shape_cast %get3A_181 : vector<1x16xf32> to vector<16xf32>
        %max3A = arith.maximumf %get3A_171, %get3A_182 : vector<16xf32>
        %min3A = arith.minimumf %get3A_171, %get3A_182 : vector<16xf32>
        %add3A_183 = arith.addf %get3A_171, %get3A_182 : vector<16xf32>
        %mul3A_184 = arith.mulf %get3A_182, %get3A_182 : vector<16xf32>
        %add3A_185 = arith.addf %mul3A_172, %mul3A_184 : vector<16xf32>
        %add3A_186 = arith.constant 2 : i32
        %add3A_187 = arith.addi %mul3A_164, %add3A_186 : i32
        %get3A_188 = arith.constant 0 : i32
        %get3A_189 = arith.constant 0 : i32
        %get3A_190 = tpu.memref_slice %arg6[%scan3A_81, %get3A_188, %get3A_189] : memref<2x128x64xf32, #tpu.memory_space<vmem>> -> memref<1x128x64xf32, #tpu.memory_space<vmem>>
        %get3A_191 = tpu.memref_squeeze %get3A_190 : memref<1x128x64xf32, #tpu.memory_space<vmem>> -> memref<128x64xf32, #tpu.memory_space<vmem>>
        %get3A_192 = arith.index_cast %add3A_187 : i32 to index
        %get3A_193 = arith.constant 0 : index
        %get3A_194 = tpu.vector_load %get3A_191[%get3A_192, %get3A_193] {strides = array<i32>} : memref<128x64xf32, #tpu.memory_space<vmem>>, vector<1x16xf32>,
        %get3A_195 = vector.shape_cast %get3A_194 : vector<1x16xf32> to vector<16xf32>
        %max3A_196 = arith.maximumf %max3A, %get3A_195 : vector<16xf32>
        %min3A_197 = arith.minimumf %min3A, %get3A_195 : vector<16xf32>
        %add3A_198 = arith.addf %add3A_183, %get3A_195 : vector<16xf32>
        %mul3A_199 = arith.mulf %get3A_195, %get3A_195 : vector<16xf32>
        %add3A_200 = arith.addf %add3A_185, %mul3A_199 : vector<16xf32>
        %add3A_201 = arith.constant 3 : i32
        %add3A_202 = arith.addi %mul3A_164, %add3A_201 : i32
        %get3A_203 = arith.constant 0 : i32
        %get3A_204 = arith.constant 0 : i32
        %get3A_205 = tpu.memref_slice %arg6[%scan3A_81, %get3A_203, %get3A_204] : memref<2x128x64xf32, #tpu.memory_space<vmem>> -> memref<1x128x64xf32, #tpu.memory_space<vmem>>
        %get3A_206 = tpu.memref_squeeze %get3A_205 : memref<1x128x64xf32, #tpu.memory_space<vmem>> -> memref<128x64xf32, #tpu.memory_space<vmem>>
        %get3A_207 = arith.index_cast %add3A_202 : i32 to index
        %get3A_208 = arith.constant 0 : index
        %get3A_209 = tpu.vector_load %get3A_206[%get3A_207, %get3A_208] {strides = array<i32>} : memref<128x64xf32, #tpu.memory_space<vmem>>, vector<1x16xf32>,
        %get3A_210 = vector.shape_cast %get3A_209 : vector<1x16xf32> to vector<16xf32>
        %max3A_211 = arith.maximumf %max3A_196, %get3A_210 : vector<16xf32>
        %min3A_212 = arith.minimumf %min3A_197, %get3A_210 : vector<16xf32>
        %add3A_213 = arith.addf %add3A_198, %get3A_210 : vector<16xf32>
        %mul3A_214 = arith.mulf %get3A_210, %get3A_210 : vector<16xf32>
        %add3A_215 = arith.addf %add3A_200, %mul3A_214 : vector<16xf32>
        %add3A_216 = arith.constant 4 : i32
        %add3A_217 = arith.addi %mul3A_164, %add3A_216 : i32
        %get3A_218 = arith.constant 0 : i32
        %get3A_219 = arith.constant 0 : i32
        %get3A_220 = tpu.memref_slice %arg6[%scan3A_81, %get3A_218, %get3A_219] : memref<2x128x64xf32, #tpu.memory_space<vmem>> -> memref<1x128x64xf32, #tpu.memory_space<vmem>>
        %get3A_221 = tpu.memref_squeeze %get3A_220 : memref<1x128x64xf32, #tpu.memory_space<vmem>> -> memref<128x64xf32, #tpu.memory_space<vmem>>
        %get3A_222 = arith.index_cast %add3A_217 : i32 to index
        %get3A_223 = arith.constant 0 : index
        %get3A_224 = tpu.vector_load %get3A_221[%get3A_222, %get3A_223] {strides = array<i32>} : memref<128x64xf32, #tpu.memory_space<vmem>>, vector<1x16xf32>,
        %get3A_225 = vector.shape_cast %get3A_224 : vector<1x16xf32> to vector<16xf32>
        %max3A_226 = arith.maximumf %max3A_211, %get3A_225 : vector<16xf32>
        %min3A_227 = arith.minimumf %min3A_212, %get3A_225 : vector<16xf32>
        %add3A_228 = arith.addf %add3A_213, %get3A_225 : vector<16xf32>
        %mul3A_229 = arith.mulf %get3A_225, %get3A_225 : vector<16xf32>
        %add3A_230 = arith.addf %add3A_215, %mul3A_229 : vector<16xf32>
        %add3A_231 = arith.constant 5 : i32
        %add3A_232 = arith.addi %mul3A_164, %add3A_231 : i32
        %get3A_233 = arith.constant 0 : i32
        %get3A_234 = arith.constant 0 : i32
        %get3A_235 = tpu.memref_slice %arg6[%scan3A_81, %get3A_233, %get3A_234] : memref<2x128x64xf32, #tpu.memory_space<vmem>> -> memref<1x128x64xf32, #tpu.memory_space<vmem>>
        %get3A_236 = tpu.memref_squeeze %get3A_235 : memref<1x128x64xf32, #tpu.memory_space<vmem>> -> memref<128x64xf32, #tpu.memory_space<vmem>>
        %get3A_237 = arith.index_cast %add3A_232 : i32 to index
        %get3A_238 = arith.constant 0 : index
        %get3A_239 = tpu.vector_load %get3A_236[%get3A_237, %get3A_238] {strides = array<i32>} : memref<128x64xf32, #tpu.memory_space<vmem>>, vector<1x16xf32>,
        %get3A_240 = vector.shape_cast %get3A_239 : vector<1x16xf32> to vector<16xf32>
        %max3A_241 = arith.maximumf %max3A_226, %get3A_240 : vector<16xf32>
        %min3A_242 = arith.minimumf %min3A_227, %get3A_240 : vector<16xf32>
        %add3A_243 = arith.addf %add3A_228, %get3A_240 : vector<16xf32>
        %mul3A_244 = arith.mulf %get3A_240, %get3A_240 : vector<16xf32>
        %add3A_245 = arith.addf %add3A_230, %mul3A_244 : vector<16xf32>
        %add3A_246 = arith.constant 6 : i32
        %add3A_247 = arith.addi %mul3A_164, %add3A_246 : i32
        %get3A_248 = arith.constant 0 : i32
        %get3A_249 = arith.constant 0 : i32
        %get3A_250 = tpu.memref_slice %arg6[%scan3A_81, %get3A_248, %get3A_249] : memref<2x128x64xf32, #tpu.memory_space<vmem>> -> memref<1x128x64xf32, #tpu.memory_space<vmem>>
        %get3A_251 = tpu.memref_squeeze %get3A_250 : memref<1x128x64xf32, #tpu.memory_space<vmem>> -> memref<128x64xf32, #tpu.memory_space<vmem>>
        %get3A_252 = arith.index_cast %add3A_247 : i32 to index
        %get3A_253 = arith.constant 0 : index
        %get3A_254 = tpu.vector_load %get3A_251[%get3A_252, %get3A_253] {strides = array<i32>} : memref<128x64xf32, #tpu.memory_space<vmem>>, vector<1x16xf32>,
        %get3A_255 = vector.shape_cast %get3A_254 : vector<1x16xf32> to vector<16xf32>
        %max3A_256 = arith.maximumf %max3A_241, %get3A_255 : vector<16xf32>
        %min3A_257 = arith.minimumf %min3A_242, %get3A_255 : vector<16xf32>
        %add3A_258 = arith.addf %add3A_243, %get3A_255 : vector<16xf32>
        %mul3A_259 = arith.mulf %get3A_255, %get3A_255 : vector<16xf32>
        %add3A_260 = arith.addf %add3A_245, %mul3A_259 : vector<16xf32>
        %add3A_261 = arith.constant 7 : i32
        %add3A_262 = arith.addi %mul3A_164, %add3A_261 : i32
        %get3A_263 = arith.constant 0 : i32
        %get3A_264 = arith.constant 0 : i32
        %get3A_265 = tpu.memref_slice %arg6[%scan3A_81, %get3A_263, %get3A_264] : memref<2x128x64xf32, #tpu.memory_space<vmem>> -> memref<1x128x64xf32, #tpu.memory_space<vmem>>
        %get3A_266 = tpu.memref_squeeze %get3A_265 : memref<1x128x64xf32, #tpu.memory_space<vmem>> -> memref<128x64xf32, #tpu.memory_space<vmem>>
        %get3A_267 = arith.index_cast %add3A_262 : i32 to index
        %get3A_268 = arith.constant 0 : index
        %get3A_269 = tpu.vector_load %get3A_266[%get3A_267, %get3A_268] {strides = array<i32>} : memref<128x64xf32, #tpu.memory_space<vmem>>, vector<1x16xf32>,
        %get3A_270 = vector.shape_cast %get3A_269 : vector<1x16xf32> to vector<16xf32>
        %max3A_271 = arith.maximumf %max3A_256, %get3A_270 : vector<16xf32>
        %min3A_272 = arith.minimumf %min3A_257, %get3A_270 : vector<16xf32>
        %add3A_273 = arith.addf %add3A_258, %get3A_270 : vector<16xf32>
        %mul3A_274 = arith.mulf %get3A_270, %get3A_270 : vector<16xf32>
        %add3A_275 = arith.addf %add3A_260, %mul3A_274 : vector<16xf32>
        %add3A_276 = arith.constant 8 : i32
        %add3A_277 = arith.addi %mul3A_164, %add3A_276 : i32
        %get3A_278 = arith.constant 0 : i32
        %get3A_279 = arith.constant 0 : i32
        %get3A_280 = tpu.memref_slice %arg6[%scan3A_81, %get3A_278, %get3A_279] : memref<2x128x64xf32, #tpu.memory_space<vmem>> -> memref<1x128x64xf32, #tpu.memory_space<vmem>>
        %get3A_281 = tpu.memref_squeeze %get3A_280 : memref<1x128x64xf32, #tpu.memory_space<vmem>> -> memref<128x64xf32, #tpu.memory_space<vmem>>
        %get3A_282 = arith.index_cast %add3A_277 : i32 to index
        %get3A_283 = arith.constant 0 : index
        %get3A_284 = tpu.vector_load %get3A_281[%get3A_282, %get3A_283] {strides = array<i32>} : memref<128x64xf32, #tpu.memory_space<vmem>>, vector<1x16xf32>,
        %get3A_285 = vector.shape_cast %get3A_284 : vector<1x16xf32> to vector<16xf32>
        %max3A_286 = arith.maximumf %max3A_271, %get3A_285 : vector<16xf32>
        %min3A_287 = arith.minimumf %min3A_272, %get3A_285 : vector<16xf32>
        %add3A_288 = arith.addf %add3A_273, %get3A_285 : vector<16xf32>
        %mul3A_289 = arith.mulf %get3A_285, %get3A_285 : vector<16xf32>
        %add3A_290 = arith.addf %add3A_275, %mul3A_289 : vector<16xf32>
        %add3A_291 = arith.constant 9 : i32
        %add3A_292 = arith.addi %mul3A_164, %add3A_291 : i32
        %get3A_293 = arith.constant 0 : i32
        %get3A_294 = arith.constant 0 : i32
        %get3A_295 = tpu.memref_slice %arg6[%scan3A_81, %get3A_293, %get3A_294] : memref<2x128x64xf32, #tpu.memory_space<vmem>> -> memref<1x128x64xf32, #tpu.memory_space<vmem>>
        %get3A_296 = tpu.memref_squeeze %get3A_295 : memref<1x128x64xf32, #tpu.memory_space<vmem>> -> memref<128x64xf32, #tpu.memory_space<vmem>>
        %get3A_297 = arith.index_cast %add3A_292 : i32 to index
        %get3A_298 = arith.constant 0 : index
        %get3A_299 = tpu.vector_load %get3A_296[%get3A_297, %get3A_298] {strides = array<i32>} : memref<128x64xf32, #tpu.memory_space<vmem>>, vector<1x16xf32>,
        %get3A_300 = vector.shape_cast %get3A_299 : vector<1x16xf32> to vector<16xf32>
        %max3A_301 = arith.maximumf %max3A_286, %get3A_300 : vector<16xf32>
        %min3A_302 = arith.minimumf %min3A_287, %get3A_300 : vector<16xf32>
        %add3A_303 = arith.addf %add3A_288, %get3A_300 : vector<16xf32>
        %mul3A_304 = arith.mulf %get3A_300, %get3A_300 : vector<16xf32>
        %add3A_305 = arith.addf %add3A_290, %mul3A_304 : vector<16xf32>
        %add3A_306 = arith.constant 10 : i32
        %add3A_307 = arith.addi %mul3A_164, %add3A_306 : i32
        %get3A_308 = arith.constant 0 : i32
        %get3A_309 = arith.constant 0 : i32
        %get3A_310 = tpu.memref_slice %arg6[%scan3A_81, %get3A_308, %get3A_309] : memref<2x128x64xf32, #tpu.memory_space<vmem>> -> memref<1x128x64xf32, #tpu.memory_space<vmem>>
        %get3A_311 = tpu.memref_squeeze %get3A_310 : memref<1x128x64xf32, #tpu.memory_space<vmem>> -> memref<128x64xf32, #tpu.memory_space<vmem>>
        %get3A_312 = arith.index_cast %add3A_307 : i32 to index
        %get3A_313 = arith.constant 0 : index
        %get3A_314 = tpu.vector_load %get3A_311[%get3A_312, %get3A_313] {strides = array<i32>} : memref<128x64xf32, #tpu.memory_space<vmem>>, vector<1x16xf32>,
        %get3A_315 = vector.shape_cast %get3A_314 : vector<1x16xf32> to vector<16xf32>
        %max3A_316 = arith.maximumf %max3A_301, %get3A_315 : vector<16xf32>
        %min3A_317 = arith.minimumf %min3A_302, %get3A_315 : vector<16xf32>
        %add3A_318 = arith.addf %add3A_303, %get3A_315 : vector<16xf32>
        %mul3A_319 = arith.mulf %get3A_315, %get3A_315 : vector<16xf32>
        %add3A_320 = arith.addf %add3A_305, %mul3A_319 : vector<16xf32>
        %add3A_321 = arith.constant 11 : i32
        %add3A_322 = arith.addi %mul3A_164, %add3A_321 : i32
        %get3A_323 = arith.constant 0 : i32
        %get3A_324 = arith.constant 0 : i32
        %get3A_325 = tpu.memref_slice %arg6[%scan3A_81, %get3A_323, %get3A_324] : memref<2x128x64xf32, #tpu.memory_space<vmem>> -> memref<1x128x64xf32, #tpu.memory_space<vmem>>
        %get3A_326 = tpu.memref_squeeze %get3A_325 : memref<1x128x64xf32, #tpu.memory_space<vmem>> -> memref<128x64xf32, #tpu.memory_space<vmem>>
        %get3A_327 = arith.index_cast %add3A_322 : i32 to index
        %get3A_328 = arith.constant 0 : index
        %get3A_329 = tpu.vector_load %get3A_326[%get3A_327, %get3A_328] {strides = array<i32>} : memref<128x64xf32, #tpu.memory_space<vmem>>, vector<1x16xf32>,
        %get3A_330 = vector.shape_cast %get3A_329 : vector<1x16xf32> to vector<16xf32>
        %max3A_331 = arith.maximumf %max3A_316, %get3A_330 : vector<16xf32>
        %min3A_332 = arith.minimumf %min3A_317, %get3A_330 : vector<16xf32>
        %add3A_333 = arith.addf %add3A_318, %get3A_330 : vector<16xf32>
        %mul3A_334 = arith.mulf %get3A_330, %get3A_330 : vector<16xf32>
        %add3A_335 = arith.addf %add3A_320, %mul3A_334 : vector<16xf32>
        %add3A_336 = arith.constant 12 : i32
        %add3A_337 = arith.addi %mul3A_164, %add3A_336 : i32
        %get3A_338 = arith.constant 0 : i32
        %get3A_339 = arith.constant 0 : i32
        %get3A_340 = tpu.memref_slice %arg6[%scan3A_81, %get3A_338, %get3A_339] : memref<2x128x64xf32, #tpu.memory_space<vmem>> -> memref<1x128x64xf32, #tpu.memory_space<vmem>>
        %get3A_341 = tpu.memref_squeeze %get3A_340 : memref<1x128x64xf32, #tpu.memory_space<vmem>> -> memref<128x64xf32, #tpu.memory_space<vmem>>
        %get3A_342 = arith.index_cast %add3A_337 : i32 to index
        %get3A_343 = arith.constant 0 : index
        %get3A_344 = tpu.vector_load %get3A_341[%get3A_342, %get3A_343] {strides = array<i32>} : memref<128x64xf32, #tpu.memory_space<vmem>>, vector<1x16xf32>,
        %get3A_345 = vector.shape_cast %get3A_344 : vector<1x16xf32> to vector<16xf32>
        %max3A_346 = arith.maximumf %max3A_331, %get3A_345 : vector<16xf32>
        %min3A_347 = arith.minimumf %min3A_332, %get3A_345 : vector<16xf32>
        %add3A_348 = arith.addf %add3A_333, %get3A_345 : vector<16xf32>
        %mul3A_349 = arith.mulf %get3A_345, %get3A_345 : vector<16xf32>
        %add3A_350 = arith.addf %add3A_335, %mul3A_349 : vector<16xf32>
        %add3A_351 = arith.constant 13 : i32
        %add3A_352 = arith.addi %mul3A_164, %add3A_351 : i32
        %get3A_353 = arith.constant 0 : i32
        %get3A_354 = arith.constant 0 : i32
        %get3A_355 = tpu.memref_slice %arg6[%scan3A_81, %get3A_353, %get3A_354] : memref<2x128x64xf32, #tpu.memory_space<vmem>> -> memref<1x128x64xf32, #tpu.memory_space<vmem>>
        %get3A_356 = tpu.memref_squeeze %get3A_355 : memref<1x128x64xf32, #tpu.memory_space<vmem>> -> memref<128x64xf32, #tpu.memory_space<vmem>>
        %get3A_357 = arith.index_cast %add3A_352 : i32 to index
        %get3A_358 = arith.constant 0 : index
        %get3A_359 = tpu.vector_load %get3A_356[%get3A_357, %get3A_358] {strides = array<i32>} : memref<128x64xf32, #tpu.memory_space<vmem>>, vector<1x16xf32>,
        %get3A_360 = vector.shape_cast %get3A_359 : vector<1x16xf32> to vector<16xf32>
        %max3A_361 = arith.maximumf %max3A_346, %get3A_360 : vector<16xf32>
        %min3A_362 = arith.minimumf %min3A_347, %get3A_360 : vector<16xf32>
        %add3A_363 = arith.addf %add3A_348, %get3A_360 : vector<16xf32>
        %mul3A_364 = arith.mulf %get3A_360, %get3A_360 : vector<16xf32>
        %add3A_365 = arith.addf %add3A_350, %mul3A_364 : vector<16xf32>
        %add3A_366 = arith.constant 14 : i32
        %add3A_367 = arith.addi %mul3A_164, %add3A_366 : i32
        %get3A_368 = arith.constant 0 : i32
        %get3A_369 = arith.constant 0 : i32
        %get3A_370 = tpu.memref_slice %arg6[%scan3A_81, %get3A_368, %get3A_369] : memref<2x128x64xf32, #tpu.memory_space<vmem>> -> memref<1x128x64xf32, #tpu.memory_space<vmem>>
        %get3A_371 = tpu.memref_squeeze %get3A_370 : memref<1x128x64xf32, #tpu.memory_space<vmem>> -> memref<128x64xf32, #tpu.memory_space<vmem>>
        %get3A_372 = arith.index_cast %add3A_367 : i32 to index
        %get3A_373 = arith.constant 0 : index
        %get3A_374 = tpu.vector_load %get3A_371[%get3A_372, %get3A_373] {strides = array<i32>} : memref<128x64xf32, #tpu.memory_space<vmem>>, vector<1x16xf32>,
        %get3A_375 = vector.shape_cast %get3A_374 : vector<1x16xf32> to vector<16xf32>
        %max3A_376 = arith.maximumf %max3A_361, %get3A_375 : vector<16xf32>
        %min3A_377 = arith.minimumf %min3A_362, %get3A_375 : vector<16xf32>
        %add3A_378 = arith.addf %add3A_363, %get3A_375 : vector<16xf32>
        %mul3A_379 = arith.mulf %get3A_375, %get3A_375 : vector<16xf32>
        %add3A_380 = arith.addf %add3A_365, %mul3A_379 : vector<16xf32>
        %add3A_381 = arith.constant 15 : i32
        %add3A_382 = arith.addi %mul3A_164, %add3A_381 : i32
        %get3A_383 = arith.constant 0 : i32
        %get3A_384 = arith.constant 0 : i32
        %get3A_385 = tpu.memref_slice %arg6[%scan3A_81, %get3A_383, %get3A_384] : memref<2x128x64xf32, #tpu.memory_space<vmem>> -> memref<1x128x64xf32, #tpu.memory_space<vmem>>
        %get3A_386 = tpu.memref_squeeze %get3A_385 : memref<1x128x64xf32, #tpu.memory_space<vmem>> -> memref<128x64xf32, #tpu.memory_space<vmem>>
        %get3A_387 = arith.index_cast %add3A_382 : i32 to index
        %get3A_388 = arith.constant 0 : index
        %get3A_389 = tpu.vector_load %get3A_386[%get3A_387, %get3A_388] {strides = array<i32>} : memref<128x64xf32, #tpu.memory_space<vmem>>, vector<1x16xf32>,
        %get3A_390 = vector.shape_cast %get3A_389 : vector<1x16xf32> to vector<16xf32>
        %max3A_391 = arith.maximumf %max3A_376, %get3A_390 : vector<16xf32>
        %min3A_392 = arith.minimumf %min3A_377, %get3A_390 : vector<16xf32>
        %add3A_393 = arith.addf %add3A_378, %get3A_390 : vector<16xf32>
        %mul3A_394 = arith.mulf %get3A_390, %get3A_390 : vector<16xf32>
        %add3A_395 = arith.addf %add3A_380, %mul3A_394 : vector<16xf32>
        %swap3A = arith.constant 0 : i32
        %swap3A_396 = arith.constant 0 : i32
        %swap3A_397 = tpu.memref_slice %arg7[%scan3A_82, %swap3A, %swap3A_396] : memref<2x8x256xf32, #tpu.memory_space<vmem>> -> memref<1x8x256xf32, #tpu.memory_space<vmem>>
        %swap3A_398 = tpu.memref_squeeze %swap3A_397 : memref<1x8x256xf32, #tpu.memory_space<vmem>> -> memref<8x256xf32, #tpu.memory_space<vmem>>
        %swap3A_399 = arith.index_cast %add3A_162 : i32 to index
        %swap3A_400 = arith.constant 0 : index
        %swap3A_401 = tpu.vector_load %swap3A_398[%swap3A_399, %swap3A_400] {strides = array<i32>} : memref<8x256xf32, #tpu.memory_space<vmem>>, vector<1x16xf32>,
        %swap3A_402 = vector.shape_cast %swap3A_401 : vector<1x16xf32> to vector<16xf32>
        %swap3A_403 = vector.shape_cast %max3A_391 : vector<16xf32> to vector<1x16xf32>
        tpu.vector_store %swap3A_398[%swap3A_399, %swap3A_400], %swap3A_403 {strides = array<i32>} : memref<8x256xf32, #tpu.memory_space<vmem>>, vector<1x16xf32>,
        %swap3A_404 = arith.constant 0 : i32
        %swap3A_405 = arith.constant 0 : i32
        %swap3A_406 = tpu.memref_slice %arg7[%scan3A_82, %swap3A_404, %swap3A_405] : memref<2x8x256xf32, #tpu.memory_space<vmem>> -> memref<1x8x256xf32, #tpu.memory_space<vmem>>
        %swap3A_407 = tpu.memref_squeeze %swap3A_406 : memref<1x8x256xf32, #tpu.memory_space<vmem>> -> memref<8x256xf32, #tpu.memory_space<vmem>>
        %swap3A_408 = arith.index_cast %add3A_162 : i32 to index
        %swap3A_409 = arith.constant 64 : index
        %swap3A_410 = tpu.vector_load %swap3A_407[%swap3A_408, %swap3A_409] {strides = array<i32>} : memref<8x256xf32, #tpu.memory_space<vmem>>, vector<1x16xf32>,
        %swap3A_411 = vector.shape_cast %swap3A_410 : vector<1x16xf32> to vector<16xf32>
        %swap3A_412 = vector.shape_cast %min3A_392 : vector<16xf32> to vector<1x16xf32>
        tpu.vector_store %swap3A_407[%swap3A_408, %swap3A_409], %swap3A_412 {strides = array<i32>} : memref<8x256xf32, #tpu.memory_space<vmem>>, vector<1x16xf32>,
        %swap3A_413 = arith.constant 0 : i32
        %swap3A_414 = arith.constant 0 : i32
        %swap3A_415 = tpu.memref_slice %arg7[%scan3A_82, %swap3A_413, %swap3A_414] : memref<2x8x256xf32, #tpu.memory_space<vmem>> -> memref<1x8x256xf32, #tpu.memory_space<vmem>>
        %swap3A_416 = tpu.memref_squeeze %swap3A_415 : memref<1x8x256xf32, #tpu.memory_space<vmem>> -> memref<8x256xf32, #tpu.memory_space<vmem>>
        %swap3A_417 = arith.index_cast %add3A_162 : i32 to index
        %swap3A_418 = arith.constant 128 : index
        %swap3A_419 = tpu.vector_load %swap3A_416[%swap3A_417, %swap3A_418] {strides = array<i32>} : memref<8x256xf32, #tpu.memory_space<vmem>>, vector<1x16xf32>,
        %swap3A_420 = vector.shape_cast %swap3A_419 : vector<1x16xf32> to vector<16xf32>
        %swap3A_421 = vector.shape_cast %add3A_393 : vector<16xf32> to vector<1x16xf32>
        tpu.vector_store %swap3A_416[%swap3A_417, %swap3A_418], %swap3A_421 {strides = array<i32>} : memref<8x256xf32, #tpu.memory_space<vmem>>, vector<1x16xf32>,
        %swap3A_422 = arith.constant 0 : i32
        %swap3A_423 = arith.constant 0 : i32
        %swap3A_424 = tpu.memref_slice %arg7[%scan3A_82, %swap3A_422, %swap3A_423] : memref<2x8x256xf32, #tpu.memory_space<vmem>> -> memref<1x8x256xf32, #tpu.memory_space<vmem>>
        %swap3A_425 = tpu.memref_squeeze %swap3A_424 : memref<1x8x256xf32, #tpu.memory_space<vmem>> -> memref<8x256xf32, #tpu.memory_space<vmem>>
        %swap3A_426 = arith.index_cast %add3A_162 : i32 to index
        %swap3A_427 = arith.constant 192 : index
        %swap3A_428 = tpu.vector_load %swap3A_425[%swap3A_426, %swap3A_427] {strides = array<i32>} : memref<8x256xf32, #tpu.memory_space<vmem>>, vector<1x16xf32>,
        %swap3A_429 = vector.shape_cast %swap3A_428 : vector<1x16xf32> to vector<16xf32>
        %swap3A_430 = vector.shape_cast %add3A_395 : vector<16xf32> to vector<1x16xf32>
        tpu.vector_store %swap3A_425[%swap3A_426, %swap3A_427], %swap3A_430 {strides = array<i32>} : memref<8x256xf32, #tpu.memory_space<vmem>>, vector<1x16xf32>,
        %get3A_431 = arith.constant 0 : i32
        %get3A_432 = arith.constant 0 : i32
        %get3A_433 = tpu.memref_slice %arg6[%scan3A_81, %get3A_431, %get3A_432] : memref<2x128x64xf32, #tpu.memory_space<vmem>> -> memref<1x128x64xf32, #tpu.memory_space<vmem>>
        %get3A_434 = tpu.memref_squeeze %get3A_433 : memref<1x128x64xf32, #tpu.memory_space<vmem>> -> memref<128x64xf32, #tpu.memory_space<vmem>>
        %get3A_435 = arith.index_cast %mul3A_164 : i32 to index
        %get3A_436 = arith.constant 16 : index
        %get3A_437 = tpu.vector_load %get3A_434[%get3A_435, %get3A_436] {strides = array<i32>} : memref<128x64xf32, #tpu.memory_space<vmem>>, vector<1x16xf32>,
        %get3A_438 = vector.shape_cast %get3A_437 : vector<1x16xf32> to vector<16xf32>
        %mul3A_439 = arith.mulf %get3A_438, %get3A_438 : vector<16xf32>
        %add3A_440 = arith.constant 1 : i32
        %add3A_441 = arith.addi %mul3A_164, %add3A_440 : i32
        %get3A_442 = arith.constant 0 : i32
        %get3A_443 = arith.constant 0 : i32
        %get3A_444 = tpu.memref_slice %arg6[%scan3A_81, %get3A_442, %get3A_443] : memref<2x128x64xf32, #tpu.memory_space<vmem>> -> memref<1x128x64xf32, #tpu.memory_space<vmem>>
        %get3A_445 = tpu.memref_squeeze %get3A_444 : memref<1x128x64xf32, #tpu.memory_space<vmem>> -> memref<128x64xf32, #tpu.memory_space<vmem>>
        %get3A_446 = arith.index_cast %add3A_441 : i32 to index
        %get3A_447 = arith.constant 16 : index
        %get3A_448 = tpu.vector_load %get3A_445[%get3A_446, %get3A_447] {strides = array<i32>} : memref<128x64xf32, #tpu.memory_space<vmem>>, vector<1x16xf32>,
        %get3A_449 = vector.shape_cast %get3A_448 : vector<1x16xf32> to vector<16xf32>
        %max3A_450 = arith.maximumf %get3A_438, %get3A_449 : vector<16xf32>
        %min3A_451 = arith.minimumf %get3A_438, %get3A_449 : vector<16xf32>
        %add3A_452 = arith.addf %get3A_438, %get3A_449 : vector<16xf32>
        %mul3A_453 = arith.mulf %get3A_449, %get3A_449 : vector<16xf32>
        %add3A_454 = arith.addf %mul3A_439, %mul3A_453 : vector<16xf32>
        %add3A_455 = arith.constant 2 : i32
        %add3A_456 = arith.addi %mul3A_164, %add3A_455 : i32
        %get3A_457 = arith.constant 0 : i32
        %get3A_458 = arith.constant 0 : i32
        %get3A_459 = tpu.memref_slice %arg6[%scan3A_81, %get3A_457, %get3A_458] : memref<2x128x64xf32, #tpu.memory_space<vmem>> -> memref<1x128x64xf32, #tpu.memory_space<vmem>>
        %get3A_460 = tpu.memref_squeeze %get3A_459 : memref<1x128x64xf32, #tpu.memory_space<vmem>> -> memref<128x64xf32, #tpu.memory_space<vmem>>
        %get3A_461 = arith.index_cast %add3A_456 : i32 to index
        %get3A_462 = arith.constant 16 : index
        %get3A_463 = tpu.vector_load %get3A_460[%get3A_461, %get3A_462] {strides = array<i32>} : memref<128x64xf32, #tpu.memory_space<vmem>>, vector<1x16xf32>,
        %get3A_464 = vector.shape_cast %get3A_463 : vector<1x16xf32> to vector<16xf32>
        %max3A_465 = arith.maximumf %max3A_450, %get3A_464 : vector<16xf32>
        %min3A_466 = arith.minimumf %min3A_451, %get3A_464 : vector<16xf32>
        %add3A_467 = arith.addf %add3A_452, %get3A_464 : vector<16xf32>
        %mul3A_468 = arith.mulf %get3A_464, %get3A_464 : vector<16xf32>
        %add3A_469 = arith.addf %add3A_454, %mul3A_468 : vector<16xf32>
        %add3A_470 = arith.constant 3 : i32
        %add3A_471 = arith.addi %mul3A_164, %add3A_470 : i32
        %get3A_472 = arith.constant 0 : i32
        %get3A_473 = arith.constant 0 : i32
        %get3A_474 = tpu.memref_slice %arg6[%scan3A_81, %get3A_472, %get3A_473] : memref<2x128x64xf32, #tpu.memory_space<vmem>> -> memref<1x128x64xf32, #tpu.memory_space<vmem>>
        %get3A_475 = tpu.memref_squeeze %get3A_474 : memref<1x128x64xf32, #tpu.memory_space<vmem>> -> memref<128x64xf32, #tpu.memory_space<vmem>>
        %get3A_476 = arith.index_cast %add3A_471 : i32 to index
        %get3A_477 = arith.constant 16 : index
        %get3A_478 = tpu.vector_load %get3A_475[%get3A_476, %get3A_477] {strides = array<i32>} : memref<128x64xf32, #tpu.memory_space<vmem>>, vector<1x16xf32>,
        %get3A_479 = vector.shape_cast %get3A_478 : vector<1x16xf32> to vector<16xf32>
        %max3A_480 = arith.maximumf %max3A_465, %get3A_479 : vector<16xf32>
        %min3A_481 = arith.minimumf %min3A_466, %get3A_479 : vector<16xf32>
        %add3A_482 = arith.addf %add3A_467, %get3A_479 : vector<16xf32>
        %mul3A_483 = arith.mulf %get3A_479, %get3A_479 : vector<16xf32>
        %add3A_484 = arith.addf %add3A_469, %mul3A_483 : vector<16xf32>
        %add3A_485 = arith.constant 4 : i32
        %add3A_486 = arith.addi %mul3A_164, %add3A_485 : i32
        %get3A_487 = arith.constant 0 : i32
        %get3A_488 = arith.constant 0 : i32
        %get3A_489 = tpu.memref_slice %arg6[%scan3A_81, %get3A_487, %get3A_488] : memref<2x128x64xf32, #tpu.memory_space<vmem>> -> memref<1x128x64xf32, #tpu.memory_space<vmem>>
        %get3A_490 = tpu.memref_squeeze %get3A_489 : memref<1x128x64xf32, #tpu.memory_space<vmem>> -> memref<128x64xf32, #tpu.memory_space<vmem>>
        %get3A_491 = arith.index_cast %add3A_486 : i32 to index
        %get3A_492 = arith.constant 16 : index
        %get3A_493 = tpu.vector_load %get3A_490[%get3A_491, %get3A_492] {strides = array<i32>} : memref<128x64xf32, #tpu.memory_space<vmem>>, vector<1x16xf32>,
        %get3A_494 = vector.shape_cast %get3A_493 : vector<1x16xf32> to vector<16xf32>
        %max3A_495 = arith.maximumf %max3A_480, %get3A_494 : vector<16xf32>
        %min3A_496 = arith.minimumf %min3A_481, %get3A_494 : vector<16xf32>
        %add3A_497 = arith.addf %add3A_482, %get3A_494 : vector<16xf32>
        %mul3A_498 = arith.mulf %get3A_494, %get3A_494 : vector<16xf32>
        %add3A_499 = arith.addf %add3A_484, %mul3A_498 : vector<16xf32>
        %add3A_500 = arith.constant 5 : i32
        %add3A_501 = arith.addi %mul3A_164, %add3A_500 : i32
        %get3A_502 = arith.constant 0 : i32
        %get3A_503 = arith.constant 0 : i32
        %get3A_504 = tpu.memref_slice %arg6[%scan3A_81, %get3A_502, %get3A_503] : memref<2x128x64xf32, #tpu.memory_space<vmem>> -> memref<1x128x64xf32, #tpu.memory_space<vmem>>
        %get3A_505 = tpu.memref_squeeze %get3A_504 : memref<1x128x64xf32, #tpu.memory_space<vmem>> -> memref<128x64xf32, #tpu.memory_space<vmem>>
        %get3A_506 = arith.index_cast %add3A_501 : i32 to index
        %get3A_507 = arith.constant 16 : index
        %get3A_508 = tpu.vector_load %get3A_505[%get3A_506, %get3A_507] {strides = array<i32>} : memref<128x64xf32, #tpu.memory_space<vmem>>, vector<1x16xf32>,
        %get3A_509 = vector.shape_cast %get3A_508 : vector<1x16xf32> to vector<16xf32>
        %max3A_510 = arith.maximumf %max3A_495, %get3A_509 : vector<16xf32>
        %min3A_511 = arith.minimumf %min3A_496, %get3A_509 : vector<16xf32>
        %add3A_512 = arith.addf %add3A_497, %get3A_509 : vector<16xf32>
        %mul3A_513 = arith.mulf %get3A_509, %get3A_509 : vector<16xf32>
        %add3A_514 = arith.addf %add3A_499, %mul3A_513 : vector<16xf32>
        %add3A_515 = arith.constant 6 : i32
        %add3A_516 = arith.addi %mul3A_164, %add3A_515 : i32
        %get3A_517 = arith.constant 0 : i32
        %get3A_518 = arith.constant 0 : i32
        %get3A_519 = tpu.memref_slice %arg6[%scan3A_81, %get3A_517, %get3A_518] : memref<2x128x64xf32, #tpu.memory_space<vmem>> -> memref<1x128x64xf32, #tpu.memory_space<vmem>>
        %get3A_520 = tpu.memref_squeeze %get3A_519 : memref<1x128x64xf32, #tpu.memory_space<vmem>> -> memref<128x64xf32, #tpu.memory_space<vmem>>
        %get3A_521 = arith.index_cast %add3A_516 : i32 to index
        %get3A_522 = arith.constant 16 : index
        %get3A_523 = tpu.vector_load %get3A_520[%get3A_521, %get3A_522] {strides = array<i32>} : memref<128x64xf32, #tpu.memory_space<vmem>>, vector<1x16xf32>,
        %get3A_524 = vector.shape_cast %get3A_523 : vector<1x16xf32> to vector<16xf32>
        %max3A_525 = arith.maximumf %max3A_510, %get3A_524 : vector<16xf32>
        %min3A_526 = arith.minimumf %min3A_511, %get3A_524 : vector<16xf32>
        %add3A_527 = arith.addf %add3A_512, %get3A_524 : vector<16xf32>
        %mul3A_528 = arith.mulf %get3A_524, %get3A_524 : vector<16xf32>
        %add3A_529 = arith.addf %add3A_514, %mul3A_528 : vector<16xf32>
        %add3A_530 = arith.constant 7 : i32
        %add3A_531 = arith.addi %mul3A_164, %add3A_530 : i32
        %get3A_532 = arith.constant 0 : i32
        %get3A_533 = arith.constant 0 : i32
        %get3A_534 = tpu.memref_slice %arg6[%scan3A_81, %get3A_532, %get3A_533] : memref<2x128x64xf32, #tpu.memory_space<vmem>> -> memref<1x128x64xf32, #tpu.memory_space<vmem>>
        %get3A_535 = tpu.memref_squeeze %get3A_534 : memref<1x128x64xf32, #tpu.memory_space<vmem>> -> memref<128x64xf32, #tpu.memory_space<vmem>>
        %get3A_536 = arith.index_cast %add3A_531 : i32 to index
        %get3A_537 = arith.constant 16 : index
        %get3A_538 = tpu.vector_load %get3A_535[%get3A_536, %get3A_537] {strides = array<i32>} : memref<128x64xf32, #tpu.memory_space<vmem>>, vector<1x16xf32>,
        %get3A_539 = vector.shape_cast %get3A_538 : vector<1x16xf32> to vector<16xf32>
        %max3A_540 = arith.maximumf %max3A_525, %get3A_539 : vector<16xf32>
        %min3A_541 = arith.minimumf %min3A_526, %get3A_539 : vector<16xf32>
        %add3A_542 = arith.addf %add3A_527, %get3A_539 : vector<16xf32>
        %mul3A_543 = arith.mulf %get3A_539, %get3A_539 : vector<16xf32>
        %add3A_544 = arith.addf %add3A_529, %mul3A_543 : vector<16xf32>
        %add3A_545 = arith.constant 8 : i32
        %add3A_546 = arith.addi %mul3A_164, %add3A_545 : i32
        %get3A_547 = arith.constant 0 : i32
        %get3A_548 = arith.constant 0 : i32
        %get3A_549 = tpu.memref_slice %arg6[%scan3A_81, %get3A_547, %get3A_548] : memref<2x128x64xf32, #tpu.memory_space<vmem>> -> memref<1x128x64xf32, #tpu.memory_space<vmem>>
        %get3A_550 = tpu.memref_squeeze %get3A_549 : memref<1x128x64xf32, #tpu.memory_space<vmem>> -> memref<128x64xf32, #tpu.memory_space<vmem>>
        %get3A_551 = arith.index_cast %add3A_546 : i32 to index
        %get3A_552 = arith.constant 16 : index
        %get3A_553 = tpu.vector_load %get3A_550[%get3A_551, %get3A_552] {strides = array<i32>} : memref<128x64xf32, #tpu.memory_space<vmem>>, vector<1x16xf32>,
        %get3A_554 = vector.shape_cast %get3A_553 : vector<1x16xf32> to vector<16xf32>
        %max3A_555 = arith.maximumf %max3A_540, %get3A_554 : vector<16xf32>
        %min3A_556 = arith.minimumf %min3A_541, %get3A_554 : vector<16xf32>
        %add3A_557 = arith.addf %add3A_542, %get3A_554 : vector<16xf32>
        %mul3A_558 = arith.mulf %get3A_554, %get3A_554 : vector<16xf32>
        %add3A_559 = arith.addf %add3A_544, %mul3A_558 : vector<16xf32>
        %add3A_560 = arith.constant 9 : i32
        %add3A_561 = arith.addi %mul3A_164, %add3A_560 : i32
        %get3A_562 = arith.constant 0 : i32
        %get3A_563 = arith.constant 0 : i32
        %get3A_564 = tpu.memref_slice %arg6[%scan3A_81, %get3A_562, %get3A_563] : memref<2x128x64xf32, #tpu.memory_space<vmem>> -> memref<1x128x64xf32, #tpu.memory_space<vmem>>
        %get3A_565 = tpu.memref_squeeze %get3A_564 : memref<1x128x64xf32, #tpu.memory_space<vmem>> -> memref<128x64xf32, #tpu.memory_space<vmem>>
        %get3A_566 = arith.index_cast %add3A_561 : i32 to index
        %get3A_567 = arith.constant 16 : index
        %get3A_568 = tpu.vector_load %get3A_565[%get3A_566, %get3A_567] {strides = array<i32>} : memref<128x64xf32, #tpu.memory_space<vmem>>, vector<1x16xf32>,
        %get3A_569 = vector.shape_cast %get3A_568 : vector<1x16xf32> to vector<16xf32>
        %max3A_570 = arith.maximumf %max3A_555, %get3A_569 : vector<16xf32>
        %min3A_571 = arith.minimumf %min3A_556, %get3A_569 : vector<16xf32>
        %add3A_572 = arith.addf %add3A_557, %get3A_569 : vector<16xf32>
        %mul3A_573 = arith.mulf %get3A_569, %get3A_569 : vector<16xf32>
        %add3A_574 = arith.addf %add3A_559, %mul3A_573 : vector<16xf32>
        %add3A_575 = arith.constant 10 : i32
        %add3A_576 = arith.addi %mul3A_164, %add3A_575 : i32
        %get3A_577 = arith.constant 0 : i32
        %get3A_578 = arith.constant 0 : i32
        %get3A_579 = tpu.memref_slice %arg6[%scan3A_81, %get3A_577, %get3A_578] : memref<2x128x64xf32, #tpu.memory_space<vmem>> -> memref<1x128x64xf32, #tpu.memory_space<vmem>>
        %get3A_580 = tpu.memref_squeeze %get3A_579 : memref<1x128x64xf32, #tpu.memory_space<vmem>> -> memref<128x64xf32, #tpu.memory_space<vmem>>
        %get3A_581 = arith.index_cast %add3A_576 : i32 to index
        %get3A_582 = arith.constant 16 : index
        %get3A_583 = tpu.vector_load %get3A_580[%get3A_581, %get3A_582] {strides = array<i32>} : memref<128x64xf32, #tpu.memory_space<vmem>>, vector<1x16xf32>,
        %get3A_584 = vector.shape_cast %get3A_583 : vector<1x16xf32> to vector<16xf32>
        %max3A_585 = arith.maximumf %max3A_570, %get3A_584 : vector<16xf32>
        %min3A_586 = arith.minimumf %min3A_571, %get3A_584 : vector<16xf32>
        %add3A_587 = arith.addf %add3A_572, %get3A_584 : vector<16xf32>
        %mul3A_588 = arith.mulf %get3A_584, %get3A_584 : vector<16xf32>
        %add3A_589 = arith.addf %add3A_574, %mul3A_588 : vector<16xf32>
        %add3A_590 = arith.constant 11 : i32
        %add3A_591 = arith.addi %mul3A_164, %add3A_590 : i32
        %get3A_592 = arith.constant 0 : i32
        %get3A_593 = arith.constant 0 : i32
        %get3A_594 = tpu.memref_slice %arg6[%scan3A_81, %get3A_592, %get3A_593] : memref<2x128x64xf32, #tpu.memory_space<vmem>> -> memref<1x128x64xf32, #tpu.memory_space<vmem>>
        %get3A_595 = tpu.memref_squeeze %get3A_594 : memref<1x128x64xf32, #tpu.memory_space<vmem>> -> memref<128x64xf32, #tpu.memory_space<vmem>>
        %get3A_596 = arith.index_cast %add3A_591 : i32 to index
        %get3A_597 = arith.constant 16 : index
        %get3A_598 = tpu.vector_load %get3A_595[%get3A_596, %get3A_597] {strides = array<i32>} : memref<128x64xf32, #tpu.memory_space<vmem>>, vector<1x16xf32>,
        %get3A_599 = vector.shape_cast %get3A_598 : vector<1x16xf32> to vector<16xf32>
        %max3A_600 = arith.maximumf %max3A_585, %get3A_599 : vector<16xf32>
        %min3A_601 = arith.minimumf %min3A_586, %get3A_599 : vector<16xf32>
        %add3A_602 = arith.addf %add3A_587, %get3A_599 : vector<16xf32>
        %mul3A_603 = arith.mulf %get3A_599, %get3A_599 : vector<16xf32>
        %add3A_604 = arith.addf %add3A_589, %mul3A_603 : vector<16xf32>
        %add3A_605 = arith.constant 12 : i32
        %add3A_606 = arith.addi %mul3A_164, %add3A_605 : i32
        %get3A_607 = arith.constant 0 : i32
        %get3A_608 = arith.constant 0 : i32
        %get3A_609 = tpu.memref_slice %arg6[%scan3A_81, %get3A_607, %get3A_608] : memref<2x128x64xf32, #tpu.memory_space<vmem>> -> memref<1x128x64xf32, #tpu.memory_space<vmem>>
        %get3A_610 = tpu.memref_squeeze %get3A_609 : memref<1x128x64xf32, #tpu.memory_space<vmem>> -> memref<128x64xf32, #tpu.memory_space<vmem>>
        %get3A_611 = arith.index_cast %add3A_606 : i32 to index
        %get3A_612 = arith.constant 16 : index
        %get3A_613 = tpu.vector_load %get3A_610[%get3A_611, %get3A_612] {strides = array<i32>} : memref<128x64xf32, #tpu.memory_space<vmem>>, vector<1x16xf32>,
        %get3A_614 = vector.shape_cast %get3A_613 : vector<1x16xf32> to vector<16xf32>
        %max3A_615 = arith.maximumf %max3A_600, %get3A_614 : vector<16xf32>
        %min3A_616 = arith.minimumf %min3A_601, %get3A_614 : vector<16xf32>
        %add3A_617 = arith.addf %add3A_602, %get3A_614 : vector<16xf32>
        %mul3A_618 = arith.mulf %get3A_614, %get3A_614 : vector<16xf32>
        %add3A_619 = arith.addf %add3A_604, %mul3A_618 : vector<16xf32>
        %add3A_620 = arith.constant 13 : i32
        %add3A_621 = arith.addi %mul3A_164, %add3A_620 : i32
        %get3A_622 = arith.constant 0 : i32
        %get3A_623 = arith.constant 0 : i32
        %get3A_624 = tpu.memref_slice %arg6[%scan3A_81, %get3A_622, %get3A_623] : memref<2x128x64xf32, #tpu.memory_space<vmem>> -> memref<1x128x64xf32, #tpu.memory_space<vmem>>
        %get3A_625 = tpu.memref_squeeze %get3A_624 : memref<1x128x64xf32, #tpu.memory_space<vmem>> -> memref<128x64xf32, #tpu.memory_space<vmem>>
        %get3A_626 = arith.index_cast %add3A_621 : i32 to index
        %get3A_627 = arith.constant 16 : index
        %get3A_628 = tpu.vector_load %get3A_625[%get3A_626, %get3A_627] {strides = array<i32>} : memref<128x64xf32, #tpu.memory_space<vmem>>, vector<1x16xf32>,
        %get3A_629 = vector.shape_cast %get3A_628 : vector<1x16xf32> to vector<16xf32>
        %max3A_630 = arith.maximumf %max3A_615, %get3A_629 : vector<16xf32>
        %min3A_631 = arith.minimumf %min3A_616, %get3A_629 : vector<16xf32>
        %add3A_632 = arith.addf %add3A_617, %get3A_629 : vector<16xf32>
        %mul3A_633 = arith.mulf %get3A_629, %get3A_629 : vector<16xf32>
        %add3A_634 = arith.addf %add3A_619, %mul3A_633 : vector<16xf32>
        %add3A_635 = arith.constant 14 : i32
        %add3A_636 = arith.addi %mul3A_164, %add3A_635 : i32
        %get3A_637 = arith.constant 0 : i32
        %get3A_638 = arith.constant 0 : i32
        %get3A_639 = tpu.memref_slice %arg6[%scan3A_81, %get3A_637, %get3A_638] : memref<2x128x64xf32, #tpu.memory_space<vmem>> -> memref<1x128x64xf32, #tpu.memory_space<vmem>>
        %get3A_640 = tpu.memref_squeeze %get3A_639 : memref<1x128x64xf32, #tpu.memory_space<vmem>> -> memref<128x64xf32, #tpu.memory_space<vmem>>
        %get3A_641 = arith.index_cast %add3A_636 : i32 to index
        %get3A_642 = arith.constant 16 : index
        %get3A_643 = tpu.vector_load %get3A_640[%get3A_641, %get3A_642] {strides = array<i32>} : memref<128x64xf32, #tpu.memory_space<vmem>>, vector<1x16xf32>,
        %get3A_644 = vector.shape_cast %get3A_643 : vector<1x16xf32> to vector<16xf32>
        %max3A_645 = arith.maximumf %max3A_630, %get3A_644 : vector<16xf32>
        %min3A_646 = arith.minimumf %min3A_631, %get3A_644 : vector<16xf32>
        %add3A_647 = arith.addf %add3A_632, %get3A_644 : vector<16xf32>
        %mul3A_648 = arith.mulf %get3A_644, %get3A_644 : vector<16xf32>
        %add3A_649 = arith.addf %add3A_634, %mul3A_648 : vector<16xf32>
        %add3A_650 = arith.constant 15 : i32
        %add3A_651 = arith.addi %mul3A_164, %add3A_650 : i32
        %get3A_652 = arith.constant 0 : i32
        %get3A_653 = arith.constant 0 : i32
        %get3A_654 = tpu.memref_slice %arg6[%scan3A_81, %get3A_652, %get3A_653] : memref<2x128x64xf32, #tpu.memory_space<vmem>> -> memref<1x128x64xf32, #tpu.memory_space<vmem>>
        %get3A_655 = tpu.memref_squeeze %get3A_654 : memref<1x128x64xf32, #tpu.memory_space<vmem>> -> memref<128x64xf32, #tpu.memory_space<vmem>>
        %get3A_656 = arith.index_cast %add3A_651 : i32 to index
        %get3A_657 = arith.constant 16 : index
        %get3A_658 = tpu.vector_load %get3A_655[%get3A_656, %get3A_657] {strides = array<i32>} : memref<128x64xf32, #tpu.memory_space<vmem>>, vector<1x16xf32>,
        %get3A_659 = vector.shape_cast %get3A_658 : vector<1x16xf32> to vector<16xf32>
        %max3A_660 = arith.maximumf %max3A_645, %get3A_659 : vector<16xf32>
        %min3A_661 = arith.minimumf %min3A_646, %get3A_659 : vector<16xf32>
        %add3A_662 = arith.addf %add3A_647, %get3A_659 : vector<16xf32>
        %mul3A_663 = arith.mulf %get3A_659, %get3A_659 : vector<16xf32>
        %add3A_664 = arith.addf %add3A_649, %mul3A_663 : vector<16xf32>
        %swap3A_665 = arith.constant 0 : i32
        %swap3A_666 = arith.constant 0 : i32
        %swap3A_667 = tpu.memref_slice %arg7[%scan3A_82, %swap3A_665, %swap3A_666] : memref<2x8x256xf32, #tpu.memory_space<vmem>> -> memref<1x8x256xf32, #tpu.memory_space<vmem>>
        %swap3A_668 = tpu.memref_squeeze %swap3A_667 : memref<1x8x256xf32, #tpu.memory_space<vmem>> -> memref<8x256xf32, #tpu.memory_space<vmem>>
        %swap3A_669 = arith.index_cast %add3A_162 : i32 to index
        %swap3A_670 = arith.constant 16 : index
        %swap3A_671 = tpu.vector_load %swap3A_668[%swap3A_669, %swap3A_670] {strides = array<i32>} : memref<8x256xf32, #tpu.memory_space<vmem>>, vector<1x16xf32>,
        %swap3A_672 = vector.shape_cast %swap3A_671 : vector<1x16xf32> to vector<16xf32>
        %swap3A_673 = vector.shape_cast %max3A_660 : vector<16xf32> to vector<1x16xf32>
        tpu.vector_store %swap3A_668[%swap3A_669, %swap3A_670], %swap3A_673 {strides = array<i32>} : memref<8x256xf32, #tpu.memory_space<vmem>>, vector<1x16xf32>,
        %swap3A_674 = arith.constant 0 : i32
        %swap3A_675 = arith.constant 0 : i32
        %swap3A_676 = tpu.memref_slice %arg7[%scan3A_82, %swap3A_674, %swap3A_675] : memref<2x8x256xf32, #tpu.memory_space<vmem>> -> memref<1x8x256xf32, #tpu.memory_space<vmem>>
        %swap3A_677 = tpu.memref_squeeze %swap3A_676 : memref<1x8x256xf32, #tpu.memory_space<vmem>> -> memref<8x256xf32, #tpu.memory_space<vmem>>
        %swap3A_678 = arith.index_cast %add3A_162 : i32 to index
        %swap3A_679 = arith.constant 80 : index
        %swap3A_680 = tpu.vector_load %swap3A_677[%swap3A_678, %swap3A_679] {strides = array<i32>} : memref<8x256xf32, #tpu.memory_space<vmem>>, vector<1x16xf32>,
        %swap3A_681 = vector.shape_cast %swap3A_680 : vector<1x16xf32> to vector<16xf32>
        %swap3A_682 = vector.shape_cast %min3A_661 : vector<16xf32> to vector<1x16xf32>
        tpu.vector_store %swap3A_677[%swap3A_678, %swap3A_679], %swap3A_682 {strides = array<i32>} : memref<8x256xf32, #tpu.memory_space<vmem>>, vector<1x16xf32>,
        %swap3A_683 = arith.constant 0 : i32
        %swap3A_684 = arith.constant 0 : i32
        %swap3A_685 = tpu.memref_slice %arg7[%scan3A_82, %swap3A_683, %swap3A_684] : memref<2x8x256xf32, #tpu.memory_space<vmem>> -> memref<1x8x256xf32, #tpu.memory_space<vmem>>
        %swap3A_686 = tpu.memref_squeeze %swap3A_685 : memref<1x8x256xf32, #tpu.memory_space<vmem>> -> memref<8x256xf32, #tpu.memory_space<vmem>>
        %swap3A_687 = arith.index_cast %add3A_162 : i32 to index
        %swap3A_688 = arith.constant 144 : index
        %swap3A_689 = tpu.vector_load %swap3A_686[%swap3A_687, %swap3A_688] {strides = array<i32>} : memref<8x256xf32, #tpu.memory_space<vmem>>, vector<1x16xf32>,
        %swap3A_690 = vector.shape_cast %swap3A_689 : vector<1x16xf32> to vector<16xf32>
        %swap3A_691 = vector.shape_cast %add3A_662 : vector<16xf32> to vector<1x16xf32>
        tpu.vector_store %swap3A_686[%swap3A_687, %swap3A_688], %swap3A_691 {strides = array<i32>} : memref<8x256xf32, #tpu.memory_space<vmem>>, vector<1x16xf32>,
        %swap3A_692 = arith.constant 0 : i32
        %swap3A_693 = arith.constant 0 : i32
        %swap3A_694 = tpu.memref_slice %arg7[%scan3A_82, %swap3A_692, %swap3A_693] : memref<2x8x256xf32, #tpu.memory_space<vmem>> -> memref<1x8x256xf32, #tpu.memory_space<vmem>>
        %swap3A_695 = tpu.memref_squeeze %swap3A_694 : memref<1x8x256xf32, #tpu.memory_space<vmem>> -> memref<8x256xf32, #tpu.memory_space<vmem>>
        %swap3A_696 = arith.index_cast %add3A_162 : i32 to index
        %swap3A_697 = arith.constant 208 : index
        %swap3A_698 = tpu.vector_load %swap3A_695[%swap3A_696, %swap3A_697] {strides = array<i32>} : memref<8x256xf32, #tpu.memory_space<vmem>>, vector<1x16xf32>,
        %swap3A_699 = vector.shape_cast %swap3A_698 : vector<1x16xf32> to vector<16xf32>
        %swap3A_700 = vector.shape_cast %add3A_664 : vector<16xf32> to vector<1x16xf32>
        tpu.vector_store %swap3A_695[%swap3A_696, %swap3A_697], %swap3A_700 {strides = array<i32>} : memref<8x256xf32, #tpu.memory_space<vmem>>, vector<1x16xf32>,
        %get3A_701 = arith.constant 0 : i32
        %get3A_702 = arith.constant 0 : i32
        %get3A_703 = tpu.memref_slice %arg6[%scan3A_81, %get3A_701, %get3A_702] : memref<2x128x64xf32, #tpu.memory_space<vmem>> -> memref<1x128x64xf32, #tpu.memory_space<vmem>>
        %get3A_704 = tpu.memref_squeeze %get3A_703 : memref<1x128x64xf32, #tpu.memory_space<vmem>> -> memref<128x64xf32, #tpu.memory_space<vmem>>
        %get3A_705 = arith.index_cast %mul3A_164 : i32 to index
        %get3A_706 = arith.constant 32 : index
        %get3A_707 = tpu.vector_load %get3A_704[%get3A_705, %get3A_706] {strides = array<i32>} : memref<128x64xf32, #tpu.memory_space<vmem>>, vector<1x16xf32>,
        %get3A_708 = vector.shape_cast %get3A_707 : vector<1x16xf32> to vector<16xf32>
        %mul3A_709 = arith.mulf %get3A_708, %get3A_708 : vector<16xf32>
        %add3A_710 = arith.constant 1 : i32
        %add3A_711 = arith.addi %mul3A_164, %add3A_710 : i32
        %get3A_712 = arith.constant 0 : i32
        %get3A_713 = arith.constant 0 : i32
        %get3A_714 = tpu.memref_slice %arg6[%scan3A_81, %get3A_712, %get3A_713] : memref<2x128x64xf32, #tpu.memory_space<vmem>> -> memref<1x128x64xf32, #tpu.memory_space<vmem>>
        %get3A_715 = tpu.memref_squeeze %get3A_714 : memref<1x128x64xf32, #tpu.memory_space<vmem>> -> memref<128x64xf32, #tpu.memory_space<vmem>>
        %get3A_716 = arith.index_cast %add3A_711 : i32 to index
        %get3A_717 = arith.constant 32 : index
        %get3A_718 = tpu.vector_load %get3A_715[%get3A_716, %get3A_717] {strides = array<i32>} : memref<128x64xf32, #tpu.memory_space<vmem>>, vector<1x16xf32>,
        %get3A_719 = vector.shape_cast %get3A_718 : vector<1x16xf32> to vector<16xf32>
        %max3A_720 = arith.maximumf %get3A_708, %get3A_719 : vector<16xf32>
        %min3A_721 = arith.minimumf %get3A_708, %get3A_719 : vector<16xf32>
        %add3A_722 = arith.addf %get3A_708, %get3A_719 : vector<16xf32>
        %mul3A_723 = arith.mulf %get3A_719, %get3A_719 : vector<16xf32>
        %add3A_724 = arith.addf %mul3A_709, %mul3A_723 : vector<16xf32>
        %add3A_725 = arith.constant 2 : i32
        %add3A_726 = arith.addi %mul3A_164, %add3A_725 : i32
        %get3A_727 = arith.constant 0 : i32
        %get3A_728 = arith.constant 0 : i32
        %get3A_729 = tpu.memref_slice %arg6[%scan3A_81, %get3A_727, %get3A_728] : memref<2x128x64xf32, #tpu.memory_space<vmem>> -> memref<1x128x64xf32, #tpu.memory_space<vmem>>
        %get3A_730 = tpu.memref_squeeze %get3A_729 : memref<1x128x64xf32, #tpu.memory_space<vmem>> -> memref<128x64xf32, #tpu.memory_space<vmem>>
        %get3A_731 = arith.index_cast %add3A_726 : i32 to index
        %get3A_732 = arith.constant 32 : index
        %get3A_733 = tpu.vector_load %get3A_730[%get3A_731, %get3A_732] {strides = array<i32>} : memref<128x64xf32, #tpu.memory_space<vmem>>, vector<1x16xf32>,
        %get3A_734 = vector.shape_cast %get3A_733 : vector<1x16xf32> to vector<16xf32>
        %max3A_735 = arith.maximumf %max3A_720, %get3A_734 : vector<16xf32>
        %min3A_736 = arith.minimumf %min3A_721, %get3A_734 : vector<16xf32>
        %add3A_737 = arith.addf %add3A_722, %get3A_734 : vector<16xf32>
        %mul3A_738 = arith.mulf %get3A_734, %get3A_734 : vector<16xf32>
        %add3A_739 = arith.addf %add3A_724, %mul3A_738 : vector<16xf32>
        %add3A_740 = arith.constant 3 : i32
        %add3A_741 = arith.addi %mul3A_164, %add3A_740 : i32
        %get3A_742 = arith.constant 0 : i32
        %get3A_743 = arith.constant 0 : i32
        %get3A_744 = tpu.memref_slice %arg6[%scan3A_81, %get3A_742, %get3A_743] : memref<2x128x64xf32, #tpu.memory_space<vmem>> -> memref<1x128x64xf32, #tpu.memory_space<vmem>>
        %get3A_745 = tpu.memref_squeeze %get3A_744 : memref<1x128x64xf32, #tpu.memory_space<vmem>> -> memref<128x64xf32, #tpu.memory_space<vmem>>
        %get3A_746 = arith.index_cast %add3A_741 : i32 to index
        %get3A_747 = arith.constant 32 : index
        %get3A_748 = tpu.vector_load %get3A_745[%get3A_746, %get3A_747] {strides = array<i32>} : memref<128x64xf32, #tpu.memory_space<vmem>>, vector<1x16xf32>,
        %get3A_749 = vector.shape_cast %get3A_748 : vector<1x16xf32> to vector<16xf32>
        %max3A_750 = arith.maximumf %max3A_735, %get3A_749 : vector<16xf32>
        %min3A_751 = arith.minimumf %min3A_736, %get3A_749 : vector<16xf32>
        %add3A_752 = arith.addf %add3A_737, %get3A_749 : vector<16xf32>
        %mul3A_753 = arith.mulf %get3A_749, %get3A_749 : vector<16xf32>
        %add3A_754 = arith.addf %add3A_739, %mul3A_753 : vector<16xf32>
        %add3A_755 = arith.constant 4 : i32
        %add3A_756 = arith.addi %mul3A_164, %add3A_755 : i32
        %get3A_757 = arith.constant 0 : i32
        %get3A_758 = arith.constant 0 : i32
        %get3A_759 = tpu.memref_slice %arg6[%scan3A_81, %get3A_757, %get3A_758] : memref<2x128x64xf32, #tpu.memory_space<vmem>> -> memref<1x128x64xf32, #tpu.memory_space<vmem>>
        %get3A_760 = tpu.memref_squeeze %get3A_759 : memref<1x128x64xf32, #tpu.memory_space<vmem>> -> memref<128x64xf32, #tpu.memory_space<vmem>>
        %get3A_761 = arith.index_cast %add3A_756 : i32 to index
        %get3A_762 = arith.constant 32 : index
        %get3A_763 = tpu.vector_load %get3A_760[%get3A_761, %get3A_762] {strides = array<i32>} : memref<128x64xf32, #tpu.memory_space<vmem>>, vector<1x16xf32>,
        %get3A_764 = vector.shape_cast %get3A_763 : vector<1x16xf32> to vector<16xf32>
        %max3A_765 = arith.maximumf %max3A_750, %get3A_764 : vector<16xf32>
        %min3A_766 = arith.minimumf %min3A_751, %get3A_764 : vector<16xf32>
        %add3A_767 = arith.addf %add3A_752, %get3A_764 : vector<16xf32>
        %mul3A_768 = arith.mulf %get3A_764, %get3A_764 : vector<16xf32>
        %add3A_769 = arith.addf %add3A_754, %mul3A_768 : vector<16xf32>
        %add3A_770 = arith.constant 5 : i32
        %add3A_771 = arith.addi %mul3A_164, %add3A_770 : i32
        %get3A_772 = arith.constant 0 : i32
        %get3A_773 = arith.constant 0 : i32
        %get3A_774 = tpu.memref_slice %arg6[%scan3A_81, %get3A_772, %get3A_773] : memref<2x128x64xf32, #tpu.memory_space<vmem>> -> memref<1x128x64xf32, #tpu.memory_space<vmem>>
        %get3A_775 = tpu.memref_squeeze %get3A_774 : memref<1x128x64xf32, #tpu.memory_space<vmem>> -> memref<128x64xf32, #tpu.memory_space<vmem>>
        %get3A_776 = arith.index_cast %add3A_771 : i32 to index
        %get3A_777 = arith.constant 32 : index
        %get3A_778 = tpu.vector_load %get3A_775[%get3A_776, %get3A_777] {strides = array<i32>} : memref<128x64xf32, #tpu.memory_space<vmem>>, vector<1x16xf32>,
        %get3A_779 = vector.shape_cast %get3A_778 : vector<1x16xf32> to vector<16xf32>
        %max3A_780 = arith.maximumf %max3A_765, %get3A_779 : vector<16xf32>
        %min3A_781 = arith.minimumf %min3A_766, %get3A_779 : vector<16xf32>
        %add3A_782 = arith.addf %add3A_767, %get3A_779 : vector<16xf32>
        %mul3A_783 = arith.mulf %get3A_779, %get3A_779 : vector<16xf32>
        %add3A_784 = arith.addf %add3A_769, %mul3A_783 : vector<16xf32>
        %add3A_785 = arith.constant 6 : i32
        %add3A_786 = arith.addi %mul3A_164, %add3A_785 : i32
        %get3A_787 = arith.constant 0 : i32
        %get3A_788 = arith.constant 0 : i32
        %get3A_789 = tpu.memref_slice %arg6[%scan3A_81, %get3A_787, %get3A_788] : memref<2x128x64xf32, #tpu.memory_space<vmem>> -> memref<1x128x64xf32, #tpu.memory_space<vmem>>
        %get3A_790 = tpu.memref_squeeze %get3A_789 : memref<1x128x64xf32, #tpu.memory_space<vmem>> -> memref<128x64xf32, #tpu.memory_space<vmem>>
        %get3A_791 = arith.index_cast %add3A_786 : i32 to index
        %get3A_792 = arith.constant 32 : index
        %get3A_793 = tpu.vector_load %get3A_790[%get3A_791, %get3A_792] {strides = array<i32>} : memref<128x64xf32, #tpu.memory_space<vmem>>, vector<1x16xf32>,
        %get3A_794 = vector.shape_cast %get3A_793 : vector<1x16xf32> to vector<16xf32>
        %max3A_795 = arith.maximumf %max3A_780, %get3A_794 : vector<16xf32>
        %min3A_796 = arith.minimumf %min3A_781, %get3A_794 : vector<16xf32>
        %add3A_797 = arith.addf %add3A_782, %get3A_794 : vector<16xf32>
        %mul3A_798 = arith.mulf %get3A_794, %get3A_794 : vector<16xf32>
        %add3A_799 = arith.addf %add3A_784, %mul3A_798 : vector<16xf32>
        %add3A_800 = arith.constant 7 : i32
        %add3A_801 = arith.addi %mul3A_164, %add3A_800 : i32
        %get3A_802 = arith.constant 0 : i32
        %get3A_803 = arith.constant 0 : i32
        %get3A_804 = tpu.memref_slice %arg6[%scan3A_81, %get3A_802, %get3A_803] : memref<2x128x64xf32, #tpu.memory_space<vmem>> -> memref<1x128x64xf32, #tpu.memory_space<vmem>>
        %get3A_805 = tpu.memref_squeeze %get3A_804 : memref<1x128x64xf32, #tpu.memory_space<vmem>> -> memref<128x64xf32, #tpu.memory_space<vmem>>
        %get3A_806 = arith.index_cast %add3A_801 : i32 to index
        %get3A_807 = arith.constant 32 : index
        %get3A_808 = tpu.vector_load %get3A_805[%get3A_806, %get3A_807] {strides = array<i32>} : memref<128x64xf32, #tpu.memory_space<vmem>>, vector<1x16xf32>,
        %get3A_809 = vector.shape_cast %get3A_808 : vector<1x16xf32> to vector<16xf32>
        %max3A_810 = arith.maximumf %max3A_795, %get3A_809 : vector<16xf32>
        %min3A_811 = arith.minimumf %min3A_796, %get3A_809 : vector<16xf32>
        %add3A_812 = arith.addf %add3A_797, %get3A_809 : vector<16xf32>
        %mul3A_813 = arith.mulf %get3A_809, %get3A_809 : vector<16xf32>
        %add3A_814 = arith.addf %add3A_799, %mul3A_813 : vector<16xf32>
        %add3A_815 = arith.constant 8 : i32
        %add3A_816 = arith.addi %mul3A_164, %add3A_815 : i32
        %get3A_817 = arith.constant 0 : i32
        %get3A_818 = arith.constant 0 : i32
        %get3A_819 = tpu.memref_slice %arg6[%scan3A_81, %get3A_817, %get3A_818] : memref<2x128x64xf32, #tpu.memory_space<vmem>> -> memref<1x128x64xf32, #tpu.memory_space<vmem>>
        %get3A_820 = tpu.memref_squeeze %get3A_819 : memref<1x128x64xf32, #tpu.memory_space<vmem>> -> memref<128x64xf32, #tpu.memory_space<vmem>>
        %get3A_821 = arith.index_cast %add3A_816 : i32 to index
        %get3A_822 = arith.constant 32 : index
        %get3A_823 = tpu.vector_load %get3A_820[%get3A_821, %get3A_822] {strides = array<i32>} : memref<128x64xf32, #tpu.memory_space<vmem>>, vector<1x16xf32>,
        %get3A_824 = vector.shape_cast %get3A_823 : vector<1x16xf32> to vector<16xf32>
        %max3A_825 = arith.maximumf %max3A_810, %get3A_824 : vector<16xf32>
        %min3A_826 = arith.minimumf %min3A_811, %get3A_824 : vector<16xf32>
        %add3A_827 = arith.addf %add3A_812, %get3A_824 : vector<16xf32>
        %mul3A_828 = arith.mulf %get3A_824, %get3A_824 : vector<16xf32>
        %add3A_829 = arith.addf %add3A_814, %mul3A_828 : vector<16xf32>
        %add3A_830 = arith.constant 9 : i32
        %add3A_831 = arith.addi %mul3A_164, %add3A_830 : i32
        %get3A_832 = arith.constant 0 : i32
        %get3A_833 = arith.constant 0 : i32
        %get3A_834 = tpu.memref_slice %arg6[%scan3A_81, %get3A_832, %get3A_833] : memref<2x128x64xf32, #tpu.memory_space<vmem>> -> memref<1x128x64xf32, #tpu.memory_space<vmem>>
        %get3A_835 = tpu.memref_squeeze %get3A_834 : memref<1x128x64xf32, #tpu.memory_space<vmem>> -> memref<128x64xf32, #tpu.memory_space<vmem>>
        %get3A_836 = arith.index_cast %add3A_831 : i32 to index
        %get3A_837 = arith.constant 32 : index
        %get3A_838 = tpu.vector_load %get3A_835[%get3A_836, %get3A_837] {strides = array<i32>} : memref<128x64xf32, #tpu.memory_space<vmem>>, vector<1x16xf32>,
        %get3A_839 = vector.shape_cast %get3A_838 : vector<1x16xf32> to vector<16xf32>
        %max3A_840 = arith.maximumf %max3A_825, %get3A_839 : vector<16xf32>
        %min3A_841 = arith.minimumf %min3A_826, %get3A_839 : vector<16xf32>
        %add3A_842 = arith.addf %add3A_827, %get3A_839 : vector<16xf32>
        %mul3A_843 = arith.mulf %get3A_839, %get3A_839 : vector<16xf32>
        %add3A_844 = arith.addf %add3A_829, %mul3A_843 : vector<16xf32>
        %add3A_845 = arith.constant 10 : i32
        %add3A_846 = arith.addi %mul3A_164, %add3A_845 : i32
        %get3A_847 = arith.constant 0 : i32
        %get3A_848 = arith.constant 0 : i32
        %get3A_849 = tpu.memref_slice %arg6[%scan3A_81, %get3A_847, %get3A_848] : memref<2x128x64xf32, #tpu.memory_space<vmem>> -> memref<1x128x64xf32, #tpu.memory_space<vmem>>
        %get3A_850 = tpu.memref_squeeze %get3A_849 : memref<1x128x64xf32, #tpu.memory_space<vmem>> -> memref<128x64xf32, #tpu.memory_space<vmem>>
        %get3A_851 = arith.index_cast %add3A_846 : i32 to index
        %get3A_852 = arith.constant 32 : index
        %get3A_853 = tpu.vector_load %get3A_850[%get3A_851, %get3A_852] {strides = array<i32>} : memref<128x64xf32, #tpu.memory_space<vmem>>, vector<1x16xf32>,
        %get3A_854 = vector.shape_cast %get3A_853 : vector<1x16xf32> to vector<16xf32>
        %max3A_855 = arith.maximumf %max3A_840, %get3A_854 : vector<16xf32>
        %min3A_856 = arith.minimumf %min3A_841, %get3A_854 : vector<16xf32>
        %add3A_857 = arith.addf %add3A_842, %get3A_854 : vector<16xf32>
        %mul3A_858 = arith.mulf %get3A_854, %get3A_854 : vector<16xf32>
        %add3A_859 = arith.addf %add3A_844, %mul3A_858 : vector<16xf32>
        %add3A_860 = arith.constant 11 : i32
        %add3A_861 = arith.addi %mul3A_164, %add3A_860 : i32
        %get3A_862 = arith.constant 0 : i32
        %get3A_863 = arith.constant 0 : i32
        %get3A_864 = tpu.memref_slice %arg6[%scan3A_81, %get3A_862, %get3A_863] : memref<2x128x64xf32, #tpu.memory_space<vmem>> -> memref<1x128x64xf32, #tpu.memory_space<vmem>>
        %get3A_865 = tpu.memref_squeeze %get3A_864 : memref<1x128x64xf32, #tpu.memory_space<vmem>> -> memref<128x64xf32, #tpu.memory_space<vmem>>
        %get3A_866 = arith.index_cast %add3A_861 : i32 to index
        %get3A_867 = arith.constant 32 : index
        %get3A_868 = tpu.vector_load %get3A_865[%get3A_866, %get3A_867] {strides = array<i32>} : memref<128x64xf32, #tpu.memory_space<vmem>>, vector<1x16xf32>,
        %get3A_869 = vector.shape_cast %get3A_868 : vector<1x16xf32> to vector<16xf32>
        %max3A_870 = arith.maximumf %max3A_855, %get3A_869 : vector<16xf32>
        %min3A_871 = arith.minimumf %min3A_856, %get3A_869 : vector<16xf32>
        %add3A_872 = arith.addf %add3A_857, %get3A_869 : vector<16xf32>
        %mul3A_873 = arith.mulf %get3A_869, %get3A_869 : vector<16xf32>
        %add3A_874 = arith.addf %add3A_859, %mul3A_873 : vector<16xf32>
        %add3A_875 = arith.constant 12 : i32
        %add3A_876 = arith.addi %mul3A_164, %add3A_875 : i32
        %get3A_877 = arith.constant 0 : i32
        %get3A_878 = arith.constant 0 : i32
        %get3A_879 = tpu.memref_slice %arg6[%scan3A_81, %get3A_877, %get3A_878] : memref<2x128x64xf32, #tpu.memory_space<vmem>> -> memref<1x128x64xf32, #tpu.memory_space<vmem>>
        %get3A_880 = tpu.memref_squeeze %get3A_879 : memref<1x128x64xf32, #tpu.memory_space<vmem>> -> memref<128x64xf32, #tpu.memory_space<vmem>>
        %get3A_881 = arith.index_cast %add3A_876 : i32 to index
        %get3A_882 = arith.constant 32 : index
        %get3A_883 = tpu.vector_load %get3A_880[%get3A_881, %get3A_882] {strides = array<i32>} : memref<128x64xf32, #tpu.memory_space<vmem>>, vector<1x16xf32>,
        %get3A_884 = vector.shape_cast %get3A_883 : vector<1x16xf32> to vector<16xf32>
        %max3A_885 = arith.maximumf %max3A_870, %get3A_884 : vector<16xf32>
        %min3A_886 = arith.minimumf %min3A_871, %get3A_884 : vector<16xf32>
        %add3A_887 = arith.addf %add3A_872, %get3A_884 : vector<16xf32>
        %mul3A_888 = arith.mulf %get3A_884, %get3A_884 : vector<16xf32>
        %add3A_889 = arith.addf %add3A_874, %mul3A_888 : vector<16xf32>
        %add3A_890 = arith.constant 13 : i32
        %add3A_891 = arith.addi %mul3A_164, %add3A_890 : i32
        %get3A_892 = arith.constant 0 : i32
        %get3A_893 = arith.constant 0 : i32
        %get3A_894 = tpu.memref_slice %arg6[%scan3A_81, %get3A_892, %get3A_893] : memref<2x128x64xf32, #tpu.memory_space<vmem>> -> memref<1x128x64xf32, #tpu.memory_space<vmem>>
        %get3A_895 = tpu.memref_squeeze %get3A_894 : memref<1x128x64xf32, #tpu.memory_space<vmem>> -> memref<128x64xf32, #tpu.memory_space<vmem>>
        %get3A_896 = arith.index_cast %add3A_891 : i32 to index
        %get3A_897 = arith.constant 32 : index
        %get3A_898 = tpu.vector_load %get3A_895[%get3A_896, %get3A_897] {strides = array<i32>} : memref<128x64xf32, #tpu.memory_space<vmem>>, vector<1x16xf32>,
        %get3A_899 = vector.shape_cast %get3A_898 : vector<1x16xf32> to vector<16xf32>
        %max3A_900 = arith.maximumf %max3A_885, %get3A_899 : vector<16xf32>
        %min3A_901 = arith.minimumf %min3A_886, %get3A_899 : vector<16xf32>
        %add3A_902 = arith.addf %add3A_887, %get3A_899 : vector<16xf32>
        %mul3A_903 = arith.mulf %get3A_899, %get3A_899 : vector<16xf32>
        %add3A_904 = arith.addf %add3A_889, %mul3A_903 : vector<16xf32>
        %add3A_905 = arith.constant 14 : i32
        %add3A_906 = arith.addi %mul3A_164, %add3A_905 : i32
        %get3A_907 = arith.constant 0 : i32
        %get3A_908 = arith.constant 0 : i32
        %get3A_909 = tpu.memref_slice %arg6[%scan3A_81, %get3A_907, %get3A_908] : memref<2x128x64xf32, #tpu.memory_space<vmem>> -> memref<1x128x64xf32, #tpu.memory_space<vmem>>
        %get3A_910 = tpu.memref_squeeze %get3A_909 : memref<1x128x64xf32, #tpu.memory_space<vmem>> -> memref<128x64xf32, #tpu.memory_space<vmem>>
        %get3A_911 = arith.index_cast %add3A_906 : i32 to index
        %get3A_912 = arith.constant 32 : index
        %get3A_913 = tpu.vector_load %get3A_910[%get3A_911, %get3A_912] {strides = array<i32>} : memref<128x64xf32, #tpu.memory_space<vmem>>, vector<1x16xf32>,
        %get3A_914 = vector.shape_cast %get3A_913 : vector<1x16xf32> to vector<16xf32>
        %max3A_915 = arith.maximumf %max3A_900, %get3A_914 : vector<16xf32>
        %min3A_916 = arith.minimumf %min3A_901, %get3A_914 : vector<16xf32>
        %add3A_917 = arith.addf %add3A_902, %get3A_914 : vector<16xf32>
        %mul3A_918 = arith.mulf %get3A_914, %get3A_914 : vector<16xf32>
        %add3A_919 = arith.addf %add3A_904, %mul3A_918 : vector<16xf32>
        %add3A_920 = arith.constant 15 : i32
        %add3A_921 = arith.addi %mul3A_164, %add3A_920 : i32
        %get3A_922 = arith.constant 0 : i32
        %get3A_923 = arith.constant 0 : i32
        %get3A_924 = tpu.memref_slice %arg6[%scan3A_81, %get3A_922, %get3A_923] : memref<2x128x64xf32, #tpu.memory_space<vmem>> -> memref<1x128x64xf32, #tpu.memory_space<vmem>>
        %get3A_925 = tpu.memref_squeeze %get3A_924 : memref<1x128x64xf32, #tpu.memory_space<vmem>> -> memref<128x64xf32, #tpu.memory_space<vmem>>
        %get3A_926 = arith.index_cast %add3A_921 : i32 to index
        %get3A_927 = arith.constant 32 : index
        %get3A_928 = tpu.vector_load %get3A_925[%get3A_926, %get3A_927] {strides = array<i32>} : memref<128x64xf32, #tpu.memory_space<vmem>>, vector<1x16xf32>,
        %get3A_929 = vector.shape_cast %get3A_928 : vector<1x16xf32> to vector<16xf32>
        %max3A_930 = arith.maximumf %max3A_915, %get3A_929 : vector<16xf32>
        %min3A_931 = arith.minimumf %min3A_916, %get3A_929 : vector<16xf32>
        %add3A_932 = arith.addf %add3A_917, %get3A_929 : vector<16xf32>
        %mul3A_933 = arith.mulf %get3A_929, %get3A_929 : vector<16xf32>
        %add3A_934 = arith.addf %add3A_919, %mul3A_933 : vector<16xf32>
        %swap3A_935 = arith.constant 0 : i32
        %swap3A_936 = arith.constant 0 : i32
        %swap3A_937 = tpu.memref_slice %arg7[%scan3A_82, %swap3A_935, %swap3A_936] : memref<2x8x256xf32, #tpu.memory_space<vmem>> -> memref<1x8x256xf32, #tpu.memory_space<vmem>>
        %swap3A_938 = tpu.memref_squeeze %swap3A_937 : memref<1x8x256xf32, #tpu.memory_space<vmem>> -> memref<8x256xf32, #tpu.memory_space<vmem>>
        %swap3A_939 = arith.index_cast %add3A_162 : i32 to index
        %swap3A_940 = arith.constant 32 : index
        %swap3A_941 = tpu.vector_load %swap3A_938[%swap3A_939, %swap3A_940] {strides = array<i32>} : memref<8x256xf32, #tpu.memory_space<vmem>>, vector<1x16xf32>,
        %swap3A_942 = vector.shape_cast %swap3A_941 : vector<1x16xf32> to vector<16xf32>
        %swap3A_943 = vector.shape_cast %max3A_930 : vector<16xf32> to vector<1x16xf32>
        tpu.vector_store %swap3A_938[%swap3A_939, %swap3A_940], %swap3A_943 {strides = array<i32>} : memref<8x256xf32, #tpu.memory_space<vmem>>, vector<1x16xf32>,
        %swap3A_944 = arith.constant 0 : i32
        %swap3A_945 = arith.constant 0 : i32
        %swap3A_946 = tpu.memref_slice %arg7[%scan3A_82, %swap3A_944, %swap3A_945] : memref<2x8x256xf32, #tpu.memory_space<vmem>> -> memref<1x8x256xf32, #tpu.memory_space<vmem>>
        %swap3A_947 = tpu.memref_squeeze %swap3A_946 : memref<1x8x256xf32, #tpu.memory_space<vmem>> -> memref<8x256xf32, #tpu.memory_space<vmem>>
        %swap3A_948 = arith.index_cast %add3A_162 : i32 to index
        %swap3A_949 = arith.constant 96 : index
        %swap3A_950 = tpu.vector_load %swap3A_947[%swap3A_948, %swap3A_949] {strides = array<i32>} : memref<8x256xf32, #tpu.memory_space<vmem>>, vector<1x16xf32>,
        %swap3A_951 = vector.shape_cast %swap3A_950 : vector<1x16xf32> to vector<16xf32>
        %swap3A_952 = vector.shape_cast %min3A_931 : vector<16xf32> to vector<1x16xf32>
        tpu.vector_store %swap3A_947[%swap3A_948, %swap3A_949], %swap3A_952 {strides = array<i32>} : memref<8x256xf32, #tpu.memory_space<vmem>>, vector<1x16xf32>,
        %swap3A_953 = arith.constant 0 : i32
        %swap3A_954 = arith.constant 0 : i32
        %swap3A_955 = tpu.memref_slice %arg7[%scan3A_82, %swap3A_953, %swap3A_954] : memref<2x8x256xf32, #tpu.memory_space<vmem>> -> memref<1x8x256xf32, #tpu.memory_space<vmem>>
        %swap3A_956 = tpu.memref_squeeze %swap3A_955 : memref<1x8x256xf32, #tpu.memory_space<vmem>> -> memref<8x256xf32, #tpu.memory_space<vmem>>
        %swap3A_957 = arith.index_cast %add3A_162 : i32 to index
        %swap3A_958 = arith.constant 160 : index
        %swap3A_959 = tpu.vector_load %swap3A_956[%swap3A_957, %swap3A_958] {strides = array<i32>} : memref<8x256xf32, #tpu.memory_space<vmem>>, vector<1x16xf32>,
        %swap3A_960 = vector.shape_cast %swap3A_959 : vector<1x16xf32> to vector<16xf32>
        %swap3A_961 = vector.shape_cast %add3A_932 : vector<16xf32> to vector<1x16xf32>
        tpu.vector_store %swap3A_956[%swap3A_957, %swap3A_958], %swap3A_961 {strides = array<i32>} : memref<8x256xf32, #tpu.memory_space<vmem>>, vector<1x16xf32>,
        %swap3A_962 = arith.constant 0 : i32
        %swap3A_963 = arith.constant 0 : i32
        %swap3A_964 = tpu.memref_slice %arg7[%scan3A_82, %swap3A_962, %swap3A_963] : memref<2x8x256xf32, #tpu.memory_space<vmem>> -> memref<1x8x256xf32, #tpu.memory_space<vmem>>
        %swap3A_965 = tpu.memref_squeeze %swap3A_964 : memref<1x8x256xf32, #tpu.memory_space<vmem>> -> memref<8x256xf32, #tpu.memory_space<vmem>>
        %swap3A_966 = arith.index_cast %add3A_162 : i32 to index
        %swap3A_967 = arith.constant 224 : index
        %swap3A_968 = tpu.vector_load %swap3A_965[%swap3A_966, %swap3A_967] {strides = array<i32>} : memref<8x256xf32, #tpu.memory_space<vmem>>, vector<1x16xf32>,
        %swap3A_969 = vector.shape_cast %swap3A_968 : vector<1x16xf32> to vector<16xf32>
        %swap3A_970 = vector.shape_cast %add3A_934 : vector<16xf32> to vector<1x16xf32>
        tpu.vector_store %swap3A_965[%swap3A_966, %swap3A_967], %swap3A_970 {strides = array<i32>} : memref<8x256xf32, #tpu.memory_space<vmem>>, vector<1x16xf32>,
        %get3A_971 = arith.constant 0 : i32
        %get3A_972 = arith.constant 0 : i32
        %get3A_973 = tpu.memref_slice %arg6[%scan3A_81, %get3A_971, %get3A_972] : memref<2x128x64xf32, #tpu.memory_space<vmem>> -> memref<1x128x64xf32, #tpu.memory_space<vmem>>
        %get3A_974 = tpu.memref_squeeze %get3A_973 : memref<1x128x64xf32, #tpu.memory_space<vmem>> -> memref<128x64xf32, #tpu.memory_space<vmem>>
        %get3A_975 = arith.index_cast %mul3A_164 : i32 to index
        %get3A_976 = arith.constant 48 : index
        %get3A_977 = tpu.vector_load %get3A_974[%get3A_975, %get3A_976] {strides = array<i32>} : memref<128x64xf32, #tpu.memory_space<vmem>>, vector<1x16xf32>,
        %get3A_978 = vector.shape_cast %get3A_977 : vector<1x16xf32> to vector<16xf32>
        %mul3A_979 = arith.mulf %get3A_978, %get3A_978 : vector<16xf32>
        %add3A_980 = arith.constant 1 : i32
        %add3A_981 = arith.addi %mul3A_164, %add3A_980 : i32
        %get3A_982 = arith.constant 0 : i32
        %get3A_983 = arith.constant 0 : i32
        %get3A_984 = tpu.memref_slice %arg6[%scan3A_81, %get3A_982, %get3A_983] : memref<2x128x64xf32, #tpu.memory_space<vmem>> -> memref<1x128x64xf32, #tpu.memory_space<vmem>>
        %get3A_985 = tpu.memref_squeeze %get3A_984 : memref<1x128x64xf32, #tpu.memory_space<vmem>> -> memref<128x64xf32, #tpu.memory_space<vmem>>
        %get3A_986 = arith.index_cast %add3A_981 : i32 to index
        %get3A_987 = arith.constant 48 : index
        %get3A_988 = tpu.vector_load %get3A_985[%get3A_986, %get3A_987] {strides = array<i32>} : memref<128x64xf32, #tpu.memory_space<vmem>>, vector<1x16xf32>,
        %get3A_989 = vector.shape_cast %get3A_988 : vector<1x16xf32> to vector<16xf32>
        %max3A_990 = arith.maximumf %get3A_978, %get3A_989 : vector<16xf32>
        %min3A_991 = arith.minimumf %get3A_978, %get3A_989 : vector<16xf32>
        %add3A_992 = arith.addf %get3A_978, %get3A_989 : vector<16xf32>
        %mul3A_993 = arith.mulf %get3A_989, %get3A_989 : vector<16xf32>
        %add3A_994 = arith.addf %mul3A_979, %mul3A_993 : vector<16xf32>
        %add3A_995 = arith.constant 2 : i32
        %add3A_996 = arith.addi %mul3A_164, %add3A_995 : i32
        %get3A_997 = arith.constant 0 : i32
        %get3A_998 = arith.constant 0 : i32
        %get3A_999 = tpu.memref_slice %arg6[%scan3A_81, %get3A_997, %get3A_998] : memref<2x128x64xf32, #tpu.memory_space<vmem>> -> memref<1x128x64xf32, #tpu.memory_space<vmem>>
        %get3A_1000 = tpu.memref_squeeze %get3A_999 : memref<1x128x64xf32, #tpu.memory_space<vmem>> -> memref<128x64xf32, #tpu.memory_space<vmem>>
        %get3A_1001 = arith.index_cast %add3A_996 : i32 to index
        %get3A_1002 = arith.constant 48 : index
        %get3A_1003 = tpu.vector_load %get3A_1000[%get3A_1001, %get3A_1002] {strides = array<i32>} : memref<128x64xf32, #tpu.memory_space<vmem>>, vector<1x16xf32>,
        %get3A_1004 = vector.shape_cast %get3A_1003 : vector<1x16xf32> to vector<16xf32>
        %max3A_1005 = arith.maximumf %max3A_990, %get3A_1004 : vector<16xf32>
        %min3A_1006 = arith.minimumf %min3A_991, %get3A_1004 : vector<16xf32>
        %add3A_1007 = arith.addf %add3A_992, %get3A_1004 : vector<16xf32>
        %mul3A_1008 = arith.mulf %get3A_1004, %get3A_1004 : vector<16xf32>
        %add3A_1009 = arith.addf %add3A_994, %mul3A_1008 : vector<16xf32>
        %add3A_1010 = arith.constant 3 : i32
        %add3A_1011 = arith.addi %mul3A_164, %add3A_1010 : i32
        %get3A_1012 = arith.constant 0 : i32
        %get3A_1013 = arith.constant 0 : i32
        %get3A_1014 = tpu.memref_slice %arg6[%scan3A_81, %get3A_1012, %get3A_1013] : memref<2x128x64xf32, #tpu.memory_space<vmem>> -> memref<1x128x64xf32, #tpu.memory_space<vmem>>
        %get3A_1015 = tpu.memref_squeeze %get3A_1014 : memref<1x128x64xf32, #tpu.memory_space<vmem>> -> memref<128x64xf32, #tpu.memory_space<vmem>>
        %get3A_1016 = arith.index_cast %add3A_1011 : i32 to index
        %get3A_1017 = arith.constant 48 : index
        %get3A_1018 = tpu.vector_load %get3A_1015[%get3A_1016, %get3A_1017] {strides = array<i32>} : memref<128x64xf32, #tpu.memory_space<vmem>>, vector<1x16xf32>,
        %get3A_1019 = vector.shape_cast %get3A_1018 : vector<1x16xf32> to vector<16xf32>
        %max3A_1020 = arith.maximumf %max3A_1005, %get3A_1019 : vector<16xf32>
        %min3A_1021 = arith.minimumf %min3A_1006, %get3A_1019 : vector<16xf32>
        %add3A_1022 = arith.addf %add3A_1007, %get3A_1019 : vector<16xf32>
        %mul3A_1023 = arith.mulf %get3A_1019, %get3A_1019 : vector<16xf32>
        %add3A_1024 = arith.addf %add3A_1009, %mul3A_1023 : vector<16xf32>
        %add3A_1025 = arith.constant 4 : i32
        %add3A_1026 = arith.addi %mul3A_164, %add3A_1025 : i32
        %get3A_1027 = arith.constant 0 : i32
        %get3A_1028 = arith.constant 0 : i32
        %get3A_1029 = tpu.memref_slice %arg6[%scan3A_81, %get3A_1027, %get3A_1028] : memref<2x128x64xf32, #tpu.memory_space<vmem>> -> memref<1x128x64xf32, #tpu.memory_space<vmem>>
        %get3A_1030 = tpu.memref_squeeze %get3A_1029 : memref<1x128x64xf32, #tpu.memory_space<vmem>> -> memref<128x64xf32, #tpu.memory_space<vmem>>
        %get3A_1031 = arith.index_cast %add3A_1026 : i32 to index
        %get3A_1032 = arith.constant 48 : index
        %get3A_1033 = tpu.vector_load %get3A_1030[%get3A_1031, %get3A_1032] {strides = array<i32>} : memref<128x64xf32, #tpu.memory_space<vmem>>, vector<1x16xf32>,
        %get3A_1034 = vector.shape_cast %get3A_1033 : vector<1x16xf32> to vector<16xf32>
        %max3A_1035 = arith.maximumf %max3A_1020, %get3A_1034 : vector<16xf32>
        %min3A_1036 = arith.minimumf %min3A_1021, %get3A_1034 : vector<16xf32>
        %add3A_1037 = arith.addf %add3A_1022, %get3A_1034 : vector<16xf32>
        %mul3A_1038 = arith.mulf %get3A_1034, %get3A_1034 : vector<16xf32>
        %add3A_1039 = arith.addf %add3A_1024, %mul3A_1038 : vector<16xf32>
        %add3A_1040 = arith.constant 5 : i32
        %add3A_1041 = arith.addi %mul3A_164, %add3A_1040 : i32
        %get3A_1042 = arith.constant 0 : i32
        %get3A_1043 = arith.constant 0 : i32
        %get3A_1044 = tpu.memref_slice %arg6[%scan3A_81, %get3A_1042, %get3A_1043] : memref<2x128x64xf32, #tpu.memory_space<vmem>> -> memref<1x128x64xf32, #tpu.memory_space<vmem>>
        %get3A_1045 = tpu.memref_squeeze %get3A_1044 : memref<1x128x64xf32, #tpu.memory_space<vmem>> -> memref<128x64xf32, #tpu.memory_space<vmem>>
        %get3A_1046 = arith.index_cast %add3A_1041 : i32 to index
        %get3A_1047 = arith.constant 48 : index
        %get3A_1048 = tpu.vector_load %get3A_1045[%get3A_1046, %get3A_1047] {strides = array<i32>} : memref<128x64xf32, #tpu.memory_space<vmem>>, vector<1x16xf32>,
        %get3A_1049 = vector.shape_cast %get3A_1048 : vector<1x16xf32> to vector<16xf32>
        %max3A_1050 = arith.maximumf %max3A_1035, %get3A_1049 : vector<16xf32>
        %min3A_1051 = arith.minimumf %min3A_1036, %get3A_1049 : vector<16xf32>
        %add3A_1052 = arith.addf %add3A_1037, %get3A_1049 : vector<16xf32>
        %mul3A_1053 = arith.mulf %get3A_1049, %get3A_1049 : vector<16xf32>
        %add3A_1054 = arith.addf %add3A_1039, %mul3A_1053 : vector<16xf32>
        %add3A_1055 = arith.constant 6 : i32
        %add3A_1056 = arith.addi %mul3A_164, %add3A_1055 : i32
        %get3A_1057 = arith.constant 0 : i32
        %get3A_1058 = arith.constant 0 : i32
        %get3A_1059 = tpu.memref_slice %arg6[%scan3A_81, %get3A_1057, %get3A_1058] : memref<2x128x64xf32, #tpu.memory_space<vmem>> -> memref<1x128x64xf32, #tpu.memory_space<vmem>>
        %get3A_1060 = tpu.memref_squeeze %get3A_1059 : memref<1x128x64xf32, #tpu.memory_space<vmem>> -> memref<128x64xf32, #tpu.memory_space<vmem>>
        %get3A_1061 = arith.index_cast %add3A_1056 : i32 to index
        %get3A_1062 = arith.constant 48 : index
        %get3A_1063 = tpu.vector_load %get3A_1060[%get3A_1061, %get3A_1062] {strides = array<i32>} : memref<128x64xf32, #tpu.memory_space<vmem>>, vector<1x16xf32>,
        %get3A_1064 = vector.shape_cast %get3A_1063 : vector<1x16xf32> to vector<16xf32>
        %max3A_1065 = arith.maximumf %max3A_1050, %get3A_1064 : vector<16xf32>
        %min3A_1066 = arith.minimumf %min3A_1051, %get3A_1064 : vector<16xf32>
        %add3A_1067 = arith.addf %add3A_1052, %get3A_1064 : vector<16xf32>
        %mul3A_1068 = arith.mulf %get3A_1064, %get3A_1064 : vector<16xf32>
        %add3A_1069 = arith.addf %add3A_1054, %mul3A_1068 : vector<16xf32>
        %add3A_1070 = arith.constant 7 : i32
        %add3A_1071 = arith.addi %mul3A_164, %add3A_1070 : i32
        %get3A_1072 = arith.constant 0 : i32
        %get3A_1073 = arith.constant 0 : i32
        %get3A_1074 = tpu.memref_slice %arg6[%scan3A_81, %get3A_1072, %get3A_1073] : memref<2x128x64xf32, #tpu.memory_space<vmem>> -> memref<1x128x64xf32, #tpu.memory_space<vmem>>
        %get3A_1075 = tpu.memref_squeeze %get3A_1074 : memref<1x128x64xf32, #tpu.memory_space<vmem>> -> memref<128x64xf32, #tpu.memory_space<vmem>>
        %get3A_1076 = arith.index_cast %add3A_1071 : i32 to index
        %get3A_1077 = arith.constant 48 : index
        %get3A_1078 = tpu.vector_load %get3A_1075[%get3A_1076, %get3A_1077] {strides = array<i32>} : memref<128x64xf32, #tpu.memory_space<vmem>>, vector<1x16xf32>,
        %get3A_1079 = vector.shape_cast %get3A_1078 : vector<1x16xf32> to vector<16xf32>
        %max3A_1080 = arith.maximumf %max3A_1065, %get3A_1079 : vector<16xf32>
        %min3A_1081 = arith.minimumf %min3A_1066, %get3A_1079 : vector<16xf32>
        %add3A_1082 = arith.addf %add3A_1067, %get3A_1079 : vector<16xf32>
        %mul3A_1083 = arith.mulf %get3A_1079, %get3A_1079 : vector<16xf32>
        %add3A_1084 = arith.addf %add3A_1069, %mul3A_1083 : vector<16xf32>
        %add3A_1085 = arith.constant 8 : i32
        %add3A_1086 = arith.addi %mul3A_164, %add3A_1085 : i32
        %get3A_1087 = arith.constant 0 : i32
        %get3A_1088 = arith.constant 0 : i32
        %get3A_1089 = tpu.memref_slice %arg6[%scan3A_81, %get3A_1087, %get3A_1088] : memref<2x128x64xf32, #tpu.memory_space<vmem>> -> memref<1x128x64xf32, #tpu.memory_space<vmem>>
        %get3A_1090 = tpu.memref_squeeze %get3A_1089 : memref<1x128x64xf32, #tpu.memory_space<vmem>> -> memref<128x64xf32, #tpu.memory_space<vmem>>
        %get3A_1091 = arith.index_cast %add3A_1086 : i32 to index
        %get3A_1092 = arith.constant 48 : index
        %get3A_1093 = tpu.vector_load %get3A_1090[%get3A_1091, %get3A_1092] {strides = array<i32>} : memref<128x64xf32, #tpu.memory_space<vmem>>, vector<1x16xf32>,
        %get3A_1094 = vector.shape_cast %get3A_1093 : vector<1x16xf32> to vector<16xf32>
        %max3A_1095 = arith.maximumf %max3A_1080, %get3A_1094 : vector<16xf32>
        %min3A_1096 = arith.minimumf %min3A_1081, %get3A_1094 : vector<16xf32>
        %add3A_1097 = arith.addf %add3A_1082, %get3A_1094 : vector<16xf32>
        %mul3A_1098 = arith.mulf %get3A_1094, %get3A_1094 : vector<16xf32>
        %add3A_1099 = arith.addf %add3A_1084, %mul3A_1098 : vector<16xf32>
        %add3A_1100 = arith.constant 9 : i32
        %add3A_1101 = arith.addi %mul3A_164, %add3A_1100 : i32
        %get3A_1102 = arith.constant 0 : i32
        %get3A_1103 = arith.constant 0 : i32
        %get3A_1104 = tpu.memref_slice %arg6[%scan3A_81, %get3A_1102, %get3A_1103] : memref<2x128x64xf32, #tpu.memory_space<vmem>> -> memref<1x128x64xf32, #tpu.memory_space<vmem>>
        %get3A_1105 = tpu.memref_squeeze %get3A_1104 : memref<1x128x64xf32, #tpu.memory_space<vmem>> -> memref<128x64xf32, #tpu.memory_space<vmem>>
        %get3A_1106 = arith.index_cast %add3A_1101 : i32 to index
        %get3A_1107 = arith.constant 48 : index
        %get3A_1108 = tpu.vector_load %get3A_1105[%get3A_1106, %get3A_1107] {strides = array<i32>} : memref<128x64xf32, #tpu.memory_space<vmem>>, vector<1x16xf32>,
        %get3A_1109 = vector.shape_cast %get3A_1108 : vector<1x16xf32> to vector<16xf32>
        %max3A_1110 = arith.maximumf %max3A_1095, %get3A_1109 : vector<16xf32>
        %min3A_1111 = arith.minimumf %min3A_1096, %get3A_1109 : vector<16xf32>
        %add3A_1112 = arith.addf %add3A_1097, %get3A_1109 : vector<16xf32>
        %mul3A_1113 = arith.mulf %get3A_1109, %get3A_1109 : vector<16xf32>
        %add3A_1114 = arith.addf %add3A_1099, %mul3A_1113 : vector<16xf32>
        %add3A_1115 = arith.constant 10 : i32
        %add3A_1116 = arith.addi %mul3A_164, %add3A_1115 : i32
        %get3A_1117 = arith.constant 0 : i32
        %get3A_1118 = arith.constant 0 : i32
        %get3A_1119 = tpu.memref_slice %arg6[%scan3A_81, %get3A_1117, %get3A_1118] : memref<2x128x64xf32, #tpu.memory_space<vmem>> -> memref<1x128x64xf32, #tpu.memory_space<vmem>>
        %get3A_1120 = tpu.memref_squeeze %get3A_1119 : memref<1x128x64xf32, #tpu.memory_space<vmem>> -> memref<128x64xf32, #tpu.memory_space<vmem>>
        %get3A_1121 = arith.index_cast %add3A_1116 : i32 to index
        %get3A_1122 = arith.constant 48 : index
        %get3A_1123 = tpu.vector_load %get3A_1120[%get3A_1121, %get3A_1122] {strides = array<i32>} : memref<128x64xf32, #tpu.memory_space<vmem>>, vector<1x16xf32>,
        %get3A_1124 = vector.shape_cast %get3A_1123 : vector<1x16xf32> to vector<16xf32>
        %max3A_1125 = arith.maximumf %max3A_1110, %get3A_1124 : vector<16xf32>
        %min3A_1126 = arith.minimumf %min3A_1111, %get3A_1124 : vector<16xf32>
        %add3A_1127 = arith.addf %add3A_1112, %get3A_1124 : vector<16xf32>
        %mul3A_1128 = arith.mulf %get3A_1124, %get3A_1124 : vector<16xf32>
        %add3A_1129 = arith.addf %add3A_1114, %mul3A_1128 : vector<16xf32>
        %add3A_1130 = arith.constant 11 : i32
        %add3A_1131 = arith.addi %mul3A_164, %add3A_1130 : i32
        %get3A_1132 = arith.constant 0 : i32
        %get3A_1133 = arith.constant 0 : i32
        %get3A_1134 = tpu.memref_slice %arg6[%scan3A_81, %get3A_1132, %get3A_1133] : memref<2x128x64xf32, #tpu.memory_space<vmem>> -> memref<1x128x64xf32, #tpu.memory_space<vmem>>
        %get3A_1135 = tpu.memref_squeeze %get3A_1134 : memref<1x128x64xf32, #tpu.memory_space<vmem>> -> memref<128x64xf32, #tpu.memory_space<vmem>>
        %get3A_1136 = arith.index_cast %add3A_1131 : i32 to index
        %get3A_1137 = arith.constant 48 : index
        %get3A_1138 = tpu.vector_load %get3A_1135[%get3A_1136, %get3A_1137] {strides = array<i32>} : memref<128x64xf32, #tpu.memory_space<vmem>>, vector<1x16xf32>,
        %get3A_1139 = vector.shape_cast %get3A_1138 : vector<1x16xf32> to vector<16xf32>
        %max3A_1140 = arith.maximumf %max3A_1125, %get3A_1139 : vector<16xf32>
        %min3A_1141 = arith.minimumf %min3A_1126, %get3A_1139 : vector<16xf32>
        %add3A_1142 = arith.addf %add3A_1127, %get3A_1139 : vector<16xf32>
        %mul3A_1143 = arith.mulf %get3A_1139, %get3A_1139 : vector<16xf32>
        %add3A_1144 = arith.addf %add3A_1129, %mul3A_1143 : vector<16xf32>
        %add3A_1145 = arith.constant 12 : i32
        %add3A_1146 = arith.addi %mul3A_164, %add3A_1145 : i32
        %get3A_1147 = arith.constant 0 : i32
        %get3A_1148 = arith.constant 0 : i32
        %get3A_1149 = tpu.memref_slice %arg6[%scan3A_81, %get3A_1147, %get3A_1148] : memref<2x128x64xf32, #tpu.memory_space<vmem>> -> memref<1x128x64xf32, #tpu.memory_space<vmem>>
        %get3A_1150 = tpu.memref_squeeze %get3A_1149 : memref<1x128x64xf32, #tpu.memory_space<vmem>> -> memref<128x64xf32, #tpu.memory_space<vmem>>
        %get3A_1151 = arith.index_cast %add3A_1146 : i32 to index
        %get3A_1152 = arith.constant 48 : index
        %get3A_1153 = tpu.vector_load %get3A_1150[%get3A_1151, %get3A_1152] {strides = array<i32>} : memref<128x64xf32, #tpu.memory_space<vmem>>, vector<1x16xf32>,
        %get3A_1154 = vector.shape_cast %get3A_1153 : vector<1x16xf32> to vector<16xf32>
        %max3A_1155 = arith.maximumf %max3A_1140, %get3A_1154 : vector<16xf32>
        %min3A_1156 = arith.minimumf %min3A_1141, %get3A_1154 : vector<16xf32>
        %add3A_1157 = arith.addf %add3A_1142, %get3A_1154 : vector<16xf32>
        %mul3A_1158 = arith.mulf %get3A_1154, %get3A_1154 : vector<16xf32>
        %add3A_1159 = arith.addf %add3A_1144, %mul3A_1158 : vector<16xf32>
        %add3A_1160 = arith.constant 13 : i32
        %add3A_1161 = arith.addi %mul3A_164, %add3A_1160 : i32
        %get3A_1162 = arith.constant 0 : i32
        %get3A_1163 = arith.constant 0 : i32
        %get3A_1164 = tpu.memref_slice %arg6[%scan3A_81, %get3A_1162, %get3A_1163] : memref<2x128x64xf32, #tpu.memory_space<vmem>> -> memref<1x128x64xf32, #tpu.memory_space<vmem>>
        %get3A_1165 = tpu.memref_squeeze %get3A_1164 : memref<1x128x64xf32, #tpu.memory_space<vmem>> -> memref<128x64xf32, #tpu.memory_space<vmem>>
        %get3A_1166 = arith.index_cast %add3A_1161 : i32 to index
        %get3A_1167 = arith.constant 48 : index
        %get3A_1168 = tpu.vector_load %get3A_1165[%get3A_1166, %get3A_1167] {strides = array<i32>} : memref<128x64xf32, #tpu.memory_space<vmem>>, vector<1x16xf32>,
        %get3A_1169 = vector.shape_cast %get3A_1168 : vector<1x16xf32> to vector<16xf32>
        %max3A_1170 = arith.maximumf %max3A_1155, %get3A_1169 : vector<16xf32>
        %min3A_1171 = arith.minimumf %min3A_1156, %get3A_1169 : vector<16xf32>
        %add3A_1172 = arith.addf %add3A_1157, %get3A_1169 : vector<16xf32>
        %mul3A_1173 = arith.mulf %get3A_1169, %get3A_1169 : vector<16xf32>
        %add3A_1174 = arith.addf %add3A_1159, %mul3A_1173 : vector<16xf32>
        %add3A_1175 = arith.constant 14 : i32
        %add3A_1176 = arith.addi %mul3A_164, %add3A_1175 : i32
        %get3A_1177 = arith.constant 0 : i32
        %get3A_1178 = arith.constant 0 : i32
        %get3A_1179 = tpu.memref_slice %arg6[%scan3A_81, %get3A_1177, %get3A_1178] : memref<2x128x64xf32, #tpu.memory_space<vmem>> -> memref<1x128x64xf32, #tpu.memory_space<vmem>>
        %get3A_1180 = tpu.memref_squeeze %get3A_1179 : memref<1x128x64xf32, #tpu.memory_space<vmem>> -> memref<128x64xf32, #tpu.memory_space<vmem>>
        %get3A_1181 = arith.index_cast %add3A_1176 : i32 to index
        %get3A_1182 = arith.constant 48 : index
        %get3A_1183 = tpu.vector_load %get3A_1180[%get3A_1181, %get3A_1182] {strides = array<i32>} : memref<128x64xf32, #tpu.memory_space<vmem>>, vector<1x16xf32>,
        %get3A_1184 = vector.shape_cast %get3A_1183 : vector<1x16xf32> to vector<16xf32>
        %max3A_1185 = arith.maximumf %max3A_1170, %get3A_1184 : vector<16xf32>
        %min3A_1186 = arith.minimumf %min3A_1171, %get3A_1184 : vector<16xf32>
        %add3A_1187 = arith.addf %add3A_1172, %get3A_1184 : vector<16xf32>
        %mul3A_1188 = arith.mulf %get3A_1184, %get3A_1184 : vector<16xf32>
        %add3A_1189 = arith.addf %add3A_1174, %mul3A_1188 : vector<16xf32>
        %add3A_1190 = arith.constant 15 : i32
        %add3A_1191 = arith.addi %mul3A_164, %add3A_1190 : i32
        %get3A_1192 = arith.constant 0 : i32
        %get3A_1193 = arith.constant 0 : i32
        %get3A_1194 = tpu.memref_slice %arg6[%scan3A_81, %get3A_1192, %get3A_1193] : memref<2x128x64xf32, #tpu.memory_space<vmem>> -> memref<1x128x64xf32, #tpu.memory_space<vmem>>
        %get3A_1195 = tpu.memref_squeeze %get3A_1194 : memref<1x128x64xf32, #tpu.memory_space<vmem>> -> memref<128x64xf32, #tpu.memory_space<vmem>>
        %get3A_1196 = arith.index_cast %add3A_1191 : i32 to index
        %get3A_1197 = arith.constant 48 : index
        %get3A_1198 = tpu.vector_load %get3A_1195[%get3A_1196, %get3A_1197] {strides = array<i32>} : memref<128x64xf32, #tpu.memory_space<vmem>>, vector<1x16xf32>,
        %get3A_1199 = vector.shape_cast %get3A_1198 : vector<1x16xf32> to vector<16xf32>
        %max3A_1200 = arith.maximumf %max3A_1185, %get3A_1199 : vector<16xf32>
        %min3A_1201 = arith.minimumf %min3A_1186, %get3A_1199 : vector<16xf32>
        %add3A_1202 = arith.addf %add3A_1187, %get3A_1199 : vector<16xf32>
        %mul3A_1203 = arith.mulf %get3A_1199, %get3A_1199 : vector<16xf32>
        %add3A_1204 = arith.addf %add3A_1189, %mul3A_1203 : vector<16xf32>
        %swap3A_1205 = arith.constant 0 : i32
        %swap3A_1206 = arith.constant 0 : i32
        %swap3A_1207 = tpu.memref_slice %arg7[%scan3A_82, %swap3A_1205, %swap3A_1206] : memref<2x8x256xf32, #tpu.memory_space<vmem>> -> memref<1x8x256xf32, #tpu.memory_space<vmem>>
        %swap3A_1208 = tpu.memref_squeeze %swap3A_1207 : memref<1x8x256xf32, #tpu.memory_space<vmem>> -> memref<8x256xf32, #tpu.memory_space<vmem>>
        %swap3A_1209 = arith.index_cast %add3A_162 : i32 to index
        %swap3A_1210 = arith.constant 48 : index
        %swap3A_1211 = tpu.vector_load %swap3A_1208[%swap3A_1209, %swap3A_1210] {strides = array<i32>} : memref<8x256xf32, #tpu.memory_space<vmem>>, vector<1x16xf32>,
        %swap3A_1212 = vector.shape_cast %swap3A_1211 : vector<1x16xf32> to vector<16xf32>
        %swap3A_1213 = vector.shape_cast %max3A_1200 : vector<16xf32> to vector<1x16xf32>
        tpu.vector_store %swap3A_1208[%swap3A_1209, %swap3A_1210], %swap3A_1213 {strides = array<i32>} : memref<8x256xf32, #tpu.memory_space<vmem>>, vector<1x16xf32>,
        %swap3A_1214 = arith.constant 0 : i32
        %swap3A_1215 = arith.constant 0 : i32
        %swap3A_1216 = tpu.memref_slice %arg7[%scan3A_82, %swap3A_1214, %swap3A_1215] : memref<2x8x256xf32, #tpu.memory_space<vmem>> -> memref<1x8x256xf32, #tpu.memory_space<vmem>>
        %swap3A_1217 = tpu.memref_squeeze %swap3A_1216 : memref<1x8x256xf32, #tpu.memory_space<vmem>> -> memref<8x256xf32, #tpu.memory_space<vmem>>
        %swap3A_1218 = arith.index_cast %add3A_162 : i32 to index
        %swap3A_1219 = arith.constant 112 : index
        %swap3A_1220 = tpu.vector_load %swap3A_1217[%swap3A_1218, %swap3A_1219] {strides = array<i32>} : memref<8x256xf32, #tpu.memory_space<vmem>>, vector<1x16xf32>,
        %swap3A_1221 = vector.shape_cast %swap3A_1220 : vector<1x16xf32> to vector<16xf32>
        %swap3A_1222 = vector.shape_cast %min3A_1201 : vector<16xf32> to vector<1x16xf32>
        tpu.vector_store %swap3A_1217[%swap3A_1218, %swap3A_1219], %swap3A_1222 {strides = array<i32>} : memref<8x256xf32, #tpu.memory_space<vmem>>, vector<1x16xf32>,
        %swap3A_1223 = arith.constant 0 : i32
        %swap3A_1224 = arith.constant 0 : i32
        %swap3A_1225 = tpu.memref_slice %arg7[%scan3A_82, %swap3A_1223, %swap3A_1224] : memref<2x8x256xf32, #tpu.memory_space<vmem>> -> memref<1x8x256xf32, #tpu.memory_space<vmem>>
        %swap3A_1226 = tpu.memref_squeeze %swap3A_1225 : memref<1x8x256xf32, #tpu.memory_space<vmem>> -> memref<8x256xf32, #tpu.memory_space<vmem>>
        %swap3A_1227 = arith.index_cast %add3A_162 : i32 to index
        %swap3A_1228 = arith.constant 176 : index
        %swap3A_1229 = tpu.vector_load %swap3A_1226[%swap3A_1227, %swap3A_1228] {strides = array<i32>} : memref<8x256xf32, #tpu.memory_space<vmem>>, vector<1x16xf32>,
        %swap3A_1230 = vector.shape_cast %swap3A_1229 : vector<1x16xf32> to vector<16xf32>
        %swap3A_1231 = vector.shape_cast %add3A_1202 : vector<16xf32> to vector<1x16xf32>
        tpu.vector_store %swap3A_1226[%swap3A_1227, %swap3A_1228], %swap3A_1231 {strides = array<i32>} : memref<8x256xf32, #tpu.memory_space<vmem>>, vector<1x16xf32>,
        %swap3A_1232 = arith.constant 0 : i32
        %swap3A_1233 = arith.constant 0 : i32
        %swap3A_1234 = tpu.memref_slice %arg7[%scan3A_82, %swap3A_1232, %swap3A_1233] : memref<2x8x256xf32, #tpu.memory_space<vmem>> -> memref<1x8x256xf32, #tpu.memory_space<vmem>>
        %swap3A_1235 = tpu.memref_squeeze %swap3A_1234 : memref<1x8x256xf32, #tpu.memory_space<vmem>> -> memref<8x256xf32, #tpu.memory_space<vmem>>
        %swap3A_1236 = arith.index_cast %add3A_162 : i32 to index
        %swap3A_1237 = arith.constant 240 : index
        %swap3A_1238 = tpu.vector_load %swap3A_1235[%swap3A_1236, %swap3A_1237] {strides = array<i32>} : memref<8x256xf32, #tpu.memory_space<vmem>>, vector<1x16xf32>,
        %swap3A_1239 = vector.shape_cast %swap3A_1238 : vector<1x16xf32> to vector<16xf32>
        %swap3A_1240 = vector.shape_cast %add3A_1204 : vector<16xf32> to vector<1x16xf32>
        tpu.vector_store %swap3A_1235[%swap3A_1236, %swap3A_1237], %swap3A_1240 {strides = array<i32>} : memref<8x256xf32, #tpu.memory_space<vmem>>, vector<1x16xf32>,
      }
      %scan3A_87 = arith.constant 8 : i32
      %add3A_88 = arith.addi %mul3A_2, %add3A_67 : i32
      %mul3A_89 = arith.constant 8 : i32
      %mul3A_90 = arith.muli %add3A_88, %mul3A_89 : i32
      %dma_start3A_91 = arith.constant 0 : i32
      %dma_start3A_92 = arith.constant 0 : i32
      %dma_start3A_93 = arith.constant 0 : i32
      %dma_start3A_94 = tpu.memref_slice %arg7[%dma_start3A_91, %dma_start3A_92, %dma_start3A_93] : memref<2x8x256xf32, #tpu.memory_space<vmem>> -> memref<1x8x256xf32, #tpu.memory_space<vmem>>
      %dma_start3A_95 = tpu.memref_squeeze %dma_start3A_94 : memref<1x8x256xf32, #tpu.memory_space<vmem>> -> memref<8x256xf32, #tpu.memory_space<vmem>>
      %dma_start3A_96 = arith.constant 0 : i32
      %dma_start3A_97 = tpu.memref_slice %arg4[%mul3A_90, %dma_start3A_96] : memref<16384x256xf32, #tpu.memory_space<hbm>> -> memref<8x256xf32, #tpu.memory_space<hbm>>
      %dma_start3A_98 = arith.constant 0 : i32
      %dma_start3A_99 = tpu.memref_slice %arg4[%mul3A_90, %dma_start3A_98] : memref<16384x256xf32, #tpu.memory_space<hbm>> -> memref<8x256xf32, #tpu.memory_space<hbm>>
      %dma_start3A_100 = arith.constant 0 : i32
      %dma_start3A_101 = arith.constant 0 : i32
      %dma_start3A_102 = tpu.memref_slice %arg7[%dma_start3A_91, %dma_start3A_100, %dma_start3A_101] : memref<2x8x256xf32, #tpu.memory_space<vmem>> -> memref<1x8x256xf32, #tpu.memory_space<vmem>>
      %dma_start3A_103 = tpu.memref_squeeze %dma_start3A_102 : memref<1x8x256xf32, #tpu.memory_space<vmem>> -> memref<8x256xf32, #tpu.memory_space<vmem>>
      tpu.enqueue_dma source(%dma_start3A_103 : memref<8x256xf32, #tpu.memory_space<vmem>>) target(%dma_start3A_99 : memref<8x256xf32, #tpu.memory_space<hbm>>) target_semaphore(%arg10 : memref<!tpu.dma_semaphore, #tpu.memory_space<semaphore_mem>>)
      %add3A_104 = arith.constant 2 : i32
      %add3A_105 = arith.addi %add3A_67, %add3A_104 : i32
      %lt3A = arith.constant 64 : i32
      %lt3A_106 = arith.cmpi slt, %add3A_105, %lt3A : i32
      %convert_element_type3A_107 = arith.extui %lt3A_106 : i1 to i32
      %cond3A_108 = arith.constant 0 : i32
      %cond3A_109 = arith.cmpi ne, %convert_element_type3A_107, %cond3A_108 : i32
      scf.if %cond3A_109 {
        %add3A_158 = arith.constant 2 : i32
        %add3A_159 = arith.addi %add3A_67, %add3A_158 : i32
        %dma_start3A_160 = arith.constant 0 : i32
        %dma_start3A_161 = arith.constant 0 : i32
        %dma_start3A_162 = arith.constant 0 : i32
        %dma_start3A_163 = tpu.memref_slice %arg6[%dma_start3A_160, %dma_start3A_161, %dma_start3A_162] : memref<2x128x64xf32, #tpu.memory_space<vmem>> -> memref<1x128x64xf32, #tpu.memory_space<vmem>>
        %dma_start3A_164 = tpu.memref_squeeze %dma_start3A_163 : memref<1x128x64xf32, #tpu.memory_space<vmem>> -> memref<128x64xf32, #tpu.memory_space<vmem>>
        %dma_start3A_165 = arith.constant 0 : i32
        %dma_start3A_166 = tpu.memref_slice %arg5[%add3A_159, %dma_start3A_165] : memref<64x128xi32, #tpu.memory_space<vmem>> -> memref<1x128xi32, #tpu.memory_space<vmem>>
        %dma_start3A_167 = tpu.memref_squeeze %dma_start3A_166 : memref<1x128xi32, #tpu.memory_space<vmem>> -> memref<128xi32, #tpu.memory_space<vmem>>
        %dma_start3A_168 = arith.constant 0 : i32
        %dma_start3A_169 = arith.constant 0 : i32
        %dma_start3A_170 = tpu.memref_slice %arg2[%dma_start3A_168, %dma_start3A_169] : memref<16384x64xf32, #tpu.memory_space<hbm>> -> memref<16384x64xf32, #tpu.memory_space<hbm>>
        tpu.enqueue_indirect_dma source(%dma_start3A_170 : memref<16384x64xf32, #tpu.memory_space<hbm>>) target(%dma_start3A_164 : memref<128x64xf32, #tpu.memory_space<vmem>>) offsets(%dma_start3A_167 : memref<128xi32, #tpu.memory_space<vmem>>) semaphore(%arg8 : memref<!tpu.dma_semaphore, #tpu.memory_space<semaphore_mem>>)
      } else {
      }
      %add3A_110 = arith.constant 1 : i32
      %add3A_111 = arith.addi %add3A_67, %add3A_110 : i32
      %dma_wait3A_112 = arith.constant 1 : i32
      %dma_wait3A_113 = arith.constant 0 : i32
      %dma_wait3A_114 = arith.constant 0 : i32
      %dma_wait3A_115 = tpu.memref_slice %arg6[%dma_wait3A_112, %dma_wait3A_113, %dma_wait3A_114] : memref<2x128x64xf32, #tpu.memory_space<vmem>> -> memref<1x128x64xf32, #tpu.memory_space<vmem>>
      %dma_wait3A_116 = tpu.memref_squeeze %dma_wait3A_115 : memref<1x128x64xf32, #tpu.memory_space<vmem>> -> memref<128x64xf32, #tpu.memory_space<vmem>>
      %dma_wait3A_117 = arith.constant 0 : i32
      %dma_wait3A_118 = tpu.memref_slice %arg5[%add3A_111, %dma_wait3A_117] : memref<64x128xi32, #tpu.memory_space<vmem>> -> memref<1x128xi32, #tpu.memory_space<vmem>>
      %dma_wait3A_119 = tpu.memref_squeeze %dma_wait3A_118 : memref<1x128xi32, #tpu.memory_space<vmem>> -> memref<128xi32, #tpu.memory_space<vmem>>
      %dma_wait3A_120 = arith.constant 0 : i32
      %dma_wait3A_121 = arith.constant 0 : i32
      %dma_wait3A_122 = tpu.memref_slice %arg2[%dma_wait3A_120, %dma_wait3A_121] : memref<16384x64xf32, #tpu.memory_space<hbm>> -> memref<16384x64xf32, #tpu.memory_space<hbm>>
      tpu.wait_indirect_dma semaphore(%arg9 : memref<!tpu.dma_semaphore, #tpu.memory_space<semaphore_mem>>) src(%dma_wait3A_122 : memref<16384x64xf32, #tpu.memory_space<hbm>>) dst(%dma_wait3A_116 : memref<128x64xf32, #tpu.memory_space<vmem>>)
      %ge3A_123 = arith.constant 2 : i32
      %ge3A_124 = arith.cmpi sge, %add3A_111, %ge3A_123 : i32
      %convert_element_type3A_125 = arith.extui %ge3A_124 : i1 to i32
      %cond3A_126 = arith.constant 0 : i32
      %cond3A_127 = arith.cmpi ne, %convert_element_type3A_125, %cond3A_126 : i32
      scf.if %cond3A_127 {
        %sub3A = arith.constant 2 : i32
        %sub3A_158 = arith.subi %add3A_111, %sub3A : i32
        %add3A_159 = arith.addi %mul3A_2, %sub3A_158 : i32
        %mul3A_160 = arith.constant 8 : i32
        %mul3A_161 = arith.muli %add3A_159, %mul3A_160 : i32
        %dma_wait3A_162 = arith.constant 1 : i32
        %dma_wait3A_163 = arith.constant 0 : i32
        %dma_wait3A_164 = arith.constant 0 : i32
        %dma_wait3A_165 = tpu.memref_slice %arg7[%dma_wait3A_162, %dma_wait3A_163, %dma_wait3A_164] : memref<2x8x256xf32, #tpu.memory_space<vmem>> -> memref<1x8x256xf32, #tpu.memory_space<vmem>>
        %dma_wait3A_166 = tpu.memref_squeeze %dma_wait3A_165 : memref<1x8x256xf32, #tpu.memory_space<vmem>> -> memref<8x256xf32, #tpu.memory_space<vmem>>
        %dma_wait3A_167 = arith.constant 0 : i32
        %dma_wait3A_168 = tpu.memref_slice %arg4[%mul3A_161, %dma_wait3A_167] : memref<16384x256xf32, #tpu.memory_space<hbm>> -> memref<8x256xf32, #tpu.memory_space<hbm>>
        %dma_wait3A_169 = arith.constant 0 : i32
        %dma_wait3A_170 = tpu.memref_slice %arg4[%mul3A_161, %dma_wait3A_169] : memref<16384x256xf32, #tpu.memory_space<hbm>> -> memref<8x256xf32, #tpu.memory_space<hbm>>
        %dma_wait3A_171 = arith.constant 0 : i32
        %dma_wait3A_172 = arith.constant 0 : i32
        %dma_wait3A_173 = tpu.memref_slice %arg7[%dma_wait3A_162, %dma_wait3A_171, %dma_wait3A_172] : memref<2x8x256xf32, #tpu.memory_space<vmem>> -> memref<1x8x256xf32, #tpu.memory_space<vmem>>
        %dma_wait3A_174 = tpu.memref_squeeze %dma_wait3A_173 : memref<1x8x256xf32, #tpu.memory_space<vmem>> -> memref<8x256xf32, #tpu.memory_space<vmem>>
        tpu.wait_dma2 semaphore(%arg11 : memref<!tpu.dma_semaphore, #tpu.memory_space<semaphore_mem>>) src(%dma_wait3A_174 : memref<8x256xf32, #tpu.memory_space<vmem>>) dst(%dma_wait3A_170 : memref<8x256xf32, #tpu.memory_space<hbm>>)
      } else {
      }
      %scan3A_128 = arith.constant 1 : i32
      %scan3A_129 = arith.constant 1 : i32
      %scan3A_130 = arith.constant 0 : i32
      %scan3A_131 = arith.constant 8 : i32
      %scan3A_132 = arith.addi %scan3A_130, %scan3A_131 : i32
      %scan3A_133 = arith.constant 1 : i32
      scf.for %scan3A_158 = %scan3A_130 to %scan3A_132 step %scan3A_133  : i32 {
        %mul3A_159 = arith.constant 1 : i32
        %mul3A_160 = arith.muli %scan3A_158, %mul3A_159 : i32
        %add3A_161 = arith.constant 0 : i32
        %add3A_162 = arith.addi %add3A_161, %mul3A_160 : i32
        %mul3A_163 = arith.constant 16 : i32
        %mul3A_164 = arith.muli %add3A_162, %mul3A_163 : i32
        %get3A = arith.constant 0 : i32
        %get3A_165 = arith.constant 0 : i32
        %get3A_166 = tpu.memref_slice %arg6[%scan3A_128, %get3A, %get3A_165] : memref<2x128x64xf32, #tpu.memory_space<vmem>> -> memref<1x128x64xf32, #tpu.memory_space<vmem>>
        %get3A_167 = tpu.memref_squeeze %get3A_166 : memref<1x128x64xf32, #tpu.memory_space<vmem>> -> memref<128x64xf32, #tpu.memory_space<vmem>>
        %get3A_168 = arith.index_cast %mul3A_164 : i32 to index
        %get3A_169 = arith.constant 0 : index
        %get3A_170 = tpu.vector_load %get3A_167[%get3A_168, %get3A_169] {strides = array<i32>} : memref<128x64xf32, #tpu.memory_space<vmem>>, vector<1x16xf32>,
        %get3A_171 = vector.shape_cast %get3A_170 : vector<1x16xf32> to vector<16xf32>
        %mul3A_172 = arith.mulf %get3A_171, %get3A_171 : vector<16xf32>
        %add3A_173 = arith.constant 1 : i32
        %add3A_174 = arith.addi %mul3A_164, %add3A_173 : i32
        %get3A_175 = arith.constant 0 : i32
        %get3A_176 = arith.constant 0 : i32
        %get3A_177 = tpu.memref_slice %arg6[%scan3A_128, %get3A_175, %get3A_176] : memref<2x128x64xf32, #tpu.memory_space<vmem>> -> memref<1x128x64xf32, #tpu.memory_space<vmem>>
        %get3A_178 = tpu.memref_squeeze %get3A_177 : memref<1x128x64xf32, #tpu.memory_space<vmem>> -> memref<128x64xf32, #tpu.memory_space<vmem>>
        %get3A_179 = arith.index_cast %add3A_174 : i32 to index
        %get3A_180 = arith.constant 0 : index
        %get3A_181 = tpu.vector_load %get3A_178[%get3A_179, %get3A_180] {strides = array<i32>} : memref<128x64xf32, #tpu.memory_space<vmem>>, vector<1x16xf32>,
        %get3A_182 = vector.shape_cast %get3A_181 : vector<1x16xf32> to vector<16xf32>
        %max3A = arith.maximumf %get3A_171, %get3A_182 : vector<16xf32>
        %min3A = arith.minimumf %get3A_171, %get3A_182 : vector<16xf32>
        %add3A_183 = arith.addf %get3A_171, %get3A_182 : vector<16xf32>
        %mul3A_184 = arith.mulf %get3A_182, %get3A_182 : vector<16xf32>
        %add3A_185 = arith.addf %mul3A_172, %mul3A_184 : vector<16xf32>
        %add3A_186 = arith.constant 2 : i32
        %add3A_187 = arith.addi %mul3A_164, %add3A_186 : i32
        %get3A_188 = arith.constant 0 : i32
        %get3A_189 = arith.constant 0 : i32
        %get3A_190 = tpu.memref_slice %arg6[%scan3A_128, %get3A_188, %get3A_189] : memref<2x128x64xf32, #tpu.memory_space<vmem>> -> memref<1x128x64xf32, #tpu.memory_space<vmem>>
        %get3A_191 = tpu.memref_squeeze %get3A_190 : memref<1x128x64xf32, #tpu.memory_space<vmem>> -> memref<128x64xf32, #tpu.memory_space<vmem>>
        %get3A_192 = arith.index_cast %add3A_187 : i32 to index
        %get3A_193 = arith.constant 0 : index
        %get3A_194 = tpu.vector_load %get3A_191[%get3A_192, %get3A_193] {strides = array<i32>} : memref<128x64xf32, #tpu.memory_space<vmem>>, vector<1x16xf32>,
        %get3A_195 = vector.shape_cast %get3A_194 : vector<1x16xf32> to vector<16xf32>
        %max3A_196 = arith.maximumf %max3A, %get3A_195 : vector<16xf32>
        %min3A_197 = arith.minimumf %min3A, %get3A_195 : vector<16xf32>
        %add3A_198 = arith.addf %add3A_183, %get3A_195 : vector<16xf32>
        %mul3A_199 = arith.mulf %get3A_195, %get3A_195 : vector<16xf32>
        %add3A_200 = arith.addf %add3A_185, %mul3A_199 : vector<16xf32>
        %add3A_201 = arith.constant 3 : i32
        %add3A_202 = arith.addi %mul3A_164, %add3A_201 : i32
        %get3A_203 = arith.constant 0 : i32
        %get3A_204 = arith.constant 0 : i32
        %get3A_205 = tpu.memref_slice %arg6[%scan3A_128, %get3A_203, %get3A_204] : memref<2x128x64xf32, #tpu.memory_space<vmem>> -> memref<1x128x64xf32, #tpu.memory_space<vmem>>
        %get3A_206 = tpu.memref_squeeze %get3A_205 : memref<1x128x64xf32, #tpu.memory_space<vmem>> -> memref<128x64xf32, #tpu.memory_space<vmem>>
        %get3A_207 = arith.index_cast %add3A_202 : i32 to index
        %get3A_208 = arith.constant 0 : index
        %get3A_209 = tpu.vector_load %get3A_206[%get3A_207, %get3A_208] {strides = array<i32>} : memref<128x64xf32, #tpu.memory_space<vmem>>, vector<1x16xf32>,
        %get3A_210 = vector.shape_cast %get3A_209 : vector<1x16xf32> to vector<16xf32>
        %max3A_211 = arith.maximumf %max3A_196, %get3A_210 : vector<16xf32>
        %min3A_212 = arith.minimumf %min3A_197, %get3A_210 : vector<16xf32>
        %add3A_213 = arith.addf %add3A_198, %get3A_210 : vector<16xf32>
        %mul3A_214 = arith.mulf %get3A_210, %get3A_210 : vector<16xf32>
        %add3A_215 = arith.addf %add3A_200, %mul3A_214 : vector<16xf32>
        %add3A_216 = arith.constant 4 : i32
        %add3A_217 = arith.addi %mul3A_164, %add3A_216 : i32
        %get3A_218 = arith.constant 0 : i32
        %get3A_219 = arith.constant 0 : i32
        %get3A_220 = tpu.memref_slice %arg6[%scan3A_128, %get3A_218, %get3A_219] : memref<2x128x64xf32, #tpu.memory_space<vmem>> -> memref<1x128x64xf32, #tpu.memory_space<vmem>>
        %get3A_221 = tpu.memref_squeeze %get3A_220 : memref<1x128x64xf32, #tpu.memory_space<vmem>> -> memref<128x64xf32, #tpu.memory_space<vmem>>
        %get3A_222 = arith.index_cast %add3A_217 : i32 to index
        %get3A_223 = arith.constant 0 : index
        %get3A_224 = tpu.vector_load %get3A_221[%get3A_222, %get3A_223] {strides = array<i32>} : memref<128x64xf32, #tpu.memory_space<vmem>>, vector<1x16xf32>,
        %get3A_225 = vector.shape_cast %get3A_224 : vector<1x16xf32> to vector<16xf32>
        %max3A_226 = arith.maximumf %max3A_211, %get3A_225 : vector<16xf32>
        %min3A_227 = arith.minimumf %min3A_212, %get3A_225 : vector<16xf32>
        %add3A_228 = arith.addf %add3A_213, %get3A_225 : vector<16xf32>
        %mul3A_229 = arith.mulf %get3A_225, %get3A_225 : vector<16xf32>
        %add3A_230 = arith.addf %add3A_215, %mul3A_229 : vector<16xf32>
        %add3A_231 = arith.constant 5 : i32
        %add3A_232 = arith.addi %mul3A_164, %add3A_231 : i32
        %get3A_233 = arith.constant 0 : i32
        %get3A_234 = arith.constant 0 : i32
        %get3A_235 = tpu.memref_slice %arg6[%scan3A_128, %get3A_233, %get3A_234] : memref<2x128x64xf32, #tpu.memory_space<vmem>> -> memref<1x128x64xf32, #tpu.memory_space<vmem>>
        %get3A_236 = tpu.memref_squeeze %get3A_235 : memref<1x128x64xf32, #tpu.memory_space<vmem>> -> memref<128x64xf32, #tpu.memory_space<vmem>>
        %get3A_237 = arith.index_cast %add3A_232 : i32 to index
        %get3A_238 = arith.constant 0 : index
        %get3A_239 = tpu.vector_load %get3A_236[%get3A_237, %get3A_238] {strides = array<i32>} : memref<128x64xf32, #tpu.memory_space<vmem>>, vector<1x16xf32>,
        %get3A_240 = vector.shape_cast %get3A_239 : vector<1x16xf32> to vector<16xf32>
        %max3A_241 = arith.maximumf %max3A_226, %get3A_240 : vector<16xf32>
        %min3A_242 = arith.minimumf %min3A_227, %get3A_240 : vector<16xf32>
        %add3A_243 = arith.addf %add3A_228, %get3A_240 : vector<16xf32>
        %mul3A_244 = arith.mulf %get3A_240, %get3A_240 : vector<16xf32>
        %add3A_245 = arith.addf %add3A_230, %mul3A_244 : vector<16xf32>
        %add3A_246 = arith.constant 6 : i32
        %add3A_247 = arith.addi %mul3A_164, %add3A_246 : i32
        %get3A_248 = arith.constant 0 : i32
        %get3A_249 = arith.constant 0 : i32
        %get3A_250 = tpu.memref_slice %arg6[%scan3A_128, %get3A_248, %get3A_249] : memref<2x128x64xf32, #tpu.memory_space<vmem>> -> memref<1x128x64xf32, #tpu.memory_space<vmem>>
        %get3A_251 = tpu.memref_squeeze %get3A_250 : memref<1x128x64xf32, #tpu.memory_space<vmem>> -> memref<128x64xf32, #tpu.memory_space<vmem>>
        %get3A_252 = arith.index_cast %add3A_247 : i32 to index
        %get3A_253 = arith.constant 0 : index
        %get3A_254 = tpu.vector_load %get3A_251[%get3A_252, %get3A_253] {strides = array<i32>} : memref<128x64xf32, #tpu.memory_space<vmem>>, vector<1x16xf32>,
        %get3A_255 = vector.shape_cast %get3A_254 : vector<1x16xf32> to vector<16xf32>
        %max3A_256 = arith.maximumf %max3A_241, %get3A_255 : vector<16xf32>
        %min3A_257 = arith.minimumf %min3A_242, %get3A_255 : vector<16xf32>
        %add3A_258 = arith.addf %add3A_243, %get3A_255 : vector<16xf32>
        %mul3A_259 = arith.mulf %get3A_255, %get3A_255 : vector<16xf32>
        %add3A_260 = arith.addf %add3A_245, %mul3A_259 : vector<16xf32>
        %add3A_261 = arith.constant 7 : i32
        %add3A_262 = arith.addi %mul3A_164, %add3A_261 : i32
        %get3A_263 = arith.constant 0 : i32
        %get3A_264 = arith.constant 0 : i32
        %get3A_265 = tpu.memref_slice %arg6[%scan3A_128, %get3A_263, %get3A_264] : memref<2x128x64xf32, #tpu.memory_space<vmem>> -> memref<1x128x64xf32, #tpu.memory_space<vmem>>
        %get3A_266 = tpu.memref_squeeze %get3A_265 : memref<1x128x64xf32, #tpu.memory_space<vmem>> -> memref<128x64xf32, #tpu.memory_space<vmem>>
        %get3A_267 = arith.index_cast %add3A_262 : i32 to index
        %get3A_268 = arith.constant 0 : index
        %get3A_269 = tpu.vector_load %get3A_266[%get3A_267, %get3A_268] {strides = array<i32>} : memref<128x64xf32, #tpu.memory_space<vmem>>, vector<1x16xf32>,
        %get3A_270 = vector.shape_cast %get3A_269 : vector<1x16xf32> to vector<16xf32>
        %max3A_271 = arith.maximumf %max3A_256, %get3A_270 : vector<16xf32>
        %min3A_272 = arith.minimumf %min3A_257, %get3A_270 : vector<16xf32>
        %add3A_273 = arith.addf %add3A_258, %get3A_270 : vector<16xf32>
        %mul3A_274 = arith.mulf %get3A_270, %get3A_270 : vector<16xf32>
        %add3A_275 = arith.addf %add3A_260, %mul3A_274 : vector<16xf32>
        %add3A_276 = arith.constant 8 : i32
        %add3A_277 = arith.addi %mul3A_164, %add3A_276 : i32
        %get3A_278 = arith.constant 0 : i32
        %get3A_279 = arith.constant 0 : i32
        %get3A_280 = tpu.memref_slice %arg6[%scan3A_128, %get3A_278, %get3A_279] : memref<2x128x64xf32, #tpu.memory_space<vmem>> -> memref<1x128x64xf32, #tpu.memory_space<vmem>>
        %get3A_281 = tpu.memref_squeeze %get3A_280 : memref<1x128x64xf32, #tpu.memory_space<vmem>> -> memref<128x64xf32, #tpu.memory_space<vmem>>
        %get3A_282 = arith.index_cast %add3A_277 : i32 to index
        %get3A_283 = arith.constant 0 : index
        %get3A_284 = tpu.vector_load %get3A_281[%get3A_282, %get3A_283] {strides = array<i32>} : memref<128x64xf32, #tpu.memory_space<vmem>>, vector<1x16xf32>,
        %get3A_285 = vector.shape_cast %get3A_284 : vector<1x16xf32> to vector<16xf32>
        %max3A_286 = arith.maximumf %max3A_271, %get3A_285 : vector<16xf32>
        %min3A_287 = arith.minimumf %min3A_272, %get3A_285 : vector<16xf32>
        %add3A_288 = arith.addf %add3A_273, %get3A_285 : vector<16xf32>
        %mul3A_289 = arith.mulf %get3A_285, %get3A_285 : vector<16xf32>
        %add3A_290 = arith.addf %add3A_275, %mul3A_289 : vector<16xf32>
        %add3A_291 = arith.constant 9 : i32
        %add3A_292 = arith.addi %mul3A_164, %add3A_291 : i32
        %get3A_293 = arith.constant 0 : i32
        %get3A_294 = arith.constant 0 : i32
        %get3A_295 = tpu.memref_slice %arg6[%scan3A_128, %get3A_293, %get3A_294] : memref<2x128x64xf32, #tpu.memory_space<vmem>> -> memref<1x128x64xf32, #tpu.memory_space<vmem>>
        %get3A_296 = tpu.memref_squeeze %get3A_295 : memref<1x128x64xf32, #tpu.memory_space<vmem>> -> memref<128x64xf32, #tpu.memory_space<vmem>>
        %get3A_297 = arith.index_cast %add3A_292 : i32 to index
        %get3A_298 = arith.constant 0 : index
        %get3A_299 = tpu.vector_load %get3A_296[%get3A_297, %get3A_298] {strides = array<i32>} : memref<128x64xf32, #tpu.memory_space<vmem>>, vector<1x16xf32>,
        %get3A_300 = vector.shape_cast %get3A_299 : vector<1x16xf32> to vector<16xf32>
        %max3A_301 = arith.maximumf %max3A_286, %get3A_300 : vector<16xf32>
        %min3A_302 = arith.minimumf %min3A_287, %get3A_300 : vector<16xf32>
        %add3A_303 = arith.addf %add3A_288, %get3A_300 : vector<16xf32>
        %mul3A_304 = arith.mulf %get3A_300, %get3A_300 : vector<16xf32>
        %add3A_305 = arith.addf %add3A_290, %mul3A_304 : vector<16xf32>
        %add3A_306 = arith.constant 10 : i32
        %add3A_307 = arith.addi %mul3A_164, %add3A_306 : i32
        %get3A_308 = arith.constant 0 : i32
        %get3A_309 = arith.constant 0 : i32
        %get3A_310 = tpu.memref_slice %arg6[%scan3A_128, %get3A_308, %get3A_309] : memref<2x128x64xf32, #tpu.memory_space<vmem>> -> memref<1x128x64xf32, #tpu.memory_space<vmem>>
        %get3A_311 = tpu.memref_squeeze %get3A_310 : memref<1x128x64xf32, #tpu.memory_space<vmem>> -> memref<128x64xf32, #tpu.memory_space<vmem>>
        %get3A_312 = arith.index_cast %add3A_307 : i32 to index
        %get3A_313 = arith.constant 0 : index
        %get3A_314 = tpu.vector_load %get3A_311[%get3A_312, %get3A_313] {strides = array<i32>} : memref<128x64xf32, #tpu.memory_space<vmem>>, vector<1x16xf32>,
        %get3A_315 = vector.shape_cast %get3A_314 : vector<1x16xf32> to vector<16xf32>
        %max3A_316 = arith.maximumf %max3A_301, %get3A_315 : vector<16xf32>
        %min3A_317 = arith.minimumf %min3A_302, %get3A_315 : vector<16xf32>
        %add3A_318 = arith.addf %add3A_303, %get3A_315 : vector<16xf32>
        %mul3A_319 = arith.mulf %get3A_315, %get3A_315 : vector<16xf32>
        %add3A_320 = arith.addf %add3A_305, %mul3A_319 : vector<16xf32>
        %add3A_321 = arith.constant 11 : i32
        %add3A_322 = arith.addi %mul3A_164, %add3A_321 : i32
        %get3A_323 = arith.constant 0 : i32
        %get3A_324 = arith.constant 0 : i32
        %get3A_325 = tpu.memref_slice %arg6[%scan3A_128, %get3A_323, %get3A_324] : memref<2x128x64xf32, #tpu.memory_space<vmem>> -> memref<1x128x64xf32, #tpu.memory_space<vmem>>
        %get3A_326 = tpu.memref_squeeze %get3A_325 : memref<1x128x64xf32, #tpu.memory_space<vmem>> -> memref<128x64xf32, #tpu.memory_space<vmem>>
        %get3A_327 = arith.index_cast %add3A_322 : i32 to index
        %get3A_328 = arith.constant 0 : index
        %get3A_329 = tpu.vector_load %get3A_326[%get3A_327, %get3A_328] {strides = array<i32>} : memref<128x64xf32, #tpu.memory_space<vmem>>, vector<1x16xf32>,
        %get3A_330 = vector.shape_cast %get3A_329 : vector<1x16xf32> to vector<16xf32>
        %max3A_331 = arith.maximumf %max3A_316, %get3A_330 : vector<16xf32>
        %min3A_332 = arith.minimumf %min3A_317, %get3A_330 : vector<16xf32>
        %add3A_333 = arith.addf %add3A_318, %get3A_330 : vector<16xf32>
        %mul3A_334 = arith.mulf %get3A_330, %get3A_330 : vector<16xf32>
        %add3A_335 = arith.addf %add3A_320, %mul3A_334 : vector<16xf32>
        %add3A_336 = arith.constant 12 : i32
        %add3A_337 = arith.addi %mul3A_164, %add3A_336 : i32
        %get3A_338 = arith.constant 0 : i32
        %get3A_339 = arith.constant 0 : i32
        %get3A_340 = tpu.memref_slice %arg6[%scan3A_128, %get3A_338, %get3A_339] : memref<2x128x64xf32, #tpu.memory_space<vmem>> -> memref<1x128x64xf32, #tpu.memory_space<vmem>>
        %get3A_341 = tpu.memref_squeeze %get3A_340 : memref<1x128x64xf32, #tpu.memory_space<vmem>> -> memref<128x64xf32, #tpu.memory_space<vmem>>
        %get3A_342 = arith.index_cast %add3A_337 : i32 to index
        %get3A_343 = arith.constant 0 : index
        %get3A_344 = tpu.vector_load %get3A_341[%get3A_342, %get3A_343] {strides = array<i32>} : memref<128x64xf32, #tpu.memory_space<vmem>>, vector<1x16xf32>,
        %get3A_345 = vector.shape_cast %get3A_344 : vector<1x16xf32> to vector<16xf32>
        %max3A_346 = arith.maximumf %max3A_331, %get3A_345 : vector<16xf32>
        %min3A_347 = arith.minimumf %min3A_332, %get3A_345 : vector<16xf32>
        %add3A_348 = arith.addf %add3A_333, %get3A_345 : vector<16xf32>
        %mul3A_349 = arith.mulf %get3A_345, %get3A_345 : vector<16xf32>
        %add3A_350 = arith.addf %add3A_335, %mul3A_349 : vector<16xf32>
        %add3A_351 = arith.constant 13 : i32
        %add3A_352 = arith.addi %mul3A_164, %add3A_351 : i32
        %get3A_353 = arith.constant 0 : i32
        %get3A_354 = arith.constant 0 : i32
        %get3A_355 = tpu.memref_slice %arg6[%scan3A_128, %get3A_353, %get3A_354] : memref<2x128x64xf32, #tpu.memory_space<vmem>> -> memref<1x128x64xf32, #tpu.memory_space<vmem>>
        %get3A_356 = tpu.memref_squeeze %get3A_355 : memref<1x128x64xf32, #tpu.memory_space<vmem>> -> memref<128x64xf32, #tpu.memory_space<vmem>>
        %get3A_357 = arith.index_cast %add3A_352 : i32 to index
        %get3A_358 = arith.constant 0 : index
        %get3A_359 = tpu.vector_load %get3A_356[%get3A_357, %get3A_358] {strides = array<i32>} : memref<128x64xf32, #tpu.memory_space<vmem>>, vector<1x16xf32>,
        %get3A_360 = vector.shape_cast %get3A_359 : vector<1x16xf32> to vector<16xf32>
        %max3A_361 = arith.maximumf %max3A_346, %get3A_360 : vector<16xf32>
        %min3A_362 = arith.minimumf %min3A_347, %get3A_360 : vector<16xf32>
        %add3A_363 = arith.addf %add3A_348, %get3A_360 : vector<16xf32>
        %mul3A_364 = arith.mulf %get3A_360, %get3A_360 : vector<16xf32>
        %add3A_365 = arith.addf %add3A_350, %mul3A_364 : vector<16xf32>
        %add3A_366 = arith.constant 14 : i32
        %add3A_367 = arith.addi %mul3A_164, %add3A_366 : i32
        %get3A_368 = arith.constant 0 : i32
        %get3A_369 = arith.constant 0 : i32
        %get3A_370 = tpu.memref_slice %arg6[%scan3A_128, %get3A_368, %get3A_369] : memref<2x128x64xf32, #tpu.memory_space<vmem>> -> memref<1x128x64xf32, #tpu.memory_space<vmem>>
        %get3A_371 = tpu.memref_squeeze %get3A_370 : memref<1x128x64xf32, #tpu.memory_space<vmem>> -> memref<128x64xf32, #tpu.memory_space<vmem>>
        %get3A_372 = arith.index_cast %add3A_367 : i32 to index
        %get3A_373 = arith.constant 0 : index
        %get3A_374 = tpu.vector_load %get3A_371[%get3A_372, %get3A_373] {strides = array<i32>} : memref<128x64xf32, #tpu.memory_space<vmem>>, vector<1x16xf32>,
        %get3A_375 = vector.shape_cast %get3A_374 : vector<1x16xf32> to vector<16xf32>
        %max3A_376 = arith.maximumf %max3A_361, %get3A_375 : vector<16xf32>
        %min3A_377 = arith.minimumf %min3A_362, %get3A_375 : vector<16xf32>
        %add3A_378 = arith.addf %add3A_363, %get3A_375 : vector<16xf32>
        %mul3A_379 = arith.mulf %get3A_375, %get3A_375 : vector<16xf32>
        %add3A_380 = arith.addf %add3A_365, %mul3A_379 : vector<16xf32>
        %add3A_381 = arith.constant 15 : i32
        %add3A_382 = arith.addi %mul3A_164, %add3A_381 : i32
        %get3A_383 = arith.constant 0 : i32
        %get3A_384 = arith.constant 0 : i32
        %get3A_385 = tpu.memref_slice %arg6[%scan3A_128, %get3A_383, %get3A_384] : memref<2x128x64xf32, #tpu.memory_space<vmem>> -> memref<1x128x64xf32, #tpu.memory_space<vmem>>
        %get3A_386 = tpu.memref_squeeze %get3A_385 : memref<1x128x64xf32, #tpu.memory_space<vmem>> -> memref<128x64xf32, #tpu.memory_space<vmem>>
        %get3A_387 = arith.index_cast %add3A_382 : i32 to index
        %get3A_388 = arith.constant 0 : index
        %get3A_389 = tpu.vector_load %get3A_386[%get3A_387, %get3A_388] {strides = array<i32>} : memref<128x64xf32, #tpu.memory_space<vmem>>, vector<1x16xf32>,
        %get3A_390 = vector.shape_cast %get3A_389 : vector<1x16xf32> to vector<16xf32>
        %max3A_391 = arith.maximumf %max3A_376, %get3A_390 : vector<16xf32>
        %min3A_392 = arith.minimumf %min3A_377, %get3A_390 : vector<16xf32>
        %add3A_393 = arith.addf %add3A_378, %get3A_390 : vector<16xf32>
        %mul3A_394 = arith.mulf %get3A_390, %get3A_390 : vector<16xf32>
        %add3A_395 = arith.addf %add3A_380, %mul3A_394 : vector<16xf32>
        %swap3A = arith.constant 0 : i32
        %swap3A_396 = arith.constant 0 : i32
        %swap3A_397 = tpu.memref_slice %arg7[%scan3A_129, %swap3A, %swap3A_396] : memref<2x8x256xf32, #tpu.memory_space<vmem>> -> memref<1x8x256xf32, #tpu.memory_space<vmem>>
        %swap3A_398 = tpu.memref_squeeze %swap3A_397 : memref<1x8x256xf32, #tpu.memory_space<vmem>> -> memref<8x256xf32, #tpu.memory_space<vmem>>
        %swap3A_399 = arith.index_cast %add3A_162 : i32 to index
        %swap3A_400 = arith.constant 0 : index
        %swap3A_401 = tpu.vector_load %swap3A_398[%swap3A_399, %swap3A_400] {strides = array<i32>} : memref<8x256xf32, #tpu.memory_space<vmem>>, vector<1x16xf32>,
        %swap3A_402 = vector.shape_cast %swap3A_401 : vector<1x16xf32> to vector<16xf32>
        %swap3A_403 = vector.shape_cast %max3A_391 : vector<16xf32> to vector<1x16xf32>
        tpu.vector_store %swap3A_398[%swap3A_399, %swap3A_400], %swap3A_403 {strides = array<i32>} : memref<8x256xf32, #tpu.memory_space<vmem>>, vector<1x16xf32>,
        %swap3A_404 = arith.constant 0 : i32
        %swap3A_405 = arith.constant 0 : i32
        %swap3A_406 = tpu.memref_slice %arg7[%scan3A_129, %swap3A_404, %swap3A_405] : memref<2x8x256xf32, #tpu.memory_space<vmem>> -> memref<1x8x256xf32, #tpu.memory_space<vmem>>
        %swap3A_407 = tpu.memref_squeeze %swap3A_406 : memref<1x8x256xf32, #tpu.memory_space<vmem>> -> memref<8x256xf32, #tpu.memory_space<vmem>>
        %swap3A_408 = arith.index_cast %add3A_162 : i32 to index
        %swap3A_409 = arith.constant 64 : index
        %swap3A_410 = tpu.vector_load %swap3A_407[%swap3A_408, %swap3A_409] {strides = array<i32>} : memref<8x256xf32, #tpu.memory_space<vmem>>, vector<1x16xf32>,
        %swap3A_411 = vector.shape_cast %swap3A_410 : vector<1x16xf32> to vector<16xf32>
        %swap3A_412 = vector.shape_cast %min3A_392 : vector<16xf32> to vector<1x16xf32>
        tpu.vector_store %swap3A_407[%swap3A_408, %swap3A_409], %swap3A_412 {strides = array<i32>} : memref<8x256xf32, #tpu.memory_space<vmem>>, vector<1x16xf32>,
        %swap3A_413 = arith.constant 0 : i32
        %swap3A_414 = arith.constant 0 : i32
        %swap3A_415 = tpu.memref_slice %arg7[%scan3A_129, %swap3A_413, %swap3A_414] : memref<2x8x256xf32, #tpu.memory_space<vmem>> -> memref<1x8x256xf32, #tpu.memory_space<vmem>>
        %swap3A_416 = tpu.memref_squeeze %swap3A_415 : memref<1x8x256xf32, #tpu.memory_space<vmem>> -> memref<8x256xf32, #tpu.memory_space<vmem>>
        %swap3A_417 = arith.index_cast %add3A_162 : i32 to index
        %swap3A_418 = arith.constant 128 : index
        %swap3A_419 = tpu.vector_load %swap3A_416[%swap3A_417, %swap3A_418] {strides = array<i32>} : memref<8x256xf32, #tpu.memory_space<vmem>>, vector<1x16xf32>,
        %swap3A_420 = vector.shape_cast %swap3A_419 : vector<1x16xf32> to vector<16xf32>
        %swap3A_421 = vector.shape_cast %add3A_393 : vector<16xf32> to vector<1x16xf32>
        tpu.vector_store %swap3A_416[%swap3A_417, %swap3A_418], %swap3A_421 {strides = array<i32>} : memref<8x256xf32, #tpu.memory_space<vmem>>, vector<1x16xf32>,
        %swap3A_422 = arith.constant 0 : i32
        %swap3A_423 = arith.constant 0 : i32
        %swap3A_424 = tpu.memref_slice %arg7[%scan3A_129, %swap3A_422, %swap3A_423] : memref<2x8x256xf32, #tpu.memory_space<vmem>> -> memref<1x8x256xf32, #tpu.memory_space<vmem>>
        %swap3A_425 = tpu.memref_squeeze %swap3A_424 : memref<1x8x256xf32, #tpu.memory_space<vmem>> -> memref<8x256xf32, #tpu.memory_space<vmem>>
        %swap3A_426 = arith.index_cast %add3A_162 : i32 to index
        %swap3A_427 = arith.constant 192 : index
        %swap3A_428 = tpu.vector_load %swap3A_425[%swap3A_426, %swap3A_427] {strides = array<i32>} : memref<8x256xf32, #tpu.memory_space<vmem>>, vector<1x16xf32>,
        %swap3A_429 = vector.shape_cast %swap3A_428 : vector<1x16xf32> to vector<16xf32>
        %swap3A_430 = vector.shape_cast %add3A_395 : vector<16xf32> to vector<1x16xf32>
        tpu.vector_store %swap3A_425[%swap3A_426, %swap3A_427], %swap3A_430 {strides = array<i32>} : memref<8x256xf32, #tpu.memory_space<vmem>>, vector<1x16xf32>,
        %get3A_431 = arith.constant 0 : i32
        %get3A_432 = arith.constant 0 : i32
        %get3A_433 = tpu.memref_slice %arg6[%scan3A_128, %get3A_431, %get3A_432] : memref<2x128x64xf32, #tpu.memory_space<vmem>> -> memref<1x128x64xf32, #tpu.memory_space<vmem>>
        %get3A_434 = tpu.memref_squeeze %get3A_433 : memref<1x128x64xf32, #tpu.memory_space<vmem>> -> memref<128x64xf32, #tpu.memory_space<vmem>>
        %get3A_435 = arith.index_cast %mul3A_164 : i32 to index
        %get3A_436 = arith.constant 16 : index
        %get3A_437 = tpu.vector_load %get3A_434[%get3A_435, %get3A_436] {strides = array<i32>} : memref<128x64xf32, #tpu.memory_space<vmem>>, vector<1x16xf32>,
        %get3A_438 = vector.shape_cast %get3A_437 : vector<1x16xf32> to vector<16xf32>
        %mul3A_439 = arith.mulf %get3A_438, %get3A_438 : vector<16xf32>
        %add3A_440 = arith.constant 1 : i32
        %add3A_441 = arith.addi %mul3A_164, %add3A_440 : i32
        %get3A_442 = arith.constant 0 : i32
        %get3A_443 = arith.constant 0 : i32
        %get3A_444 = tpu.memref_slice %arg6[%scan3A_128, %get3A_442, %get3A_443] : memref<2x128x64xf32, #tpu.memory_space<vmem>> -> memref<1x128x64xf32, #tpu.memory_space<vmem>>
        %get3A_445 = tpu.memref_squeeze %get3A_444 : memref<1x128x64xf32, #tpu.memory_space<vmem>> -> memref<128x64xf32, #tpu.memory_space<vmem>>
        %get3A_446 = arith.index_cast %add3A_441 : i32 to index
        %get3A_447 = arith.constant 16 : index
        %get3A_448 = tpu.vector_load %get3A_445[%get3A_446, %get3A_447] {strides = array<i32>} : memref<128x64xf32, #tpu.memory_space<vmem>>, vector<1x16xf32>,
        %get3A_449 = vector.shape_cast %get3A_448 : vector<1x16xf32> to vector<16xf32>
        %max3A_450 = arith.maximumf %get3A_438, %get3A_449 : vector<16xf32>
        %min3A_451 = arith.minimumf %get3A_438, %get3A_449 : vector<16xf32>
        %add3A_452 = arith.addf %get3A_438, %get3A_449 : vector<16xf32>
        %mul3A_453 = arith.mulf %get3A_449, %get3A_449 : vector<16xf32>
        %add3A_454 = arith.addf %mul3A_439, %mul3A_453 : vector<16xf32>
        %add3A_455 = arith.constant 2 : i32
        %add3A_456 = arith.addi %mul3A_164, %add3A_455 : i32
        %get3A_457 = arith.constant 0 : i32
        %get3A_458 = arith.constant 0 : i32
        %get3A_459 = tpu.memref_slice %arg6[%scan3A_128, %get3A_457, %get3A_458] : memref<2x128x64xf32, #tpu.memory_space<vmem>> -> memref<1x128x64xf32, #tpu.memory_space<vmem>>
        %get3A_460 = tpu.memref_squeeze %get3A_459 : memref<1x128x64xf32, #tpu.memory_space<vmem>> -> memref<128x64xf32, #tpu.memory_space<vmem>>
        %get3A_461 = arith.index_cast %add3A_456 : i32 to index
        %get3A_462 = arith.constant 16 : index
        %get3A_463 = tpu.vector_load %get3A_460[%get3A_461, %get3A_462] {strides = array<i32>} : memref<128x64xf32, #tpu.memory_space<vmem>>, vector<1x16xf32>,
        %get3A_464 = vector.shape_cast %get3A_463 : vector<1x16xf32> to vector<16xf32>
        %max3A_465 = arith.maximumf %max3A_450, %get3A_464 : vector<16xf32>
        %min3A_466 = arith.minimumf %min3A_451, %get3A_464 : vector<16xf32>
        %add3A_467 = arith.addf %add3A_452, %get3A_464 : vector<16xf32>
        %mul3A_468 = arith.mulf %get3A_464, %get3A_464 : vector<16xf32>
        %add3A_469 = arith.addf %add3A_454, %mul3A_468 : vector<16xf32>
        %add3A_470 = arith.constant 3 : i32
        %add3A_471 = arith.addi %mul3A_164, %add3A_470 : i32
        %get3A_472 = arith.constant 0 : i32
        %get3A_473 = arith.constant 0 : i32
        %get3A_474 = tpu.memref_slice %arg6[%scan3A_128, %get3A_472, %get3A_473] : memref<2x128x64xf32, #tpu.memory_space<vmem>> -> memref<1x128x64xf32, #tpu.memory_space<vmem>>
        %get3A_475 = tpu.memref_squeeze %get3A_474 : memref<1x128x64xf32, #tpu.memory_space<vmem>> -> memref<128x64xf32, #tpu.memory_space<vmem>>
        %get3A_476 = arith.index_cast %add3A_471 : i32 to index
        %get3A_477 = arith.constant 16 : index
        %get3A_478 = tpu.vector_load %get3A_475[%get3A_476, %get3A_477] {strides = array<i32>} : memref<128x64xf32, #tpu.memory_space<vmem>>, vector<1x16xf32>,
        %get3A_479 = vector.shape_cast %get3A_478 : vector<1x16xf32> to vector<16xf32>
        %max3A_480 = arith.maximumf %max3A_465, %get3A_479 : vector<16xf32>
        %min3A_481 = arith.minimumf %min3A_466, %get3A_479 : vector<16xf32>
        %add3A_482 = arith.addf %add3A_467, %get3A_479 : vector<16xf32>
        %mul3A_483 = arith.mulf %get3A_479, %get3A_479 : vector<16xf32>
        %add3A_484 = arith.addf %add3A_469, %mul3A_483 : vector<16xf32>
        %add3A_485 = arith.constant 4 : i32
        %add3A_486 = arith.addi %mul3A_164, %add3A_485 : i32
        %get3A_487 = arith.constant 0 : i32
        %get3A_488 = arith.constant 0 : i32
        %get3A_489 = tpu.memref_slice %arg6[%scan3A_128, %get3A_487, %get3A_488] : memref<2x128x64xf32, #tpu.memory_space<vmem>> -> memref<1x128x64xf32, #tpu.memory_space<vmem>>
        %get3A_490 = tpu.memref_squeeze %get3A_489 : memref<1x128x64xf32, #tpu.memory_space<vmem>> -> memref<128x64xf32, #tpu.memory_space<vmem>>
        %get3A_491 = arith.index_cast %add3A_486 : i32 to index
        %get3A_492 = arith.constant 16 : index
        %get3A_493 = tpu.vector_load %get3A_490[%get3A_491, %get3A_492] {strides = array<i32>} : memref<128x64xf32, #tpu.memory_space<vmem>>, vector<1x16xf32>,
        %get3A_494 = vector.shape_cast %get3A_493 : vector<1x16xf32> to vector<16xf32>
        %max3A_495 = arith.maximumf %max3A_480, %get3A_494 : vector<16xf32>
        %min3A_496 = arith.minimumf %min3A_481, %get3A_494 : vector<16xf32>
        %add3A_497 = arith.addf %add3A_482, %get3A_494 : vector<16xf32>
        %mul3A_498 = arith.mulf %get3A_494, %get3A_494 : vector<16xf32>
        %add3A_499 = arith.addf %add3A_484, %mul3A_498 : vector<16xf32>
        %add3A_500 = arith.constant 5 : i32
        %add3A_501 = arith.addi %mul3A_164, %add3A_500 : i32
        %get3A_502 = arith.constant 0 : i32
        %get3A_503 = arith.constant 0 : i32
        %get3A_504 = tpu.memref_slice %arg6[%scan3A_128, %get3A_502, %get3A_503] : memref<2x128x64xf32, #tpu.memory_space<vmem>> -> memref<1x128x64xf32, #tpu.memory_space<vmem>>
        %get3A_505 = tpu.memref_squeeze %get3A_504 : memref<1x128x64xf32, #tpu.memory_space<vmem>> -> memref<128x64xf32, #tpu.memory_space<vmem>>
        %get3A_506 = arith.index_cast %add3A_501 : i32 to index
        %get3A_507 = arith.constant 16 : index
        %get3A_508 = tpu.vector_load %get3A_505[%get3A_506, %get3A_507] {strides = array<i32>} : memref<128x64xf32, #tpu.memory_space<vmem>>, vector<1x16xf32>,
        %get3A_509 = vector.shape_cast %get3A_508 : vector<1x16xf32> to vector<16xf32>
        %max3A_510 = arith.maximumf %max3A_495, %get3A_509 : vector<16xf32>
        %min3A_511 = arith.minimumf %min3A_496, %get3A_509 : vector<16xf32>
        %add3A_512 = arith.addf %add3A_497, %get3A_509 : vector<16xf32>
        %mul3A_513 = arith.mulf %get3A_509, %get3A_509 : vector<16xf32>
        %add3A_514 = arith.addf %add3A_499, %mul3A_513 : vector<16xf32>
        %add3A_515 = arith.constant 6 : i32
        %add3A_516 = arith.addi %mul3A_164, %add3A_515 : i32
        %get3A_517 = arith.constant 0 : i32
        %get3A_518 = arith.constant 0 : i32
        %get3A_519 = tpu.memref_slice %arg6[%scan3A_128, %get3A_517, %get3A_518] : memref<2x128x64xf32, #tpu.memory_space<vmem>> -> memref<1x128x64xf32, #tpu.memory_space<vmem>>
        %get3A_520 = tpu.memref_squeeze %get3A_519 : memref<1x128x64xf32, #tpu.memory_space<vmem>> -> memref<128x64xf32, #tpu.memory_space<vmem>>
        %get3A_521 = arith.index_cast %add3A_516 : i32 to index
        %get3A_522 = arith.constant 16 : index
        %get3A_523 = tpu.vector_load %get3A_520[%get3A_521, %get3A_522] {strides = array<i32>} : memref<128x64xf32, #tpu.memory_space<vmem>>, vector<1x16xf32>,
        %get3A_524 = vector.shape_cast %get3A_523 : vector<1x16xf32> to vector<16xf32>
        %max3A_525 = arith.maximumf %max3A_510, %get3A_524 : vector<16xf32>
        %min3A_526 = arith.minimumf %min3A_511, %get3A_524 : vector<16xf32>
        %add3A_527 = arith.addf %add3A_512, %get3A_524 : vector<16xf32>
        %mul3A_528 = arith.mulf %get3A_524, %get3A_524 : vector<16xf32>
        %add3A_529 = arith.addf %add3A_514, %mul3A_528 : vector<16xf32>
        %add3A_530 = arith.constant 7 : i32
        %add3A_531 = arith.addi %mul3A_164, %add3A_530 : i32
        %get3A_532 = arith.constant 0 : i32
        %get3A_533 = arith.constant 0 : i32
        %get3A_534 = tpu.memref_slice %arg6[%scan3A_128, %get3A_532, %get3A_533] : memref<2x128x64xf32, #tpu.memory_space<vmem>> -> memref<1x128x64xf32, #tpu.memory_space<vmem>>
        %get3A_535 = tpu.memref_squeeze %get3A_534 : memref<1x128x64xf32, #tpu.memory_space<vmem>> -> memref<128x64xf32, #tpu.memory_space<vmem>>
        %get3A_536 = arith.index_cast %add3A_531 : i32 to index
        %get3A_537 = arith.constant 16 : index
        %get3A_538 = tpu.vector_load %get3A_535[%get3A_536, %get3A_537] {strides = array<i32>} : memref<128x64xf32, #tpu.memory_space<vmem>>, vector<1x16xf32>,
        %get3A_539 = vector.shape_cast %get3A_538 : vector<1x16xf32> to vector<16xf32>
        %max3A_540 = arith.maximumf %max3A_525, %get3A_539 : vector<16xf32>
        %min3A_541 = arith.minimumf %min3A_526, %get3A_539 : vector<16xf32>
        %add3A_542 = arith.addf %add3A_527, %get3A_539 : vector<16xf32>
        %mul3A_543 = arith.mulf %get3A_539, %get3A_539 : vector<16xf32>
        %add3A_544 = arith.addf %add3A_529, %mul3A_543 : vector<16xf32>
        %add3A_545 = arith.constant 8 : i32
        %add3A_546 = arith.addi %mul3A_164, %add3A_545 : i32
        %get3A_547 = arith.constant 0 : i32
        %get3A_548 = arith.constant 0 : i32
        %get3A_549 = tpu.memref_slice %arg6[%scan3A_128, %get3A_547, %get3A_548] : memref<2x128x64xf32, #tpu.memory_space<vmem>> -> memref<1x128x64xf32, #tpu.memory_space<vmem>>
        %get3A_550 = tpu.memref_squeeze %get3A_549 : memref<1x128x64xf32, #tpu.memory_space<vmem>> -> memref<128x64xf32, #tpu.memory_space<vmem>>
        %get3A_551 = arith.index_cast %add3A_546 : i32 to index
        %get3A_552 = arith.constant 16 : index
        %get3A_553 = tpu.vector_load %get3A_550[%get3A_551, %get3A_552] {strides = array<i32>} : memref<128x64xf32, #tpu.memory_space<vmem>>, vector<1x16xf32>,
        %get3A_554 = vector.shape_cast %get3A_553 : vector<1x16xf32> to vector<16xf32>
        %max3A_555 = arith.maximumf %max3A_540, %get3A_554 : vector<16xf32>
        %min3A_556 = arith.minimumf %min3A_541, %get3A_554 : vector<16xf32>
        %add3A_557 = arith.addf %add3A_542, %get3A_554 : vector<16xf32>
        %mul3A_558 = arith.mulf %get3A_554, %get3A_554 : vector<16xf32>
        %add3A_559 = arith.addf %add3A_544, %mul3A_558 : vector<16xf32>
        %add3A_560 = arith.constant 9 : i32
        %add3A_561 = arith.addi %mul3A_164, %add3A_560 : i32
        %get3A_562 = arith.constant 0 : i32
        %get3A_563 = arith.constant 0 : i32
        %get3A_564 = tpu.memref_slice %arg6[%scan3A_128, %get3A_562, %get3A_563] : memref<2x128x64xf32, #tpu.memory_space<vmem>> -> memref<1x128x64xf32, #tpu.memory_space<vmem>>
        %get3A_565 = tpu.memref_squeeze %get3A_564 : memref<1x128x64xf32, #tpu.memory_space<vmem>> -> memref<128x64xf32, #tpu.memory_space<vmem>>
        %get3A_566 = arith.index_cast %add3A_561 : i32 to index
        %get3A_567 = arith.constant 16 : index
        %get3A_568 = tpu.vector_load %get3A_565[%get3A_566, %get3A_567] {strides = array<i32>} : memref<128x64xf32, #tpu.memory_space<vmem>>, vector<1x16xf32>,
        %get3A_569 = vector.shape_cast %get3A_568 : vector<1x16xf32> to vector<16xf32>
        %max3A_570 = arith.maximumf %max3A_555, %get3A_569 : vector<16xf32>
        %min3A_571 = arith.minimumf %min3A_556, %get3A_569 : vector<16xf32>
        %add3A_572 = arith.addf %add3A_557, %get3A_569 : vector<16xf32>
        %mul3A_573 = arith.mulf %get3A_569, %get3A_569 : vector<16xf32>
        %add3A_574 = arith.addf %add3A_559, %mul3A_573 : vector<16xf32>
        %add3A_575 = arith.constant 10 : i32
        %add3A_576 = arith.addi %mul3A_164, %add3A_575 : i32
        %get3A_577 = arith.constant 0 : i32
        %get3A_578 = arith.constant 0 : i32
        %get3A_579 = tpu.memref_slice %arg6[%scan3A_128, %get3A_577, %get3A_578] : memref<2x128x64xf32, #tpu.memory_space<vmem>> -> memref<1x128x64xf32, #tpu.memory_space<vmem>>
        %get3A_580 = tpu.memref_squeeze %get3A_579 : memref<1x128x64xf32, #tpu.memory_space<vmem>> -> memref<128x64xf32, #tpu.memory_space<vmem>>
        %get3A_581 = arith.index_cast %add3A_576 : i32 to index
        %get3A_582 = arith.constant 16 : index
        %get3A_583 = tpu.vector_load %get3A_580[%get3A_581, %get3A_582] {strides = array<i32>} : memref<128x64xf32, #tpu.memory_space<vmem>>, vector<1x16xf32>,
        %get3A_584 = vector.shape_cast %get3A_583 : vector<1x16xf32> to vector<16xf32>
        %max3A_585 = arith.maximumf %max3A_570, %get3A_584 : vector<16xf32>
        %min3A_586 = arith.minimumf %min3A_571, %get3A_584 : vector<16xf32>
        %add3A_587 = arith.addf %add3A_572, %get3A_584 : vector<16xf32>
        %mul3A_588 = arith.mulf %get3A_584, %get3A_584 : vector<16xf32>
        %add3A_589 = arith.addf %add3A_574, %mul3A_588 : vector<16xf32>
        %add3A_590 = arith.constant 11 : i32
        %add3A_591 = arith.addi %mul3A_164, %add3A_590 : i32
        %get3A_592 = arith.constant 0 : i32
        %get3A_593 = arith.constant 0 : i32
        %get3A_594 = tpu.memref_slice %arg6[%scan3A_128, %get3A_592, %get3A_593] : memref<2x128x64xf32, #tpu.memory_space<vmem>> -> memref<1x128x64xf32, #tpu.memory_space<vmem>>
        %get3A_595 = tpu.memref_squeeze %get3A_594 : memref<1x128x64xf32, #tpu.memory_space<vmem>> -> memref<128x64xf32, #tpu.memory_space<vmem>>
        %get3A_596 = arith.index_cast %add3A_591 : i32 to index
        %get3A_597 = arith.constant 16 : index
        %get3A_598 = tpu.vector_load %get3A_595[%get3A_596, %get3A_597] {strides = array<i32>} : memref<128x64xf32, #tpu.memory_space<vmem>>, vector<1x16xf32>,
        %get3A_599 = vector.shape_cast %get3A_598 : vector<1x16xf32> to vector<16xf32>
        %max3A_600 = arith.maximumf %max3A_585, %get3A_599 : vector<16xf32>
        %min3A_601 = arith.minimumf %min3A_586, %get3A_599 : vector<16xf32>
        %add3A_602 = arith.addf %add3A_587, %get3A_599 : vector<16xf32>
        %mul3A_603 = arith.mulf %get3A_599, %get3A_599 : vector<16xf32>
        %add3A_604 = arith.addf %add3A_589, %mul3A_603 : vector<16xf32>
        %add3A_605 = arith.constant 12 : i32
        %add3A_606 = arith.addi %mul3A_164, %add3A_605 : i32
        %get3A_607 = arith.constant 0 : i32
        %get3A_608 = arith.constant 0 : i32
        %get3A_609 = tpu.memref_slice %arg6[%scan3A_128, %get3A_607, %get3A_608] : memref<2x128x64xf32, #tpu.memory_space<vmem>> -> memref<1x128x64xf32, #tpu.memory_space<vmem>>
        %get3A_610 = tpu.memref_squeeze %get3A_609 : memref<1x128x64xf32, #tpu.memory_space<vmem>> -> memref<128x64xf32, #tpu.memory_space<vmem>>
        %get3A_611 = arith.index_cast %add3A_606 : i32 to index
        %get3A_612 = arith.constant 16 : index
        %get3A_613 = tpu.vector_load %get3A_610[%get3A_611, %get3A_612] {strides = array<i32>} : memref<128x64xf32, #tpu.memory_space<vmem>>, vector<1x16xf32>,
        %get3A_614 = vector.shape_cast %get3A_613 : vector<1x16xf32> to vector<16xf32>
        %max3A_615 = arith.maximumf %max3A_600, %get3A_614 : vector<16xf32>
        %min3A_616 = arith.minimumf %min3A_601, %get3A_614 : vector<16xf32>
        %add3A_617 = arith.addf %add3A_602, %get3A_614 : vector<16xf32>
        %mul3A_618 = arith.mulf %get3A_614, %get3A_614 : vector<16xf32>
        %add3A_619 = arith.addf %add3A_604, %mul3A_618 : vector<16xf32>
        %add3A_620 = arith.constant 13 : i32
        %add3A_621 = arith.addi %mul3A_164, %add3A_620 : i32
        %get3A_622 = arith.constant 0 : i32
        %get3A_623 = arith.constant 0 : i32
        %get3A_624 = tpu.memref_slice %arg6[%scan3A_128, %get3A_622, %get3A_623] : memref<2x128x64xf32, #tpu.memory_space<vmem>> -> memref<1x128x64xf32, #tpu.memory_space<vmem>>
        %get3A_625 = tpu.memref_squeeze %get3A_624 : memref<1x128x64xf32, #tpu.memory_space<vmem>> -> memref<128x64xf32, #tpu.memory_space<vmem>>
        %get3A_626 = arith.index_cast %add3A_621 : i32 to index
        %get3A_627 = arith.constant 16 : index
        %get3A_628 = tpu.vector_load %get3A_625[%get3A_626, %get3A_627] {strides = array<i32>} : memref<128x64xf32, #tpu.memory_space<vmem>>, vector<1x16xf32>,
        %get3A_629 = vector.shape_cast %get3A_628 : vector<1x16xf32> to vector<16xf32>
        %max3A_630 = arith.maximumf %max3A_615, %get3A_629 : vector<16xf32>
        %min3A_631 = arith.minimumf %min3A_616, %get3A_629 : vector<16xf32>
        %add3A_632 = arith.addf %add3A_617, %get3A_629 : vector<16xf32>
        %mul3A_633 = arith.mulf %get3A_629, %get3A_629 : vector<16xf32>
        %add3A_634 = arith.addf %add3A_619, %mul3A_633 : vector<16xf32>
        %add3A_635 = arith.constant 14 : i32
        %add3A_636 = arith.addi %mul3A_164, %add3A_635 : i32
        %get3A_637 = arith.constant 0 : i32
        %get3A_638 = arith.constant 0 : i32
        %get3A_639 = tpu.memref_slice %arg6[%scan3A_128, %get3A_637, %get3A_638] : memref<2x128x64xf32, #tpu.memory_space<vmem>> -> memref<1x128x64xf32, #tpu.memory_space<vmem>>
        %get3A_640 = tpu.memref_squeeze %get3A_639 : memref<1x128x64xf32, #tpu.memory_space<vmem>> -> memref<128x64xf32, #tpu.memory_space<vmem>>
        %get3A_641 = arith.index_cast %add3A_636 : i32 to index
        %get3A_642 = arith.constant 16 : index
        %get3A_643 = tpu.vector_load %get3A_640[%get3A_641, %get3A_642] {strides = array<i32>} : memref<128x64xf32, #tpu.memory_space<vmem>>, vector<1x16xf32>,
        %get3A_644 = vector.shape_cast %get3A_643 : vector<1x16xf32> to vector<16xf32>
        %max3A_645 = arith.maximumf %max3A_630, %get3A_644 : vector<16xf32>
        %min3A_646 = arith.minimumf %min3A_631, %get3A_644 : vector<16xf32>
        %add3A_647 = arith.addf %add3A_632, %get3A_644 : vector<16xf32>
        %mul3A_648 = arith.mulf %get3A_644, %get3A_644 : vector<16xf32>
        %add3A_649 = arith.addf %add3A_634, %mul3A_648 : vector<16xf32>
        %add3A_650 = arith.constant 15 : i32
        %add3A_651 = arith.addi %mul3A_164, %add3A_650 : i32
        %get3A_652 = arith.constant 0 : i32
        %get3A_653 = arith.constant 0 : i32
        %get3A_654 = tpu.memref_slice %arg6[%scan3A_128, %get3A_652, %get3A_653] : memref<2x128x64xf32, #tpu.memory_space<vmem>> -> memref<1x128x64xf32, #tpu.memory_space<vmem>>
        %get3A_655 = tpu.memref_squeeze %get3A_654 : memref<1x128x64xf32, #tpu.memory_space<vmem>> -> memref<128x64xf32, #tpu.memory_space<vmem>>
        %get3A_656 = arith.index_cast %add3A_651 : i32 to index
        %get3A_657 = arith.constant 16 : index
        %get3A_658 = tpu.vector_load %get3A_655[%get3A_656, %get3A_657] {strides = array<i32>} : memref<128x64xf32, #tpu.memory_space<vmem>>, vector<1x16xf32>,
        %get3A_659 = vector.shape_cast %get3A_658 : vector<1x16xf32> to vector<16xf32>
        %max3A_660 = arith.maximumf %max3A_645, %get3A_659 : vector<16xf32>
        %min3A_661 = arith.minimumf %min3A_646, %get3A_659 : vector<16xf32>
        %add3A_662 = arith.addf %add3A_647, %get3A_659 : vector<16xf32>
        %mul3A_663 = arith.mulf %get3A_659, %get3A_659 : vector<16xf32>
        %add3A_664 = arith.addf %add3A_649, %mul3A_663 : vector<16xf32>
        %swap3A_665 = arith.constant 0 : i32
        %swap3A_666 = arith.constant 0 : i32
        %swap3A_667 = tpu.memref_slice %arg7[%scan3A_129, %swap3A_665, %swap3A_666] : memref<2x8x256xf32, #tpu.memory_space<vmem>> -> memref<1x8x256xf32, #tpu.memory_space<vmem>>
        %swap3A_668 = tpu.memref_squeeze %swap3A_667 : memref<1x8x256xf32, #tpu.memory_space<vmem>> -> memref<8x256xf32, #tpu.memory_space<vmem>>
        %swap3A_669 = arith.index_cast %add3A_162 : i32 to index
        %swap3A_670 = arith.constant 16 : index
        %swap3A_671 = tpu.vector_load %swap3A_668[%swap3A_669, %swap3A_670] {strides = array<i32>} : memref<8x256xf32, #tpu.memory_space<vmem>>, vector<1x16xf32>,
        %swap3A_672 = vector.shape_cast %swap3A_671 : vector<1x16xf32> to vector<16xf32>
        %swap3A_673 = vector.shape_cast %max3A_660 : vector<16xf32> to vector<1x16xf32>
        tpu.vector_store %swap3A_668[%swap3A_669, %swap3A_670], %swap3A_673 {strides = array<i32>} : memref<8x256xf32, #tpu.memory_space<vmem>>, vector<1x16xf32>,
        %swap3A_674 = arith.constant 0 : i32
        %swap3A_675 = arith.constant 0 : i32
        %swap3A_676 = tpu.memref_slice %arg7[%scan3A_129, %swap3A_674, %swap3A_675] : memref<2x8x256xf32, #tpu.memory_space<vmem>> -> memref<1x8x256xf32, #tpu.memory_space<vmem>>
        %swap3A_677 = tpu.memref_squeeze %swap3A_676 : memref<1x8x256xf32, #tpu.memory_space<vmem>> -> memref<8x256xf32, #tpu.memory_space<vmem>>
        %swap3A_678 = arith.index_cast %add3A_162 : i32 to index
        %swap3A_679 = arith.constant 80 : index
        %swap3A_680 = tpu.vector_load %swap3A_677[%swap3A_678, %swap3A_679] {strides = array<i32>} : memref<8x256xf32, #tpu.memory_space<vmem>>, vector<1x16xf32>,
        %swap3A_681 = vector.shape_cast %swap3A_680 : vector<1x16xf32> to vector<16xf32>
        %swap3A_682 = vector.shape_cast %min3A_661 : vector<16xf32> to vector<1x16xf32>
        tpu.vector_store %swap3A_677[%swap3A_678, %swap3A_679], %swap3A_682 {strides = array<i32>} : memref<8x256xf32, #tpu.memory_space<vmem>>, vector<1x16xf32>,
        %swap3A_683 = arith.constant 0 : i32
        %swap3A_684 = arith.constant 0 : i32
        %swap3A_685 = tpu.memref_slice %arg7[%scan3A_129, %swap3A_683, %swap3A_684] : memref<2x8x256xf32, #tpu.memory_space<vmem>> -> memref<1x8x256xf32, #tpu.memory_space<vmem>>
        %swap3A_686 = tpu.memref_squeeze %swap3A_685 : memref<1x8x256xf32, #tpu.memory_space<vmem>> -> memref<8x256xf32, #tpu.memory_space<vmem>>
        %swap3A_687 = arith.index_cast %add3A_162 : i32 to index
        %swap3A_688 = arith.constant 144 : index
        %swap3A_689 = tpu.vector_load %swap3A_686[%swap3A_687, %swap3A_688] {strides = array<i32>} : memref<8x256xf32, #tpu.memory_space<vmem>>, vector<1x16xf32>,
        %swap3A_690 = vector.shape_cast %swap3A_689 : vector<1x16xf32> to vector<16xf32>
        %swap3A_691 = vector.shape_cast %add3A_662 : vector<16xf32> to vector<1x16xf32>
        tpu.vector_store %swap3A_686[%swap3A_687, %swap3A_688], %swap3A_691 {strides = array<i32>} : memref<8x256xf32, #tpu.memory_space<vmem>>, vector<1x16xf32>,
        %swap3A_692 = arith.constant 0 : i32
        %swap3A_693 = arith.constant 0 : i32
        %swap3A_694 = tpu.memref_slice %arg7[%scan3A_129, %swap3A_692, %swap3A_693] : memref<2x8x256xf32, #tpu.memory_space<vmem>> -> memref<1x8x256xf32, #tpu.memory_space<vmem>>
        %swap3A_695 = tpu.memref_squeeze %swap3A_694 : memref<1x8x256xf32, #tpu.memory_space<vmem>> -> memref<8x256xf32, #tpu.memory_space<vmem>>
        %swap3A_696 = arith.index_cast %add3A_162 : i32 to index
        %swap3A_697 = arith.constant 208 : index
        %swap3A_698 = tpu.vector_load %swap3A_695[%swap3A_696, %swap3A_697] {strides = array<i32>} : memref<8x256xf32, #tpu.memory_space<vmem>>, vector<1x16xf32>,
        %swap3A_699 = vector.shape_cast %swap3A_698 : vector<1x16xf32> to vector<16xf32>
        %swap3A_700 = vector.shape_cast %add3A_664 : vector<16xf32> to vector<1x16xf32>
        tpu.vector_store %swap3A_695[%swap3A_696, %swap3A_697], %swap3A_700 {strides = array<i32>} : memref<8x256xf32, #tpu.memory_space<vmem>>, vector<1x16xf32>,
        %get3A_701 = arith.constant 0 : i32
        %get3A_702 = arith.constant 0 : i32
        %get3A_703 = tpu.memref_slice %arg6[%scan3A_128, %get3A_701, %get3A_702] : memref<2x128x64xf32, #tpu.memory_space<vmem>> -> memref<1x128x64xf32, #tpu.memory_space<vmem>>
        %get3A_704 = tpu.memref_squeeze %get3A_703 : memref<1x128x64xf32, #tpu.memory_space<vmem>> -> memref<128x64xf32, #tpu.memory_space<vmem>>
        %get3A_705 = arith.index_cast %mul3A_164 : i32 to index
        %get3A_706 = arith.constant 32 : index
        %get3A_707 = tpu.vector_load %get3A_704[%get3A_705, %get3A_706] {strides = array<i32>} : memref<128x64xf32, #tpu.memory_space<vmem>>, vector<1x16xf32>,
        %get3A_708 = vector.shape_cast %get3A_707 : vector<1x16xf32> to vector<16xf32>
        %mul3A_709 = arith.mulf %get3A_708, %get3A_708 : vector<16xf32>
        %add3A_710 = arith.constant 1 : i32
        %add3A_711 = arith.addi %mul3A_164, %add3A_710 : i32
        %get3A_712 = arith.constant 0 : i32
        %get3A_713 = arith.constant 0 : i32
        %get3A_714 = tpu.memref_slice %arg6[%scan3A_128, %get3A_712, %get3A_713] : memref<2x128x64xf32, #tpu.memory_space<vmem>> -> memref<1x128x64xf32, #tpu.memory_space<vmem>>
        %get3A_715 = tpu.memref_squeeze %get3A_714 : memref<1x128x64xf32, #tpu.memory_space<vmem>> -> memref<128x64xf32, #tpu.memory_space<vmem>>
        %get3A_716 = arith.index_cast %add3A_711 : i32 to index
        %get3A_717 = arith.constant 32 : index
        %get3A_718 = tpu.vector_load %get3A_715[%get3A_716, %get3A_717] {strides = array<i32>} : memref<128x64xf32, #tpu.memory_space<vmem>>, vector<1x16xf32>,
        %get3A_719 = vector.shape_cast %get3A_718 : vector<1x16xf32> to vector<16xf32>
        %max3A_720 = arith.maximumf %get3A_708, %get3A_719 : vector<16xf32>
        %min3A_721 = arith.minimumf %get3A_708, %get3A_719 : vector<16xf32>
        %add3A_722 = arith.addf %get3A_708, %get3A_719 : vector<16xf32>
        %mul3A_723 = arith.mulf %get3A_719, %get3A_719 : vector<16xf32>
        %add3A_724 = arith.addf %mul3A_709, %mul3A_723 : vector<16xf32>
        %add3A_725 = arith.constant 2 : i32
        %add3A_726 = arith.addi %mul3A_164, %add3A_725 : i32
        %get3A_727 = arith.constant 0 : i32
        %get3A_728 = arith.constant 0 : i32
        %get3A_729 = tpu.memref_slice %arg6[%scan3A_128, %get3A_727, %get3A_728] : memref<2x128x64xf32, #tpu.memory_space<vmem>> -> memref<1x128x64xf32, #tpu.memory_space<vmem>>
        %get3A_730 = tpu.memref_squeeze %get3A_729 : memref<1x128x64xf32, #tpu.memory_space<vmem>> -> memref<128x64xf32, #tpu.memory_space<vmem>>
        %get3A_731 = arith.index_cast %add3A_726 : i32 to index
        %get3A_732 = arith.constant 32 : index
        %get3A_733 = tpu.vector_load %get3A_730[%get3A_731, %get3A_732] {strides = array<i32>} : memref<128x64xf32, #tpu.memory_space<vmem>>, vector<1x16xf32>,
        %get3A_734 = vector.shape_cast %get3A_733 : vector<1x16xf32> to vector<16xf32>
        %max3A_735 = arith.maximumf %max3A_720, %get3A_734 : vector<16xf32>
        %min3A_736 = arith.minimumf %min3A_721, %get3A_734 : vector<16xf32>
        %add3A_737 = arith.addf %add3A_722, %get3A_734 : vector<16xf32>
        %mul3A_738 = arith.mulf %get3A_734, %get3A_734 : vector<16xf32>
        %add3A_739 = arith.addf %add3A_724, %mul3A_738 : vector<16xf32>
        %add3A_740 = arith.constant 3 : i32
        %add3A_741 = arith.addi %mul3A_164, %add3A_740 : i32
        %get3A_742 = arith.constant 0 : i32
        %get3A_743 = arith.constant 0 : i32
        %get3A_744 = tpu.memref_slice %arg6[%scan3A_128, %get3A_742, %get3A_743] : memref<2x128x64xf32, #tpu.memory_space<vmem>> -> memref<1x128x64xf32, #tpu.memory_space<vmem>>
        %get3A_745 = tpu.memref_squeeze %get3A_744 : memref<1x128x64xf32, #tpu.memory_space<vmem>> -> memref<128x64xf32, #tpu.memory_space<vmem>>
        %get3A_746 = arith.index_cast %add3A_741 : i32 to index
        %get3A_747 = arith.constant 32 : index
        %get3A_748 = tpu.vector_load %get3A_745[%get3A_746, %get3A_747] {strides = array<i32>} : memref<128x64xf32, #tpu.memory_space<vmem>>, vector<1x16xf32>,
        %get3A_749 = vector.shape_cast %get3A_748 : vector<1x16xf32> to vector<16xf32>
        %max3A_750 = arith.maximumf %max3A_735, %get3A_749 : vector<16xf32>
        %min3A_751 = arith.minimumf %min3A_736, %get3A_749 : vector<16xf32>
        %add3A_752 = arith.addf %add3A_737, %get3A_749 : vector<16xf32>
        %mul3A_753 = arith.mulf %get3A_749, %get3A_749 : vector<16xf32>
        %add3A_754 = arith.addf %add3A_739, %mul3A_753 : vector<16xf32>
        %add3A_755 = arith.constant 4 : i32
        %add3A_756 = arith.addi %mul3A_164, %add3A_755 : i32
        %get3A_757 = arith.constant 0 : i32
        %get3A_758 = arith.constant 0 : i32
        %get3A_759 = tpu.memref_slice %arg6[%scan3A_128, %get3A_757, %get3A_758] : memref<2x128x64xf32, #tpu.memory_space<vmem>> -> memref<1x128x64xf32, #tpu.memory_space<vmem>>
        %get3A_760 = tpu.memref_squeeze %get3A_759 : memref<1x128x64xf32, #tpu.memory_space<vmem>> -> memref<128x64xf32, #tpu.memory_space<vmem>>
        %get3A_761 = arith.index_cast %add3A_756 : i32 to index
        %get3A_762 = arith.constant 32 : index
        %get3A_763 = tpu.vector_load %get3A_760[%get3A_761, %get3A_762] {strides = array<i32>} : memref<128x64xf32, #tpu.memory_space<vmem>>, vector<1x16xf32>,
        %get3A_764 = vector.shape_cast %get3A_763 : vector<1x16xf32> to vector<16xf32>
        %max3A_765 = arith.maximumf %max3A_750, %get3A_764 : vector<16xf32>
        %min3A_766 = arith.minimumf %min3A_751, %get3A_764 : vector<16xf32>
        %add3A_767 = arith.addf %add3A_752, %get3A_764 : vector<16xf32>
        %mul3A_768 = arith.mulf %get3A_764, %get3A_764 : vector<16xf32>
        %add3A_769 = arith.addf %add3A_754, %mul3A_768 : vector<16xf32>
        %add3A_770 = arith.constant 5 : i32
        %add3A_771 = arith.addi %mul3A_164, %add3A_770 : i32
        %get3A_772 = arith.constant 0 : i32
        %get3A_773 = arith.constant 0 : i32
        %get3A_774 = tpu.memref_slice %arg6[%scan3A_128, %get3A_772, %get3A_773] : memref<2x128x64xf32, #tpu.memory_space<vmem>> -> memref<1x128x64xf32, #tpu.memory_space<vmem>>
        %get3A_775 = tpu.memref_squeeze %get3A_774 : memref<1x128x64xf32, #tpu.memory_space<vmem>> -> memref<128x64xf32, #tpu.memory_space<vmem>>
        %get3A_776 = arith.index_cast %add3A_771 : i32 to index
        %get3A_777 = arith.constant 32 : index
        %get3A_778 = tpu.vector_load %get3A_775[%get3A_776, %get3A_777] {strides = array<i32>} : memref<128x64xf32, #tpu.memory_space<vmem>>, vector<1x16xf32>,
        %get3A_779 = vector.shape_cast %get3A_778 : vector<1x16xf32> to vector<16xf32>
        %max3A_780 = arith.maximumf %max3A_765, %get3A_779 : vector<16xf32>
        %min3A_781 = arith.minimumf %min3A_766, %get3A_779 : vector<16xf32>
        %add3A_782 = arith.addf %add3A_767, %get3A_779 : vector<16xf32>
        %mul3A_783 = arith.mulf %get3A_779, %get3A_779 : vector<16xf32>
        %add3A_784 = arith.addf %add3A_769, %mul3A_783 : vector<16xf32>
        %add3A_785 = arith.constant 6 : i32
        %add3A_786 = arith.addi %mul3A_164, %add3A_785 : i32
        %get3A_787 = arith.constant 0 : i32
        %get3A_788 = arith.constant 0 : i32
        %get3A_789 = tpu.memref_slice %arg6[%scan3A_128, %get3A_787, %get3A_788] : memref<2x128x64xf32, #tpu.memory_space<vmem>> -> memref<1x128x64xf32, #tpu.memory_space<vmem>>
        %get3A_790 = tpu.memref_squeeze %get3A_789 : memref<1x128x64xf32, #tpu.memory_space<vmem>> -> memref<128x64xf32, #tpu.memory_space<vmem>>
        %get3A_791 = arith.index_cast %add3A_786 : i32 to index
        %get3A_792 = arith.constant 32 : index
        %get3A_793 = tpu.vector_load %get3A_790[%get3A_791, %get3A_792] {strides = array<i32>} : memref<128x64xf32, #tpu.memory_space<vmem>>, vector<1x16xf32>,
        %get3A_794 = vector.shape_cast %get3A_793 : vector<1x16xf32> to vector<16xf32>
        %max3A_795 = arith.maximumf %max3A_780, %get3A_794 : vector<16xf32>
        %min3A_796 = arith.minimumf %min3A_781, %get3A_794 : vector<16xf32>
        %add3A_797 = arith.addf %add3A_782, %get3A_794 : vector<16xf32>
        %mul3A_798 = arith.mulf %get3A_794, %get3A_794 : vector<16xf32>
        %add3A_799 = arith.addf %add3A_784, %mul3A_798 : vector<16xf32>
        %add3A_800 = arith.constant 7 : i32
        %add3A_801 = arith.addi %mul3A_164, %add3A_800 : i32
        %get3A_802 = arith.constant 0 : i32
        %get3A_803 = arith.constant 0 : i32
        %get3A_804 = tpu.memref_slice %arg6[%scan3A_128, %get3A_802, %get3A_803] : memref<2x128x64xf32, #tpu.memory_space<vmem>> -> memref<1x128x64xf32, #tpu.memory_space<vmem>>
        %get3A_805 = tpu.memref_squeeze %get3A_804 : memref<1x128x64xf32, #tpu.memory_space<vmem>> -> memref<128x64xf32, #tpu.memory_space<vmem>>
        %get3A_806 = arith.index_cast %add3A_801 : i32 to index
        %get3A_807 = arith.constant 32 : index
        %get3A_808 = tpu.vector_load %get3A_805[%get3A_806, %get3A_807] {strides = array<i32>} : memref<128x64xf32, #tpu.memory_space<vmem>>, vector<1x16xf32>,
        %get3A_809 = vector.shape_cast %get3A_808 : vector<1x16xf32> to vector<16xf32>
        %max3A_810 = arith.maximumf %max3A_795, %get3A_809 : vector<16xf32>
        %min3A_811 = arith.minimumf %min3A_796, %get3A_809 : vector<16xf32>
        %add3A_812 = arith.addf %add3A_797, %get3A_809 : vector<16xf32>
        %mul3A_813 = arith.mulf %get3A_809, %get3A_809 : vector<16xf32>
        %add3A_814 = arith.addf %add3A_799, %mul3A_813 : vector<16xf32>
        %add3A_815 = arith.constant 8 : i32
        %add3A_816 = arith.addi %mul3A_164, %add3A_815 : i32
        %get3A_817 = arith.constant 0 : i32
        %get3A_818 = arith.constant 0 : i32
        %get3A_819 = tpu.memref_slice %arg6[%scan3A_128, %get3A_817, %get3A_818] : memref<2x128x64xf32, #tpu.memory_space<vmem>> -> memref<1x128x64xf32, #tpu.memory_space<vmem>>
        %get3A_820 = tpu.memref_squeeze %get3A_819 : memref<1x128x64xf32, #tpu.memory_space<vmem>> -> memref<128x64xf32, #tpu.memory_space<vmem>>
        %get3A_821 = arith.index_cast %add3A_816 : i32 to index
        %get3A_822 = arith.constant 32 : index
        %get3A_823 = tpu.vector_load %get3A_820[%get3A_821, %get3A_822] {strides = array<i32>} : memref<128x64xf32, #tpu.memory_space<vmem>>, vector<1x16xf32>,
        %get3A_824 = vector.shape_cast %get3A_823 : vector<1x16xf32> to vector<16xf32>
        %max3A_825 = arith.maximumf %max3A_810, %get3A_824 : vector<16xf32>
        %min3A_826 = arith.minimumf %min3A_811, %get3A_824 : vector<16xf32>
        %add3A_827 = arith.addf %add3A_812, %get3A_824 : vector<16xf32>
        %mul3A_828 = arith.mulf %get3A_824, %get3A_824 : vector<16xf32>
        %add3A_829 = arith.addf %add3A_814, %mul3A_828 : vector<16xf32>
        %add3A_830 = arith.constant 9 : i32
        %add3A_831 = arith.addi %mul3A_164, %add3A_830 : i32
        %get3A_832 = arith.constant 0 : i32
        %get3A_833 = arith.constant 0 : i32
        %get3A_834 = tpu.memref_slice %arg6[%scan3A_128, %get3A_832, %get3A_833] : memref<2x128x64xf32, #tpu.memory_space<vmem>> -> memref<1x128x64xf32, #tpu.memory_space<vmem>>
        %get3A_835 = tpu.memref_squeeze %get3A_834 : memref<1x128x64xf32, #tpu.memory_space<vmem>> -> memref<128x64xf32, #tpu.memory_space<vmem>>
        %get3A_836 = arith.index_cast %add3A_831 : i32 to index
        %get3A_837 = arith.constant 32 : index
        %get3A_838 = tpu.vector_load %get3A_835[%get3A_836, %get3A_837] {strides = array<i32>} : memref<128x64xf32, #tpu.memory_space<vmem>>, vector<1x16xf32>,
        %get3A_839 = vector.shape_cast %get3A_838 : vector<1x16xf32> to vector<16xf32>
        %max3A_840 = arith.maximumf %max3A_825, %get3A_839 : vector<16xf32>
        %min3A_841 = arith.minimumf %min3A_826, %get3A_839 : vector<16xf32>
        %add3A_842 = arith.addf %add3A_827, %get3A_839 : vector<16xf32>
        %mul3A_843 = arith.mulf %get3A_839, %get3A_839 : vector<16xf32>
        %add3A_844 = arith.addf %add3A_829, %mul3A_843 : vector<16xf32>
        %add3A_845 = arith.constant 10 : i32
        %add3A_846 = arith.addi %mul3A_164, %add3A_845 : i32
        %get3A_847 = arith.constant 0 : i32
        %get3A_848 = arith.constant 0 : i32
        %get3A_849 = tpu.memref_slice %arg6[%scan3A_128, %get3A_847, %get3A_848] : memref<2x128x64xf32, #tpu.memory_space<vmem>> -> memref<1x128x64xf32, #tpu.memory_space<vmem>>
        %get3A_850 = tpu.memref_squeeze %get3A_849 : memref<1x128x64xf32, #tpu.memory_space<vmem>> -> memref<128x64xf32, #tpu.memory_space<vmem>>
        %get3A_851 = arith.index_cast %add3A_846 : i32 to index
        %get3A_852 = arith.constant 32 : index
        %get3A_853 = tpu.vector_load %get3A_850[%get3A_851, %get3A_852] {strides = array<i32>} : memref<128x64xf32, #tpu.memory_space<vmem>>, vector<1x16xf32>,
        %get3A_854 = vector.shape_cast %get3A_853 : vector<1x16xf32> to vector<16xf32>
        %max3A_855 = arith.maximumf %max3A_840, %get3A_854 : vector<16xf32>
        %min3A_856 = arith.minimumf %min3A_841, %get3A_854 : vector<16xf32>
        %add3A_857 = arith.addf %add3A_842, %get3A_854 : vector<16xf32>
        %mul3A_858 = arith.mulf %get3A_854, %get3A_854 : vector<16xf32>
        %add3A_859 = arith.addf %add3A_844, %mul3A_858 : vector<16xf32>
        %add3A_860 = arith.constant 11 : i32
        %add3A_861 = arith.addi %mul3A_164, %add3A_860 : i32
        %get3A_862 = arith.constant 0 : i32
        %get3A_863 = arith.constant 0 : i32
        %get3A_864 = tpu.memref_slice %arg6[%scan3A_128, %get3A_862, %get3A_863] : memref<2x128x64xf32, #tpu.memory_space<vmem>> -> memref<1x128x64xf32, #tpu.memory_space<vmem>>
        %get3A_865 = tpu.memref_squeeze %get3A_864 : memref<1x128x64xf32, #tpu.memory_space<vmem>> -> memref<128x64xf32, #tpu.memory_space<vmem>>
        %get3A_866 = arith.index_cast %add3A_861 : i32 to index
        %get3A_867 = arith.constant 32 : index
        %get3A_868 = tpu.vector_load %get3A_865[%get3A_866, %get3A_867] {strides = array<i32>} : memref<128x64xf32, #tpu.memory_space<vmem>>, vector<1x16xf32>,
        %get3A_869 = vector.shape_cast %get3A_868 : vector<1x16xf32> to vector<16xf32>
        %max3A_870 = arith.maximumf %max3A_855, %get3A_869 : vector<16xf32>
        %min3A_871 = arith.minimumf %min3A_856, %get3A_869 : vector<16xf32>
        %add3A_872 = arith.addf %add3A_857, %get3A_869 : vector<16xf32>
        %mul3A_873 = arith.mulf %get3A_869, %get3A_869 : vector<16xf32>
        %add3A_874 = arith.addf %add3A_859, %mul3A_873 : vector<16xf32>
        %add3A_875 = arith.constant 12 : i32
        %add3A_876 = arith.addi %mul3A_164, %add3A_875 : i32
        %get3A_877 = arith.constant 0 : i32
        %get3A_878 = arith.constant 0 : i32
        %get3A_879 = tpu.memref_slice %arg6[%scan3A_128, %get3A_877, %get3A_878] : memref<2x128x64xf32, #tpu.memory_space<vmem>> -> memref<1x128x64xf32, #tpu.memory_space<vmem>>
        %get3A_880 = tpu.memref_squeeze %get3A_879 : memref<1x128x64xf32, #tpu.memory_space<vmem>> -> memref<128x64xf32, #tpu.memory_space<vmem>>
        %get3A_881 = arith.index_cast %add3A_876 : i32 to index
        %get3A_882 = arith.constant 32 : index
        %get3A_883 = tpu.vector_load %get3A_880[%get3A_881, %get3A_882] {strides = array<i32>} : memref<128x64xf32, #tpu.memory_space<vmem>>, vector<1x16xf32>,
        %get3A_884 = vector.shape_cast %get3A_883 : vector<1x16xf32> to vector<16xf32>
        %max3A_885 = arith.maximumf %max3A_870, %get3A_884 : vector<16xf32>
        %min3A_886 = arith.minimumf %min3A_871, %get3A_884 : vector<16xf32>
        %add3A_887 = arith.addf %add3A_872, %get3A_884 : vector<16xf32>
        %mul3A_888 = arith.mulf %get3A_884, %get3A_884 : vector<16xf32>
        %add3A_889 = arith.addf %add3A_874, %mul3A_888 : vector<16xf32>
        %add3A_890 = arith.constant 13 : i32
        %add3A_891 = arith.addi %mul3A_164, %add3A_890 : i32
        %get3A_892 = arith.constant 0 : i32
        %get3A_893 = arith.constant 0 : i32
        %get3A_894 = tpu.memref_slice %arg6[%scan3A_128, %get3A_892, %get3A_893] : memref<2x128x64xf32, #tpu.memory_space<vmem>> -> memref<1x128x64xf32, #tpu.memory_space<vmem>>
        %get3A_895 = tpu.memref_squeeze %get3A_894 : memref<1x128x64xf32, #tpu.memory_space<vmem>> -> memref<128x64xf32, #tpu.memory_space<vmem>>
        %get3A_896 = arith.index_cast %add3A_891 : i32 to index
        %get3A_897 = arith.constant 32 : index
        %get3A_898 = tpu.vector_load %get3A_895[%get3A_896, %get3A_897] {strides = array<i32>} : memref<128x64xf32, #tpu.memory_space<vmem>>, vector<1x16xf32>,
        %get3A_899 = vector.shape_cast %get3A_898 : vector<1x16xf32> to vector<16xf32>
        %max3A_900 = arith.maximumf %max3A_885, %get3A_899 : vector<16xf32>
        %min3A_901 = arith.minimumf %min3A_886, %get3A_899 : vector<16xf32>
        %add3A_902 = arith.addf %add3A_887, %get3A_899 : vector<16xf32>
        %mul3A_903 = arith.mulf %get3A_899, %get3A_899 : vector<16xf32>
        %add3A_904 = arith.addf %add3A_889, %mul3A_903 : vector<16xf32>
        %add3A_905 = arith.constant 14 : i32
        %add3A_906 = arith.addi %mul3A_164, %add3A_905 : i32
        %get3A_907 = arith.constant 0 : i32
        %get3A_908 = arith.constant 0 : i32
        %get3A_909 = tpu.memref_slice %arg6[%scan3A_128, %get3A_907, %get3A_908] : memref<2x128x64xf32, #tpu.memory_space<vmem>> -> memref<1x128x64xf32, #tpu.memory_space<vmem>>
        %get3A_910 = tpu.memref_squeeze %get3A_909 : memref<1x128x64xf32, #tpu.memory_space<vmem>> -> memref<128x64xf32, #tpu.memory_space<vmem>>
        %get3A_911 = arith.index_cast %add3A_906 : i32 to index
        %get3A_912 = arith.constant 32 : index
        %get3A_913 = tpu.vector_load %get3A_910[%get3A_911, %get3A_912] {strides = array<i32>} : memref<128x64xf32, #tpu.memory_space<vmem>>, vector<1x16xf32>,
        %get3A_914 = vector.shape_cast %get3A_913 : vector<1x16xf32> to vector<16xf32>
        %max3A_915 = arith.maximumf %max3A_900, %get3A_914 : vector<16xf32>
        %min3A_916 = arith.minimumf %min3A_901, %get3A_914 : vector<16xf32>
        %add3A_917 = arith.addf %add3A_902, %get3A_914 : vector<16xf32>
        %mul3A_918 = arith.mulf %get3A_914, %get3A_914 : vector<16xf32>
        %add3A_919 = arith.addf %add3A_904, %mul3A_918 : vector<16xf32>
        %add3A_920 = arith.constant 15 : i32
        %add3A_921 = arith.addi %mul3A_164, %add3A_920 : i32
        %get3A_922 = arith.constant 0 : i32
        %get3A_923 = arith.constant 0 : i32
        %get3A_924 = tpu.memref_slice %arg6[%scan3A_128, %get3A_922, %get3A_923] : memref<2x128x64xf32, #tpu.memory_space<vmem>> -> memref<1x128x64xf32, #tpu.memory_space<vmem>>
        %get3A_925 = tpu.memref_squeeze %get3A_924 : memref<1x128x64xf32, #tpu.memory_space<vmem>> -> memref<128x64xf32, #tpu.memory_space<vmem>>
        %get3A_926 = arith.index_cast %add3A_921 : i32 to index
        %get3A_927 = arith.constant 32 : index
        %get3A_928 = tpu.vector_load %get3A_925[%get3A_926, %get3A_927] {strides = array<i32>} : memref<128x64xf32, #tpu.memory_space<vmem>>, vector<1x16xf32>,
        %get3A_929 = vector.shape_cast %get3A_928 : vector<1x16xf32> to vector<16xf32>
        %max3A_930 = arith.maximumf %max3A_915, %get3A_929 : vector<16xf32>
        %min3A_931 = arith.minimumf %min3A_916, %get3A_929 : vector<16xf32>
        %add3A_932 = arith.addf %add3A_917, %get3A_929 : vector<16xf32>
        %mul3A_933 = arith.mulf %get3A_929, %get3A_929 : vector<16xf32>
        %add3A_934 = arith.addf %add3A_919, %mul3A_933 : vector<16xf32>
        %swap3A_935 = arith.constant 0 : i32
        %swap3A_936 = arith.constant 0 : i32
        %swap3A_937 = tpu.memref_slice %arg7[%scan3A_129, %swap3A_935, %swap3A_936] : memref<2x8x256xf32, #tpu.memory_space<vmem>> -> memref<1x8x256xf32, #tpu.memory_space<vmem>>
        %swap3A_938 = tpu.memref_squeeze %swap3A_937 : memref<1x8x256xf32, #tpu.memory_space<vmem>> -> memref<8x256xf32, #tpu.memory_space<vmem>>
        %swap3A_939 = arith.index_cast %add3A_162 : i32 to index
        %swap3A_940 = arith.constant 32 : index
        %swap3A_941 = tpu.vector_load %swap3A_938[%swap3A_939, %swap3A_940] {strides = array<i32>} : memref<8x256xf32, #tpu.memory_space<vmem>>, vector<1x16xf32>,
        %swap3A_942 = vector.shape_cast %swap3A_941 : vector<1x16xf32> to vector<16xf32>
        %swap3A_943 = vector.shape_cast %max3A_930 : vector<16xf32> to vector<1x16xf32>
        tpu.vector_store %swap3A_938[%swap3A_939, %swap3A_940], %swap3A_943 {strides = array<i32>} : memref<8x256xf32, #tpu.memory_space<vmem>>, vector<1x16xf32>,
        %swap3A_944 = arith.constant 0 : i32
        %swap3A_945 = arith.constant 0 : i32
        %swap3A_946 = tpu.memref_slice %arg7[%scan3A_129, %swap3A_944, %swap3A_945] : memref<2x8x256xf32, #tpu.memory_space<vmem>> -> memref<1x8x256xf32, #tpu.memory_space<vmem>>
        %swap3A_947 = tpu.memref_squeeze %swap3A_946 : memref<1x8x256xf32, #tpu.memory_space<vmem>> -> memref<8x256xf32, #tpu.memory_space<vmem>>
        %swap3A_948 = arith.index_cast %add3A_162 : i32 to index
        %swap3A_949 = arith.constant 96 : index
        %swap3A_950 = tpu.vector_load %swap3A_947[%swap3A_948, %swap3A_949] {strides = array<i32>} : memref<8x256xf32, #tpu.memory_space<vmem>>, vector<1x16xf32>,
        %swap3A_951 = vector.shape_cast %swap3A_950 : vector<1x16xf32> to vector<16xf32>
        %swap3A_952 = vector.shape_cast %min3A_931 : vector<16xf32> to vector<1x16xf32>
        tpu.vector_store %swap3A_947[%swap3A_948, %swap3A_949], %swap3A_952 {strides = array<i32>} : memref<8x256xf32, #tpu.memory_space<vmem>>, vector<1x16xf32>,
        %swap3A_953 = arith.constant 0 : i32
        %swap3A_954 = arith.constant 0 : i32
        %swap3A_955 = tpu.memref_slice %arg7[%scan3A_129, %swap3A_953, %swap3A_954] : memref<2x8x256xf32, #tpu.memory_space<vmem>> -> memref<1x8x256xf32, #tpu.memory_space<vmem>>
        %swap3A_956 = tpu.memref_squeeze %swap3A_955 : memref<1x8x256xf32, #tpu.memory_space<vmem>> -> memref<8x256xf32, #tpu.memory_space<vmem>>
        %swap3A_957 = arith.index_cast %add3A_162 : i32 to index
        %swap3A_958 = arith.constant 160 : index
        %swap3A_959 = tpu.vector_load %swap3A_956[%swap3A_957, %swap3A_958] {strides = array<i32>} : memref<8x256xf32, #tpu.memory_space<vmem>>, vector<1x16xf32>,
        %swap3A_960 = vector.shape_cast %swap3A_959 : vector<1x16xf32> to vector<16xf32>
        %swap3A_961 = vector.shape_cast %add3A_932 : vector<16xf32> to vector<1x16xf32>
        tpu.vector_store %swap3A_956[%swap3A_957, %swap3A_958], %swap3A_961 {strides = array<i32>} : memref<8x256xf32, #tpu.memory_space<vmem>>, vector<1x16xf32>,
        %swap3A_962 = arith.constant 0 : i32
        %swap3A_963 = arith.constant 0 : i32
        %swap3A_964 = tpu.memref_slice %arg7[%scan3A_129, %swap3A_962, %swap3A_963] : memref<2x8x256xf32, #tpu.memory_space<vmem>> -> memref<1x8x256xf32, #tpu.memory_space<vmem>>
        %swap3A_965 = tpu.memref_squeeze %swap3A_964 : memref<1x8x256xf32, #tpu.memory_space<vmem>> -> memref<8x256xf32, #tpu.memory_space<vmem>>
        %swap3A_966 = arith.index_cast %add3A_162 : i32 to index
        %swap3A_967 = arith.constant 224 : index
        %swap3A_968 = tpu.vector_load %swap3A_965[%swap3A_966, %swap3A_967] {strides = array<i32>} : memref<8x256xf32, #tpu.memory_space<vmem>>, vector<1x16xf32>,
        %swap3A_969 = vector.shape_cast %swap3A_968 : vector<1x16xf32> to vector<16xf32>
        %swap3A_970 = vector.shape_cast %add3A_934 : vector<16xf32> to vector<1x16xf32>
        tpu.vector_store %swap3A_965[%swap3A_966, %swap3A_967], %swap3A_970 {strides = array<i32>} : memref<8x256xf32, #tpu.memory_space<vmem>>, vector<1x16xf32>,
        %get3A_971 = arith.constant 0 : i32
        %get3A_972 = arith.constant 0 : i32
        %get3A_973 = tpu.memref_slice %arg6[%scan3A_128, %get3A_971, %get3A_972] : memref<2x128x64xf32, #tpu.memory_space<vmem>> -> memref<1x128x64xf32, #tpu.memory_space<vmem>>
        %get3A_974 = tpu.memref_squeeze %get3A_973 : memref<1x128x64xf32, #tpu.memory_space<vmem>> -> memref<128x64xf32, #tpu.memory_space<vmem>>
        %get3A_975 = arith.index_cast %mul3A_164 : i32 to index
        %get3A_976 = arith.constant 48 : index
        %get3A_977 = tpu.vector_load %get3A_974[%get3A_975, %get3A_976] {strides = array<i32>} : memref<128x64xf32, #tpu.memory_space<vmem>>, vector<1x16xf32>,
        %get3A_978 = vector.shape_cast %get3A_977 : vector<1x16xf32> to vector<16xf32>
        %mul3A_979 = arith.mulf %get3A_978, %get3A_978 : vector<16xf32>
        %add3A_980 = arith.constant 1 : i32
        %add3A_981 = arith.addi %mul3A_164, %add3A_980 : i32
        %get3A_982 = arith.constant 0 : i32
        %get3A_983 = arith.constant 0 : i32
        %get3A_984 = tpu.memref_slice %arg6[%scan3A_128, %get3A_982, %get3A_983] : memref<2x128x64xf32, #tpu.memory_space<vmem>> -> memref<1x128x64xf32, #tpu.memory_space<vmem>>
        %get3A_985 = tpu.memref_squeeze %get3A_984 : memref<1x128x64xf32, #tpu.memory_space<vmem>> -> memref<128x64xf32, #tpu.memory_space<vmem>>
        %get3A_986 = arith.index_cast %add3A_981 : i32 to index
        %get3A_987 = arith.constant 48 : index
        %get3A_988 = tpu.vector_load %get3A_985[%get3A_986, %get3A_987] {strides = array<i32>} : memref<128x64xf32, #tpu.memory_space<vmem>>, vector<1x16xf32>,
        %get3A_989 = vector.shape_cast %get3A_988 : vector<1x16xf32> to vector<16xf32>
        %max3A_990 = arith.maximumf %get3A_978, %get3A_989 : vector<16xf32>
        %min3A_991 = arith.minimumf %get3A_978, %get3A_989 : vector<16xf32>
        %add3A_992 = arith.addf %get3A_978, %get3A_989 : vector<16xf32>
        %mul3A_993 = arith.mulf %get3A_989, %get3A_989 : vector<16xf32>
        %add3A_994 = arith.addf %mul3A_979, %mul3A_993 : vector<16xf32>
        %add3A_995 = arith.constant 2 : i32
        %add3A_996 = arith.addi %mul3A_164, %add3A_995 : i32
        %get3A_997 = arith.constant 0 : i32
        %get3A_998 = arith.constant 0 : i32
        %get3A_999 = tpu.memref_slice %arg6[%scan3A_128, %get3A_997, %get3A_998] : memref<2x128x64xf32, #tpu.memory_space<vmem>> -> memref<1x128x64xf32, #tpu.memory_space<vmem>>
        %get3A_1000 = tpu.memref_squeeze %get3A_999 : memref<1x128x64xf32, #tpu.memory_space<vmem>> -> memref<128x64xf32, #tpu.memory_space<vmem>>
        %get3A_1001 = arith.index_cast %add3A_996 : i32 to index
        %get3A_1002 = arith.constant 48 : index
        %get3A_1003 = tpu.vector_load %get3A_1000[%get3A_1001, %get3A_1002] {strides = array<i32>} : memref<128x64xf32, #tpu.memory_space<vmem>>, vector<1x16xf32>,
        %get3A_1004 = vector.shape_cast %get3A_1003 : vector<1x16xf32> to vector<16xf32>
        %max3A_1005 = arith.maximumf %max3A_990, %get3A_1004 : vector<16xf32>
        %min3A_1006 = arith.minimumf %min3A_991, %get3A_1004 : vector<16xf32>
        %add3A_1007 = arith.addf %add3A_992, %get3A_1004 : vector<16xf32>
        %mul3A_1008 = arith.mulf %get3A_1004, %get3A_1004 : vector<16xf32>
        %add3A_1009 = arith.addf %add3A_994, %mul3A_1008 : vector<16xf32>
        %add3A_1010 = arith.constant 3 : i32
        %add3A_1011 = arith.addi %mul3A_164, %add3A_1010 : i32
        %get3A_1012 = arith.constant 0 : i32
        %get3A_1013 = arith.constant 0 : i32
        %get3A_1014 = tpu.memref_slice %arg6[%scan3A_128, %get3A_1012, %get3A_1013] : memref<2x128x64xf32, #tpu.memory_space<vmem>> -> memref<1x128x64xf32, #tpu.memory_space<vmem>>
        %get3A_1015 = tpu.memref_squeeze %get3A_1014 : memref<1x128x64xf32, #tpu.memory_space<vmem>> -> memref<128x64xf32, #tpu.memory_space<vmem>>
        %get3A_1016 = arith.index_cast %add3A_1011 : i32 to index
        %get3A_1017 = arith.constant 48 : index
        %get3A_1018 = tpu.vector_load %get3A_1015[%get3A_1016, %get3A_1017] {strides = array<i32>} : memref<128x64xf32, #tpu.memory_space<vmem>>, vector<1x16xf32>,
        %get3A_1019 = vector.shape_cast %get3A_1018 : vector<1x16xf32> to vector<16xf32>
        %max3A_1020 = arith.maximumf %max3A_1005, %get3A_1019 : vector<16xf32>
        %min3A_1021 = arith.minimumf %min3A_1006, %get3A_1019 : vector<16xf32>
        %add3A_1022 = arith.addf %add3A_1007, %get3A_1019 : vector<16xf32>
        %mul3A_1023 = arith.mulf %get3A_1019, %get3A_1019 : vector<16xf32>
        %add3A_1024 = arith.addf %add3A_1009, %mul3A_1023 : vector<16xf32>
        %add3A_1025 = arith.constant 4 : i32
        %add3A_1026 = arith.addi %mul3A_164, %add3A_1025 : i32
        %get3A_1027 = arith.constant 0 : i32
        %get3A_1028 = arith.constant 0 : i32
        %get3A_1029 = tpu.memref_slice %arg6[%scan3A_128, %get3A_1027, %get3A_1028] : memref<2x128x64xf32, #tpu.memory_space<vmem>> -> memref<1x128x64xf32, #tpu.memory_space<vmem>>
        %get3A_1030 = tpu.memref_squeeze %get3A_1029 : memref<1x128x64xf32, #tpu.memory_space<vmem>> -> memref<128x64xf32, #tpu.memory_space<vmem>>
        %get3A_1031 = arith.index_cast %add3A_1026 : i32 to index
        %get3A_1032 = arith.constant 48 : index
        %get3A_1033 = tpu.vector_load %get3A_1030[%get3A_1031, %get3A_1032] {strides = array<i32>} : memref<128x64xf32, #tpu.memory_space<vmem>>, vector<1x16xf32>,
        %get3A_1034 = vector.shape_cast %get3A_1033 : vector<1x16xf32> to vector<16xf32>
        %max3A_1035 = arith.maximumf %max3A_1020, %get3A_1034 : vector<16xf32>
        %min3A_1036 = arith.minimumf %min3A_1021, %get3A_1034 : vector<16xf32>
        %add3A_1037 = arith.addf %add3A_1022, %get3A_1034 : vector<16xf32>
        %mul3A_1038 = arith.mulf %get3A_1034, %get3A_1034 : vector<16xf32>
        %add3A_1039 = arith.addf %add3A_1024, %mul3A_1038 : vector<16xf32>
        %add3A_1040 = arith.constant 5 : i32
        %add3A_1041 = arith.addi %mul3A_164, %add3A_1040 : i32
        %get3A_1042 = arith.constant 0 : i32
        %get3A_1043 = arith.constant 0 : i32
        %get3A_1044 = tpu.memref_slice %arg6[%scan3A_128, %get3A_1042, %get3A_1043] : memref<2x128x64xf32, #tpu.memory_space<vmem>> -> memref<1x128x64xf32, #tpu.memory_space<vmem>>
        %get3A_1045 = tpu.memref_squeeze %get3A_1044 : memref<1x128x64xf32, #tpu.memory_space<vmem>> -> memref<128x64xf32, #tpu.memory_space<vmem>>
        %get3A_1046 = arith.index_cast %add3A_1041 : i32 to index
        %get3A_1047 = arith.constant 48 : index
        %get3A_1048 = tpu.vector_load %get3A_1045[%get3A_1046, %get3A_1047] {strides = array<i32>} : memref<128x64xf32, #tpu.memory_space<vmem>>, vector<1x16xf32>,
        %get3A_1049 = vector.shape_cast %get3A_1048 : vector<1x16xf32> to vector<16xf32>
        %max3A_1050 = arith.maximumf %max3A_1035, %get3A_1049 : vector<16xf32>
        %min3A_1051 = arith.minimumf %min3A_1036, %get3A_1049 : vector<16xf32>
        %add3A_1052 = arith.addf %add3A_1037, %get3A_1049 : vector<16xf32>
        %mul3A_1053 = arith.mulf %get3A_1049, %get3A_1049 : vector<16xf32>
        %add3A_1054 = arith.addf %add3A_1039, %mul3A_1053 : vector<16xf32>
        %add3A_1055 = arith.constant 6 : i32
        %add3A_1056 = arith.addi %mul3A_164, %add3A_1055 : i32
        %get3A_1057 = arith.constant 0 : i32
        %get3A_1058 = arith.constant 0 : i32
        %get3A_1059 = tpu.memref_slice %arg6[%scan3A_128, %get3A_1057, %get3A_1058] : memref<2x128x64xf32, #tpu.memory_space<vmem>> -> memref<1x128x64xf32, #tpu.memory_space<vmem>>
        %get3A_1060 = tpu.memref_squeeze %get3A_1059 : memref<1x128x64xf32, #tpu.memory_space<vmem>> -> memref<128x64xf32, #tpu.memory_space<vmem>>
        %get3A_1061 = arith.index_cast %add3A_1056 : i32 to index
        %get3A_1062 = arith.constant 48 : index
        %get3A_1063 = tpu.vector_load %get3A_1060[%get3A_1061, %get3A_1062] {strides = array<i32>} : memref<128x64xf32, #tpu.memory_space<vmem>>, vector<1x16xf32>,
        %get3A_1064 = vector.shape_cast %get3A_1063 : vector<1x16xf32> to vector<16xf32>
        %max3A_1065 = arith.maximumf %max3A_1050, %get3A_1064 : vector<16xf32>
        %min3A_1066 = arith.minimumf %min3A_1051, %get3A_1064 : vector<16xf32>
        %add3A_1067 = arith.addf %add3A_1052, %get3A_1064 : vector<16xf32>
        %mul3A_1068 = arith.mulf %get3A_1064, %get3A_1064 : vector<16xf32>
        %add3A_1069 = arith.addf %add3A_1054, %mul3A_1068 : vector<16xf32>
        %add3A_1070 = arith.constant 7 : i32
        %add3A_1071 = arith.addi %mul3A_164, %add3A_1070 : i32
        %get3A_1072 = arith.constant 0 : i32
        %get3A_1073 = arith.constant 0 : i32
        %get3A_1074 = tpu.memref_slice %arg6[%scan3A_128, %get3A_1072, %get3A_1073] : memref<2x128x64xf32, #tpu.memory_space<vmem>> -> memref<1x128x64xf32, #tpu.memory_space<vmem>>
        %get3A_1075 = tpu.memref_squeeze %get3A_1074 : memref<1x128x64xf32, #tpu.memory_space<vmem>> -> memref<128x64xf32, #tpu.memory_space<vmem>>
        %get3A_1076 = arith.index_cast %add3A_1071 : i32 to index
        %get3A_1077 = arith.constant 48 : index
        %get3A_1078 = tpu.vector_load %get3A_1075[%get3A_1076, %get3A_1077] {strides = array<i32>} : memref<128x64xf32, #tpu.memory_space<vmem>>, vector<1x16xf32>,
        %get3A_1079 = vector.shape_cast %get3A_1078 : vector<1x16xf32> to vector<16xf32>
        %max3A_1080 = arith.maximumf %max3A_1065, %get3A_1079 : vector<16xf32>
        %min3A_1081 = arith.minimumf %min3A_1066, %get3A_1079 : vector<16xf32>
        %add3A_1082 = arith.addf %add3A_1067, %get3A_1079 : vector<16xf32>
        %mul3A_1083 = arith.mulf %get3A_1079, %get3A_1079 : vector<16xf32>
        %add3A_1084 = arith.addf %add3A_1069, %mul3A_1083 : vector<16xf32>
        %add3A_1085 = arith.constant 8 : i32
        %add3A_1086 = arith.addi %mul3A_164, %add3A_1085 : i32
        %get3A_1087 = arith.constant 0 : i32
        %get3A_1088 = arith.constant 0 : i32
        %get3A_1089 = tpu.memref_slice %arg6[%scan3A_128, %get3A_1087, %get3A_1088] : memref<2x128x64xf32, #tpu.memory_space<vmem>> -> memref<1x128x64xf32, #tpu.memory_space<vmem>>
        %get3A_1090 = tpu.memref_squeeze %get3A_1089 : memref<1x128x64xf32, #tpu.memory_space<vmem>> -> memref<128x64xf32, #tpu.memory_space<vmem>>
        %get3A_1091 = arith.index_cast %add3A_1086 : i32 to index
        %get3A_1092 = arith.constant 48 : index
        %get3A_1093 = tpu.vector_load %get3A_1090[%get3A_1091, %get3A_1092] {strides = array<i32>} : memref<128x64xf32, #tpu.memory_space<vmem>>, vector<1x16xf32>,
        %get3A_1094 = vector.shape_cast %get3A_1093 : vector<1x16xf32> to vector<16xf32>
        %max3A_1095 = arith.maximumf %max3A_1080, %get3A_1094 : vector<16xf32>
        %min3A_1096 = arith.minimumf %min3A_1081, %get3A_1094 : vector<16xf32>
        %add3A_1097 = arith.addf %add3A_1082, %get3A_1094 : vector<16xf32>
        %mul3A_1098 = arith.mulf %get3A_1094, %get3A_1094 : vector<16xf32>
        %add3A_1099 = arith.addf %add3A_1084, %mul3A_1098 : vector<16xf32>
        %add3A_1100 = arith.constant 9 : i32
        %add3A_1101 = arith.addi %mul3A_164, %add3A_1100 : i32
        %get3A_1102 = arith.constant 0 : i32
        %get3A_1103 = arith.constant 0 : i32
        %get3A_1104 = tpu.memref_slice %arg6[%scan3A_128, %get3A_1102, %get3A_1103] : memref<2x128x64xf32, #tpu.memory_space<vmem>> -> memref<1x128x64xf32, #tpu.memory_space<vmem>>
        %get3A_1105 = tpu.memref_squeeze %get3A_1104 : memref<1x128x64xf32, #tpu.memory_space<vmem>> -> memref<128x64xf32, #tpu.memory_space<vmem>>
        %get3A_1106 = arith.index_cast %add3A_1101 : i32 to index
        %get3A_1107 = arith.constant 48 : index
        %get3A_1108 = tpu.vector_load %get3A_1105[%get3A_1106, %get3A_1107] {strides = array<i32>} : memref<128x64xf32, #tpu.memory_space<vmem>>, vector<1x16xf32>,
        %get3A_1109 = vector.shape_cast %get3A_1108 : vector<1x16xf32> to vector<16xf32>
        %max3A_1110 = arith.maximumf %max3A_1095, %get3A_1109 : vector<16xf32>
        %min3A_1111 = arith.minimumf %min3A_1096, %get3A_1109 : vector<16xf32>
        %add3A_1112 = arith.addf %add3A_1097, %get3A_1109 : vector<16xf32>
        %mul3A_1113 = arith.mulf %get3A_1109, %get3A_1109 : vector<16xf32>
        %add3A_1114 = arith.addf %add3A_1099, %mul3A_1113 : vector<16xf32>
        %add3A_1115 = arith.constant 10 : i32
        %add3A_1116 = arith.addi %mul3A_164, %add3A_1115 : i32
        %get3A_1117 = arith.constant 0 : i32
        %get3A_1118 = arith.constant 0 : i32
        %get3A_1119 = tpu.memref_slice %arg6[%scan3A_128, %get3A_1117, %get3A_1118] : memref<2x128x64xf32, #tpu.memory_space<vmem>> -> memref<1x128x64xf32, #tpu.memory_space<vmem>>
        %get3A_1120 = tpu.memref_squeeze %get3A_1119 : memref<1x128x64xf32, #tpu.memory_space<vmem>> -> memref<128x64xf32, #tpu.memory_space<vmem>>
        %get3A_1121 = arith.index_cast %add3A_1116 : i32 to index
        %get3A_1122 = arith.constant 48 : index
        %get3A_1123 = tpu.vector_load %get3A_1120[%get3A_1121, %get3A_1122] {strides = array<i32>} : memref<128x64xf32, #tpu.memory_space<vmem>>, vector<1x16xf32>,
        %get3A_1124 = vector.shape_cast %get3A_1123 : vector<1x16xf32> to vector<16xf32>
        %max3A_1125 = arith.maximumf %max3A_1110, %get3A_1124 : vector<16xf32>
        %min3A_1126 = arith.minimumf %min3A_1111, %get3A_1124 : vector<16xf32>
        %add3A_1127 = arith.addf %add3A_1112, %get3A_1124 : vector<16xf32>
        %mul3A_1128 = arith.mulf %get3A_1124, %get3A_1124 : vector<16xf32>
        %add3A_1129 = arith.addf %add3A_1114, %mul3A_1128 : vector<16xf32>
        %add3A_1130 = arith.constant 11 : i32
        %add3A_1131 = arith.addi %mul3A_164, %add3A_1130 : i32
        %get3A_1132 = arith.constant 0 : i32
        %get3A_1133 = arith.constant 0 : i32
        %get3A_1134 = tpu.memref_slice %arg6[%scan3A_128, %get3A_1132, %get3A_1133] : memref<2x128x64xf32, #tpu.memory_space<vmem>> -> memref<1x128x64xf32, #tpu.memory_space<vmem>>
        %get3A_1135 = tpu.memref_squeeze %get3A_1134 : memref<1x128x64xf32, #tpu.memory_space<vmem>> -> memref<128x64xf32, #tpu.memory_space<vmem>>
        %get3A_1136 = arith.index_cast %add3A_1131 : i32 to index
        %get3A_1137 = arith.constant 48 : index
        %get3A_1138 = tpu.vector_load %get3A_1135[%get3A_1136, %get3A_1137] {strides = array<i32>} : memref<128x64xf32, #tpu.memory_space<vmem>>, vector<1x16xf32>,
        %get3A_1139 = vector.shape_cast %get3A_1138 : vector<1x16xf32> to vector<16xf32>
        %max3A_1140 = arith.maximumf %max3A_1125, %get3A_1139 : vector<16xf32>
        %min3A_1141 = arith.minimumf %min3A_1126, %get3A_1139 : vector<16xf32>
        %add3A_1142 = arith.addf %add3A_1127, %get3A_1139 : vector<16xf32>
        %mul3A_1143 = arith.mulf %get3A_1139, %get3A_1139 : vector<16xf32>
        %add3A_1144 = arith.addf %add3A_1129, %mul3A_1143 : vector<16xf32>
        %add3A_1145 = arith.constant 12 : i32
        %add3A_1146 = arith.addi %mul3A_164, %add3A_1145 : i32
        %get3A_1147 = arith.constant 0 : i32
        %get3A_1148 = arith.constant 0 : i32
        %get3A_1149 = tpu.memref_slice %arg6[%scan3A_128, %get3A_1147, %get3A_1148] : memref<2x128x64xf32, #tpu.memory_space<vmem>> -> memref<1x128x64xf32, #tpu.memory_space<vmem>>
        %get3A_1150 = tpu.memref_squeeze %get3A_1149 : memref<1x128x64xf32, #tpu.memory_space<vmem>> -> memref<128x64xf32, #tpu.memory_space<vmem>>
        %get3A_1151 = arith.index_cast %add3A_1146 : i32 to index
        %get3A_1152 = arith.constant 48 : index
        %get3A_1153 = tpu.vector_load %get3A_1150[%get3A_1151, %get3A_1152] {strides = array<i32>} : memref<128x64xf32, #tpu.memory_space<vmem>>, vector<1x16xf32>,
        %get3A_1154 = vector.shape_cast %get3A_1153 : vector<1x16xf32> to vector<16xf32>
        %max3A_1155 = arith.maximumf %max3A_1140, %get3A_1154 : vector<16xf32>
        %min3A_1156 = arith.minimumf %min3A_1141, %get3A_1154 : vector<16xf32>
        %add3A_1157 = arith.addf %add3A_1142, %get3A_1154 : vector<16xf32>
        %mul3A_1158 = arith.mulf %get3A_1154, %get3A_1154 : vector<16xf32>
        %add3A_1159 = arith.addf %add3A_1144, %mul3A_1158 : vector<16xf32>
        %add3A_1160 = arith.constant 13 : i32
        %add3A_1161 = arith.addi %mul3A_164, %add3A_1160 : i32
        %get3A_1162 = arith.constant 0 : i32
        %get3A_1163 = arith.constant 0 : i32
        %get3A_1164 = tpu.memref_slice %arg6[%scan3A_128, %get3A_1162, %get3A_1163] : memref<2x128x64xf32, #tpu.memory_space<vmem>> -> memref<1x128x64xf32, #tpu.memory_space<vmem>>
        %get3A_1165 = tpu.memref_squeeze %get3A_1164 : memref<1x128x64xf32, #tpu.memory_space<vmem>> -> memref<128x64xf32, #tpu.memory_space<vmem>>
        %get3A_1166 = arith.index_cast %add3A_1161 : i32 to index
        %get3A_1167 = arith.constant 48 : index
        %get3A_1168 = tpu.vector_load %get3A_1165[%get3A_1166, %get3A_1167] {strides = array<i32>} : memref<128x64xf32, #tpu.memory_space<vmem>>, vector<1x16xf32>,
        %get3A_1169 = vector.shape_cast %get3A_1168 : vector<1x16xf32> to vector<16xf32>
        %max3A_1170 = arith.maximumf %max3A_1155, %get3A_1169 : vector<16xf32>
        %min3A_1171 = arith.minimumf %min3A_1156, %get3A_1169 : vector<16xf32>
        %add3A_1172 = arith.addf %add3A_1157, %get3A_1169 : vector<16xf32>
        %mul3A_1173 = arith.mulf %get3A_1169, %get3A_1169 : vector<16xf32>
        %add3A_1174 = arith.addf %add3A_1159, %mul3A_1173 : vector<16xf32>
        %add3A_1175 = arith.constant 14 : i32
        %add3A_1176 = arith.addi %mul3A_164, %add3A_1175 : i32
        %get3A_1177 = arith.constant 0 : i32
        %get3A_1178 = arith.constant 0 : i32
        %get3A_1179 = tpu.memref_slice %arg6[%scan3A_128, %get3A_1177, %get3A_1178] : memref<2x128x64xf32, #tpu.memory_space<vmem>> -> memref<1x128x64xf32, #tpu.memory_space<vmem>>
        %get3A_1180 = tpu.memref_squeeze %get3A_1179 : memref<1x128x64xf32, #tpu.memory_space<vmem>> -> memref<128x64xf32, #tpu.memory_space<vmem>>
        %get3A_1181 = arith.index_cast %add3A_1176 : i32 to index
        %get3A_1182 = arith.constant 48 : index
        %get3A_1183 = tpu.vector_load %get3A_1180[%get3A_1181, %get3A_1182] {strides = array<i32>} : memref<128x64xf32, #tpu.memory_space<vmem>>, vector<1x16xf32>,
        %get3A_1184 = vector.shape_cast %get3A_1183 : vector<1x16xf32> to vector<16xf32>
        %max3A_1185 = arith.maximumf %max3A_1170, %get3A_1184 : vector<16xf32>
        %min3A_1186 = arith.minimumf %min3A_1171, %get3A_1184 : vector<16xf32>
        %add3A_1187 = arith.addf %add3A_1172, %get3A_1184 : vector<16xf32>
        %mul3A_1188 = arith.mulf %get3A_1184, %get3A_1184 : vector<16xf32>
        %add3A_1189 = arith.addf %add3A_1174, %mul3A_1188 : vector<16xf32>
        %add3A_1190 = arith.constant 15 : i32
        %add3A_1191 = arith.addi %mul3A_164, %add3A_1190 : i32
        %get3A_1192 = arith.constant 0 : i32
        %get3A_1193 = arith.constant 0 : i32
        %get3A_1194 = tpu.memref_slice %arg6[%scan3A_128, %get3A_1192, %get3A_1193] : memref<2x128x64xf32, #tpu.memory_space<vmem>> -> memref<1x128x64xf32, #tpu.memory_space<vmem>>
        %get3A_1195 = tpu.memref_squeeze %get3A_1194 : memref<1x128x64xf32, #tpu.memory_space<vmem>> -> memref<128x64xf32, #tpu.memory_space<vmem>>
        %get3A_1196 = arith.index_cast %add3A_1191 : i32 to index
        %get3A_1197 = arith.constant 48 : index
        %get3A_1198 = tpu.vector_load %get3A_1195[%get3A_1196, %get3A_1197] {strides = array<i32>} : memref<128x64xf32, #tpu.memory_space<vmem>>, vector<1x16xf32>,
        %get3A_1199 = vector.shape_cast %get3A_1198 : vector<1x16xf32> to vector<16xf32>
        %max3A_1200 = arith.maximumf %max3A_1185, %get3A_1199 : vector<16xf32>
        %min3A_1201 = arith.minimumf %min3A_1186, %get3A_1199 : vector<16xf32>
        %add3A_1202 = arith.addf %add3A_1187, %get3A_1199 : vector<16xf32>
        %mul3A_1203 = arith.mulf %get3A_1199, %get3A_1199 : vector<16xf32>
        %add3A_1204 = arith.addf %add3A_1189, %mul3A_1203 : vector<16xf32>
        %swap3A_1205 = arith.constant 0 : i32
        %swap3A_1206 = arith.constant 0 : i32
        %swap3A_1207 = tpu.memref_slice %arg7[%scan3A_129, %swap3A_1205, %swap3A_1206] : memref<2x8x256xf32, #tpu.memory_space<vmem>> -> memref<1x8x256xf32, #tpu.memory_space<vmem>>
        %swap3A_1208 = tpu.memref_squeeze %swap3A_1207 : memref<1x8x256xf32, #tpu.memory_space<vmem>> -> memref<8x256xf32, #tpu.memory_space<vmem>>
        %swap3A_1209 = arith.index_cast %add3A_162 : i32 to index
        %swap3A_1210 = arith.constant 48 : index
        %swap3A_1211 = tpu.vector_load %swap3A_1208[%swap3A_1209, %swap3A_1210] {strides = array<i32>} : memref<8x256xf32, #tpu.memory_space<vmem>>, vector<1x16xf32>,
        %swap3A_1212 = vector.shape_cast %swap3A_1211 : vector<1x16xf32> to vector<16xf32>
        %swap3A_1213 = vector.shape_cast %max3A_1200 : vector<16xf32> to vector<1x16xf32>
        tpu.vector_store %swap3A_1208[%swap3A_1209, %swap3A_1210], %swap3A_1213 {strides = array<i32>} : memref<8x256xf32, #tpu.memory_space<vmem>>, vector<1x16xf32>,
        %swap3A_1214 = arith.constant 0 : i32
        %swap3A_1215 = arith.constant 0 : i32
        %swap3A_1216 = tpu.memref_slice %arg7[%scan3A_129, %swap3A_1214, %swap3A_1215] : memref<2x8x256xf32, #tpu.memory_space<vmem>> -> memref<1x8x256xf32, #tpu.memory_space<vmem>>
        %swap3A_1217 = tpu.memref_squeeze %swap3A_1216 : memref<1x8x256xf32, #tpu.memory_space<vmem>> -> memref<8x256xf32, #tpu.memory_space<vmem>>
        %swap3A_1218 = arith.index_cast %add3A_162 : i32 to index
        %swap3A_1219 = arith.constant 112 : index
        %swap3A_1220 = tpu.vector_load %swap3A_1217[%swap3A_1218, %swap3A_1219] {strides = array<i32>} : memref<8x256xf32, #tpu.memory_space<vmem>>, vector<1x16xf32>,
        %swap3A_1221 = vector.shape_cast %swap3A_1220 : vector<1x16xf32> to vector<16xf32>
        %swap3A_1222 = vector.shape_cast %min3A_1201 : vector<16xf32> to vector<1x16xf32>
        tpu.vector_store %swap3A_1217[%swap3A_1218, %swap3A_1219], %swap3A_1222 {strides = array<i32>} : memref<8x256xf32, #tpu.memory_space<vmem>>, vector<1x16xf32>,
        %swap3A_1223 = arith.constant 0 : i32
        %swap3A_1224 = arith.constant 0 : i32
        %swap3A_1225 = tpu.memref_slice %arg7[%scan3A_129, %swap3A_1223, %swap3A_1224] : memref<2x8x256xf32, #tpu.memory_space<vmem>> -> memref<1x8x256xf32, #tpu.memory_space<vmem>>
        %swap3A_1226 = tpu.memref_squeeze %swap3A_1225 : memref<1x8x256xf32, #tpu.memory_space<vmem>> -> memref<8x256xf32, #tpu.memory_space<vmem>>
        %swap3A_1227 = arith.index_cast %add3A_162 : i32 to index
        %swap3A_1228 = arith.constant 176 : index
        %swap3A_1229 = tpu.vector_load %swap3A_1226[%swap3A_1227, %swap3A_1228] {strides = array<i32>} : memref<8x256xf32, #tpu.memory_space<vmem>>, vector<1x16xf32>,
        %swap3A_1230 = vector.shape_cast %swap3A_1229 : vector<1x16xf32> to vector<16xf32>
        %swap3A_1231 = vector.shape_cast %add3A_1202 : vector<16xf32> to vector<1x16xf32>
        tpu.vector_store %swap3A_1226[%swap3A_1227, %swap3A_1228], %swap3A_1231 {strides = array<i32>} : memref<8x256xf32, #tpu.memory_space<vmem>>, vector<1x16xf32>,
        %swap3A_1232 = arith.constant 0 : i32
        %swap3A_1233 = arith.constant 0 : i32
        %swap3A_1234 = tpu.memref_slice %arg7[%scan3A_129, %swap3A_1232, %swap3A_1233] : memref<2x8x256xf32, #tpu.memory_space<vmem>> -> memref<1x8x256xf32, #tpu.memory_space<vmem>>
        %swap3A_1235 = tpu.memref_squeeze %swap3A_1234 : memref<1x8x256xf32, #tpu.memory_space<vmem>> -> memref<8x256xf32, #tpu.memory_space<vmem>>
        %swap3A_1236 = arith.index_cast %add3A_162 : i32 to index
        %swap3A_1237 = arith.constant 240 : index
        %swap3A_1238 = tpu.vector_load %swap3A_1235[%swap3A_1236, %swap3A_1237] {strides = array<i32>} : memref<8x256xf32, #tpu.memory_space<vmem>>, vector<1x16xf32>,
        %swap3A_1239 = vector.shape_cast %swap3A_1238 : vector<1x16xf32> to vector<16xf32>
        %swap3A_1240 = vector.shape_cast %add3A_1204 : vector<16xf32> to vector<1x16xf32>
        tpu.vector_store %swap3A_1235[%swap3A_1236, %swap3A_1237], %swap3A_1240 {strides = array<i32>} : memref<8x256xf32, #tpu.memory_space<vmem>>, vector<1x16xf32>,
      }
      %scan3A_134 = arith.constant 8 : i32
      %add3A_135 = arith.addi %mul3A_2, %add3A_111 : i32
      %mul3A_136 = arith.constant 8 : i32
      %mul3A_137 = arith.muli %add3A_135, %mul3A_136 : i32
      %dma_start3A_138 = arith.constant 1 : i32
      %dma_start3A_139 = arith.constant 0 : i32
      %dma_start3A_140 = arith.constant 0 : i32
      %dma_start3A_141 = tpu.memref_slice %arg7[%dma_start3A_138, %dma_start3A_139, %dma_start3A_140] : memref<2x8x256xf32, #tpu.memory_space<vmem>> -> memref<1x8x256xf32, #tpu.memory_space<vmem>>
      %dma_start3A_142 = tpu.memref_squeeze %dma_start3A_141 : memref<1x8x256xf32, #tpu.memory_space<vmem>> -> memref<8x256xf32, #tpu.memory_space<vmem>>
      %dma_start3A_143 = arith.constant 0 : i32
      %dma_start3A_144 = tpu.memref_slice %arg4[%mul3A_137, %dma_start3A_143] : memref<16384x256xf32, #tpu.memory_space<hbm>> -> memref<8x256xf32, #tpu.memory_space<hbm>>
      %dma_start3A_145 = arith.constant 0 : i32
      %dma_start3A_146 = tpu.memref_slice %arg4[%mul3A_137, %dma_start3A_145] : memref<16384x256xf32, #tpu.memory_space<hbm>> -> memref<8x256xf32, #tpu.memory_space<hbm>>
      %dma_start3A_147 = arith.constant 0 : i32
      %dma_start3A_148 = arith.constant 0 : i32
      %dma_start3A_149 = tpu.memref_slice %arg7[%dma_start3A_138, %dma_start3A_147, %dma_start3A_148] : memref<2x8x256xf32, #tpu.memory_space<vmem>> -> memref<1x8x256xf32, #tpu.memory_space<vmem>>
      %dma_start3A_150 = tpu.memref_squeeze %dma_start3A_149 : memref<1x8x256xf32, #tpu.memory_space<vmem>> -> memref<8x256xf32, #tpu.memory_space<vmem>>
      tpu.enqueue_dma source(%dma_start3A_150 : memref<8x256xf32, #tpu.memory_space<vmem>>) target(%dma_start3A_146 : memref<8x256xf32, #tpu.memory_space<hbm>>) target_semaphore(%arg11 : memref<!tpu.dma_semaphore, #tpu.memory_space<semaphore_mem>>)
      %add3A_151 = arith.constant 2 : i32
      %add3A_152 = arith.addi %add3A_111, %add3A_151 : i32
      %lt3A_153 = arith.constant 64 : i32
      %lt3A_154 = arith.cmpi slt, %add3A_152, %lt3A_153 : i32
      %convert_element_type3A_155 = arith.extui %lt3A_154 : i1 to i32
      %cond3A_156 = arith.constant 0 : i32
      %cond3A_157 = arith.cmpi ne, %convert_element_type3A_155, %cond3A_156 : i32
      scf.if %cond3A_157 {
        %add3A_158 = arith.constant 2 : i32
        %add3A_159 = arith.addi %add3A_111, %add3A_158 : i32
        %dma_start3A_160 = arith.constant 1 : i32
        %dma_start3A_161 = arith.constant 0 : i32
        %dma_start3A_162 = arith.constant 0 : i32
        %dma_start3A_163 = tpu.memref_slice %arg6[%dma_start3A_160, %dma_start3A_161, %dma_start3A_162] : memref<2x128x64xf32, #tpu.memory_space<vmem>> -> memref<1x128x64xf32, #tpu.memory_space<vmem>>
        %dma_start3A_164 = tpu.memref_squeeze %dma_start3A_163 : memref<1x128x64xf32, #tpu.memory_space<vmem>> -> memref<128x64xf32, #tpu.memory_space<vmem>>
        %dma_start3A_165 = arith.constant 0 : i32
        %dma_start3A_166 = tpu.memref_slice %arg5[%add3A_159, %dma_start3A_165] : memref<64x128xi32, #tpu.memory_space<vmem>> -> memref<1x128xi32, #tpu.memory_space<vmem>>
        %dma_start3A_167 = tpu.memref_squeeze %dma_start3A_166 : memref<1x128xi32, #tpu.memory_space<vmem>> -> memref<128xi32, #tpu.memory_space<vmem>>
        %dma_start3A_168 = arith.constant 0 : i32
        %dma_start3A_169 = arith.constant 0 : i32
        %dma_start3A_170 = tpu.memref_slice %arg2[%dma_start3A_168, %dma_start3A_169] : memref<16384x64xf32, #tpu.memory_space<hbm>> -> memref<16384x64xf32, #tpu.memory_space<hbm>>
        tpu.enqueue_indirect_dma source(%dma_start3A_170 : memref<16384x64xf32, #tpu.memory_space<hbm>>) target(%dma_start3A_164 : memref<128x64xf32, #tpu.memory_space<vmem>>) offsets(%dma_start3A_167 : memref<128xi32, #tpu.memory_space<vmem>>) semaphore(%arg9 : memref<!tpu.dma_semaphore, #tpu.memory_space<semaphore_mem>>)
      } else {
      }
    }
    %scan3A_29 = arith.constant 32 : i32
    %add3A_30 = arith.constant 62 : i32
    %add3A_31 = arith.addi %mul3A_2, %add3A_30 : i32
    %mul3A_32 = arith.constant 8 : i32
    %mul3A_33 = arith.muli %add3A_31, %mul3A_32 : i32
    %dma_wait3A = arith.constant 0 : i32
    %dma_wait3A_34 = arith.constant 0 : i32
    %dma_wait3A_35 = arith.constant 0 : i32
    %dma_wait3A_36 = tpu.memref_slice %arg7[%dma_wait3A, %dma_wait3A_34, %dma_wait3A_35] : memref<2x8x256xf32, #tpu.memory_space<vmem>> -> memref<1x8x256xf32, #tpu.memory_space<vmem>>
    %dma_wait3A_37 = tpu.memref_squeeze %dma_wait3A_36 : memref<1x8x256xf32, #tpu.memory_space<vmem>> -> memref<8x256xf32, #tpu.memory_space<vmem>>
    %dma_wait3A_38 = arith.constant 0 : i32
    %dma_wait3A_39 = tpu.memref_slice %arg4[%mul3A_33, %dma_wait3A_38] : memref<16384x256xf32, #tpu.memory_space<hbm>> -> memref<8x256xf32, #tpu.memory_space<hbm>>
    %dma_wait3A_40 = arith.constant 0 : i32
    %dma_wait3A_41 = tpu.memref_slice %arg4[%mul3A_33, %dma_wait3A_40] : memref<16384x256xf32, #tpu.memory_space<hbm>> -> memref<8x256xf32, #tpu.memory_space<hbm>>
    %dma_wait3A_42 = arith.constant 0 : i32
    %dma_wait3A_43 = arith.constant 0 : i32
    %dma_wait3A_44 = tpu.memref_slice %arg7[%dma_wait3A, %dma_wait3A_42, %dma_wait3A_43] : memref<2x8x256xf32, #tpu.memory_space<vmem>> -> memref<1x8x256xf32, #tpu.memory_space<vmem>>
    %dma_wait3A_45 = tpu.memref_squeeze %dma_wait3A_44 : memref<1x8x256xf32, #tpu.memory_space<vmem>> -> memref<8x256xf32, #tpu.memory_space<vmem>>
    tpu.wait_dma2 semaphore(%arg10 : memref<!tpu.dma_semaphore, #tpu.memory_space<semaphore_mem>>) src(%dma_wait3A_45 : memref<8x256xf32, #tpu.memory_space<vmem>>) dst(%dma_wait3A_41 : memref<8x256xf32, #tpu.memory_space<hbm>>)
    %add3A_46 = arith.constant 63 : i32
    %add3A_47 = arith.addi %mul3A_2, %add3A_46 : i32
    %mul3A_48 = arith.constant 8 : i32
    %mul3A_49 = arith.muli %add3A_47, %mul3A_48 : i32
    %dma_wait3A_50 = arith.constant 1 : i32
    %dma_wait3A_51 = arith.constant 0 : i32
    %dma_wait3A_52 = arith.constant 0 : i32
    %dma_wait3A_53 = tpu.memref_slice %arg7[%dma_wait3A_50, %dma_wait3A_51, %dma_wait3A_52] : memref<2x8x256xf32, #tpu.memory_space<vmem>> -> memref<1x8x256xf32, #tpu.memory_space<vmem>>
    %dma_wait3A_54 = tpu.memref_squeeze %dma_wait3A_53 : memref<1x8x256xf32, #tpu.memory_space<vmem>> -> memref<8x256xf32, #tpu.memory_space<vmem>>
    %dma_wait3A_55 = arith.constant 0 : i32
    %dma_wait3A_56 = tpu.memref_slice %arg4[%mul3A_49, %dma_wait3A_55] : memref<16384x256xf32, #tpu.memory_space<hbm>> -> memref<8x256xf32, #tpu.memory_space<hbm>>
    %dma_wait3A_57 = arith.constant 0 : i32
    %dma_wait3A_58 = tpu.memref_slice %arg4[%mul3A_49, %dma_wait3A_57] : memref<16384x256xf32, #tpu.memory_space<hbm>> -> memref<8x256xf32, #tpu.memory_space<hbm>>
    %dma_wait3A_59 = arith.constant 0 : i32
    %dma_wait3A_60 = arith.constant 0 : i32
    %dma_wait3A_61 = tpu.memref_slice %arg7[%dma_wait3A_50, %dma_wait3A_59, %dma_wait3A_60] : memref<2x8x256xf32, #tpu.memory_space<vmem>> -> memref<1x8x256xf32, #tpu.memory_space<vmem>>
    %dma_wait3A_62 = tpu.memref_squeeze %dma_wait3A_61 : memref<1x8x256xf32, #tpu.memory_space<vmem>> -> memref<8x256xf32, #tpu.memory_space<vmem>>
    tpu.wait_dma2 semaphore(%arg11 : memref<!tpu.dma_semaphore, #tpu.memory_space<semaphore_mem>>) src(%dma_wait3A_62 : memref<8x256xf32, #tpu.memory_space<vmem>>) dst(%dma_wait3A_58 : memref<8x256xf32, #tpu.memory_space<hbm>>)
    return
  }
}

module attributes {stable_mosaic.version = 14 : i64} {
  func.func @_proj_body(%arg0: i32, %arg1: memref<512x64xf32, #tpu.memory_space<vmem>>, %arg2: memref<64x128xf32, #tpu.memory_space<vmem>>, %arg3: memref<512x64xf32, #tpu.memory_space<vmem>>, %arg4: memref<512x64xf32, #tpu.memory_space<vmem>>) attributes {dimension_semantics = [#tpu.dimension_semantics<arbitrary>], iteration_bounds = array<i64: 32>, scalar_prefetch = 0 : i64, scratch_operands = 0 : i64, tpu.core_type = #tpu.core_type<tc>, window_params = [{transform_indices = @transform_0, window_bounds = array<i64: 512, 64>}, {pipeline_mode = #tpu.pipeline_mode<synchronous>, transform_indices = @transform_1, window_bounds = array<i64: 64, 128>}, {transform_indices = @transform_2, window_bounds = array<i64: 512, 64>}, {transform_indices = @transform_3, window_bounds = array<i64: 512, 64>}]} {
    %get3A = arith.constant 0 : index
    %get3A_0 = arith.constant 0 : index
    %get3A_1 = vector.load %arg1[%get3A, %get3A_0] : memref<512x64xf32, #tpu.memory_space<vmem>>, vector<512x64xf32>
    %get3A_2 = arith.constant 0 : index
    %get3A_3 = arith.constant 0 : index
    %get3A_4 = vector.load %arg2[%get3A_2, %get3A_3] : memref<64x128xf32, #tpu.memory_space<vmem>>, vector<64x128xf32>
    %dot_general3A = arith.constant dense<0.000000e+00> : vector<512x128xf32>
    %dot_general3A_5 = tpu.matmul %get3A_1, %get3A_4, %dot_general3A {dimension_numbers = #tpu.dot_dimension_numbers<[1], [0], [0], [1], [0, 0, 1, 1], [], []>, precision = #tpu.contract_precision<fp32>, transpose_lhs_hint = false} : vector<512x64xf32>, vector<64x128xf32>, vector<512x128xf32> -> vector<512x128xf32>
    %slice3A = vector.extract_strided_slice %dot_general3A_5 {offsets = [0, 0], sizes = [512, 64], strides = [1, 1]} : vector<512x128xf32> to vector<512x64xf32>
    %swap3A = arith.constant 0 : index
    %swap3A_6 = arith.constant 0 : index
    %swap3A_7 = vector.load %arg3[%swap3A, %swap3A_6] : memref<512x64xf32, #tpu.memory_space<vmem>>, vector<512x64xf32>
    tpu.vector_store %arg3[%swap3A, %swap3A_6], %slice3A {strides = array<i32>} : memref<512x64xf32, #tpu.memory_space<vmem>>, vector<512x64xf32>,
    %slice3A_8 = vector.extract_strided_slice %dot_general3A_5 {offsets = [0, 64], sizes = [512, 64], strides = [1, 1]} : vector<512x128xf32> to vector<512x64xf32>
    %swap3A_9 = arith.constant 0 : index
    %swap3A_10 = arith.constant 0 : index
    %swap3A_11 = vector.load %arg4[%swap3A_9, %swap3A_10] : memref<512x64xf32, #tpu.memory_space<vmem>>, vector<512x64xf32>
    tpu.vector_store %arg4[%swap3A_9, %swap3A_10], %slice3A_8 {strides = array<i32>} : memref<512x64xf32, #tpu.memory_space<vmem>>, vector<512x64xf32>,
    return
  }
  func.func @transform_0(%arg0: i32) -> (i32, i32) {
    %c0_i32 = arith.constant 0 : i32
    %c0_i32_0 = arith.constant 0 : i32
    return %arg0, %c0_i32 : i32, i32
  }
  func.func @transform_1(%arg0: i32) -> (i32, i32) {
    %c0_i32 = arith.constant 0 : i32
    %c0_i32_0 = arith.constant 0 : i32
    %c0_i32_1 = arith.constant 0 : i32
    return %c0_i32, %c0_i32_0 : i32, i32
  }
  func.func @transform_2(%arg0: i32) -> (i32, i32) {
    %c0_i32 = arith.constant 0 : i32
    %c0_i32_0 = arith.constant 0 : i32
    return %arg0, %c0_i32 : i32, i32
  }
  func.func @transform_3(%arg0: i32) -> (i32, i32) {
    %c0_i32 = arith.constant 0 : i32
    %c0_i32_0 = arith.constant 0 : i32
    return %arg0, %c0_i32 : i32, i32
  }
}

module attributes {stable_mosaic.version = 14 : i64} {
  func.func @_knn_body(%arg0: i32, %arg1: i32, %arg2: memref<256x64xf32, #tpu.memory_space<vmem>>, %arg3: memref<2048x64xf32, #tpu.memory_space<vmem>>, %arg4: memref<64x2048xf32, #tpu.memory_space<vmem>>, %arg5: memref<256x16xi32, #tpu.memory_space<vmem>>) attributes {dimension_semantics = [#tpu.dimension_semantics<arbitrary>, #tpu.dimension_semantics<arbitrary>], iteration_bounds = array<i64: 8, 8>, scalar_prefetch = 0 : i64, scratch_operands = 0 : i64, tpu.core_type = #tpu.core_type<tc>, window_params = [{transform_indices = @transform_0, window_bounds = array<i64: 256, 64>}, {transform_indices = @transform_1, window_bounds = array<i64: 2048, 64>}, {transform_indices = @transform_2, window_bounds = array<i64: 64, 2048>}, {transform_indices = @transform_3, window_bounds = array<i64: 256, 16>}]} {
    %get3A = arith.constant 0 : index
    %get3A_0 = arith.constant 0 : index
    %get3A_1 = vector.load %arg2[%get3A, %get3A_0] : memref<256x64xf32, #tpu.memory_space<vmem>>, vector<256x64xf32>
    %get3A_2 = arith.constant 0 : index
    %get3A_3 = arith.constant 0 : index
    %get3A_4 = vector.load %arg3[%get3A_2, %get3A_3] : memref<2048x64xf32, #tpu.memory_space<vmem>>, vector<2048x64xf32>
    %get3A_5 = arith.constant 0 : index
    %get3A_6 = arith.constant 0 : index
    %get3A_7 = vector.load %arg4[%get3A_5, %get3A_6] : memref<64x2048xf32, #tpu.memory_space<vmem>>, vector<64x2048xf32>
    %dot_general3A = arith.constant dense<0.000000e+00> : vector<256x2048xf32>
    %dot_general3A_8 = tpu.matmul %get3A_1, %get3A_4, %dot_general3A {dimension_numbers = #tpu.dot_dimension_numbers<[1], [1], [0], [0], [0, 0, 1, 0], [], []>, transpose_lhs_hint = false} : vector<256x64xf32>, vector<2048x64xf32>, vector<256x2048xf32> -> vector<256x2048xf32>
    %mul3A = arith.mulf %get3A_1, %get3A_1 : vector<256x64xf32>
    %reduce_sum3A = arith.constant dense<0.000000e+00> : vector<256xf32>
    %reduce_sum3A_9 = vector.multi_reduction <add>, %mul3A, %reduce_sum3A [1] : vector<256x64xf32> to vector<256xf32>
    %broadcast_in_dim3A = vector.shape_cast %reduce_sum3A_9 : vector<256xf32> to vector<256x1xf32>
    %mul3A_10 = arith.mulf %get3A_7, %get3A_7 : vector<64x2048xf32>
    %reduce_sum3A_11 = arith.constant dense<0.000000e+00> : vector<2048xf32>
    %reduce_sum3A_12 = vector.multi_reduction <add>, %mul3A_10, %reduce_sum3A_11 [0] : vector<64x2048xf32> to vector<2048xf32>
    %broadcast_in_dim3A_13 = vector.shape_cast %reduce_sum3A_12 : vector<2048xf32> to vector<1x2048xf32>
    %add3A = vector.broadcast %broadcast_in_dim3A : vector<256x1xf32> to vector<256x2048xf32>
    %add3A_14 = vector.broadcast %broadcast_in_dim3A_13 : vector<1x2048xf32> to vector<256x2048xf32>
    %add3A_15 = arith.addf %add3A, %add3A_14 : vector<256x2048xf32>
    %mul3A_16 = arith.constant 2.000000e+00 : f32
    %mul3A_17 = vector.broadcast %mul3A_16 : f32 to vector<256x2048xf32>
    %mul3A_18 = arith.mulf %mul3A_17, %dot_general3A_8 : vector<256x2048xf32>
    %sub3A = arith.subf %add3A_15, %mul3A_18 : vector<256x2048xf32>
    %iota3A = tpu.iota {dimensions = array<i32: 1>} : vector<256x128xi32>
    %slice3A = vector.extract_strided_slice %sub3A {offsets = [0, 0], sizes = [256, 128], strides = [1, 1]} : vector<256x2048xf32> to vector<256x128xf32>
    %slice3A_19 = vector.extract_strided_slice %sub3A {offsets = [0, 128], sizes = [256, 128], strides = [1, 1]} : vector<256x2048xf32> to vector<256x128xf32>
    %slice3A_20 = vector.extract_strided_slice %sub3A {offsets = [0, 256], sizes = [256, 128], strides = [1, 1]} : vector<256x2048xf32> to vector<256x128xf32>
    %slice3A_21 = vector.extract_strided_slice %sub3A {offsets = [0, 384], sizes = [256, 128], strides = [1, 1]} : vector<256x2048xf32> to vector<256x128xf32>
    %slice3A_22 = vector.extract_strided_slice %sub3A {offsets = [0, 512], sizes = [256, 128], strides = [1, 1]} : vector<256x2048xf32> to vector<256x128xf32>
    %slice3A_23 = vector.extract_strided_slice %sub3A {offsets = [0, 640], sizes = [256, 128], strides = [1, 1]} : vector<256x2048xf32> to vector<256x128xf32>
    %slice3A_24 = vector.extract_strided_slice %sub3A {offsets = [0, 768], sizes = [256, 128], strides = [1, 1]} : vector<256x2048xf32> to vector<256x128xf32>
    %slice3A_25 = vector.extract_strided_slice %sub3A {offsets = [0, 896], sizes = [256, 128], strides = [1, 1]} : vector<256x2048xf32> to vector<256x128xf32>
    %slice3A_26 = vector.extract_strided_slice %sub3A {offsets = [0, 1024], sizes = [256, 128], strides = [1, 1]} : vector<256x2048xf32> to vector<256x128xf32>
    %slice3A_27 = vector.extract_strided_slice %sub3A {offsets = [0, 1152], sizes = [256, 128], strides = [1, 1]} : vector<256x2048xf32> to vector<256x128xf32>
    %slice3A_28 = vector.extract_strided_slice %sub3A {offsets = [0, 1280], sizes = [256, 128], strides = [1, 1]} : vector<256x2048xf32> to vector<256x128xf32>
    %slice3A_29 = vector.extract_strided_slice %sub3A {offsets = [0, 1408], sizes = [256, 128], strides = [1, 1]} : vector<256x2048xf32> to vector<256x128xf32>
    %slice3A_30 = vector.extract_strided_slice %sub3A {offsets = [0, 1536], sizes = [256, 128], strides = [1, 1]} : vector<256x2048xf32> to vector<256x128xf32>
    %slice3A_31 = vector.extract_strided_slice %sub3A {offsets = [0, 1664], sizes = [256, 128], strides = [1, 1]} : vector<256x2048xf32> to vector<256x128xf32>
    %slice3A_32 = vector.extract_strided_slice %sub3A {offsets = [0, 1792], sizes = [256, 128], strides = [1, 1]} : vector<256x2048xf32> to vector<256x128xf32>
    %slice3A_33 = vector.extract_strided_slice %sub3A {offsets = [0, 1920], sizes = [256, 128], strides = [1, 1]} : vector<256x2048xf32> to vector<256x128xf32>
    %add3A_34 = arith.constant 0 : i32
    %add3A_35 = vector.broadcast %add3A_34 : i32 to vector<256x128xi32>
    %add3A_36 = arith.addi %iota3A, %add3A_35 : vector<256x128xi32>
    %add3A_37 = arith.constant 128 : i32
    %add3A_38 = vector.broadcast %add3A_37 : i32 to vector<256x128xi32>
    %add3A_39 = arith.addi %iota3A, %add3A_38 : vector<256x128xi32>
    %add3A_40 = arith.constant 256 : i32
    %add3A_41 = vector.broadcast %add3A_40 : i32 to vector<256x128xi32>
    %add3A_42 = arith.addi %iota3A, %add3A_41 : vector<256x128xi32>
    %add3A_43 = arith.constant 384 : i32
    %add3A_44 = vector.broadcast %add3A_43 : i32 to vector<256x128xi32>
    %add3A_45 = arith.addi %iota3A, %add3A_44 : vector<256x128xi32>
    %add3A_46 = arith.constant 512 : i32
    %add3A_47 = vector.broadcast %add3A_46 : i32 to vector<256x128xi32>
    %add3A_48 = arith.addi %iota3A, %add3A_47 : vector<256x128xi32>
    %add3A_49 = arith.constant 640 : i32
    %add3A_50 = vector.broadcast %add3A_49 : i32 to vector<256x128xi32>
    %add3A_51 = arith.addi %iota3A, %add3A_50 : vector<256x128xi32>
    %add3A_52 = arith.constant 768 : i32
    %add3A_53 = vector.broadcast %add3A_52 : i32 to vector<256x128xi32>
    %add3A_54 = arith.addi %iota3A, %add3A_53 : vector<256x128xi32>
    %add3A_55 = arith.constant 896 : i32
    %add3A_56 = vector.broadcast %add3A_55 : i32 to vector<256x128xi32>
    %add3A_57 = arith.addi %iota3A, %add3A_56 : vector<256x128xi32>
    %add3A_58 = arith.constant 1024 : i32
    %add3A_59 = vector.broadcast %add3A_58 : i32 to vector<256x128xi32>
    %add3A_60 = arith.addi %iota3A, %add3A_59 : vector<256x128xi32>
    %add3A_61 = arith.constant 1152 : i32
    %add3A_62 = vector.broadcast %add3A_61 : i32 to vector<256x128xi32>
    %add3A_63 = arith.addi %iota3A, %add3A_62 : vector<256x128xi32>
    %add3A_64 = arith.constant 1280 : i32
    %add3A_65 = vector.broadcast %add3A_64 : i32 to vector<256x128xi32>
    %add3A_66 = arith.addi %iota3A, %add3A_65 : vector<256x128xi32>
    %add3A_67 = arith.constant 1408 : i32
    %add3A_68 = vector.broadcast %add3A_67 : i32 to vector<256x128xi32>
    %add3A_69 = arith.addi %iota3A, %add3A_68 : vector<256x128xi32>
    %add3A_70 = arith.constant 1536 : i32
    %add3A_71 = vector.broadcast %add3A_70 : i32 to vector<256x128xi32>
    %add3A_72 = arith.addi %iota3A, %add3A_71 : vector<256x128xi32>
    %add3A_73 = arith.constant 1664 : i32
    %add3A_74 = vector.broadcast %add3A_73 : i32 to vector<256x128xi32>
    %add3A_75 = arith.addi %iota3A, %add3A_74 : vector<256x128xi32>
    %add3A_76 = arith.constant 1792 : i32
    %add3A_77 = vector.broadcast %add3A_76 : i32 to vector<256x128xi32>
    %add3A_78 = arith.addi %iota3A, %add3A_77 : vector<256x128xi32>
    %add3A_79 = arith.constant 1920 : i32
    %add3A_80 = vector.broadcast %add3A_79 : i32 to vector<256x128xi32>
    %add3A_81 = arith.addi %iota3A, %add3A_80 : vector<256x128xi32>
    %lt3A = arith.cmpf olt, %slice3A_19, %slice3A : vector<256x128xf32>
    %select_n3A = arith.select %lt3A, %slice3A_19, %slice3A : vector<256x128xi1>, vector<256x128xf32>
    %select_n3A_82 = arith.select %lt3A, %add3A_39, %add3A_36 : vector<256x128xi1>, vector<256x128xi32>
    %lt3A_83 = arith.cmpf olt, %slice3A_20, %select_n3A : vector<256x128xf32>
    %select_n3A_84 = arith.select %lt3A_83, %slice3A_20, %select_n3A : vector<256x128xi1>, vector<256x128xf32>
    %select_n3A_85 = arith.select %lt3A_83, %add3A_42, %select_n3A_82 : vector<256x128xi1>, vector<256x128xi32>
    %lt3A_86 = arith.cmpf olt, %slice3A_21, %select_n3A_84 : vector<256x128xf32>
    %select_n3A_87 = arith.select %lt3A_86, %slice3A_21, %select_n3A_84 : vector<256x128xi1>, vector<256x128xf32>
    %select_n3A_88 = arith.select %lt3A_86, %add3A_45, %select_n3A_85 : vector<256x128xi1>, vector<256x128xi32>
    %lt3A_89 = arith.cmpf olt, %slice3A_22, %select_n3A_87 : vector<256x128xf32>
    %select_n3A_90 = arith.select %lt3A_89, %slice3A_22, %select_n3A_87 : vector<256x128xi1>, vector<256x128xf32>
    %select_n3A_91 = arith.select %lt3A_89, %add3A_48, %select_n3A_88 : vector<256x128xi1>, vector<256x128xi32>
    %lt3A_92 = arith.cmpf olt, %slice3A_23, %select_n3A_90 : vector<256x128xf32>
    %select_n3A_93 = arith.select %lt3A_92, %slice3A_23, %select_n3A_90 : vector<256x128xi1>, vector<256x128xf32>
    %select_n3A_94 = arith.select %lt3A_92, %add3A_51, %select_n3A_91 : vector<256x128xi1>, vector<256x128xi32>
    %lt3A_95 = arith.cmpf olt, %slice3A_24, %select_n3A_93 : vector<256x128xf32>
    %select_n3A_96 = arith.select %lt3A_95, %slice3A_24, %select_n3A_93 : vector<256x128xi1>, vector<256x128xf32>
    %select_n3A_97 = arith.select %lt3A_95, %add3A_54, %select_n3A_94 : vector<256x128xi1>, vector<256x128xi32>
    %lt3A_98 = arith.cmpf olt, %slice3A_25, %select_n3A_96 : vector<256x128xf32>
    %select_n3A_99 = arith.select %lt3A_98, %slice3A_25, %select_n3A_96 : vector<256x128xi1>, vector<256x128xf32>
    %select_n3A_100 = arith.select %lt3A_98, %add3A_57, %select_n3A_97 : vector<256x128xi1>, vector<256x128xi32>
    %lt3A_101 = arith.cmpf olt, %slice3A_26, %select_n3A_99 : vector<256x128xf32>
    %select_n3A_102 = arith.select %lt3A_101, %slice3A_26, %select_n3A_99 : vector<256x128xi1>, vector<256x128xf32>
    %select_n3A_103 = arith.select %lt3A_101, %add3A_60, %select_n3A_100 : vector<256x128xi1>, vector<256x128xi32>
    %lt3A_104 = arith.cmpf olt, %slice3A_27, %select_n3A_102 : vector<256x128xf32>
    %select_n3A_105 = arith.select %lt3A_104, %slice3A_27, %select_n3A_102 : vector<256x128xi1>, vector<256x128xf32>
    %select_n3A_106 = arith.select %lt3A_104, %add3A_63, %select_n3A_103 : vector<256x128xi1>, vector<256x128xi32>
    %lt3A_107 = arith.cmpf olt, %slice3A_28, %select_n3A_105 : vector<256x128xf32>
    %select_n3A_108 = arith.select %lt3A_107, %slice3A_28, %select_n3A_105 : vector<256x128xi1>, vector<256x128xf32>
    %select_n3A_109 = arith.select %lt3A_107, %add3A_66, %select_n3A_106 : vector<256x128xi1>, vector<256x128xi32>
    %lt3A_110 = arith.cmpf olt, %slice3A_29, %select_n3A_108 : vector<256x128xf32>
    %select_n3A_111 = arith.select %lt3A_110, %slice3A_29, %select_n3A_108 : vector<256x128xi1>, vector<256x128xf32>
    %select_n3A_112 = arith.select %lt3A_110, %add3A_69, %select_n3A_109 : vector<256x128xi1>, vector<256x128xi32>
    %lt3A_113 = arith.cmpf olt, %slice3A_30, %select_n3A_111 : vector<256x128xf32>
    %select_n3A_114 = arith.select %lt3A_113, %slice3A_30, %select_n3A_111 : vector<256x128xi1>, vector<256x128xf32>
    %select_n3A_115 = arith.select %lt3A_113, %add3A_72, %select_n3A_112 : vector<256x128xi1>, vector<256x128xi32>
    %lt3A_116 = arith.cmpf olt, %slice3A_31, %select_n3A_114 : vector<256x128xf32>
    %select_n3A_117 = arith.select %lt3A_116, %slice3A_31, %select_n3A_114 : vector<256x128xi1>, vector<256x128xf32>
    %select_n3A_118 = arith.select %lt3A_116, %add3A_75, %select_n3A_115 : vector<256x128xi1>, vector<256x128xi32>
    %lt3A_119 = arith.cmpf olt, %slice3A_32, %select_n3A_117 : vector<256x128xf32>
    %select_n3A_120 = arith.select %lt3A_119, %slice3A_32, %select_n3A_117 : vector<256x128xi1>, vector<256x128xf32>
    %select_n3A_121 = arith.select %lt3A_119, %add3A_78, %select_n3A_118 : vector<256x128xi1>, vector<256x128xi32>
    %lt3A_122 = arith.cmpf olt, %slice3A_33, %select_n3A_120 : vector<256x128xf32>
    %select_n3A_123 = arith.select %lt3A_122, %slice3A_33, %select_n3A_120 : vector<256x128xi1>, vector<256x128xf32>
    %select_n3A_124 = arith.select %lt3A_122, %add3A_81, %select_n3A_121 : vector<256x128xi1>, vector<256x128xi32>
    %reduce_min3A = arith.constant dense<0x7F800000> : vector<256xf32>
    %reduce_min3A_125 = vector.multi_reduction <minimumf>, %select_n3A_123, %reduce_min3A [1] : vector<256x128xf32> to vector<256xf32>
    %broadcast_in_dim3A_126 = vector.shape_cast %reduce_min3A_125 : vector<256xf32> to vector<256x1xf32>
    %eq3A = vector.broadcast %broadcast_in_dim3A_126 : vector<256x1xf32> to vector<256x128xf32>
    %eq3A_127 = arith.cmpf oeq, %select_n3A_123, %eq3A : vector<256x128xf32>
    %jit3A = arith.constant 2048 : i32
    %broadcast_in_dim3A_128 = vector.broadcast %jit3A : i32 to vector<256x128xi32>
    %select_n3A_129 = arith.select %eq3A_127, %select_n3A_124, %broadcast_in_dim3A_128 : vector<256x128xi1>, vector<256x128xi32>
    %reduce_min3A_130 = arith.constant dense<2147483647> : vector<256xi32>
    %reduce_min3A_131 = vector.multi_reduction <minsi>, %select_n3A_129, %reduce_min3A_130 [1] : vector<256x128xi32> to vector<256xi32>
    %broadcast_in_dim3A_132 = vector.shape_cast %reduce_min3A_131 : vector<256xi32> to vector<256x1xi32>
    %eq3A_133 = vector.broadcast %broadcast_in_dim3A_132 : vector<256x1xi32> to vector<256x128xi32>
    %eq3A_134 = arith.cmpi eq, %add3A_36, %eq3A_133 : vector<256x128xi32>
    %jit3A_135 = arith.constant 3.000000e+38 : f32
    %broadcast_in_dim3A_136 = vector.broadcast %jit3A_135 : f32 to vector<256x128xf32>
    %select_n3A_137 = arith.select %eq3A_134, %broadcast_in_dim3A_136, %slice3A : vector<256x128xi1>, vector<256x128xf32>
    %eq3A_138 = vector.broadcast %broadcast_in_dim3A_132 : vector<256x1xi32> to vector<256x128xi32>
    %eq3A_139 = arith.cmpi eq, %add3A_39, %eq3A_138 : vector<256x128xi32>
    %jit3A_140 = arith.constant 3.000000e+38 : f32
    %broadcast_in_dim3A_141 = vector.broadcast %jit3A_140 : f32 to vector<256x128xf32>
    %select_n3A_142 = arith.select %eq3A_139, %broadcast_in_dim3A_141, %slice3A_19 : vector<256x128xi1>, vector<256x128xf32>
    %eq3A_143 = vector.broadcast %broadcast_in_dim3A_132 : vector<256x1xi32> to vector<256x128xi32>
    %eq3A_144 = arith.cmpi eq, %add3A_42, %eq3A_143 : vector<256x128xi32>
    %jit3A_145 = arith.constant 3.000000e+38 : f32
    %broadcast_in_dim3A_146 = vector.broadcast %jit3A_145 : f32 to vector<256x128xf32>
    %select_n3A_147 = arith.select %eq3A_144, %broadcast_in_dim3A_146, %slice3A_20 : vector<256x128xi1>, vector<256x128xf32>
    %eq3A_148 = vector.broadcast %broadcast_in_dim3A_132 : vector<256x1xi32> to vector<256x128xi32>
    %eq3A_149 = arith.cmpi eq, %add3A_45, %eq3A_148 : vector<256x128xi32>
    %jit3A_150 = arith.constant 3.000000e+38 : f32
    %broadcast_in_dim3A_151 = vector.broadcast %jit3A_150 : f32 to vector<256x128xf32>
    %select_n3A_152 = arith.select %eq3A_149, %broadcast_in_dim3A_151, %slice3A_21 : vector<256x128xi1>, vector<256x128xf32>
    %eq3A_153 = vector.broadcast %broadcast_in_dim3A_132 : vector<256x1xi32> to vector<256x128xi32>
    %eq3A_154 = arith.cmpi eq, %add3A_48, %eq3A_153 : vector<256x128xi32>
    %jit3A_155 = arith.constant 3.000000e+38 : f32
    %broadcast_in_dim3A_156 = vector.broadcast %jit3A_155 : f32 to vector<256x128xf32>
    %select_n3A_157 = arith.select %eq3A_154, %broadcast_in_dim3A_156, %slice3A_22 : vector<256x128xi1>, vector<256x128xf32>
    %eq3A_158 = vector.broadcast %broadcast_in_dim3A_132 : vector<256x1xi32> to vector<256x128xi32>
    %eq3A_159 = arith.cmpi eq, %add3A_51, %eq3A_158 : vector<256x128xi32>
    %jit3A_160 = arith.constant 3.000000e+38 : f32
    %broadcast_in_dim3A_161 = vector.broadcast %jit3A_160 : f32 to vector<256x128xf32>
    %select_n3A_162 = arith.select %eq3A_159, %broadcast_in_dim3A_161, %slice3A_23 : vector<256x128xi1>, vector<256x128xf32>
    %eq3A_163 = vector.broadcast %broadcast_in_dim3A_132 : vector<256x1xi32> to vector<256x128xi32>
    %eq3A_164 = arith.cmpi eq, %add3A_54, %eq3A_163 : vector<256x128xi32>
    %jit3A_165 = arith.constant 3.000000e+38 : f32
    %broadcast_in_dim3A_166 = vector.broadcast %jit3A_165 : f32 to vector<256x128xf32>
    %select_n3A_167 = arith.select %eq3A_164, %broadcast_in_dim3A_166, %slice3A_24 : vector<256x128xi1>, vector<256x128xf32>
    %eq3A_168 = vector.broadcast %broadcast_in_dim3A_132 : vector<256x1xi32> to vector<256x128xi32>
    %eq3A_169 = arith.cmpi eq, %add3A_57, %eq3A_168 : vector<256x128xi32>
    %jit3A_170 = arith.constant 3.000000e+38 : f32
    %broadcast_in_dim3A_171 = vector.broadcast %jit3A_170 : f32 to vector<256x128xf32>
    %select_n3A_172 = arith.select %eq3A_169, %broadcast_in_dim3A_171, %slice3A_25 : vector<256x128xi1>, vector<256x128xf32>
    %eq3A_173 = vector.broadcast %broadcast_in_dim3A_132 : vector<256x1xi32> to vector<256x128xi32>
    %eq3A_174 = arith.cmpi eq, %add3A_60, %eq3A_173 : vector<256x128xi32>
    %jit3A_175 = arith.constant 3.000000e+38 : f32
    %broadcast_in_dim3A_176 = vector.broadcast %jit3A_175 : f32 to vector<256x128xf32>
    %select_n3A_177 = arith.select %eq3A_174, %broadcast_in_dim3A_176, %slice3A_26 : vector<256x128xi1>, vector<256x128xf32>
    %eq3A_178 = vector.broadcast %broadcast_in_dim3A_132 : vector<256x1xi32> to vector<256x128xi32>
    %eq3A_179 = arith.cmpi eq, %add3A_63, %eq3A_178 : vector<256x128xi32>
    %jit3A_180 = arith.constant 3.000000e+38 : f32
    %broadcast_in_dim3A_181 = vector.broadcast %jit3A_180 : f32 to vector<256x128xf32>
    %select_n3A_182 = arith.select %eq3A_179, %broadcast_in_dim3A_181, %slice3A_27 : vector<256x128xi1>, vector<256x128xf32>
    %eq3A_183 = vector.broadcast %broadcast_in_dim3A_132 : vector<256x1xi32> to vector<256x128xi32>
    %eq3A_184 = arith.cmpi eq, %add3A_66, %eq3A_183 : vector<256x128xi32>
    %jit3A_185 = arith.constant 3.000000e+38 : f32
    %broadcast_in_dim3A_186 = vector.broadcast %jit3A_185 : f32 to vector<256x128xf32>
    %select_n3A_187 = arith.select %eq3A_184, %broadcast_in_dim3A_186, %slice3A_28 : vector<256x128xi1>, vector<256x128xf32>
    %eq3A_188 = vector.broadcast %broadcast_in_dim3A_132 : vector<256x1xi32> to vector<256x128xi32>
    %eq3A_189 = arith.cmpi eq, %add3A_69, %eq3A_188 : vector<256x128xi32>
    %jit3A_190 = arith.constant 3.000000e+38 : f32
    %broadcast_in_dim3A_191 = vector.broadcast %jit3A_190 : f32 to vector<256x128xf32>
    %select_n3A_192 = arith.select %eq3A_189, %broadcast_in_dim3A_191, %slice3A_29 : vector<256x128xi1>, vector<256x128xf32>
    %eq3A_193 = vector.broadcast %broadcast_in_dim3A_132 : vector<256x1xi32> to vector<256x128xi32>
    %eq3A_194 = arith.cmpi eq, %add3A_72, %eq3A_193 : vector<256x128xi32>
    %jit3A_195 = arith.constant 3.000000e+38 : f32
    %broadcast_in_dim3A_196 = vector.broadcast %jit3A_195 : f32 to vector<256x128xf32>
    %select_n3A_197 = arith.select %eq3A_194, %broadcast_in_dim3A_196, %slice3A_30 : vector<256x128xi1>, vector<256x128xf32>
    %eq3A_198 = vector.broadcast %broadcast_in_dim3A_132 : vector<256x1xi32> to vector<256x128xi32>
    %eq3A_199 = arith.cmpi eq, %add3A_75, %eq3A_198 : vector<256x128xi32>
    %jit3A_200 = arith.constant 3.000000e+38 : f32
    %broadcast_in_dim3A_201 = vector.broadcast %jit3A_200 : f32 to vector<256x128xf32>
    %select_n3A_202 = arith.select %eq3A_199, %broadcast_in_dim3A_201, %slice3A_31 : vector<256x128xi1>, vector<256x128xf32>
    %eq3A_203 = vector.broadcast %broadcast_in_dim3A_132 : vector<256x1xi32> to vector<256x128xi32>
    %eq3A_204 = arith.cmpi eq, %add3A_78, %eq3A_203 : vector<256x128xi32>
    %jit3A_205 = arith.constant 3.000000e+38 : f32
    %broadcast_in_dim3A_206 = vector.broadcast %jit3A_205 : f32 to vector<256x128xf32>
    %select_n3A_207 = arith.select %eq3A_204, %broadcast_in_dim3A_206, %slice3A_32 : vector<256x128xi1>, vector<256x128xf32>
    %eq3A_208 = vector.broadcast %broadcast_in_dim3A_132 : vector<256x1xi32> to vector<256x128xi32>
    %eq3A_209 = arith.cmpi eq, %add3A_81, %eq3A_208 : vector<256x128xi32>
    %jit3A_210 = arith.constant 3.000000e+38 : f32
    %broadcast_in_dim3A_211 = vector.broadcast %jit3A_210 : f32 to vector<256x128xf32>
    %select_n3A_212 = arith.select %eq3A_209, %broadcast_in_dim3A_211, %slice3A_33 : vector<256x128xi1>, vector<256x128xf32>
    %lt3A_213 = arith.cmpf olt, %select_n3A_142, %select_n3A_137 : vector<256x128xf32>
    %select_n3A_214 = arith.select %lt3A_213, %select_n3A_142, %select_n3A_137 : vector<256x128xi1>, vector<256x128xf32>
    %select_n3A_215 = arith.select %lt3A_213, %add3A_39, %add3A_36 : vector<256x128xi1>, vector<256x128xi32>
    %lt3A_216 = arith.cmpf olt, %select_n3A_147, %select_n3A_214 : vector<256x128xf32>
    %select_n3A_217 = arith.select %lt3A_216, %select_n3A_147, %select_n3A_214 : vector<256x128xi1>, vector<256x128xf32>
    %select_n3A_218 = arith.select %lt3A_216, %add3A_42, %select_n3A_215 : vector<256x128xi1>, vector<256x128xi32>
    %lt3A_219 = arith.cmpf olt, %select_n3A_152, %select_n3A_217 : vector<256x128xf32>
    %select_n3A_220 = arith.select %lt3A_219, %select_n3A_152, %select_n3A_217 : vector<256x128xi1>, vector<256x128xf32>
    %select_n3A_221 = arith.select %lt3A_219, %add3A_45, %select_n3A_218 : vector<256x128xi1>, vector<256x128xi32>
    %lt3A_222 = arith.cmpf olt, %select_n3A_157, %select_n3A_220 : vector<256x128xf32>
    %select_n3A_223 = arith.select %lt3A_222, %select_n3A_157, %select_n3A_220 : vector<256x128xi1>, vector<256x128xf32>
    %select_n3A_224 = arith.select %lt3A_222, %add3A_48, %select_n3A_221 : vector<256x128xi1>, vector<256x128xi32>
    %lt3A_225 = arith.cmpf olt, %select_n3A_162, %select_n3A_223 : vector<256x128xf32>
    %select_n3A_226 = arith.select %lt3A_225, %select_n3A_162, %select_n3A_223 : vector<256x128xi1>, vector<256x128xf32>
    %select_n3A_227 = arith.select %lt3A_225, %add3A_51, %select_n3A_224 : vector<256x128xi1>, vector<256x128xi32>
    %lt3A_228 = arith.cmpf olt, %select_n3A_167, %select_n3A_226 : vector<256x128xf32>
    %select_n3A_229 = arith.select %lt3A_228, %select_n3A_167, %select_n3A_226 : vector<256x128xi1>, vector<256x128xf32>
    %select_n3A_230 = arith.select %lt3A_228, %add3A_54, %select_n3A_227 : vector<256x128xi1>, vector<256x128xi32>
    %lt3A_231 = arith.cmpf olt, %select_n3A_172, %select_n3A_229 : vector<256x128xf32>
    %select_n3A_232 = arith.select %lt3A_231, %select_n3A_172, %select_n3A_229 : vector<256x128xi1>, vector<256x128xf32>
    %select_n3A_233 = arith.select %lt3A_231, %add3A_57, %select_n3A_230 : vector<256x128xi1>, vector<256x128xi32>
    %lt3A_234 = arith.cmpf olt, %select_n3A_177, %select_n3A_232 : vector<256x128xf32>
    %select_n3A_235 = arith.select %lt3A_234, %select_n3A_177, %select_n3A_232 : vector<256x128xi1>, vector<256x128xf32>
    %select_n3A_236 = arith.select %lt3A_234, %add3A_60, %select_n3A_233 : vector<256x128xi1>, vector<256x128xi32>
    %lt3A_237 = arith.cmpf olt, %select_n3A_182, %select_n3A_235 : vector<256x128xf32>
    %select_n3A_238 = arith.select %lt3A_237, %select_n3A_182, %select_n3A_235 : vector<256x128xi1>, vector<256x128xf32>
    %select_n3A_239 = arith.select %lt3A_237, %add3A_63, %select_n3A_236 : vector<256x128xi1>, vector<256x128xi32>
    %lt3A_240 = arith.cmpf olt, %select_n3A_187, %select_n3A_238 : vector<256x128xf32>
    %select_n3A_241 = arith.select %lt3A_240, %select_n3A_187, %select_n3A_238 : vector<256x128xi1>, vector<256x128xf32>
    %select_n3A_242 = arith.select %lt3A_240, %add3A_66, %select_n3A_239 : vector<256x128xi1>, vector<256x128xi32>
    %lt3A_243 = arith.cmpf olt, %select_n3A_192, %select_n3A_241 : vector<256x128xf32>
    %select_n3A_244 = arith.select %lt3A_243, %select_n3A_192, %select_n3A_241 : vector<256x128xi1>, vector<256x128xf32>
    %select_n3A_245 = arith.select %lt3A_243, %add3A_69, %select_n3A_242 : vector<256x128xi1>, vector<256x128xi32>
    %lt3A_246 = arith.cmpf olt, %select_n3A_197, %select_n3A_244 : vector<256x128xf32>
    %select_n3A_247 = arith.select %lt3A_246, %select_n3A_197, %select_n3A_244 : vector<256x128xi1>, vector<256x128xf32>
    %select_n3A_248 = arith.select %lt3A_246, %add3A_72, %select_n3A_245 : vector<256x128xi1>, vector<256x128xi32>
    %lt3A_249 = arith.cmpf olt, %select_n3A_202, %select_n3A_247 : vector<256x128xf32>
    %select_n3A_250 = arith.select %lt3A_249, %select_n3A_202, %select_n3A_247 : vector<256x128xi1>, vector<256x128xf32>
    %select_n3A_251 = arith.select %lt3A_249, %add3A_75, %select_n3A_248 : vector<256x128xi1>, vector<256x128xi32>
    %lt3A_252 = arith.cmpf olt, %select_n3A_207, %select_n3A_250 : vector<256x128xf32>
    %select_n3A_253 = arith.select %lt3A_252, %select_n3A_207, %select_n3A_250 : vector<256x128xi1>, vector<256x128xf32>
    %select_n3A_254 = arith.select %lt3A_252, %add3A_78, %select_n3A_251 : vector<256x128xi1>, vector<256x128xi32>
    %lt3A_255 = arith.cmpf olt, %select_n3A_212, %select_n3A_253 : vector<256x128xf32>
    %select_n3A_256 = arith.select %lt3A_255, %select_n3A_212, %select_n3A_253 : vector<256x128xi1>, vector<256x128xf32>
    %select_n3A_257 = arith.select %lt3A_255, %add3A_81, %select_n3A_254 : vector<256x128xi1>, vector<256x128xi32>
    %reduce_min3A_258 = arith.constant dense<0x7F800000> : vector<256xf32>
    %reduce_min3A_259 = vector.multi_reduction <minimumf>, %select_n3A_256, %reduce_min3A_258 [1] : vector<256x128xf32> to vector<256xf32>
    %broadcast_in_dim3A_260 = vector.shape_cast %reduce_min3A_259 : vector<256xf32> to vector<256x1xf32>
    %eq3A_261 = vector.broadcast %broadcast_in_dim3A_260 : vector<256x1xf32> to vector<256x128xf32>
    %eq3A_262 = arith.cmpf oeq, %select_n3A_256, %eq3A_261 : vector<256x128xf32>
    %jit3A_263 = arith.constant 2048 : i32
    %broadcast_in_dim3A_264 = vector.broadcast %jit3A_263 : i32 to vector<256x128xi32>
    %select_n3A_265 = arith.select %eq3A_262, %select_n3A_257, %broadcast_in_dim3A_264 : vector<256x128xi1>, vector<256x128xi32>
    %reduce_min3A_266 = arith.constant dense<2147483647> : vector<256xi32>
    %reduce_min3A_267 = vector.multi_reduction <minsi>, %select_n3A_265, %reduce_min3A_266 [1] : vector<256x128xi32> to vector<256xi32>
    %broadcast_in_dim3A_268 = vector.shape_cast %reduce_min3A_267 : vector<256xi32> to vector<256x1xi32>
    %eq3A_269 = vector.broadcast %broadcast_in_dim3A_268 : vector<256x1xi32> to vector<256x128xi32>
    %eq3A_270 = arith.cmpi eq, %add3A_36, %eq3A_269 : vector<256x128xi32>
    %jit3A_271 = arith.constant 3.000000e+38 : f32
    %broadcast_in_dim3A_272 = vector.broadcast %jit3A_271 : f32 to vector<256x128xf32>
    %select_n3A_273 = arith.select %eq3A_270, %broadcast_in_dim3A_272, %select_n3A_137 : vector<256x128xi1>, vector<256x128xf32>
    %eq3A_274 = vector.broadcast %broadcast_in_dim3A_268 : vector<256x1xi32> to vector<256x128xi32>
    %eq3A_275 = arith.cmpi eq, %add3A_39, %eq3A_274 : vector<256x128xi32>
    %jit3A_276 = arith.constant 3.000000e+38 : f32
    %broadcast_in_dim3A_277 = vector.broadcast %jit3A_276 : f32 to vector<256x128xf32>
    %select_n3A_278 = arith.select %eq3A_275, %broadcast_in_dim3A_277, %select_n3A_142 : vector<256x128xi1>, vector<256x128xf32>
    %eq3A_279 = vector.broadcast %broadcast_in_dim3A_268 : vector<256x1xi32> to vector<256x128xi32>
    %eq3A_280 = arith.cmpi eq, %add3A_42, %eq3A_279 : vector<256x128xi32>
    %jit3A_281 = arith.constant 3.000000e+38 : f32
    %broadcast_in_dim3A_282 = vector.broadcast %jit3A_281 : f32 to vector<256x128xf32>
    %select_n3A_283 = arith.select %eq3A_280, %broadcast_in_dim3A_282, %select_n3A_147 : vector<256x128xi1>, vector<256x128xf32>
    %eq3A_284 = vector.broadcast %broadcast_in_dim3A_268 : vector<256x1xi32> to vector<256x128xi32>
    %eq3A_285 = arith.cmpi eq, %add3A_45, %eq3A_284 : vector<256x128xi32>
    %jit3A_286 = arith.constant 3.000000e+38 : f32
    %broadcast_in_dim3A_287 = vector.broadcast %jit3A_286 : f32 to vector<256x128xf32>
    %select_n3A_288 = arith.select %eq3A_285, %broadcast_in_dim3A_287, %select_n3A_152 : vector<256x128xi1>, vector<256x128xf32>
    %eq3A_289 = vector.broadcast %broadcast_in_dim3A_268 : vector<256x1xi32> to vector<256x128xi32>
    %eq3A_290 = arith.cmpi eq, %add3A_48, %eq3A_289 : vector<256x128xi32>
    %jit3A_291 = arith.constant 3.000000e+38 : f32
    %broadcast_in_dim3A_292 = vector.broadcast %jit3A_291 : f32 to vector<256x128xf32>
    %select_n3A_293 = arith.select %eq3A_290, %broadcast_in_dim3A_292, %select_n3A_157 : vector<256x128xi1>, vector<256x128xf32>
    %eq3A_294 = vector.broadcast %broadcast_in_dim3A_268 : vector<256x1xi32> to vector<256x128xi32>
    %eq3A_295 = arith.cmpi eq, %add3A_51, %eq3A_294 : vector<256x128xi32>
    %jit3A_296 = arith.constant 3.000000e+38 : f32
    %broadcast_in_dim3A_297 = vector.broadcast %jit3A_296 : f32 to vector<256x128xf32>
    %select_n3A_298 = arith.select %eq3A_295, %broadcast_in_dim3A_297, %select_n3A_162 : vector<256x128xi1>, vector<256x128xf32>
    %eq3A_299 = vector.broadcast %broadcast_in_dim3A_268 : vector<256x1xi32> to vector<256x128xi32>
    %eq3A_300 = arith.cmpi eq, %add3A_54, %eq3A_299 : vector<256x128xi32>
    %jit3A_301 = arith.constant 3.000000e+38 : f32
    %broadcast_in_dim3A_302 = vector.broadcast %jit3A_301 : f32 to vector<256x128xf32>
    %select_n3A_303 = arith.select %eq3A_300, %broadcast_in_dim3A_302, %select_n3A_167 : vector<256x128xi1>, vector<256x128xf32>
    %eq3A_304 = vector.broadcast %broadcast_in_dim3A_268 : vector<256x1xi32> to vector<256x128xi32>
    %eq3A_305 = arith.cmpi eq, %add3A_57, %eq3A_304 : vector<256x128xi32>
    %jit3A_306 = arith.constant 3.000000e+38 : f32
    %broadcast_in_dim3A_307 = vector.broadcast %jit3A_306 : f32 to vector<256x128xf32>
    %select_n3A_308 = arith.select %eq3A_305, %broadcast_in_dim3A_307, %select_n3A_172 : vector<256x128xi1>, vector<256x128xf32>
    %eq3A_309 = vector.broadcast %broadcast_in_dim3A_268 : vector<256x1xi32> to vector<256x128xi32>
    %eq3A_310 = arith.cmpi eq, %add3A_60, %eq3A_309 : vector<256x128xi32>
    %jit3A_311 = arith.constant 3.000000e+38 : f32
    %broadcast_in_dim3A_312 = vector.broadcast %jit3A_311 : f32 to vector<256x128xf32>
    %select_n3A_313 = arith.select %eq3A_310, %broadcast_in_dim3A_312, %select_n3A_177 : vector<256x128xi1>, vector<256x128xf32>
    %eq3A_314 = vector.broadcast %broadcast_in_dim3A_268 : vector<256x1xi32> to vector<256x128xi32>
    %eq3A_315 = arith.cmpi eq, %add3A_63, %eq3A_314 : vector<256x128xi32>
    %jit3A_316 = arith.constant 3.000000e+38 : f32
    %broadcast_in_dim3A_317 = vector.broadcast %jit3A_316 : f32 to vector<256x128xf32>
    %select_n3A_318 = arith.select %eq3A_315, %broadcast_in_dim3A_317, %select_n3A_182 : vector<256x128xi1>, vector<256x128xf32>
    %eq3A_319 = vector.broadcast %broadcast_in_dim3A_268 : vector<256x1xi32> to vector<256x128xi32>
    %eq3A_320 = arith.cmpi eq, %add3A_66, %eq3A_319 : vector<256x128xi32>
    %jit3A_321 = arith.constant 3.000000e+38 : f32
    %broadcast_in_dim3A_322 = vector.broadcast %jit3A_321 : f32 to vector<256x128xf32>
    %select_n3A_323 = arith.select %eq3A_320, %broadcast_in_dim3A_322, %select_n3A_187 : vector<256x128xi1>, vector<256x128xf32>
    %eq3A_324 = vector.broadcast %broadcast_in_dim3A_268 : vector<256x1xi32> to vector<256x128xi32>
    %eq3A_325 = arith.cmpi eq, %add3A_69, %eq3A_324 : vector<256x128xi32>
    %jit3A_326 = arith.constant 3.000000e+38 : f32
    %broadcast_in_dim3A_327 = vector.broadcast %jit3A_326 : f32 to vector<256x128xf32>
    %select_n3A_328 = arith.select %eq3A_325, %broadcast_in_dim3A_327, %select_n3A_192 : vector<256x128xi1>, vector<256x128xf32>
    %eq3A_329 = vector.broadcast %broadcast_in_dim3A_268 : vector<256x1xi32> to vector<256x128xi32>
    %eq3A_330 = arith.cmpi eq, %add3A_72, %eq3A_329 : vector<256x128xi32>
    %jit3A_331 = arith.constant 3.000000e+38 : f32
    %broadcast_in_dim3A_332 = vector.broadcast %jit3A_331 : f32 to vector<256x128xf32>
    %select_n3A_333 = arith.select %eq3A_330, %broadcast_in_dim3A_332, %select_n3A_197 : vector<256x128xi1>, vector<256x128xf32>
    %eq3A_334 = vector.broadcast %broadcast_in_dim3A_268 : vector<256x1xi32> to vector<256x128xi32>
    %eq3A_335 = arith.cmpi eq, %add3A_75, %eq3A_334 : vector<256x128xi32>
    %jit3A_336 = arith.constant 3.000000e+38 : f32
    %broadcast_in_dim3A_337 = vector.broadcast %jit3A_336 : f32 to vector<256x128xf32>
    %select_n3A_338 = arith.select %eq3A_335, %broadcast_in_dim3A_337, %select_n3A_202 : vector<256x128xi1>, vector<256x128xf32>
    %eq3A_339 = vector.broadcast %broadcast_in_dim3A_268 : vector<256x1xi32> to vector<256x128xi32>
    %eq3A_340 = arith.cmpi eq, %add3A_78, %eq3A_339 : vector<256x128xi32>
    %jit3A_341 = arith.constant 3.000000e+38 : f32
    %broadcast_in_dim3A_342 = vector.broadcast %jit3A_341 : f32 to vector<256x128xf32>
    %select_n3A_343 = arith.select %eq3A_340, %broadcast_in_dim3A_342, %select_n3A_207 : vector<256x128xi1>, vector<256x128xf32>
    %eq3A_344 = vector.broadcast %broadcast_in_dim3A_268 : vector<256x1xi32> to vector<256x128xi32>
    %eq3A_345 = arith.cmpi eq, %add3A_81, %eq3A_344 : vector<256x128xi32>
    %jit3A_346 = arith.constant 3.000000e+38 : f32
    %broadcast_in_dim3A_347 = vector.broadcast %jit3A_346 : f32 to vector<256x128xf32>
    %select_n3A_348 = arith.select %eq3A_345, %broadcast_in_dim3A_347, %select_n3A_212 : vector<256x128xi1>, vector<256x128xf32>
    %lt3A_349 = arith.cmpf olt, %select_n3A_278, %select_n3A_273 : vector<256x128xf32>
    %select_n3A_350 = arith.select %lt3A_349, %select_n3A_278, %select_n3A_273 : vector<256x128xi1>, vector<256x128xf32>
    %select_n3A_351 = arith.select %lt3A_349, %add3A_39, %add3A_36 : vector<256x128xi1>, vector<256x128xi32>
    %lt3A_352 = arith.cmpf olt, %select_n3A_283, %select_n3A_350 : vector<256x128xf32>
    %select_n3A_353 = arith.select %lt3A_352, %select_n3A_283, %select_n3A_350 : vector<256x128xi1>, vector<256x128xf32>
    %select_n3A_354 = arith.select %lt3A_352, %add3A_42, %select_n3A_351 : vector<256x128xi1>, vector<256x128xi32>
    %lt3A_355 = arith.cmpf olt, %select_n3A_288, %select_n3A_353 : vector<256x128xf32>
    %select_n3A_356 = arith.select %lt3A_355, %select_n3A_288, %select_n3A_353 : vector<256x128xi1>, vector<256x128xf32>
    %select_n3A_357 = arith.select %lt3A_355, %add3A_45, %select_n3A_354 : vector<256x128xi1>, vector<256x128xi32>
    %lt3A_358 = arith.cmpf olt, %select_n3A_293, %select_n3A_356 : vector<256x128xf32>
    %select_n3A_359 = arith.select %lt3A_358, %select_n3A_293, %select_n3A_356 : vector<256x128xi1>, vector<256x128xf32>
    %select_n3A_360 = arith.select %lt3A_358, %add3A_48, %select_n3A_357 : vector<256x128xi1>, vector<256x128xi32>
    %lt3A_361 = arith.cmpf olt, %select_n3A_298, %select_n3A_359 : vector<256x128xf32>
    %select_n3A_362 = arith.select %lt3A_361, %select_n3A_298, %select_n3A_359 : vector<256x128xi1>, vector<256x128xf32>
    %select_n3A_363 = arith.select %lt3A_361, %add3A_51, %select_n3A_360 : vector<256x128xi1>, vector<256x128xi32>
    %lt3A_364 = arith.cmpf olt, %select_n3A_303, %select_n3A_362 : vector<256x128xf32>
    %select_n3A_365 = arith.select %lt3A_364, %select_n3A_303, %select_n3A_362 : vector<256x128xi1>, vector<256x128xf32>
    %select_n3A_366 = arith.select %lt3A_364, %add3A_54, %select_n3A_363 : vector<256x128xi1>, vector<256x128xi32>
    %lt3A_367 = arith.cmpf olt, %select_n3A_308, %select_n3A_365 : vector<256x128xf32>
    %select_n3A_368 = arith.select %lt3A_367, %select_n3A_308, %select_n3A_365 : vector<256x128xi1>, vector<256x128xf32>
    %select_n3A_369 = arith.select %lt3A_367, %add3A_57, %select_n3A_366 : vector<256x128xi1>, vector<256x128xi32>
    %lt3A_370 = arith.cmpf olt, %select_n3A_313, %select_n3A_368 : vector<256x128xf32>
    %select_n3A_371 = arith.select %lt3A_370, %select_n3A_313, %select_n3A_368 : vector<256x128xi1>, vector<256x128xf32>
    %select_n3A_372 = arith.select %lt3A_370, %add3A_60, %select_n3A_369 : vector<256x128xi1>, vector<256x128xi32>
    %lt3A_373 = arith.cmpf olt, %select_n3A_318, %select_n3A_371 : vector<256x128xf32>
    %select_n3A_374 = arith.select %lt3A_373, %select_n3A_318, %select_n3A_371 : vector<256x128xi1>, vector<256x128xf32>
    %select_n3A_375 = arith.select %lt3A_373, %add3A_63, %select_n3A_372 : vector<256x128xi1>, vector<256x128xi32>
    %lt3A_376 = arith.cmpf olt, %select_n3A_323, %select_n3A_374 : vector<256x128xf32>
    %select_n3A_377 = arith.select %lt3A_376, %select_n3A_323, %select_n3A_374 : vector<256x128xi1>, vector<256x128xf32>
    %select_n3A_378 = arith.select %lt3A_376, %add3A_66, %select_n3A_375 : vector<256x128xi1>, vector<256x128xi32>
    %lt3A_379 = arith.cmpf olt, %select_n3A_328, %select_n3A_377 : vector<256x128xf32>
    %select_n3A_380 = arith.select %lt3A_379, %select_n3A_328, %select_n3A_377 : vector<256x128xi1>, vector<256x128xf32>
    %select_n3A_381 = arith.select %lt3A_379, %add3A_69, %select_n3A_378 : vector<256x128xi1>, vector<256x128xi32>
    %lt3A_382 = arith.cmpf olt, %select_n3A_333, %select_n3A_380 : vector<256x128xf32>
    %select_n3A_383 = arith.select %lt3A_382, %select_n3A_333, %select_n3A_380 : vector<256x128xi1>, vector<256x128xf32>
    %select_n3A_384 = arith.select %lt3A_382, %add3A_72, %select_n3A_381 : vector<256x128xi1>, vector<256x128xi32>
    %lt3A_385 = arith.cmpf olt, %select_n3A_338, %select_n3A_383 : vector<256x128xf32>
    %select_n3A_386 = arith.select %lt3A_385, %select_n3A_338, %select_n3A_383 : vector<256x128xi1>, vector<256x128xf32>
    %select_n3A_387 = arith.select %lt3A_385, %add3A_75, %select_n3A_384 : vector<256x128xi1>, vector<256x128xi32>
    %lt3A_388 = arith.cmpf olt, %select_n3A_343, %select_n3A_386 : vector<256x128xf32>
    %select_n3A_389 = arith.select %lt3A_388, %select_n3A_343, %select_n3A_386 : vector<256x128xi1>, vector<256x128xf32>
    %select_n3A_390 = arith.select %lt3A_388, %add3A_78, %select_n3A_387 : vector<256x128xi1>, vector<256x128xi32>
    %lt3A_391 = arith.cmpf olt, %select_n3A_348, %select_n3A_389 : vector<256x128xf32>
    %select_n3A_392 = arith.select %lt3A_391, %select_n3A_348, %select_n3A_389 : vector<256x128xi1>, vector<256x128xf32>
    %select_n3A_393 = arith.select %lt3A_391, %add3A_81, %select_n3A_390 : vector<256x128xi1>, vector<256x128xi32>
    %reduce_min3A_394 = arith.constant dense<0x7F800000> : vector<256xf32>
    %reduce_min3A_395 = vector.multi_reduction <minimumf>, %select_n3A_392, %reduce_min3A_394 [1] : vector<256x128xf32> to vector<256xf32>
    %broadcast_in_dim3A_396 = vector.shape_cast %reduce_min3A_395 : vector<256xf32> to vector<256x1xf32>
    %eq3A_397 = vector.broadcast %broadcast_in_dim3A_396 : vector<256x1xf32> to vector<256x128xf32>
    %eq3A_398 = arith.cmpf oeq, %select_n3A_392, %eq3A_397 : vector<256x128xf32>
    %jit3A_399 = arith.constant 2048 : i32
    %broadcast_in_dim3A_400 = vector.broadcast %jit3A_399 : i32 to vector<256x128xi32>
    %select_n3A_401 = arith.select %eq3A_398, %select_n3A_393, %broadcast_in_dim3A_400 : vector<256x128xi1>, vector<256x128xi32>
    %reduce_min3A_402 = arith.constant dense<2147483647> : vector<256xi32>
    %reduce_min3A_403 = vector.multi_reduction <minsi>, %select_n3A_401, %reduce_min3A_402 [1] : vector<256x128xi32> to vector<256xi32>
    %broadcast_in_dim3A_404 = vector.shape_cast %reduce_min3A_403 : vector<256xi32> to vector<256x1xi32>
    %eq3A_405 = vector.broadcast %broadcast_in_dim3A_404 : vector<256x1xi32> to vector<256x128xi32>
    %eq3A_406 = arith.cmpi eq, %add3A_36, %eq3A_405 : vector<256x128xi32>
    %jit3A_407 = arith.constant 3.000000e+38 : f32
    %broadcast_in_dim3A_408 = vector.broadcast %jit3A_407 : f32 to vector<256x128xf32>
    %select_n3A_409 = arith.select %eq3A_406, %broadcast_in_dim3A_408, %select_n3A_273 : vector<256x128xi1>, vector<256x128xf32>
    %eq3A_410 = vector.broadcast %broadcast_in_dim3A_404 : vector<256x1xi32> to vector<256x128xi32>
    %eq3A_411 = arith.cmpi eq, %add3A_39, %eq3A_410 : vector<256x128xi32>
    %jit3A_412 = arith.constant 3.000000e+38 : f32
    %broadcast_in_dim3A_413 = vector.broadcast %jit3A_412 : f32 to vector<256x128xf32>
    %select_n3A_414 = arith.select %eq3A_411, %broadcast_in_dim3A_413, %select_n3A_278 : vector<256x128xi1>, vector<256x128xf32>
    %eq3A_415 = vector.broadcast %broadcast_in_dim3A_404 : vector<256x1xi32> to vector<256x128xi32>
    %eq3A_416 = arith.cmpi eq, %add3A_42, %eq3A_415 : vector<256x128xi32>
    %jit3A_417 = arith.constant 3.000000e+38 : f32
    %broadcast_in_dim3A_418 = vector.broadcast %jit3A_417 : f32 to vector<256x128xf32>
    %select_n3A_419 = arith.select %eq3A_416, %broadcast_in_dim3A_418, %select_n3A_283 : vector<256x128xi1>, vector<256x128xf32>
    %eq3A_420 = vector.broadcast %broadcast_in_dim3A_404 : vector<256x1xi32> to vector<256x128xi32>
    %eq3A_421 = arith.cmpi eq, %add3A_45, %eq3A_420 : vector<256x128xi32>
    %jit3A_422 = arith.constant 3.000000e+38 : f32
    %broadcast_in_dim3A_423 = vector.broadcast %jit3A_422 : f32 to vector<256x128xf32>
    %select_n3A_424 = arith.select %eq3A_421, %broadcast_in_dim3A_423, %select_n3A_288 : vector<256x128xi1>, vector<256x128xf32>
    %eq3A_425 = vector.broadcast %broadcast_in_dim3A_404 : vector<256x1xi32> to vector<256x128xi32>
    %eq3A_426 = arith.cmpi eq, %add3A_48, %eq3A_425 : vector<256x128xi32>
    %jit3A_427 = arith.constant 3.000000e+38 : f32
    %broadcast_in_dim3A_428 = vector.broadcast %jit3A_427 : f32 to vector<256x128xf32>
    %select_n3A_429 = arith.select %eq3A_426, %broadcast_in_dim3A_428, %select_n3A_293 : vector<256x128xi1>, vector<256x128xf32>
    %eq3A_430 = vector.broadcast %broadcast_in_dim3A_404 : vector<256x1xi32> to vector<256x128xi32>
    %eq3A_431 = arith.cmpi eq, %add3A_51, %eq3A_430 : vector<256x128xi32>
    %jit3A_432 = arith.constant 3.000000e+38 : f32
    %broadcast_in_dim3A_433 = vector.broadcast %jit3A_432 : f32 to vector<256x128xf32>
    %select_n3A_434 = arith.select %eq3A_431, %broadcast_in_dim3A_433, %select_n3A_298 : vector<256x128xi1>, vector<256x128xf32>
    %eq3A_435 = vector.broadcast %broadcast_in_dim3A_404 : vector<256x1xi32> to vector<256x128xi32>
    %eq3A_436 = arith.cmpi eq, %add3A_54, %eq3A_435 : vector<256x128xi32>
    %jit3A_437 = arith.constant 3.000000e+38 : f32
    %broadcast_in_dim3A_438 = vector.broadcast %jit3A_437 : f32 to vector<256x128xf32>
    %select_n3A_439 = arith.select %eq3A_436, %broadcast_in_dim3A_438, %select_n3A_303 : vector<256x128xi1>, vector<256x128xf32>
    %eq3A_440 = vector.broadcast %broadcast_in_dim3A_404 : vector<256x1xi32> to vector<256x128xi32>
    %eq3A_441 = arith.cmpi eq, %add3A_57, %eq3A_440 : vector<256x128xi32>
    %jit3A_442 = arith.constant 3.000000e+38 : f32
    %broadcast_in_dim3A_443 = vector.broadcast %jit3A_442 : f32 to vector<256x128xf32>
    %select_n3A_444 = arith.select %eq3A_441, %broadcast_in_dim3A_443, %select_n3A_308 : vector<256x128xi1>, vector<256x128xf32>
    %eq3A_445 = vector.broadcast %broadcast_in_dim3A_404 : vector<256x1xi32> to vector<256x128xi32>
    %eq3A_446 = arith.cmpi eq, %add3A_60, %eq3A_445 : vector<256x128xi32>
    %jit3A_447 = arith.constant 3.000000e+38 : f32
    %broadcast_in_dim3A_448 = vector.broadcast %jit3A_447 : f32 to vector<256x128xf32>
    %select_n3A_449 = arith.select %eq3A_446, %broadcast_in_dim3A_448, %select_n3A_313 : vector<256x128xi1>, vector<256x128xf32>
    %eq3A_450 = vector.broadcast %broadcast_in_dim3A_404 : vector<256x1xi32> to vector<256x128xi32>
    %eq3A_451 = arith.cmpi eq, %add3A_63, %eq3A_450 : vector<256x128xi32>
    %jit3A_452 = arith.constant 3.000000e+38 : f32
    %broadcast_in_dim3A_453 = vector.broadcast %jit3A_452 : f32 to vector<256x128xf32>
    %select_n3A_454 = arith.select %eq3A_451, %broadcast_in_dim3A_453, %select_n3A_318 : vector<256x128xi1>, vector<256x128xf32>
    %eq3A_455 = vector.broadcast %broadcast_in_dim3A_404 : vector<256x1xi32> to vector<256x128xi32>
    %eq3A_456 = arith.cmpi eq, %add3A_66, %eq3A_455 : vector<256x128xi32>
    %jit3A_457 = arith.constant 3.000000e+38 : f32
    %broadcast_in_dim3A_458 = vector.broadcast %jit3A_457 : f32 to vector<256x128xf32>
    %select_n3A_459 = arith.select %eq3A_456, %broadcast_in_dim3A_458, %select_n3A_323 : vector<256x128xi1>, vector<256x128xf32>
    %eq3A_460 = vector.broadcast %broadcast_in_dim3A_404 : vector<256x1xi32> to vector<256x128xi32>
    %eq3A_461 = arith.cmpi eq, %add3A_69, %eq3A_460 : vector<256x128xi32>
    %jit3A_462 = arith.constant 3.000000e+38 : f32
    %broadcast_in_dim3A_463 = vector.broadcast %jit3A_462 : f32 to vector<256x128xf32>
    %select_n3A_464 = arith.select %eq3A_461, %broadcast_in_dim3A_463, %select_n3A_328 : vector<256x128xi1>, vector<256x128xf32>
    %eq3A_465 = vector.broadcast %broadcast_in_dim3A_404 : vector<256x1xi32> to vector<256x128xi32>
    %eq3A_466 = arith.cmpi eq, %add3A_72, %eq3A_465 : vector<256x128xi32>
    %jit3A_467 = arith.constant 3.000000e+38 : f32
    %broadcast_in_dim3A_468 = vector.broadcast %jit3A_467 : f32 to vector<256x128xf32>
    %select_n3A_469 = arith.select %eq3A_466, %broadcast_in_dim3A_468, %select_n3A_333 : vector<256x128xi1>, vector<256x128xf32>
    %eq3A_470 = vector.broadcast %broadcast_in_dim3A_404 : vector<256x1xi32> to vector<256x128xi32>
    %eq3A_471 = arith.cmpi eq, %add3A_75, %eq3A_470 : vector<256x128xi32>
    %jit3A_472 = arith.constant 3.000000e+38 : f32
    %broadcast_in_dim3A_473 = vector.broadcast %jit3A_472 : f32 to vector<256x128xf32>
    %select_n3A_474 = arith.select %eq3A_471, %broadcast_in_dim3A_473, %select_n3A_338 : vector<256x128xi1>, vector<256x128xf32>
    %eq3A_475 = vector.broadcast %broadcast_in_dim3A_404 : vector<256x1xi32> to vector<256x128xi32>
    %eq3A_476 = arith.cmpi eq, %add3A_78, %eq3A_475 : vector<256x128xi32>
    %jit3A_477 = arith.constant 3.000000e+38 : f32
    %broadcast_in_dim3A_478 = vector.broadcast %jit3A_477 : f32 to vector<256x128xf32>
    %select_n3A_479 = arith.select %eq3A_476, %broadcast_in_dim3A_478, %select_n3A_343 : vector<256x128xi1>, vector<256x128xf32>
    %eq3A_480 = vector.broadcast %broadcast_in_dim3A_404 : vector<256x1xi32> to vector<256x128xi32>
    %eq3A_481 = arith.cmpi eq, %add3A_81, %eq3A_480 : vector<256x128xi32>
    %jit3A_482 = arith.constant 3.000000e+38 : f32
    %broadcast_in_dim3A_483 = vector.broadcast %jit3A_482 : f32 to vector<256x128xf32>
    %select_n3A_484 = arith.select %eq3A_481, %broadcast_in_dim3A_483, %select_n3A_348 : vector<256x128xi1>, vector<256x128xf32>
    %lt3A_485 = arith.cmpf olt, %select_n3A_414, %select_n3A_409 : vector<256x128xf32>
    %select_n3A_486 = arith.select %lt3A_485, %select_n3A_414, %select_n3A_409 : vector<256x128xi1>, vector<256x128xf32>
    %select_n3A_487 = arith.select %lt3A_485, %add3A_39, %add3A_36 : vector<256x128xi1>, vector<256x128xi32>
    %lt3A_488 = arith.cmpf olt, %select_n3A_419, %select_n3A_486 : vector<256x128xf32>
    %select_n3A_489 = arith.select %lt3A_488, %select_n3A_419, %select_n3A_486 : vector<256x128xi1>, vector<256x128xf32>
    %select_n3A_490 = arith.select %lt3A_488, %add3A_42, %select_n3A_487 : vector<256x128xi1>, vector<256x128xi32>
    %lt3A_491 = arith.cmpf olt, %select_n3A_424, %select_n3A_489 : vector<256x128xf32>
    %select_n3A_492 = arith.select %lt3A_491, %select_n3A_424, %select_n3A_489 : vector<256x128xi1>, vector<256x128xf32>
    %select_n3A_493 = arith.select %lt3A_491, %add3A_45, %select_n3A_490 : vector<256x128xi1>, vector<256x128xi32>
    %lt3A_494 = arith.cmpf olt, %select_n3A_429, %select_n3A_492 : vector<256x128xf32>
    %select_n3A_495 = arith.select %lt3A_494, %select_n3A_429, %select_n3A_492 : vector<256x128xi1>, vector<256x128xf32>
    %select_n3A_496 = arith.select %lt3A_494, %add3A_48, %select_n3A_493 : vector<256x128xi1>, vector<256x128xi32>
    %lt3A_497 = arith.cmpf olt, %select_n3A_434, %select_n3A_495 : vector<256x128xf32>
    %select_n3A_498 = arith.select %lt3A_497, %select_n3A_434, %select_n3A_495 : vector<256x128xi1>, vector<256x128xf32>
    %select_n3A_499 = arith.select %lt3A_497, %add3A_51, %select_n3A_496 : vector<256x128xi1>, vector<256x128xi32>
    %lt3A_500 = arith.cmpf olt, %select_n3A_439, %select_n3A_498 : vector<256x128xf32>
    %select_n3A_501 = arith.select %lt3A_500, %select_n3A_439, %select_n3A_498 : vector<256x128xi1>, vector<256x128xf32>
    %select_n3A_502 = arith.select %lt3A_500, %add3A_54, %select_n3A_499 : vector<256x128xi1>, vector<256x128xi32>
    %lt3A_503 = arith.cmpf olt, %select_n3A_444, %select_n3A_501 : vector<256x128xf32>
    %select_n3A_504 = arith.select %lt3A_503, %select_n3A_444, %select_n3A_501 : vector<256x128xi1>, vector<256x128xf32>
    %select_n3A_505 = arith.select %lt3A_503, %add3A_57, %select_n3A_502 : vector<256x128xi1>, vector<256x128xi32>
    %lt3A_506 = arith.cmpf olt, %select_n3A_449, %select_n3A_504 : vector<256x128xf32>
    %select_n3A_507 = arith.select %lt3A_506, %select_n3A_449, %select_n3A_504 : vector<256x128xi1>, vector<256x128xf32>
    %select_n3A_508 = arith.select %lt3A_506, %add3A_60, %select_n3A_505 : vector<256x128xi1>, vector<256x128xi32>
    %lt3A_509 = arith.cmpf olt, %select_n3A_454, %select_n3A_507 : vector<256x128xf32>
    %select_n3A_510 = arith.select %lt3A_509, %select_n3A_454, %select_n3A_507 : vector<256x128xi1>, vector<256x128xf32>
    %select_n3A_511 = arith.select %lt3A_509, %add3A_63, %select_n3A_508 : vector<256x128xi1>, vector<256x128xi32>
    %lt3A_512 = arith.cmpf olt, %select_n3A_459, %select_n3A_510 : vector<256x128xf32>
    %select_n3A_513 = arith.select %lt3A_512, %select_n3A_459, %select_n3A_510 : vector<256x128xi1>, vector<256x128xf32>
    %select_n3A_514 = arith.select %lt3A_512, %add3A_66, %select_n3A_511 : vector<256x128xi1>, vector<256x128xi32>
    %lt3A_515 = arith.cmpf olt, %select_n3A_464, %select_n3A_513 : vector<256x128xf32>
    %select_n3A_516 = arith.select %lt3A_515, %select_n3A_464, %select_n3A_513 : vector<256x128xi1>, vector<256x128xf32>
    %select_n3A_517 = arith.select %lt3A_515, %add3A_69, %select_n3A_514 : vector<256x128xi1>, vector<256x128xi32>
    %lt3A_518 = arith.cmpf olt, %select_n3A_469, %select_n3A_516 : vector<256x128xf32>
    %select_n3A_519 = arith.select %lt3A_518, %select_n3A_469, %select_n3A_516 : vector<256x128xi1>, vector<256x128xf32>
    %select_n3A_520 = arith.select %lt3A_518, %add3A_72, %select_n3A_517 : vector<256x128xi1>, vector<256x128xi32>
    %lt3A_521 = arith.cmpf olt, %select_n3A_474, %select_n3A_519 : vector<256x128xf32>
    %select_n3A_522 = arith.select %lt3A_521, %select_n3A_474, %select_n3A_519 : vector<256x128xi1>, vector<256x128xf32>
    %select_n3A_523 = arith.select %lt3A_521, %add3A_75, %select_n3A_520 : vector<256x128xi1>, vector<256x128xi32>
    %lt3A_524 = arith.cmpf olt, %select_n3A_479, %select_n3A_522 : vector<256x128xf32>
    %select_n3A_525 = arith.select %lt3A_524, %select_n3A_479, %select_n3A_522 : vector<256x128xi1>, vector<256x128xf32>
    %select_n3A_526 = arith.select %lt3A_524, %add3A_78, %select_n3A_523 : vector<256x128xi1>, vector<256x128xi32>
    %lt3A_527 = arith.cmpf olt, %select_n3A_484, %select_n3A_525 : vector<256x128xf32>
    %select_n3A_528 = arith.select %lt3A_527, %select_n3A_484, %select_n3A_525 : vector<256x128xi1>, vector<256x128xf32>
    %select_n3A_529 = arith.select %lt3A_527, %add3A_81, %select_n3A_526 : vector<256x128xi1>, vector<256x128xi32>
    %reduce_min3A_530 = arith.constant dense<0x7F800000> : vector<256xf32>
    %reduce_min3A_531 = vector.multi_reduction <minimumf>, %select_n3A_528, %reduce_min3A_530 [1] : vector<256x128xf32> to vector<256xf32>
    %broadcast_in_dim3A_532 = vector.shape_cast %reduce_min3A_531 : vector<256xf32> to vector<256x1xf32>
    %eq3A_533 = vector.broadcast %broadcast_in_dim3A_532 : vector<256x1xf32> to vector<256x128xf32>
    %eq3A_534 = arith.cmpf oeq, %select_n3A_528, %eq3A_533 : vector<256x128xf32>
    %jit3A_535 = arith.constant 2048 : i32
    %broadcast_in_dim3A_536 = vector.broadcast %jit3A_535 : i32 to vector<256x128xi32>
    %select_n3A_537 = arith.select %eq3A_534, %select_n3A_529, %broadcast_in_dim3A_536 : vector<256x128xi1>, vector<256x128xi32>
    %reduce_min3A_538 = arith.constant dense<2147483647> : vector<256xi32>
    %reduce_min3A_539 = vector.multi_reduction <minsi>, %select_n3A_537, %reduce_min3A_538 [1] : vector<256x128xi32> to vector<256xi32>
    %broadcast_in_dim3A_540 = vector.shape_cast %reduce_min3A_539 : vector<256xi32> to vector<256x1xi32>
    %eq3A_541 = vector.broadcast %broadcast_in_dim3A_540 : vector<256x1xi32> to vector<256x128xi32>
    %eq3A_542 = arith.cmpi eq, %add3A_36, %eq3A_541 : vector<256x128xi32>
    %jit3A_543 = arith.constant 3.000000e+38 : f32
    %broadcast_in_dim3A_544 = vector.broadcast %jit3A_543 : f32 to vector<256x128xf32>
    %select_n3A_545 = arith.select %eq3A_542, %broadcast_in_dim3A_544, %select_n3A_409 : vector<256x128xi1>, vector<256x128xf32>
    %eq3A_546 = vector.broadcast %broadcast_in_dim3A_540 : vector<256x1xi32> to vector<256x128xi32>
    %eq3A_547 = arith.cmpi eq, %add3A_39, %eq3A_546 : vector<256x128xi32>
    %jit3A_548 = arith.constant 3.000000e+38 : f32
    %broadcast_in_dim3A_549 = vector.broadcast %jit3A_548 : f32 to vector<256x128xf32>
    %select_n3A_550 = arith.select %eq3A_547, %broadcast_in_dim3A_549, %select_n3A_414 : vector<256x128xi1>, vector<256x128xf32>
    %eq3A_551 = vector.broadcast %broadcast_in_dim3A_540 : vector<256x1xi32> to vector<256x128xi32>
    %eq3A_552 = arith.cmpi eq, %add3A_42, %eq3A_551 : vector<256x128xi32>
    %jit3A_553 = arith.constant 3.000000e+38 : f32
    %broadcast_in_dim3A_554 = vector.broadcast %jit3A_553 : f32 to vector<256x128xf32>
    %select_n3A_555 = arith.select %eq3A_552, %broadcast_in_dim3A_554, %select_n3A_419 : vector<256x128xi1>, vector<256x128xf32>
    %eq3A_556 = vector.broadcast %broadcast_in_dim3A_540 : vector<256x1xi32> to vector<256x128xi32>
    %eq3A_557 = arith.cmpi eq, %add3A_45, %eq3A_556 : vector<256x128xi32>
    %jit3A_558 = arith.constant 3.000000e+38 : f32
    %broadcast_in_dim3A_559 = vector.broadcast %jit3A_558 : f32 to vector<256x128xf32>
    %select_n3A_560 = arith.select %eq3A_557, %broadcast_in_dim3A_559, %select_n3A_424 : vector<256x128xi1>, vector<256x128xf32>
    %eq3A_561 = vector.broadcast %broadcast_in_dim3A_540 : vector<256x1xi32> to vector<256x128xi32>
    %eq3A_562 = arith.cmpi eq, %add3A_48, %eq3A_561 : vector<256x128xi32>
    %jit3A_563 = arith.constant 3.000000e+38 : f32
    %broadcast_in_dim3A_564 = vector.broadcast %jit3A_563 : f32 to vector<256x128xf32>
    %select_n3A_565 = arith.select %eq3A_562, %broadcast_in_dim3A_564, %select_n3A_429 : vector<256x128xi1>, vector<256x128xf32>
    %eq3A_566 = vector.broadcast %broadcast_in_dim3A_540 : vector<256x1xi32> to vector<256x128xi32>
    %eq3A_567 = arith.cmpi eq, %add3A_51, %eq3A_566 : vector<256x128xi32>
    %jit3A_568 = arith.constant 3.000000e+38 : f32
    %broadcast_in_dim3A_569 = vector.broadcast %jit3A_568 : f32 to vector<256x128xf32>
    %select_n3A_570 = arith.select %eq3A_567, %broadcast_in_dim3A_569, %select_n3A_434 : vector<256x128xi1>, vector<256x128xf32>
    %eq3A_571 = vector.broadcast %broadcast_in_dim3A_540 : vector<256x1xi32> to vector<256x128xi32>
    %eq3A_572 = arith.cmpi eq, %add3A_54, %eq3A_571 : vector<256x128xi32>
    %jit3A_573 = arith.constant 3.000000e+38 : f32
    %broadcast_in_dim3A_574 = vector.broadcast %jit3A_573 : f32 to vector<256x128xf32>
    %select_n3A_575 = arith.select %eq3A_572, %broadcast_in_dim3A_574, %select_n3A_439 : vector<256x128xi1>, vector<256x128xf32>
    %eq3A_576 = vector.broadcast %broadcast_in_dim3A_540 : vector<256x1xi32> to vector<256x128xi32>
    %eq3A_577 = arith.cmpi eq, %add3A_57, %eq3A_576 : vector<256x128xi32>
    %jit3A_578 = arith.constant 3.000000e+38 : f32
    %broadcast_in_dim3A_579 = vector.broadcast %jit3A_578 : f32 to vector<256x128xf32>
    %select_n3A_580 = arith.select %eq3A_577, %broadcast_in_dim3A_579, %select_n3A_444 : vector<256x128xi1>, vector<256x128xf32>
    %eq3A_581 = vector.broadcast %broadcast_in_dim3A_540 : vector<256x1xi32> to vector<256x128xi32>
    %eq3A_582 = arith.cmpi eq, %add3A_60, %eq3A_581 : vector<256x128xi32>
    %jit3A_583 = arith.constant 3.000000e+38 : f32
    %broadcast_in_dim3A_584 = vector.broadcast %jit3A_583 : f32 to vector<256x128xf32>
    %select_n3A_585 = arith.select %eq3A_582, %broadcast_in_dim3A_584, %select_n3A_449 : vector<256x128xi1>, vector<256x128xf32>
    %eq3A_586 = vector.broadcast %broadcast_in_dim3A_540 : vector<256x1xi32> to vector<256x128xi32>
    %eq3A_587 = arith.cmpi eq, %add3A_63, %eq3A_586 : vector<256x128xi32>
    %jit3A_588 = arith.constant 3.000000e+38 : f32
    %broadcast_in_dim3A_589 = vector.broadcast %jit3A_588 : f32 to vector<256x128xf32>
    %select_n3A_590 = arith.select %eq3A_587, %broadcast_in_dim3A_589, %select_n3A_454 : vector<256x128xi1>, vector<256x128xf32>
    %eq3A_591 = vector.broadcast %broadcast_in_dim3A_540 : vector<256x1xi32> to vector<256x128xi32>
    %eq3A_592 = arith.cmpi eq, %add3A_66, %eq3A_591 : vector<256x128xi32>
    %jit3A_593 = arith.constant 3.000000e+38 : f32
    %broadcast_in_dim3A_594 = vector.broadcast %jit3A_593 : f32 to vector<256x128xf32>
    %select_n3A_595 = arith.select %eq3A_592, %broadcast_in_dim3A_594, %select_n3A_459 : vector<256x128xi1>, vector<256x128xf32>
    %eq3A_596 = vector.broadcast %broadcast_in_dim3A_540 : vector<256x1xi32> to vector<256x128xi32>
    %eq3A_597 = arith.cmpi eq, %add3A_69, %eq3A_596 : vector<256x128xi32>
    %jit3A_598 = arith.constant 3.000000e+38 : f32
    %broadcast_in_dim3A_599 = vector.broadcast %jit3A_598 : f32 to vector<256x128xf32>
    %select_n3A_600 = arith.select %eq3A_597, %broadcast_in_dim3A_599, %select_n3A_464 : vector<256x128xi1>, vector<256x128xf32>
    %eq3A_601 = vector.broadcast %broadcast_in_dim3A_540 : vector<256x1xi32> to vector<256x128xi32>
    %eq3A_602 = arith.cmpi eq, %add3A_72, %eq3A_601 : vector<256x128xi32>
    %jit3A_603 = arith.constant 3.000000e+38 : f32
    %broadcast_in_dim3A_604 = vector.broadcast %jit3A_603 : f32 to vector<256x128xf32>
    %select_n3A_605 = arith.select %eq3A_602, %broadcast_in_dim3A_604, %select_n3A_469 : vector<256x128xi1>, vector<256x128xf32>
    %eq3A_606 = vector.broadcast %broadcast_in_dim3A_540 : vector<256x1xi32> to vector<256x128xi32>
    %eq3A_607 = arith.cmpi eq, %add3A_75, %eq3A_606 : vector<256x128xi32>
    %jit3A_608 = arith.constant 3.000000e+38 : f32
    %broadcast_in_dim3A_609 = vector.broadcast %jit3A_608 : f32 to vector<256x128xf32>
    %select_n3A_610 = arith.select %eq3A_607, %broadcast_in_dim3A_609, %select_n3A_474 : vector<256x128xi1>, vector<256x128xf32>
    %eq3A_611 = vector.broadcast %broadcast_in_dim3A_540 : vector<256x1xi32> to vector<256x128xi32>
    %eq3A_612 = arith.cmpi eq, %add3A_78, %eq3A_611 : vector<256x128xi32>
    %jit3A_613 = arith.constant 3.000000e+38 : f32
    %broadcast_in_dim3A_614 = vector.broadcast %jit3A_613 : f32 to vector<256x128xf32>
    %select_n3A_615 = arith.select %eq3A_612, %broadcast_in_dim3A_614, %select_n3A_479 : vector<256x128xi1>, vector<256x128xf32>
    %eq3A_616 = vector.broadcast %broadcast_in_dim3A_540 : vector<256x1xi32> to vector<256x128xi32>
    %eq3A_617 = arith.cmpi eq, %add3A_81, %eq3A_616 : vector<256x128xi32>
    %jit3A_618 = arith.constant 3.000000e+38 : f32
    %broadcast_in_dim3A_619 = vector.broadcast %jit3A_618 : f32 to vector<256x128xf32>
    %select_n3A_620 = arith.select %eq3A_617, %broadcast_in_dim3A_619, %select_n3A_484 : vector<256x128xi1>, vector<256x128xf32>
    %lt3A_621 = arith.cmpf olt, %select_n3A_550, %select_n3A_545 : vector<256x128xf32>
    %select_n3A_622 = arith.select %lt3A_621, %select_n3A_550, %select_n3A_545 : vector<256x128xi1>, vector<256x128xf32>
    %select_n3A_623 = arith.select %lt3A_621, %add3A_39, %add3A_36 : vector<256x128xi1>, vector<256x128xi32>
    %lt3A_624 = arith.cmpf olt, %select_n3A_555, %select_n3A_622 : vector<256x128xf32>
    %select_n3A_625 = arith.select %lt3A_624, %select_n3A_555, %select_n3A_622 : vector<256x128xi1>, vector<256x128xf32>
    %select_n3A_626 = arith.select %lt3A_624, %add3A_42, %select_n3A_623 : vector<256x128xi1>, vector<256x128xi32>
    %lt3A_627 = arith.cmpf olt, %select_n3A_560, %select_n3A_625 : vector<256x128xf32>
    %select_n3A_628 = arith.select %lt3A_627, %select_n3A_560, %select_n3A_625 : vector<256x128xi1>, vector<256x128xf32>
    %select_n3A_629 = arith.select %lt3A_627, %add3A_45, %select_n3A_626 : vector<256x128xi1>, vector<256x128xi32>
    %lt3A_630 = arith.cmpf olt, %select_n3A_565, %select_n3A_628 : vector<256x128xf32>
    %select_n3A_631 = arith.select %lt3A_630, %select_n3A_565, %select_n3A_628 : vector<256x128xi1>, vector<256x128xf32>
    %select_n3A_632 = arith.select %lt3A_630, %add3A_48, %select_n3A_629 : vector<256x128xi1>, vector<256x128xi32>
    %lt3A_633 = arith.cmpf olt, %select_n3A_570, %select_n3A_631 : vector<256x128xf32>
    %select_n3A_634 = arith.select %lt3A_633, %select_n3A_570, %select_n3A_631 : vector<256x128xi1>, vector<256x128xf32>
    %select_n3A_635 = arith.select %lt3A_633, %add3A_51, %select_n3A_632 : vector<256x128xi1>, vector<256x128xi32>
    %lt3A_636 = arith.cmpf olt, %select_n3A_575, %select_n3A_634 : vector<256x128xf32>
    %select_n3A_637 = arith.select %lt3A_636, %select_n3A_575, %select_n3A_634 : vector<256x128xi1>, vector<256x128xf32>
    %select_n3A_638 = arith.select %lt3A_636, %add3A_54, %select_n3A_635 : vector<256x128xi1>, vector<256x128xi32>
    %lt3A_639 = arith.cmpf olt, %select_n3A_580, %select_n3A_637 : vector<256x128xf32>
    %select_n3A_640 = arith.select %lt3A_639, %select_n3A_580, %select_n3A_637 : vector<256x128xi1>, vector<256x128xf32>
    %select_n3A_641 = arith.select %lt3A_639, %add3A_57, %select_n3A_638 : vector<256x128xi1>, vector<256x128xi32>
    %lt3A_642 = arith.cmpf olt, %select_n3A_585, %select_n3A_640 : vector<256x128xf32>
    %select_n3A_643 = arith.select %lt3A_642, %select_n3A_585, %select_n3A_640 : vector<256x128xi1>, vector<256x128xf32>
    %select_n3A_644 = arith.select %lt3A_642, %add3A_60, %select_n3A_641 : vector<256x128xi1>, vector<256x128xi32>
    %lt3A_645 = arith.cmpf olt, %select_n3A_590, %select_n3A_643 : vector<256x128xf32>
    %select_n3A_646 = arith.select %lt3A_645, %select_n3A_590, %select_n3A_643 : vector<256x128xi1>, vector<256x128xf32>
    %select_n3A_647 = arith.select %lt3A_645, %add3A_63, %select_n3A_644 : vector<256x128xi1>, vector<256x128xi32>
    %lt3A_648 = arith.cmpf olt, %select_n3A_595, %select_n3A_646 : vector<256x128xf32>
    %select_n3A_649 = arith.select %lt3A_648, %select_n3A_595, %select_n3A_646 : vector<256x128xi1>, vector<256x128xf32>
    %select_n3A_650 = arith.select %lt3A_648, %add3A_66, %select_n3A_647 : vector<256x128xi1>, vector<256x128xi32>
    %lt3A_651 = arith.cmpf olt, %select_n3A_600, %select_n3A_649 : vector<256x128xf32>
    %select_n3A_652 = arith.select %lt3A_651, %select_n3A_600, %select_n3A_649 : vector<256x128xi1>, vector<256x128xf32>
    %select_n3A_653 = arith.select %lt3A_651, %add3A_69, %select_n3A_650 : vector<256x128xi1>, vector<256x128xi32>
    %lt3A_654 = arith.cmpf olt, %select_n3A_605, %select_n3A_652 : vector<256x128xf32>
    %select_n3A_655 = arith.select %lt3A_654, %select_n3A_605, %select_n3A_652 : vector<256x128xi1>, vector<256x128xf32>
    %select_n3A_656 = arith.select %lt3A_654, %add3A_72, %select_n3A_653 : vector<256x128xi1>, vector<256x128xi32>
    %lt3A_657 = arith.cmpf olt, %select_n3A_610, %select_n3A_655 : vector<256x128xf32>
    %select_n3A_658 = arith.select %lt3A_657, %select_n3A_610, %select_n3A_655 : vector<256x128xi1>, vector<256x128xf32>
    %select_n3A_659 = arith.select %lt3A_657, %add3A_75, %select_n3A_656 : vector<256x128xi1>, vector<256x128xi32>
    %lt3A_660 = arith.cmpf olt, %select_n3A_615, %select_n3A_658 : vector<256x128xf32>
    %select_n3A_661 = arith.select %lt3A_660, %select_n3A_615, %select_n3A_658 : vector<256x128xi1>, vector<256x128xf32>
    %select_n3A_662 = arith.select %lt3A_660, %add3A_78, %select_n3A_659 : vector<256x128xi1>, vector<256x128xi32>
    %lt3A_663 = arith.cmpf olt, %select_n3A_620, %select_n3A_661 : vector<256x128xf32>
    %select_n3A_664 = arith.select %lt3A_663, %select_n3A_620, %select_n3A_661 : vector<256x128xi1>, vector<256x128xf32>
    %select_n3A_665 = arith.select %lt3A_663, %add3A_81, %select_n3A_662 : vector<256x128xi1>, vector<256x128xi32>
    %reduce_min3A_666 = arith.constant dense<0x7F800000> : vector<256xf32>
    %reduce_min3A_667 = vector.multi_reduction <minimumf>, %select_n3A_664, %reduce_min3A_666 [1] : vector<256x128xf32> to vector<256xf32>
    %broadcast_in_dim3A_668 = vector.shape_cast %reduce_min3A_667 : vector<256xf32> to vector<256x1xf32>
    %eq3A_669 = vector.broadcast %broadcast_in_dim3A_668 : vector<256x1xf32> to vector<256x128xf32>
    %eq3A_670 = arith.cmpf oeq, %select_n3A_664, %eq3A_669 : vector<256x128xf32>
    %jit3A_671 = arith.constant 2048 : i32
    %broadcast_in_dim3A_672 = vector.broadcast %jit3A_671 : i32 to vector<256x128xi32>
    %select_n3A_673 = arith.select %eq3A_670, %select_n3A_665, %broadcast_in_dim3A_672 : vector<256x128xi1>, vector<256x128xi32>
    %reduce_min3A_674 = arith.constant dense<2147483647> : vector<256xi32>
    %reduce_min3A_675 = vector.multi_reduction <minsi>, %select_n3A_673, %reduce_min3A_674 [1] : vector<256x128xi32> to vector<256xi32>
    %broadcast_in_dim3A_676 = vector.shape_cast %reduce_min3A_675 : vector<256xi32> to vector<256x1xi32>
    %eq3A_677 = vector.broadcast %broadcast_in_dim3A_676 : vector<256x1xi32> to vector<256x128xi32>
    %eq3A_678 = arith.cmpi eq, %add3A_36, %eq3A_677 : vector<256x128xi32>
    %jit3A_679 = arith.constant 3.000000e+38 : f32
    %broadcast_in_dim3A_680 = vector.broadcast %jit3A_679 : f32 to vector<256x128xf32>
    %select_n3A_681 = arith.select %eq3A_678, %broadcast_in_dim3A_680, %select_n3A_545 : vector<256x128xi1>, vector<256x128xf32>
    %eq3A_682 = vector.broadcast %broadcast_in_dim3A_676 : vector<256x1xi32> to vector<256x128xi32>
    %eq3A_683 = arith.cmpi eq, %add3A_39, %eq3A_682 : vector<256x128xi32>
    %jit3A_684 = arith.constant 3.000000e+38 : f32
    %broadcast_in_dim3A_685 = vector.broadcast %jit3A_684 : f32 to vector<256x128xf32>
    %select_n3A_686 = arith.select %eq3A_683, %broadcast_in_dim3A_685, %select_n3A_550 : vector<256x128xi1>, vector<256x128xf32>
    %eq3A_687 = vector.broadcast %broadcast_in_dim3A_676 : vector<256x1xi32> to vector<256x128xi32>
    %eq3A_688 = arith.cmpi eq, %add3A_42, %eq3A_687 : vector<256x128xi32>
    %jit3A_689 = arith.constant 3.000000e+38 : f32
    %broadcast_in_dim3A_690 = vector.broadcast %jit3A_689 : f32 to vector<256x128xf32>
    %select_n3A_691 = arith.select %eq3A_688, %broadcast_in_dim3A_690, %select_n3A_555 : vector<256x128xi1>, vector<256x128xf32>
    %eq3A_692 = vector.broadcast %broadcast_in_dim3A_676 : vector<256x1xi32> to vector<256x128xi32>
    %eq3A_693 = arith.cmpi eq, %add3A_45, %eq3A_692 : vector<256x128xi32>
    %jit3A_694 = arith.constant 3.000000e+38 : f32
    %broadcast_in_dim3A_695 = vector.broadcast %jit3A_694 : f32 to vector<256x128xf32>
    %select_n3A_696 = arith.select %eq3A_693, %broadcast_in_dim3A_695, %select_n3A_560 : vector<256x128xi1>, vector<256x128xf32>
    %eq3A_697 = vector.broadcast %broadcast_in_dim3A_676 : vector<256x1xi32> to vector<256x128xi32>
    %eq3A_698 = arith.cmpi eq, %add3A_48, %eq3A_697 : vector<256x128xi32>
    %jit3A_699 = arith.constant 3.000000e+38 : f32
    %broadcast_in_dim3A_700 = vector.broadcast %jit3A_699 : f32 to vector<256x128xf32>
    %select_n3A_701 = arith.select %eq3A_698, %broadcast_in_dim3A_700, %select_n3A_565 : vector<256x128xi1>, vector<256x128xf32>
    %eq3A_702 = vector.broadcast %broadcast_in_dim3A_676 : vector<256x1xi32> to vector<256x128xi32>
    %eq3A_703 = arith.cmpi eq, %add3A_51, %eq3A_702 : vector<256x128xi32>
    %jit3A_704 = arith.constant 3.000000e+38 : f32
    %broadcast_in_dim3A_705 = vector.broadcast %jit3A_704 : f32 to vector<256x128xf32>
    %select_n3A_706 = arith.select %eq3A_703, %broadcast_in_dim3A_705, %select_n3A_570 : vector<256x128xi1>, vector<256x128xf32>
    %eq3A_707 = vector.broadcast %broadcast_in_dim3A_676 : vector<256x1xi32> to vector<256x128xi32>
    %eq3A_708 = arith.cmpi eq, %add3A_54, %eq3A_707 : vector<256x128xi32>
    %jit3A_709 = arith.constant 3.000000e+38 : f32
    %broadcast_in_dim3A_710 = vector.broadcast %jit3A_709 : f32 to vector<256x128xf32>
    %select_n3A_711 = arith.select %eq3A_708, %broadcast_in_dim3A_710, %select_n3A_575 : vector<256x128xi1>, vector<256x128xf32>
    %eq3A_712 = vector.broadcast %broadcast_in_dim3A_676 : vector<256x1xi32> to vector<256x128xi32>
    %eq3A_713 = arith.cmpi eq, %add3A_57, %eq3A_712 : vector<256x128xi32>
    %jit3A_714 = arith.constant 3.000000e+38 : f32
    %broadcast_in_dim3A_715 = vector.broadcast %jit3A_714 : f32 to vector<256x128xf32>
    %select_n3A_716 = arith.select %eq3A_713, %broadcast_in_dim3A_715, %select_n3A_580 : vector<256x128xi1>, vector<256x128xf32>
    %eq3A_717 = vector.broadcast %broadcast_in_dim3A_676 : vector<256x1xi32> to vector<256x128xi32>
    %eq3A_718 = arith.cmpi eq, %add3A_60, %eq3A_717 : vector<256x128xi32>
    %jit3A_719 = arith.constant 3.000000e+38 : f32
    %broadcast_in_dim3A_720 = vector.broadcast %jit3A_719 : f32 to vector<256x128xf32>
    %select_n3A_721 = arith.select %eq3A_718, %broadcast_in_dim3A_720, %select_n3A_585 : vector<256x128xi1>, vector<256x128xf32>
    %eq3A_722 = vector.broadcast %broadcast_in_dim3A_676 : vector<256x1xi32> to vector<256x128xi32>
    %eq3A_723 = arith.cmpi eq, %add3A_63, %eq3A_722 : vector<256x128xi32>
    %jit3A_724 = arith.constant 3.000000e+38 : f32
    %broadcast_in_dim3A_725 = vector.broadcast %jit3A_724 : f32 to vector<256x128xf32>
    %select_n3A_726 = arith.select %eq3A_723, %broadcast_in_dim3A_725, %select_n3A_590 : vector<256x128xi1>, vector<256x128xf32>
    %eq3A_727 = vector.broadcast %broadcast_in_dim3A_676 : vector<256x1xi32> to vector<256x128xi32>
    %eq3A_728 = arith.cmpi eq, %add3A_66, %eq3A_727 : vector<256x128xi32>
    %jit3A_729 = arith.constant 3.000000e+38 : f32
    %broadcast_in_dim3A_730 = vector.broadcast %jit3A_729 : f32 to vector<256x128xf32>
    %select_n3A_731 = arith.select %eq3A_728, %broadcast_in_dim3A_730, %select_n3A_595 : vector<256x128xi1>, vector<256x128xf32>
    %eq3A_732 = vector.broadcast %broadcast_in_dim3A_676 : vector<256x1xi32> to vector<256x128xi32>
    %eq3A_733 = arith.cmpi eq, %add3A_69, %eq3A_732 : vector<256x128xi32>
    %jit3A_734 = arith.constant 3.000000e+38 : f32
    %broadcast_in_dim3A_735 = vector.broadcast %jit3A_734 : f32 to vector<256x128xf32>
    %select_n3A_736 = arith.select %eq3A_733, %broadcast_in_dim3A_735, %select_n3A_600 : vector<256x128xi1>, vector<256x128xf32>
    %eq3A_737 = vector.broadcast %broadcast_in_dim3A_676 : vector<256x1xi32> to vector<256x128xi32>
    %eq3A_738 = arith.cmpi eq, %add3A_72, %eq3A_737 : vector<256x128xi32>
    %jit3A_739 = arith.constant 3.000000e+38 : f32
    %broadcast_in_dim3A_740 = vector.broadcast %jit3A_739 : f32 to vector<256x128xf32>
    %select_n3A_741 = arith.select %eq3A_738, %broadcast_in_dim3A_740, %select_n3A_605 : vector<256x128xi1>, vector<256x128xf32>
    %eq3A_742 = vector.broadcast %broadcast_in_dim3A_676 : vector<256x1xi32> to vector<256x128xi32>
    %eq3A_743 = arith.cmpi eq, %add3A_75, %eq3A_742 : vector<256x128xi32>
    %jit3A_744 = arith.constant 3.000000e+38 : f32
    %broadcast_in_dim3A_745 = vector.broadcast %jit3A_744 : f32 to vector<256x128xf32>
    %select_n3A_746 = arith.select %eq3A_743, %broadcast_in_dim3A_745, %select_n3A_610 : vector<256x128xi1>, vector<256x128xf32>
    %eq3A_747 = vector.broadcast %broadcast_in_dim3A_676 : vector<256x1xi32> to vector<256x128xi32>
    %eq3A_748 = arith.cmpi eq, %add3A_78, %eq3A_747 : vector<256x128xi32>
    %jit3A_749 = arith.constant 3.000000e+38 : f32
    %broadcast_in_dim3A_750 = vector.broadcast %jit3A_749 : f32 to vector<256x128xf32>
    %select_n3A_751 = arith.select %eq3A_748, %broadcast_in_dim3A_750, %select_n3A_615 : vector<256x128xi1>, vector<256x128xf32>
    %eq3A_752 = vector.broadcast %broadcast_in_dim3A_676 : vector<256x1xi32> to vector<256x128xi32>
    %eq3A_753 = arith.cmpi eq, %add3A_81, %eq3A_752 : vector<256x128xi32>
    %jit3A_754 = arith.constant 3.000000e+38 : f32
    %broadcast_in_dim3A_755 = vector.broadcast %jit3A_754 : f32 to vector<256x128xf32>
    %select_n3A_756 = arith.select %eq3A_753, %broadcast_in_dim3A_755, %select_n3A_620 : vector<256x128xi1>, vector<256x128xf32>
    %lt3A_757 = arith.cmpf olt, %select_n3A_686, %select_n3A_681 : vector<256x128xf32>
    %select_n3A_758 = arith.select %lt3A_757, %select_n3A_686, %select_n3A_681 : vector<256x128xi1>, vector<256x128xf32>
    %select_n3A_759 = arith.select %lt3A_757, %add3A_39, %add3A_36 : vector<256x128xi1>, vector<256x128xi32>
    %lt3A_760 = arith.cmpf olt, %select_n3A_691, %select_n3A_758 : vector<256x128xf32>
    %select_n3A_761 = arith.select %lt3A_760, %select_n3A_691, %select_n3A_758 : vector<256x128xi1>, vector<256x128xf32>
    %select_n3A_762 = arith.select %lt3A_760, %add3A_42, %select_n3A_759 : vector<256x128xi1>, vector<256x128xi32>
    %lt3A_763 = arith.cmpf olt, %select_n3A_696, %select_n3A_761 : vector<256x128xf32>
    %select_n3A_764 = arith.select %lt3A_763, %select_n3A_696, %select_n3A_761 : vector<256x128xi1>, vector<256x128xf32>
    %select_n3A_765 = arith.select %lt3A_763, %add3A_45, %select_n3A_762 : vector<256x128xi1>, vector<256x128xi32>
    %lt3A_766 = arith.cmpf olt, %select_n3A_701, %select_n3A_764 : vector<256x128xf32>
    %select_n3A_767 = arith.select %lt3A_766, %select_n3A_701, %select_n3A_764 : vector<256x128xi1>, vector<256x128xf32>
    %select_n3A_768 = arith.select %lt3A_766, %add3A_48, %select_n3A_765 : vector<256x128xi1>, vector<256x128xi32>
    %lt3A_769 = arith.cmpf olt, %select_n3A_706, %select_n3A_767 : vector<256x128xf32>
    %select_n3A_770 = arith.select %lt3A_769, %select_n3A_706, %select_n3A_767 : vector<256x128xi1>, vector<256x128xf32>
    %select_n3A_771 = arith.select %lt3A_769, %add3A_51, %select_n3A_768 : vector<256x128xi1>, vector<256x128xi32>
    %lt3A_772 = arith.cmpf olt, %select_n3A_711, %select_n3A_770 : vector<256x128xf32>
    %select_n3A_773 = arith.select %lt3A_772, %select_n3A_711, %select_n3A_770 : vector<256x128xi1>, vector<256x128xf32>
    %select_n3A_774 = arith.select %lt3A_772, %add3A_54, %select_n3A_771 : vector<256x128xi1>, vector<256x128xi32>
    %lt3A_775 = arith.cmpf olt, %select_n3A_716, %select_n3A_773 : vector<256x128xf32>
    %select_n3A_776 = arith.select %lt3A_775, %select_n3A_716, %select_n3A_773 : vector<256x128xi1>, vector<256x128xf32>
    %select_n3A_777 = arith.select %lt3A_775, %add3A_57, %select_n3A_774 : vector<256x128xi1>, vector<256x128xi32>
    %lt3A_778 = arith.cmpf olt, %select_n3A_721, %select_n3A_776 : vector<256x128xf32>
    %select_n3A_779 = arith.select %lt3A_778, %select_n3A_721, %select_n3A_776 : vector<256x128xi1>, vector<256x128xf32>
    %select_n3A_780 = arith.select %lt3A_778, %add3A_60, %select_n3A_777 : vector<256x128xi1>, vector<256x128xi32>
    %lt3A_781 = arith.cmpf olt, %select_n3A_726, %select_n3A_779 : vector<256x128xf32>
    %select_n3A_782 = arith.select %lt3A_781, %select_n3A_726, %select_n3A_779 : vector<256x128xi1>, vector<256x128xf32>
    %select_n3A_783 = arith.select %lt3A_781, %add3A_63, %select_n3A_780 : vector<256x128xi1>, vector<256x128xi32>
    %lt3A_784 = arith.cmpf olt, %select_n3A_731, %select_n3A_782 : vector<256x128xf32>
    %select_n3A_785 = arith.select %lt3A_784, %select_n3A_731, %select_n3A_782 : vector<256x128xi1>, vector<256x128xf32>
    %select_n3A_786 = arith.select %lt3A_784, %add3A_66, %select_n3A_783 : vector<256x128xi1>, vector<256x128xi32>
    %lt3A_787 = arith.cmpf olt, %select_n3A_736, %select_n3A_785 : vector<256x128xf32>
    %select_n3A_788 = arith.select %lt3A_787, %select_n3A_736, %select_n3A_785 : vector<256x128xi1>, vector<256x128xf32>
    %select_n3A_789 = arith.select %lt3A_787, %add3A_69, %select_n3A_786 : vector<256x128xi1>, vector<256x128xi32>
    %lt3A_790 = arith.cmpf olt, %select_n3A_741, %select_n3A_788 : vector<256x128xf32>
    %select_n3A_791 = arith.select %lt3A_790, %select_n3A_741, %select_n3A_788 : vector<256x128xi1>, vector<256x128xf32>
    %select_n3A_792 = arith.select %lt3A_790, %add3A_72, %select_n3A_789 : vector<256x128xi1>, vector<256x128xi32>
    %lt3A_793 = arith.cmpf olt, %select_n3A_746, %select_n3A_791 : vector<256x128xf32>
    %select_n3A_794 = arith.select %lt3A_793, %select_n3A_746, %select_n3A_791 : vector<256x128xi1>, vector<256x128xf32>
    %select_n3A_795 = arith.select %lt3A_793, %add3A_75, %select_n3A_792 : vector<256x128xi1>, vector<256x128xi32>
    %lt3A_796 = arith.cmpf olt, %select_n3A_751, %select_n3A_794 : vector<256x128xf32>
    %select_n3A_797 = arith.select %lt3A_796, %select_n3A_751, %select_n3A_794 : vector<256x128xi1>, vector<256x128xf32>
    %select_n3A_798 = arith.select %lt3A_796, %add3A_78, %select_n3A_795 : vector<256x128xi1>, vector<256x128xi32>
    %lt3A_799 = arith.cmpf olt, %select_n3A_756, %select_n3A_797 : vector<256x128xf32>
    %select_n3A_800 = arith.select %lt3A_799, %select_n3A_756, %select_n3A_797 : vector<256x128xi1>, vector<256x128xf32>
    %select_n3A_801 = arith.select %lt3A_799, %add3A_81, %select_n3A_798 : vector<256x128xi1>, vector<256x128xi32>
    %reduce_min3A_802 = arith.constant dense<0x7F800000> : vector<256xf32>
    %reduce_min3A_803 = vector.multi_reduction <minimumf>, %select_n3A_800, %reduce_min3A_802 [1] : vector<256x128xf32> to vector<256xf32>
    %broadcast_in_dim3A_804 = vector.shape_cast %reduce_min3A_803 : vector<256xf32> to vector<256x1xf32>
    %eq3A_805 = vector.broadcast %broadcast_in_dim3A_804 : vector<256x1xf32> to vector<256x128xf32>
    %eq3A_806 = arith.cmpf oeq, %select_n3A_800, %eq3A_805 : vector<256x128xf32>
    %jit3A_807 = arith.constant 2048 : i32
    %broadcast_in_dim3A_808 = vector.broadcast %jit3A_807 : i32 to vector<256x128xi32>
    %select_n3A_809 = arith.select %eq3A_806, %select_n3A_801, %broadcast_in_dim3A_808 : vector<256x128xi1>, vector<256x128xi32>
    %reduce_min3A_810 = arith.constant dense<2147483647> : vector<256xi32>
    %reduce_min3A_811 = vector.multi_reduction <minsi>, %select_n3A_809, %reduce_min3A_810 [1] : vector<256x128xi32> to vector<256xi32>
    %broadcast_in_dim3A_812 = vector.shape_cast %reduce_min3A_811 : vector<256xi32> to vector<256x1xi32>
    %eq3A_813 = vector.broadcast %broadcast_in_dim3A_812 : vector<256x1xi32> to vector<256x128xi32>
    %eq3A_814 = arith.cmpi eq, %add3A_36, %eq3A_813 : vector<256x128xi32>
    %jit3A_815 = arith.constant 3.000000e+38 : f32
    %broadcast_in_dim3A_816 = vector.broadcast %jit3A_815 : f32 to vector<256x128xf32>
    %select_n3A_817 = arith.select %eq3A_814, %broadcast_in_dim3A_816, %select_n3A_681 : vector<256x128xi1>, vector<256x128xf32>
    %eq3A_818 = vector.broadcast %broadcast_in_dim3A_812 : vector<256x1xi32> to vector<256x128xi32>
    %eq3A_819 = arith.cmpi eq, %add3A_39, %eq3A_818 : vector<256x128xi32>
    %jit3A_820 = arith.constant 3.000000e+38 : f32
    %broadcast_in_dim3A_821 = vector.broadcast %jit3A_820 : f32 to vector<256x128xf32>
    %select_n3A_822 = arith.select %eq3A_819, %broadcast_in_dim3A_821, %select_n3A_686 : vector<256x128xi1>, vector<256x128xf32>
    %eq3A_823 = vector.broadcast %broadcast_in_dim3A_812 : vector<256x1xi32> to vector<256x128xi32>
    %eq3A_824 = arith.cmpi eq, %add3A_42, %eq3A_823 : vector<256x128xi32>
    %jit3A_825 = arith.constant 3.000000e+38 : f32
    %broadcast_in_dim3A_826 = vector.broadcast %jit3A_825 : f32 to vector<256x128xf32>
    %select_n3A_827 = arith.select %eq3A_824, %broadcast_in_dim3A_826, %select_n3A_691 : vector<256x128xi1>, vector<256x128xf32>
    %eq3A_828 = vector.broadcast %broadcast_in_dim3A_812 : vector<256x1xi32> to vector<256x128xi32>
    %eq3A_829 = arith.cmpi eq, %add3A_45, %eq3A_828 : vector<256x128xi32>
    %jit3A_830 = arith.constant 3.000000e+38 : f32
    %broadcast_in_dim3A_831 = vector.broadcast %jit3A_830 : f32 to vector<256x128xf32>
    %select_n3A_832 = arith.select %eq3A_829, %broadcast_in_dim3A_831, %select_n3A_696 : vector<256x128xi1>, vector<256x128xf32>
    %eq3A_833 = vector.broadcast %broadcast_in_dim3A_812 : vector<256x1xi32> to vector<256x128xi32>
    %eq3A_834 = arith.cmpi eq, %add3A_48, %eq3A_833 : vector<256x128xi32>
    %jit3A_835 = arith.constant 3.000000e+38 : f32
    %broadcast_in_dim3A_836 = vector.broadcast %jit3A_835 : f32 to vector<256x128xf32>
    %select_n3A_837 = arith.select %eq3A_834, %broadcast_in_dim3A_836, %select_n3A_701 : vector<256x128xi1>, vector<256x128xf32>
    %eq3A_838 = vector.broadcast %broadcast_in_dim3A_812 : vector<256x1xi32> to vector<256x128xi32>
    %eq3A_839 = arith.cmpi eq, %add3A_51, %eq3A_838 : vector<256x128xi32>
    %jit3A_840 = arith.constant 3.000000e+38 : f32
    %broadcast_in_dim3A_841 = vector.broadcast %jit3A_840 : f32 to vector<256x128xf32>
    %select_n3A_842 = arith.select %eq3A_839, %broadcast_in_dim3A_841, %select_n3A_706 : vector<256x128xi1>, vector<256x128xf32>
    %eq3A_843 = vector.broadcast %broadcast_in_dim3A_812 : vector<256x1xi32> to vector<256x128xi32>
    %eq3A_844 = arith.cmpi eq, %add3A_54, %eq3A_843 : vector<256x128xi32>
    %jit3A_845 = arith.constant 3.000000e+38 : f32
    %broadcast_in_dim3A_846 = vector.broadcast %jit3A_845 : f32 to vector<256x128xf32>
    %select_n3A_847 = arith.select %eq3A_844, %broadcast_in_dim3A_846, %select_n3A_711 : vector<256x128xi1>, vector<256x128xf32>
    %eq3A_848 = vector.broadcast %broadcast_in_dim3A_812 : vector<256x1xi32> to vector<256x128xi32>
    %eq3A_849 = arith.cmpi eq, %add3A_57, %eq3A_848 : vector<256x128xi32>
    %jit3A_850 = arith.constant 3.000000e+38 : f32
    %broadcast_in_dim3A_851 = vector.broadcast %jit3A_850 : f32 to vector<256x128xf32>
    %select_n3A_852 = arith.select %eq3A_849, %broadcast_in_dim3A_851, %select_n3A_716 : vector<256x128xi1>, vector<256x128xf32>
    %eq3A_853 = vector.broadcast %broadcast_in_dim3A_812 : vector<256x1xi32> to vector<256x128xi32>
    %eq3A_854 = arith.cmpi eq, %add3A_60, %eq3A_853 : vector<256x128xi32>
    %jit3A_855 = arith.constant 3.000000e+38 : f32
    %broadcast_in_dim3A_856 = vector.broadcast %jit3A_855 : f32 to vector<256x128xf32>
    %select_n3A_857 = arith.select %eq3A_854, %broadcast_in_dim3A_856, %select_n3A_721 : vector<256x128xi1>, vector<256x128xf32>
    %eq3A_858 = vector.broadcast %broadcast_in_dim3A_812 : vector<256x1xi32> to vector<256x128xi32>
    %eq3A_859 = arith.cmpi eq, %add3A_63, %eq3A_858 : vector<256x128xi32>
    %jit3A_860 = arith.constant 3.000000e+38 : f32
    %broadcast_in_dim3A_861 = vector.broadcast %jit3A_860 : f32 to vector<256x128xf32>
    %select_n3A_862 = arith.select %eq3A_859, %broadcast_in_dim3A_861, %select_n3A_726 : vector<256x128xi1>, vector<256x128xf32>
    %eq3A_863 = vector.broadcast %broadcast_in_dim3A_812 : vector<256x1xi32> to vector<256x128xi32>
    %eq3A_864 = arith.cmpi eq, %add3A_66, %eq3A_863 : vector<256x128xi32>
    %jit3A_865 = arith.constant 3.000000e+38 : f32
    %broadcast_in_dim3A_866 = vector.broadcast %jit3A_865 : f32 to vector<256x128xf32>
    %select_n3A_867 = arith.select %eq3A_864, %broadcast_in_dim3A_866, %select_n3A_731 : vector<256x128xi1>, vector<256x128xf32>
    %eq3A_868 = vector.broadcast %broadcast_in_dim3A_812 : vector<256x1xi32> to vector<256x128xi32>
    %eq3A_869 = arith.cmpi eq, %add3A_69, %eq3A_868 : vector<256x128xi32>
    %jit3A_870 = arith.constant 3.000000e+38 : f32
    %broadcast_in_dim3A_871 = vector.broadcast %jit3A_870 : f32 to vector<256x128xf32>
    %select_n3A_872 = arith.select %eq3A_869, %broadcast_in_dim3A_871, %select_n3A_736 : vector<256x128xi1>, vector<256x128xf32>
    %eq3A_873 = vector.broadcast %broadcast_in_dim3A_812 : vector<256x1xi32> to vector<256x128xi32>
    %eq3A_874 = arith.cmpi eq, %add3A_72, %eq3A_873 : vector<256x128xi32>
    %jit3A_875 = arith.constant 3.000000e+38 : f32
    %broadcast_in_dim3A_876 = vector.broadcast %jit3A_875 : f32 to vector<256x128xf32>
    %select_n3A_877 = arith.select %eq3A_874, %broadcast_in_dim3A_876, %select_n3A_741 : vector<256x128xi1>, vector<256x128xf32>
    %eq3A_878 = vector.broadcast %broadcast_in_dim3A_812 : vector<256x1xi32> to vector<256x128xi32>
    %eq3A_879 = arith.cmpi eq, %add3A_75, %eq3A_878 : vector<256x128xi32>
    %jit3A_880 = arith.constant 3.000000e+38 : f32
    %broadcast_in_dim3A_881 = vector.broadcast %jit3A_880 : f32 to vector<256x128xf32>
    %select_n3A_882 = arith.select %eq3A_879, %broadcast_in_dim3A_881, %select_n3A_746 : vector<256x128xi1>, vector<256x128xf32>
    %eq3A_883 = vector.broadcast %broadcast_in_dim3A_812 : vector<256x1xi32> to vector<256x128xi32>
    %eq3A_884 = arith.cmpi eq, %add3A_78, %eq3A_883 : vector<256x128xi32>
    %jit3A_885 = arith.constant 3.000000e+38 : f32
    %broadcast_in_dim3A_886 = vector.broadcast %jit3A_885 : f32 to vector<256x128xf32>
    %select_n3A_887 = arith.select %eq3A_884, %broadcast_in_dim3A_886, %select_n3A_751 : vector<256x128xi1>, vector<256x128xf32>
    %eq3A_888 = vector.broadcast %broadcast_in_dim3A_812 : vector<256x1xi32> to vector<256x128xi32>
    %eq3A_889 = arith.cmpi eq, %add3A_81, %eq3A_888 : vector<256x128xi32>
    %jit3A_890 = arith.constant 3.000000e+38 : f32
    %broadcast_in_dim3A_891 = vector.broadcast %jit3A_890 : f32 to vector<256x128xf32>
    %select_n3A_892 = arith.select %eq3A_889, %broadcast_in_dim3A_891, %select_n3A_756 : vector<256x128xi1>, vector<256x128xf32>
    %lt3A_893 = arith.cmpf olt, %select_n3A_822, %select_n3A_817 : vector<256x128xf32>
    %select_n3A_894 = arith.select %lt3A_893, %select_n3A_822, %select_n3A_817 : vector<256x128xi1>, vector<256x128xf32>
    %select_n3A_895 = arith.select %lt3A_893, %add3A_39, %add3A_36 : vector<256x128xi1>, vector<256x128xi32>
    %lt3A_896 = arith.cmpf olt, %select_n3A_827, %select_n3A_894 : vector<256x128xf32>
    %select_n3A_897 = arith.select %lt3A_896, %select_n3A_827, %select_n3A_894 : vector<256x128xi1>, vector<256x128xf32>
    %select_n3A_898 = arith.select %lt3A_896, %add3A_42, %select_n3A_895 : vector<256x128xi1>, vector<256x128xi32>
    %lt3A_899 = arith.cmpf olt, %select_n3A_832, %select_n3A_897 : vector<256x128xf32>
    %select_n3A_900 = arith.select %lt3A_899, %select_n3A_832, %select_n3A_897 : vector<256x128xi1>, vector<256x128xf32>
    %select_n3A_901 = arith.select %lt3A_899, %add3A_45, %select_n3A_898 : vector<256x128xi1>, vector<256x128xi32>
    %lt3A_902 = arith.cmpf olt, %select_n3A_837, %select_n3A_900 : vector<256x128xf32>
    %select_n3A_903 = arith.select %lt3A_902, %select_n3A_837, %select_n3A_900 : vector<256x128xi1>, vector<256x128xf32>
    %select_n3A_904 = arith.select %lt3A_902, %add3A_48, %select_n3A_901 : vector<256x128xi1>, vector<256x128xi32>
    %lt3A_905 = arith.cmpf olt, %select_n3A_842, %select_n3A_903 : vector<256x128xf32>
    %select_n3A_906 = arith.select %lt3A_905, %select_n3A_842, %select_n3A_903 : vector<256x128xi1>, vector<256x128xf32>
    %select_n3A_907 = arith.select %lt3A_905, %add3A_51, %select_n3A_904 : vector<256x128xi1>, vector<256x128xi32>
    %lt3A_908 = arith.cmpf olt, %select_n3A_847, %select_n3A_906 : vector<256x128xf32>
    %select_n3A_909 = arith.select %lt3A_908, %select_n3A_847, %select_n3A_906 : vector<256x128xi1>, vector<256x128xf32>
    %select_n3A_910 = arith.select %lt3A_908, %add3A_54, %select_n3A_907 : vector<256x128xi1>, vector<256x128xi32>
    %lt3A_911 = arith.cmpf olt, %select_n3A_852, %select_n3A_909 : vector<256x128xf32>
    %select_n3A_912 = arith.select %lt3A_911, %select_n3A_852, %select_n3A_909 : vector<256x128xi1>, vector<256x128xf32>
    %select_n3A_913 = arith.select %lt3A_911, %add3A_57, %select_n3A_910 : vector<256x128xi1>, vector<256x128xi32>
    %lt3A_914 = arith.cmpf olt, %select_n3A_857, %select_n3A_912 : vector<256x128xf32>
    %select_n3A_915 = arith.select %lt3A_914, %select_n3A_857, %select_n3A_912 : vector<256x128xi1>, vector<256x128xf32>
    %select_n3A_916 = arith.select %lt3A_914, %add3A_60, %select_n3A_913 : vector<256x128xi1>, vector<256x128xi32>
    %lt3A_917 = arith.cmpf olt, %select_n3A_862, %select_n3A_915 : vector<256x128xf32>
    %select_n3A_918 = arith.select %lt3A_917, %select_n3A_862, %select_n3A_915 : vector<256x128xi1>, vector<256x128xf32>
    %select_n3A_919 = arith.select %lt3A_917, %add3A_63, %select_n3A_916 : vector<256x128xi1>, vector<256x128xi32>
    %lt3A_920 = arith.cmpf olt, %select_n3A_867, %select_n3A_918 : vector<256x128xf32>
    %select_n3A_921 = arith.select %lt3A_920, %select_n3A_867, %select_n3A_918 : vector<256x128xi1>, vector<256x128xf32>
    %select_n3A_922 = arith.select %lt3A_920, %add3A_66, %select_n3A_919 : vector<256x128xi1>, vector<256x128xi32>
    %lt3A_923 = arith.cmpf olt, %select_n3A_872, %select_n3A_921 : vector<256x128xf32>
    %select_n3A_924 = arith.select %lt3A_923, %select_n3A_872, %select_n3A_921 : vector<256x128xi1>, vector<256x128xf32>
    %select_n3A_925 = arith.select %lt3A_923, %add3A_69, %select_n3A_922 : vector<256x128xi1>, vector<256x128xi32>
    %lt3A_926 = arith.cmpf olt, %select_n3A_877, %select_n3A_924 : vector<256x128xf32>
    %select_n3A_927 = arith.select %lt3A_926, %select_n3A_877, %select_n3A_924 : vector<256x128xi1>, vector<256x128xf32>
    %select_n3A_928 = arith.select %lt3A_926, %add3A_72, %select_n3A_925 : vector<256x128xi1>, vector<256x128xi32>
    %lt3A_929 = arith.cmpf olt, %select_n3A_882, %select_n3A_927 : vector<256x128xf32>
    %select_n3A_930 = arith.select %lt3A_929, %select_n3A_882, %select_n3A_927 : vector<256x128xi1>, vector<256x128xf32>
    %select_n3A_931 = arith.select %lt3A_929, %add3A_75, %select_n3A_928 : vector<256x128xi1>, vector<256x128xi32>
    %lt3A_932 = arith.cmpf olt, %select_n3A_887, %select_n3A_930 : vector<256x128xf32>
    %select_n3A_933 = arith.select %lt3A_932, %select_n3A_887, %select_n3A_930 : vector<256x128xi1>, vector<256x128xf32>
    %select_n3A_934 = arith.select %lt3A_932, %add3A_78, %select_n3A_931 : vector<256x128xi1>, vector<256x128xi32>
    %lt3A_935 = arith.cmpf olt, %select_n3A_892, %select_n3A_933 : vector<256x128xf32>
    %select_n3A_936 = arith.select %lt3A_935, %select_n3A_892, %select_n3A_933 : vector<256x128xi1>, vector<256x128xf32>
    %select_n3A_937 = arith.select %lt3A_935, %add3A_81, %select_n3A_934 : vector<256x128xi1>, vector<256x128xi32>
    %reduce_min3A_938 = arith.constant dense<0x7F800000> : vector<256xf32>
    %reduce_min3A_939 = vector.multi_reduction <minimumf>, %select_n3A_936, %reduce_min3A_938 [1] : vector<256x128xf32> to vector<256xf32>
    %broadcast_in_dim3A_940 = vector.shape_cast %reduce_min3A_939 : vector<256xf32> to vector<256x1xf32>
    %eq3A_941 = vector.broadcast %broadcast_in_dim3A_940 : vector<256x1xf32> to vector<256x128xf32>
    %eq3A_942 = arith.cmpf oeq, %select_n3A_936, %eq3A_941 : vector<256x128xf32>
    %jit3A_943 = arith.constant 2048 : i32
    %broadcast_in_dim3A_944 = vector.broadcast %jit3A_943 : i32 to vector<256x128xi32>
    %select_n3A_945 = arith.select %eq3A_942, %select_n3A_937, %broadcast_in_dim3A_944 : vector<256x128xi1>, vector<256x128xi32>
    %reduce_min3A_946 = arith.constant dense<2147483647> : vector<256xi32>
    %reduce_min3A_947 = vector.multi_reduction <minsi>, %select_n3A_945, %reduce_min3A_946 [1] : vector<256x128xi32> to vector<256xi32>
    %broadcast_in_dim3A_948 = vector.shape_cast %reduce_min3A_947 : vector<256xi32> to vector<256x1xi32>
    %eq3A_949 = vector.broadcast %broadcast_in_dim3A_948 : vector<256x1xi32> to vector<256x128xi32>
    %eq3A_950 = arith.cmpi eq, %add3A_36, %eq3A_949 : vector<256x128xi32>
    %jit3A_951 = arith.constant 3.000000e+38 : f32
    %broadcast_in_dim3A_952 = vector.broadcast %jit3A_951 : f32 to vector<256x128xf32>
    %select_n3A_953 = arith.select %eq3A_950, %broadcast_in_dim3A_952, %select_n3A_817 : vector<256x128xi1>, vector<256x128xf32>
    %eq3A_954 = vector.broadcast %broadcast_in_dim3A_948 : vector<256x1xi32> to vector<256x128xi32>
    %eq3A_955 = arith.cmpi eq, %add3A_39, %eq3A_954 : vector<256x128xi32>
    %jit3A_956 = arith.constant 3.000000e+38 : f32
    %broadcast_in_dim3A_957 = vector.broadcast %jit3A_956 : f32 to vector<256x128xf32>
    %select_n3A_958 = arith.select %eq3A_955, %broadcast_in_dim3A_957, %select_n3A_822 : vector<256x128xi1>, vector<256x128xf32>
    %eq3A_959 = vector.broadcast %broadcast_in_dim3A_948 : vector<256x1xi32> to vector<256x128xi32>
    %eq3A_960 = arith.cmpi eq, %add3A_42, %eq3A_959 : vector<256x128xi32>
    %jit3A_961 = arith.constant 3.000000e+38 : f32
    %broadcast_in_dim3A_962 = vector.broadcast %jit3A_961 : f32 to vector<256x128xf32>
    %select_n3A_963 = arith.select %eq3A_960, %broadcast_in_dim3A_962, %select_n3A_827 : vector<256x128xi1>, vector<256x128xf32>
    %eq3A_964 = vector.broadcast %broadcast_in_dim3A_948 : vector<256x1xi32> to vector<256x128xi32>
    %eq3A_965 = arith.cmpi eq, %add3A_45, %eq3A_964 : vector<256x128xi32>
    %jit3A_966 = arith.constant 3.000000e+38 : f32
    %broadcast_in_dim3A_967 = vector.broadcast %jit3A_966 : f32 to vector<256x128xf32>
    %select_n3A_968 = arith.select %eq3A_965, %broadcast_in_dim3A_967, %select_n3A_832 : vector<256x128xi1>, vector<256x128xf32>
    %eq3A_969 = vector.broadcast %broadcast_in_dim3A_948 : vector<256x1xi32> to vector<256x128xi32>
    %eq3A_970 = arith.cmpi eq, %add3A_48, %eq3A_969 : vector<256x128xi32>
    %jit3A_971 = arith.constant 3.000000e+38 : f32
    %broadcast_in_dim3A_972 = vector.broadcast %jit3A_971 : f32 to vector<256x128xf32>
    %select_n3A_973 = arith.select %eq3A_970, %broadcast_in_dim3A_972, %select_n3A_837 : vector<256x128xi1>, vector<256x128xf32>
    %eq3A_974 = vector.broadcast %broadcast_in_dim3A_948 : vector<256x1xi32> to vector<256x128xi32>
    %eq3A_975 = arith.cmpi eq, %add3A_51, %eq3A_974 : vector<256x128xi32>
    %jit3A_976 = arith.constant 3.000000e+38 : f32
    %broadcast_in_dim3A_977 = vector.broadcast %jit3A_976 : f32 to vector<256x128xf32>
    %select_n3A_978 = arith.select %eq3A_975, %broadcast_in_dim3A_977, %select_n3A_842 : vector<256x128xi1>, vector<256x128xf32>
    %eq3A_979 = vector.broadcast %broadcast_in_dim3A_948 : vector<256x1xi32> to vector<256x128xi32>
    %eq3A_980 = arith.cmpi eq, %add3A_54, %eq3A_979 : vector<256x128xi32>
    %jit3A_981 = arith.constant 3.000000e+38 : f32
    %broadcast_in_dim3A_982 = vector.broadcast %jit3A_981 : f32 to vector<256x128xf32>
    %select_n3A_983 = arith.select %eq3A_980, %broadcast_in_dim3A_982, %select_n3A_847 : vector<256x128xi1>, vector<256x128xf32>
    %eq3A_984 = vector.broadcast %broadcast_in_dim3A_948 : vector<256x1xi32> to vector<256x128xi32>
    %eq3A_985 = arith.cmpi eq, %add3A_57, %eq3A_984 : vector<256x128xi32>
    %jit3A_986 = arith.constant 3.000000e+38 : f32
    %broadcast_in_dim3A_987 = vector.broadcast %jit3A_986 : f32 to vector<256x128xf32>
    %select_n3A_988 = arith.select %eq3A_985, %broadcast_in_dim3A_987, %select_n3A_852 : vector<256x128xi1>, vector<256x128xf32>
    %eq3A_989 = vector.broadcast %broadcast_in_dim3A_948 : vector<256x1xi32> to vector<256x128xi32>
    %eq3A_990 = arith.cmpi eq, %add3A_60, %eq3A_989 : vector<256x128xi32>
    %jit3A_991 = arith.constant 3.000000e+38 : f32
    %broadcast_in_dim3A_992 = vector.broadcast %jit3A_991 : f32 to vector<256x128xf32>
    %select_n3A_993 = arith.select %eq3A_990, %broadcast_in_dim3A_992, %select_n3A_857 : vector<256x128xi1>, vector<256x128xf32>
    %eq3A_994 = vector.broadcast %broadcast_in_dim3A_948 : vector<256x1xi32> to vector<256x128xi32>
    %eq3A_995 = arith.cmpi eq, %add3A_63, %eq3A_994 : vector<256x128xi32>
    %jit3A_996 = arith.constant 3.000000e+38 : f32
    %broadcast_in_dim3A_997 = vector.broadcast %jit3A_996 : f32 to vector<256x128xf32>
    %select_n3A_998 = arith.select %eq3A_995, %broadcast_in_dim3A_997, %select_n3A_862 : vector<256x128xi1>, vector<256x128xf32>
    %eq3A_999 = vector.broadcast %broadcast_in_dim3A_948 : vector<256x1xi32> to vector<256x128xi32>
    %eq3A_1000 = arith.cmpi eq, %add3A_66, %eq3A_999 : vector<256x128xi32>
    %jit3A_1001 = arith.constant 3.000000e+38 : f32
    %broadcast_in_dim3A_1002 = vector.broadcast %jit3A_1001 : f32 to vector<256x128xf32>
    %select_n3A_1003 = arith.select %eq3A_1000, %broadcast_in_dim3A_1002, %select_n3A_867 : vector<256x128xi1>, vector<256x128xf32>
    %eq3A_1004 = vector.broadcast %broadcast_in_dim3A_948 : vector<256x1xi32> to vector<256x128xi32>
    %eq3A_1005 = arith.cmpi eq, %add3A_69, %eq3A_1004 : vector<256x128xi32>
    %jit3A_1006 = arith.constant 3.000000e+38 : f32
    %broadcast_in_dim3A_1007 = vector.broadcast %jit3A_1006 : f32 to vector<256x128xf32>
    %select_n3A_1008 = arith.select %eq3A_1005, %broadcast_in_dim3A_1007, %select_n3A_872 : vector<256x128xi1>, vector<256x128xf32>
    %eq3A_1009 = vector.broadcast %broadcast_in_dim3A_948 : vector<256x1xi32> to vector<256x128xi32>
    %eq3A_1010 = arith.cmpi eq, %add3A_72, %eq3A_1009 : vector<256x128xi32>
    %jit3A_1011 = arith.constant 3.000000e+38 : f32
    %broadcast_in_dim3A_1012 = vector.broadcast %jit3A_1011 : f32 to vector<256x128xf32>
    %select_n3A_1013 = arith.select %eq3A_1010, %broadcast_in_dim3A_1012, %select_n3A_877 : vector<256x128xi1>, vector<256x128xf32>
    %eq3A_1014 = vector.broadcast %broadcast_in_dim3A_948 : vector<256x1xi32> to vector<256x128xi32>
    %eq3A_1015 = arith.cmpi eq, %add3A_75, %eq3A_1014 : vector<256x128xi32>
    %jit3A_1016 = arith.constant 3.000000e+38 : f32
    %broadcast_in_dim3A_1017 = vector.broadcast %jit3A_1016 : f32 to vector<256x128xf32>
    %select_n3A_1018 = arith.select %eq3A_1015, %broadcast_in_dim3A_1017, %select_n3A_882 : vector<256x128xi1>, vector<256x128xf32>
    %eq3A_1019 = vector.broadcast %broadcast_in_dim3A_948 : vector<256x1xi32> to vector<256x128xi32>
    %eq3A_1020 = arith.cmpi eq, %add3A_78, %eq3A_1019 : vector<256x128xi32>
    %jit3A_1021 = arith.constant 3.000000e+38 : f32
    %broadcast_in_dim3A_1022 = vector.broadcast %jit3A_1021 : f32 to vector<256x128xf32>
    %select_n3A_1023 = arith.select %eq3A_1020, %broadcast_in_dim3A_1022, %select_n3A_887 : vector<256x128xi1>, vector<256x128xf32>
    %eq3A_1024 = vector.broadcast %broadcast_in_dim3A_948 : vector<256x1xi32> to vector<256x128xi32>
    %eq3A_1025 = arith.cmpi eq, %add3A_81, %eq3A_1024 : vector<256x128xi32>
    %jit3A_1026 = arith.constant 3.000000e+38 : f32
    %broadcast_in_dim3A_1027 = vector.broadcast %jit3A_1026 : f32 to vector<256x128xf32>
    %select_n3A_1028 = arith.select %eq3A_1025, %broadcast_in_dim3A_1027, %select_n3A_892 : vector<256x128xi1>, vector<256x128xf32>
    %lt3A_1029 = arith.cmpf olt, %select_n3A_958, %select_n3A_953 : vector<256x128xf32>
    %select_n3A_1030 = arith.select %lt3A_1029, %select_n3A_958, %select_n3A_953 : vector<256x128xi1>, vector<256x128xf32>
    %select_n3A_1031 = arith.select %lt3A_1029, %add3A_39, %add3A_36 : vector<256x128xi1>, vector<256x128xi32>
    %lt3A_1032 = arith.cmpf olt, %select_n3A_963, %select_n3A_1030 : vector<256x128xf32>
    %select_n3A_1033 = arith.select %lt3A_1032, %select_n3A_963, %select_n3A_1030 : vector<256x128xi1>, vector<256x128xf32>
    %select_n3A_1034 = arith.select %lt3A_1032, %add3A_42, %select_n3A_1031 : vector<256x128xi1>, vector<256x128xi32>
    %lt3A_1035 = arith.cmpf olt, %select_n3A_968, %select_n3A_1033 : vector<256x128xf32>
    %select_n3A_1036 = arith.select %lt3A_1035, %select_n3A_968, %select_n3A_1033 : vector<256x128xi1>, vector<256x128xf32>
    %select_n3A_1037 = arith.select %lt3A_1035, %add3A_45, %select_n3A_1034 : vector<256x128xi1>, vector<256x128xi32>
    %lt3A_1038 = arith.cmpf olt, %select_n3A_973, %select_n3A_1036 : vector<256x128xf32>
    %select_n3A_1039 = arith.select %lt3A_1038, %select_n3A_973, %select_n3A_1036 : vector<256x128xi1>, vector<256x128xf32>
    %select_n3A_1040 = arith.select %lt3A_1038, %add3A_48, %select_n3A_1037 : vector<256x128xi1>, vector<256x128xi32>
    %lt3A_1041 = arith.cmpf olt, %select_n3A_978, %select_n3A_1039 : vector<256x128xf32>
    %select_n3A_1042 = arith.select %lt3A_1041, %select_n3A_978, %select_n3A_1039 : vector<256x128xi1>, vector<256x128xf32>
    %select_n3A_1043 = arith.select %lt3A_1041, %add3A_51, %select_n3A_1040 : vector<256x128xi1>, vector<256x128xi32>
    %lt3A_1044 = arith.cmpf olt, %select_n3A_983, %select_n3A_1042 : vector<256x128xf32>
    %select_n3A_1045 = arith.select %lt3A_1044, %select_n3A_983, %select_n3A_1042 : vector<256x128xi1>, vector<256x128xf32>
    %select_n3A_1046 = arith.select %lt3A_1044, %add3A_54, %select_n3A_1043 : vector<256x128xi1>, vector<256x128xi32>
    %lt3A_1047 = arith.cmpf olt, %select_n3A_988, %select_n3A_1045 : vector<256x128xf32>
    %select_n3A_1048 = arith.select %lt3A_1047, %select_n3A_988, %select_n3A_1045 : vector<256x128xi1>, vector<256x128xf32>
    %select_n3A_1049 = arith.select %lt3A_1047, %add3A_57, %select_n3A_1046 : vector<256x128xi1>, vector<256x128xi32>
    %lt3A_1050 = arith.cmpf olt, %select_n3A_993, %select_n3A_1048 : vector<256x128xf32>
    %select_n3A_1051 = arith.select %lt3A_1050, %select_n3A_993, %select_n3A_1048 : vector<256x128xi1>, vector<256x128xf32>
    %select_n3A_1052 = arith.select %lt3A_1050, %add3A_60, %select_n3A_1049 : vector<256x128xi1>, vector<256x128xi32>
    %lt3A_1053 = arith.cmpf olt, %select_n3A_998, %select_n3A_1051 : vector<256x128xf32>
    %select_n3A_1054 = arith.select %lt3A_1053, %select_n3A_998, %select_n3A_1051 : vector<256x128xi1>, vector<256x128xf32>
    %select_n3A_1055 = arith.select %lt3A_1053, %add3A_63, %select_n3A_1052 : vector<256x128xi1>, vector<256x128xi32>
    %lt3A_1056 = arith.cmpf olt, %select_n3A_1003, %select_n3A_1054 : vector<256x128xf32>
    %select_n3A_1057 = arith.select %lt3A_1056, %select_n3A_1003, %select_n3A_1054 : vector<256x128xi1>, vector<256x128xf32>
    %select_n3A_1058 = arith.select %lt3A_1056, %add3A_66, %select_n3A_1055 : vector<256x128xi1>, vector<256x128xi32>
    %lt3A_1059 = arith.cmpf olt, %select_n3A_1008, %select_n3A_1057 : vector<256x128xf32>
    %select_n3A_1060 = arith.select %lt3A_1059, %select_n3A_1008, %select_n3A_1057 : vector<256x128xi1>, vector<256x128xf32>
    %select_n3A_1061 = arith.select %lt3A_1059, %add3A_69, %select_n3A_1058 : vector<256x128xi1>, vector<256x128xi32>
    %lt3A_1062 = arith.cmpf olt, %select_n3A_1013, %select_n3A_1060 : vector<256x128xf32>
    %select_n3A_1063 = arith.select %lt3A_1062, %select_n3A_1013, %select_n3A_1060 : vector<256x128xi1>, vector<256x128xf32>
    %select_n3A_1064 = arith.select %lt3A_1062, %add3A_72, %select_n3A_1061 : vector<256x128xi1>, vector<256x128xi32>
    %lt3A_1065 = arith.cmpf olt, %select_n3A_1018, %select_n3A_1063 : vector<256x128xf32>
    %select_n3A_1066 = arith.select %lt3A_1065, %select_n3A_1018, %select_n3A_1063 : vector<256x128xi1>, vector<256x128xf32>
    %select_n3A_1067 = arith.select %lt3A_1065, %add3A_75, %select_n3A_1064 : vector<256x128xi1>, vector<256x128xi32>
    %lt3A_1068 = arith.cmpf olt, %select_n3A_1023, %select_n3A_1066 : vector<256x128xf32>
    %select_n3A_1069 = arith.select %lt3A_1068, %select_n3A_1023, %select_n3A_1066 : vector<256x128xi1>, vector<256x128xf32>
    %select_n3A_1070 = arith.select %lt3A_1068, %add3A_78, %select_n3A_1067 : vector<256x128xi1>, vector<256x128xi32>
    %lt3A_1071 = arith.cmpf olt, %select_n3A_1028, %select_n3A_1069 : vector<256x128xf32>
    %select_n3A_1072 = arith.select %lt3A_1071, %select_n3A_1028, %select_n3A_1069 : vector<256x128xi1>, vector<256x128xf32>
    %select_n3A_1073 = arith.select %lt3A_1071, %add3A_81, %select_n3A_1070 : vector<256x128xi1>, vector<256x128xi32>
    %reduce_min3A_1074 = arith.constant dense<0x7F800000> : vector<256xf32>
    %reduce_min3A_1075 = vector.multi_reduction <minimumf>, %select_n3A_1072, %reduce_min3A_1074 [1] : vector<256x128xf32> to vector<256xf32>
    %broadcast_in_dim3A_1076 = vector.shape_cast %reduce_min3A_1075 : vector<256xf32> to vector<256x1xf32>
    %eq3A_1077 = vector.broadcast %broadcast_in_dim3A_1076 : vector<256x1xf32> to vector<256x128xf32>
    %eq3A_1078 = arith.cmpf oeq, %select_n3A_1072, %eq3A_1077 : vector<256x128xf32>
    %jit3A_1079 = arith.constant 2048 : i32
    %broadcast_in_dim3A_1080 = vector.broadcast %jit3A_1079 : i32 to vector<256x128xi32>
    %select_n3A_1081 = arith.select %eq3A_1078, %select_n3A_1073, %broadcast_in_dim3A_1080 : vector<256x128xi1>, vector<256x128xi32>
    %reduce_min3A_1082 = arith.constant dense<2147483647> : vector<256xi32>
    %reduce_min3A_1083 = vector.multi_reduction <minsi>, %select_n3A_1081, %reduce_min3A_1082 [1] : vector<256x128xi32> to vector<256xi32>
    %broadcast_in_dim3A_1084 = vector.shape_cast %reduce_min3A_1083 : vector<256xi32> to vector<256x1xi32>
    %eq3A_1085 = vector.broadcast %broadcast_in_dim3A_1084 : vector<256x1xi32> to vector<256x128xi32>
    %eq3A_1086 = arith.cmpi eq, %add3A_36, %eq3A_1085 : vector<256x128xi32>
    %jit3A_1087 = arith.constant 3.000000e+38 : f32
    %broadcast_in_dim3A_1088 = vector.broadcast %jit3A_1087 : f32 to vector<256x128xf32>
    %select_n3A_1089 = arith.select %eq3A_1086, %broadcast_in_dim3A_1088, %select_n3A_953 : vector<256x128xi1>, vector<256x128xf32>
    %eq3A_1090 = vector.broadcast %broadcast_in_dim3A_1084 : vector<256x1xi32> to vector<256x128xi32>
    %eq3A_1091 = arith.cmpi eq, %add3A_39, %eq3A_1090 : vector<256x128xi32>
    %jit3A_1092 = arith.constant 3.000000e+38 : f32
    %broadcast_in_dim3A_1093 = vector.broadcast %jit3A_1092 : f32 to vector<256x128xf32>
    %select_n3A_1094 = arith.select %eq3A_1091, %broadcast_in_dim3A_1093, %select_n3A_958 : vector<256x128xi1>, vector<256x128xf32>
    %eq3A_1095 = vector.broadcast %broadcast_in_dim3A_1084 : vector<256x1xi32> to vector<256x128xi32>
    %eq3A_1096 = arith.cmpi eq, %add3A_42, %eq3A_1095 : vector<256x128xi32>
    %jit3A_1097 = arith.constant 3.000000e+38 : f32
    %broadcast_in_dim3A_1098 = vector.broadcast %jit3A_1097 : f32 to vector<256x128xf32>
    %select_n3A_1099 = arith.select %eq3A_1096, %broadcast_in_dim3A_1098, %select_n3A_963 : vector<256x128xi1>, vector<256x128xf32>
    %eq3A_1100 = vector.broadcast %broadcast_in_dim3A_1084 : vector<256x1xi32> to vector<256x128xi32>
    %eq3A_1101 = arith.cmpi eq, %add3A_45, %eq3A_1100 : vector<256x128xi32>
    %jit3A_1102 = arith.constant 3.000000e+38 : f32
    %broadcast_in_dim3A_1103 = vector.broadcast %jit3A_1102 : f32 to vector<256x128xf32>
    %select_n3A_1104 = arith.select %eq3A_1101, %broadcast_in_dim3A_1103, %select_n3A_968 : vector<256x128xi1>, vector<256x128xf32>
    %eq3A_1105 = vector.broadcast %broadcast_in_dim3A_1084 : vector<256x1xi32> to vector<256x128xi32>
    %eq3A_1106 = arith.cmpi eq, %add3A_48, %eq3A_1105 : vector<256x128xi32>
    %jit3A_1107 = arith.constant 3.000000e+38 : f32
    %broadcast_in_dim3A_1108 = vector.broadcast %jit3A_1107 : f32 to vector<256x128xf32>
    %select_n3A_1109 = arith.select %eq3A_1106, %broadcast_in_dim3A_1108, %select_n3A_973 : vector<256x128xi1>, vector<256x128xf32>
    %eq3A_1110 = vector.broadcast %broadcast_in_dim3A_1084 : vector<256x1xi32> to vector<256x128xi32>
    %eq3A_1111 = arith.cmpi eq, %add3A_51, %eq3A_1110 : vector<256x128xi32>
    %jit3A_1112 = arith.constant 3.000000e+38 : f32
    %broadcast_in_dim3A_1113 = vector.broadcast %jit3A_1112 : f32 to vector<256x128xf32>
    %select_n3A_1114 = arith.select %eq3A_1111, %broadcast_in_dim3A_1113, %select_n3A_978 : vector<256x128xi1>, vector<256x128xf32>
    %eq3A_1115 = vector.broadcast %broadcast_in_dim3A_1084 : vector<256x1xi32> to vector<256x128xi32>
    %eq3A_1116 = arith.cmpi eq, %add3A_54, %eq3A_1115 : vector<256x128xi32>
    %jit3A_1117 = arith.constant 3.000000e+38 : f32
    %broadcast_in_dim3A_1118 = vector.broadcast %jit3A_1117 : f32 to vector<256x128xf32>
    %select_n3A_1119 = arith.select %eq3A_1116, %broadcast_in_dim3A_1118, %select_n3A_983 : vector<256x128xi1>, vector<256x128xf32>
    %eq3A_1120 = vector.broadcast %broadcast_in_dim3A_1084 : vector<256x1xi32> to vector<256x128xi32>
    %eq3A_1121 = arith.cmpi eq, %add3A_57, %eq3A_1120 : vector<256x128xi32>
    %jit3A_1122 = arith.constant 3.000000e+38 : f32
    %broadcast_in_dim3A_1123 = vector.broadcast %jit3A_1122 : f32 to vector<256x128xf32>
    %select_n3A_1124 = arith.select %eq3A_1121, %broadcast_in_dim3A_1123, %select_n3A_988 : vector<256x128xi1>, vector<256x128xf32>
    %eq3A_1125 = vector.broadcast %broadcast_in_dim3A_1084 : vector<256x1xi32> to vector<256x128xi32>
    %eq3A_1126 = arith.cmpi eq, %add3A_60, %eq3A_1125 : vector<256x128xi32>
    %jit3A_1127 = arith.constant 3.000000e+38 : f32
    %broadcast_in_dim3A_1128 = vector.broadcast %jit3A_1127 : f32 to vector<256x128xf32>
    %select_n3A_1129 = arith.select %eq3A_1126, %broadcast_in_dim3A_1128, %select_n3A_993 : vector<256x128xi1>, vector<256x128xf32>
    %eq3A_1130 = vector.broadcast %broadcast_in_dim3A_1084 : vector<256x1xi32> to vector<256x128xi32>
    %eq3A_1131 = arith.cmpi eq, %add3A_63, %eq3A_1130 : vector<256x128xi32>
    %jit3A_1132 = arith.constant 3.000000e+38 : f32
    %broadcast_in_dim3A_1133 = vector.broadcast %jit3A_1132 : f32 to vector<256x128xf32>
    %select_n3A_1134 = arith.select %eq3A_1131, %broadcast_in_dim3A_1133, %select_n3A_998 : vector<256x128xi1>, vector<256x128xf32>
    %eq3A_1135 = vector.broadcast %broadcast_in_dim3A_1084 : vector<256x1xi32> to vector<256x128xi32>
    %eq3A_1136 = arith.cmpi eq, %add3A_66, %eq3A_1135 : vector<256x128xi32>
    %jit3A_1137 = arith.constant 3.000000e+38 : f32
    %broadcast_in_dim3A_1138 = vector.broadcast %jit3A_1137 : f32 to vector<256x128xf32>
    %select_n3A_1139 = arith.select %eq3A_1136, %broadcast_in_dim3A_1138, %select_n3A_1003 : vector<256x128xi1>, vector<256x128xf32>
    %eq3A_1140 = vector.broadcast %broadcast_in_dim3A_1084 : vector<256x1xi32> to vector<256x128xi32>
    %eq3A_1141 = arith.cmpi eq, %add3A_69, %eq3A_1140 : vector<256x128xi32>
    %jit3A_1142 = arith.constant 3.000000e+38 : f32
    %broadcast_in_dim3A_1143 = vector.broadcast %jit3A_1142 : f32 to vector<256x128xf32>
    %select_n3A_1144 = arith.select %eq3A_1141, %broadcast_in_dim3A_1143, %select_n3A_1008 : vector<256x128xi1>, vector<256x128xf32>
    %eq3A_1145 = vector.broadcast %broadcast_in_dim3A_1084 : vector<256x1xi32> to vector<256x128xi32>
    %eq3A_1146 = arith.cmpi eq, %add3A_72, %eq3A_1145 : vector<256x128xi32>
    %jit3A_1147 = arith.constant 3.000000e+38 : f32
    %broadcast_in_dim3A_1148 = vector.broadcast %jit3A_1147 : f32 to vector<256x128xf32>
    %select_n3A_1149 = arith.select %eq3A_1146, %broadcast_in_dim3A_1148, %select_n3A_1013 : vector<256x128xi1>, vector<256x128xf32>
    %eq3A_1150 = vector.broadcast %broadcast_in_dim3A_1084 : vector<256x1xi32> to vector<256x128xi32>
    %eq3A_1151 = arith.cmpi eq, %add3A_75, %eq3A_1150 : vector<256x128xi32>
    %jit3A_1152 = arith.constant 3.000000e+38 : f32
    %broadcast_in_dim3A_1153 = vector.broadcast %jit3A_1152 : f32 to vector<256x128xf32>
    %select_n3A_1154 = arith.select %eq3A_1151, %broadcast_in_dim3A_1153, %select_n3A_1018 : vector<256x128xi1>, vector<256x128xf32>
    %eq3A_1155 = vector.broadcast %broadcast_in_dim3A_1084 : vector<256x1xi32> to vector<256x128xi32>
    %eq3A_1156 = arith.cmpi eq, %add3A_78, %eq3A_1155 : vector<256x128xi32>
    %jit3A_1157 = arith.constant 3.000000e+38 : f32
    %broadcast_in_dim3A_1158 = vector.broadcast %jit3A_1157 : f32 to vector<256x128xf32>
    %select_n3A_1159 = arith.select %eq3A_1156, %broadcast_in_dim3A_1158, %select_n3A_1023 : vector<256x128xi1>, vector<256x128xf32>
    %eq3A_1160 = vector.broadcast %broadcast_in_dim3A_1084 : vector<256x1xi32> to vector<256x128xi32>
    %eq3A_1161 = arith.cmpi eq, %add3A_81, %eq3A_1160 : vector<256x128xi32>
    %jit3A_1162 = arith.constant 3.000000e+38 : f32
    %broadcast_in_dim3A_1163 = vector.broadcast %jit3A_1162 : f32 to vector<256x128xf32>
    %select_n3A_1164 = arith.select %eq3A_1161, %broadcast_in_dim3A_1163, %select_n3A_1028 : vector<256x128xi1>, vector<256x128xf32>
    %lt3A_1165 = arith.cmpf olt, %select_n3A_1094, %select_n3A_1089 : vector<256x128xf32>
    %select_n3A_1166 = arith.select %lt3A_1165, %select_n3A_1094, %select_n3A_1089 : vector<256x128xi1>, vector<256x128xf32>
    %select_n3A_1167 = arith.select %lt3A_1165, %add3A_39, %add3A_36 : vector<256x128xi1>, vector<256x128xi32>
    %lt3A_1168 = arith.cmpf olt, %select_n3A_1099, %select_n3A_1166 : vector<256x128xf32>
    %select_n3A_1169 = arith.select %lt3A_1168, %select_n3A_1099, %select_n3A_1166 : vector<256x128xi1>, vector<256x128xf32>
    %select_n3A_1170 = arith.select %lt3A_1168, %add3A_42, %select_n3A_1167 : vector<256x128xi1>, vector<256x128xi32>
    %lt3A_1171 = arith.cmpf olt, %select_n3A_1104, %select_n3A_1169 : vector<256x128xf32>
    %select_n3A_1172 = arith.select %lt3A_1171, %select_n3A_1104, %select_n3A_1169 : vector<256x128xi1>, vector<256x128xf32>
    %select_n3A_1173 = arith.select %lt3A_1171, %add3A_45, %select_n3A_1170 : vector<256x128xi1>, vector<256x128xi32>
    %lt3A_1174 = arith.cmpf olt, %select_n3A_1109, %select_n3A_1172 : vector<256x128xf32>
    %select_n3A_1175 = arith.select %lt3A_1174, %select_n3A_1109, %select_n3A_1172 : vector<256x128xi1>, vector<256x128xf32>
    %select_n3A_1176 = arith.select %lt3A_1174, %add3A_48, %select_n3A_1173 : vector<256x128xi1>, vector<256x128xi32>
    %lt3A_1177 = arith.cmpf olt, %select_n3A_1114, %select_n3A_1175 : vector<256x128xf32>
    %select_n3A_1178 = arith.select %lt3A_1177, %select_n3A_1114, %select_n3A_1175 : vector<256x128xi1>, vector<256x128xf32>
    %select_n3A_1179 = arith.select %lt3A_1177, %add3A_51, %select_n3A_1176 : vector<256x128xi1>, vector<256x128xi32>
    %lt3A_1180 = arith.cmpf olt, %select_n3A_1119, %select_n3A_1178 : vector<256x128xf32>
    %select_n3A_1181 = arith.select %lt3A_1180, %select_n3A_1119, %select_n3A_1178 : vector<256x128xi1>, vector<256x128xf32>
    %select_n3A_1182 = arith.select %lt3A_1180, %add3A_54, %select_n3A_1179 : vector<256x128xi1>, vector<256x128xi32>
    %lt3A_1183 = arith.cmpf olt, %select_n3A_1124, %select_n3A_1181 : vector<256x128xf32>
    %select_n3A_1184 = arith.select %lt3A_1183, %select_n3A_1124, %select_n3A_1181 : vector<256x128xi1>, vector<256x128xf32>
    %select_n3A_1185 = arith.select %lt3A_1183, %add3A_57, %select_n3A_1182 : vector<256x128xi1>, vector<256x128xi32>
    %lt3A_1186 = arith.cmpf olt, %select_n3A_1129, %select_n3A_1184 : vector<256x128xf32>
    %select_n3A_1187 = arith.select %lt3A_1186, %select_n3A_1129, %select_n3A_1184 : vector<256x128xi1>, vector<256x128xf32>
    %select_n3A_1188 = arith.select %lt3A_1186, %add3A_60, %select_n3A_1185 : vector<256x128xi1>, vector<256x128xi32>
    %lt3A_1189 = arith.cmpf olt, %select_n3A_1134, %select_n3A_1187 : vector<256x128xf32>
    %select_n3A_1190 = arith.select %lt3A_1189, %select_n3A_1134, %select_n3A_1187 : vector<256x128xi1>, vector<256x128xf32>
    %select_n3A_1191 = arith.select %lt3A_1189, %add3A_63, %select_n3A_1188 : vector<256x128xi1>, vector<256x128xi32>
    %lt3A_1192 = arith.cmpf olt, %select_n3A_1139, %select_n3A_1190 : vector<256x128xf32>
    %select_n3A_1193 = arith.select %lt3A_1192, %select_n3A_1139, %select_n3A_1190 : vector<256x128xi1>, vector<256x128xf32>
    %select_n3A_1194 = arith.select %lt3A_1192, %add3A_66, %select_n3A_1191 : vector<256x128xi1>, vector<256x128xi32>
    %lt3A_1195 = arith.cmpf olt, %select_n3A_1144, %select_n3A_1193 : vector<256x128xf32>
    %select_n3A_1196 = arith.select %lt3A_1195, %select_n3A_1144, %select_n3A_1193 : vector<256x128xi1>, vector<256x128xf32>
    %select_n3A_1197 = arith.select %lt3A_1195, %add3A_69, %select_n3A_1194 : vector<256x128xi1>, vector<256x128xi32>
    %lt3A_1198 = arith.cmpf olt, %select_n3A_1149, %select_n3A_1196 : vector<256x128xf32>
    %select_n3A_1199 = arith.select %lt3A_1198, %select_n3A_1149, %select_n3A_1196 : vector<256x128xi1>, vector<256x128xf32>
    %select_n3A_1200 = arith.select %lt3A_1198, %add3A_72, %select_n3A_1197 : vector<256x128xi1>, vector<256x128xi32>
    %lt3A_1201 = arith.cmpf olt, %select_n3A_1154, %select_n3A_1199 : vector<256x128xf32>
    %select_n3A_1202 = arith.select %lt3A_1201, %select_n3A_1154, %select_n3A_1199 : vector<256x128xi1>, vector<256x128xf32>
    %select_n3A_1203 = arith.select %lt3A_1201, %add3A_75, %select_n3A_1200 : vector<256x128xi1>, vector<256x128xi32>
    %lt3A_1204 = arith.cmpf olt, %select_n3A_1159, %select_n3A_1202 : vector<256x128xf32>
    %select_n3A_1205 = arith.select %lt3A_1204, %select_n3A_1159, %select_n3A_1202 : vector<256x128xi1>, vector<256x128xf32>
    %select_n3A_1206 = arith.select %lt3A_1204, %add3A_78, %select_n3A_1203 : vector<256x128xi1>, vector<256x128xi32>
    %lt3A_1207 = arith.cmpf olt, %select_n3A_1164, %select_n3A_1205 : vector<256x128xf32>
    %select_n3A_1208 = arith.select %lt3A_1207, %select_n3A_1164, %select_n3A_1205 : vector<256x128xi1>, vector<256x128xf32>
    %select_n3A_1209 = arith.select %lt3A_1207, %add3A_81, %select_n3A_1206 : vector<256x128xi1>, vector<256x128xi32>
    %reduce_min3A_1210 = arith.constant dense<0x7F800000> : vector<256xf32>
    %reduce_min3A_1211 = vector.multi_reduction <minimumf>, %select_n3A_1208, %reduce_min3A_1210 [1] : vector<256x128xf32> to vector<256xf32>
    %broadcast_in_dim3A_1212 = vector.shape_cast %reduce_min3A_1211 : vector<256xf32> to vector<256x1xf32>
    %eq3A_1213 = vector.broadcast %broadcast_in_dim3A_1212 : vector<256x1xf32> to vector<256x128xf32>
    %eq3A_1214 = arith.cmpf oeq, %select_n3A_1208, %eq3A_1213 : vector<256x128xf32>
    %jit3A_1215 = arith.constant 2048 : i32
    %broadcast_in_dim3A_1216 = vector.broadcast %jit3A_1215 : i32 to vector<256x128xi32>
    %select_n3A_1217 = arith.select %eq3A_1214, %select_n3A_1209, %broadcast_in_dim3A_1216 : vector<256x128xi1>, vector<256x128xi32>
    %reduce_min3A_1218 = arith.constant dense<2147483647> : vector<256xi32>
    %reduce_min3A_1219 = vector.multi_reduction <minsi>, %select_n3A_1217, %reduce_min3A_1218 [1] : vector<256x128xi32> to vector<256xi32>
    %broadcast_in_dim3A_1220 = vector.shape_cast %reduce_min3A_1219 : vector<256xi32> to vector<256x1xi32>
    %eq3A_1221 = vector.broadcast %broadcast_in_dim3A_1220 : vector<256x1xi32> to vector<256x128xi32>
    %eq3A_1222 = arith.cmpi eq, %add3A_36, %eq3A_1221 : vector<256x128xi32>
    %jit3A_1223 = arith.constant 3.000000e+38 : f32
    %broadcast_in_dim3A_1224 = vector.broadcast %jit3A_1223 : f32 to vector<256x128xf32>
    %select_n3A_1225 = arith.select %eq3A_1222, %broadcast_in_dim3A_1224, %select_n3A_1089 : vector<256x128xi1>, vector<256x128xf32>
    %eq3A_1226 = vector.broadcast %broadcast_in_dim3A_1220 : vector<256x1xi32> to vector<256x128xi32>
    %eq3A_1227 = arith.cmpi eq, %add3A_39, %eq3A_1226 : vector<256x128xi32>
    %jit3A_1228 = arith.constant 3.000000e+38 : f32
    %broadcast_in_dim3A_1229 = vector.broadcast %jit3A_1228 : f32 to vector<256x128xf32>
    %select_n3A_1230 = arith.select %eq3A_1227, %broadcast_in_dim3A_1229, %select_n3A_1094 : vector<256x128xi1>, vector<256x128xf32>
    %eq3A_1231 = vector.broadcast %broadcast_in_dim3A_1220 : vector<256x1xi32> to vector<256x128xi32>
    %eq3A_1232 = arith.cmpi eq, %add3A_42, %eq3A_1231 : vector<256x128xi32>
    %jit3A_1233 = arith.constant 3.000000e+38 : f32
    %broadcast_in_dim3A_1234 = vector.broadcast %jit3A_1233 : f32 to vector<256x128xf32>
    %select_n3A_1235 = arith.select %eq3A_1232, %broadcast_in_dim3A_1234, %select_n3A_1099 : vector<256x128xi1>, vector<256x128xf32>
    %eq3A_1236 = vector.broadcast %broadcast_in_dim3A_1220 : vector<256x1xi32> to vector<256x128xi32>
    %eq3A_1237 = arith.cmpi eq, %add3A_45, %eq3A_1236 : vector<256x128xi32>
    %jit3A_1238 = arith.constant 3.000000e+38 : f32
    %broadcast_in_dim3A_1239 = vector.broadcast %jit3A_1238 : f32 to vector<256x128xf32>
    %select_n3A_1240 = arith.select %eq3A_1237, %broadcast_in_dim3A_1239, %select_n3A_1104 : vector<256x128xi1>, vector<256x128xf32>
    %eq3A_1241 = vector.broadcast %broadcast_in_dim3A_1220 : vector<256x1xi32> to vector<256x128xi32>
    %eq3A_1242 = arith.cmpi eq, %add3A_48, %eq3A_1241 : vector<256x128xi32>
    %jit3A_1243 = arith.constant 3.000000e+38 : f32
    %broadcast_in_dim3A_1244 = vector.broadcast %jit3A_1243 : f32 to vector<256x128xf32>
    %select_n3A_1245 = arith.select %eq3A_1242, %broadcast_in_dim3A_1244, %select_n3A_1109 : vector<256x128xi1>, vector<256x128xf32>
    %eq3A_1246 = vector.broadcast %broadcast_in_dim3A_1220 : vector<256x1xi32> to vector<256x128xi32>
    %eq3A_1247 = arith.cmpi eq, %add3A_51, %eq3A_1246 : vector<256x128xi32>
    %jit3A_1248 = arith.constant 3.000000e+38 : f32
    %broadcast_in_dim3A_1249 = vector.broadcast %jit3A_1248 : f32 to vector<256x128xf32>
    %select_n3A_1250 = arith.select %eq3A_1247, %broadcast_in_dim3A_1249, %select_n3A_1114 : vector<256x128xi1>, vector<256x128xf32>
    %eq3A_1251 = vector.broadcast %broadcast_in_dim3A_1220 : vector<256x1xi32> to vector<256x128xi32>
    %eq3A_1252 = arith.cmpi eq, %add3A_54, %eq3A_1251 : vector<256x128xi32>
    %jit3A_1253 = arith.constant 3.000000e+38 : f32
    %broadcast_in_dim3A_1254 = vector.broadcast %jit3A_1253 : f32 to vector<256x128xf32>
    %select_n3A_1255 = arith.select %eq3A_1252, %broadcast_in_dim3A_1254, %select_n3A_1119 : vector<256x128xi1>, vector<256x128xf32>
    %eq3A_1256 = vector.broadcast %broadcast_in_dim3A_1220 : vector<256x1xi32> to vector<256x128xi32>
    %eq3A_1257 = arith.cmpi eq, %add3A_57, %eq3A_1256 : vector<256x128xi32>
    %jit3A_1258 = arith.constant 3.000000e+38 : f32
    %broadcast_in_dim3A_1259 = vector.broadcast %jit3A_1258 : f32 to vector<256x128xf32>
    %select_n3A_1260 = arith.select %eq3A_1257, %broadcast_in_dim3A_1259, %select_n3A_1124 : vector<256x128xi1>, vector<256x128xf32>
    %eq3A_1261 = vector.broadcast %broadcast_in_dim3A_1220 : vector<256x1xi32> to vector<256x128xi32>
    %eq3A_1262 = arith.cmpi eq, %add3A_60, %eq3A_1261 : vector<256x128xi32>
    %jit3A_1263 = arith.constant 3.000000e+38 : f32
    %broadcast_in_dim3A_1264 = vector.broadcast %jit3A_1263 : f32 to vector<256x128xf32>
    %select_n3A_1265 = arith.select %eq3A_1262, %broadcast_in_dim3A_1264, %select_n3A_1129 : vector<256x128xi1>, vector<256x128xf32>
    %eq3A_1266 = vector.broadcast %broadcast_in_dim3A_1220 : vector<256x1xi32> to vector<256x128xi32>
    %eq3A_1267 = arith.cmpi eq, %add3A_63, %eq3A_1266 : vector<256x128xi32>
    %jit3A_1268 = arith.constant 3.000000e+38 : f32
    %broadcast_in_dim3A_1269 = vector.broadcast %jit3A_1268 : f32 to vector<256x128xf32>
    %select_n3A_1270 = arith.select %eq3A_1267, %broadcast_in_dim3A_1269, %select_n3A_1134 : vector<256x128xi1>, vector<256x128xf32>
    %eq3A_1271 = vector.broadcast %broadcast_in_dim3A_1220 : vector<256x1xi32> to vector<256x128xi32>
    %eq3A_1272 = arith.cmpi eq, %add3A_66, %eq3A_1271 : vector<256x128xi32>
    %jit3A_1273 = arith.constant 3.000000e+38 : f32
    %broadcast_in_dim3A_1274 = vector.broadcast %jit3A_1273 : f32 to vector<256x128xf32>
    %select_n3A_1275 = arith.select %eq3A_1272, %broadcast_in_dim3A_1274, %select_n3A_1139 : vector<256x128xi1>, vector<256x128xf32>
    %eq3A_1276 = vector.broadcast %broadcast_in_dim3A_1220 : vector<256x1xi32> to vector<256x128xi32>
    %eq3A_1277 = arith.cmpi eq, %add3A_69, %eq3A_1276 : vector<256x128xi32>
    %jit3A_1278 = arith.constant 3.000000e+38 : f32
    %broadcast_in_dim3A_1279 = vector.broadcast %jit3A_1278 : f32 to vector<256x128xf32>
    %select_n3A_1280 = arith.select %eq3A_1277, %broadcast_in_dim3A_1279, %select_n3A_1144 : vector<256x128xi1>, vector<256x128xf32>
    %eq3A_1281 = vector.broadcast %broadcast_in_dim3A_1220 : vector<256x1xi32> to vector<256x128xi32>
    %eq3A_1282 = arith.cmpi eq, %add3A_72, %eq3A_1281 : vector<256x128xi32>
    %jit3A_1283 = arith.constant 3.000000e+38 : f32
    %broadcast_in_dim3A_1284 = vector.broadcast %jit3A_1283 : f32 to vector<256x128xf32>
    %select_n3A_1285 = arith.select %eq3A_1282, %broadcast_in_dim3A_1284, %select_n3A_1149 : vector<256x128xi1>, vector<256x128xf32>
    %eq3A_1286 = vector.broadcast %broadcast_in_dim3A_1220 : vector<256x1xi32> to vector<256x128xi32>
    %eq3A_1287 = arith.cmpi eq, %add3A_75, %eq3A_1286 : vector<256x128xi32>
    %jit3A_1288 = arith.constant 3.000000e+38 : f32
    %broadcast_in_dim3A_1289 = vector.broadcast %jit3A_1288 : f32 to vector<256x128xf32>
    %select_n3A_1290 = arith.select %eq3A_1287, %broadcast_in_dim3A_1289, %select_n3A_1154 : vector<256x128xi1>, vector<256x128xf32>
    %eq3A_1291 = vector.broadcast %broadcast_in_dim3A_1220 : vector<256x1xi32> to vector<256x128xi32>
    %eq3A_1292 = arith.cmpi eq, %add3A_78, %eq3A_1291 : vector<256x128xi32>
    %jit3A_1293 = arith.constant 3.000000e+38 : f32
    %broadcast_in_dim3A_1294 = vector.broadcast %jit3A_1293 : f32 to vector<256x128xf32>
    %select_n3A_1295 = arith.select %eq3A_1292, %broadcast_in_dim3A_1294, %select_n3A_1159 : vector<256x128xi1>, vector<256x128xf32>
    %eq3A_1296 = vector.broadcast %broadcast_in_dim3A_1220 : vector<256x1xi32> to vector<256x128xi32>
    %eq3A_1297 = arith.cmpi eq, %add3A_81, %eq3A_1296 : vector<256x128xi32>
    %jit3A_1298 = arith.constant 3.000000e+38 : f32
    %broadcast_in_dim3A_1299 = vector.broadcast %jit3A_1298 : f32 to vector<256x128xf32>
    %select_n3A_1300 = arith.select %eq3A_1297, %broadcast_in_dim3A_1299, %select_n3A_1164 : vector<256x128xi1>, vector<256x128xf32>
    %lt3A_1301 = arith.cmpf olt, %select_n3A_1230, %select_n3A_1225 : vector<256x128xf32>
    %select_n3A_1302 = arith.select %lt3A_1301, %select_n3A_1230, %select_n3A_1225 : vector<256x128xi1>, vector<256x128xf32>
    %select_n3A_1303 = arith.select %lt3A_1301, %add3A_39, %add3A_36 : vector<256x128xi1>, vector<256x128xi32>
    %lt3A_1304 = arith.cmpf olt, %select_n3A_1235, %select_n3A_1302 : vector<256x128xf32>
    %select_n3A_1305 = arith.select %lt3A_1304, %select_n3A_1235, %select_n3A_1302 : vector<256x128xi1>, vector<256x128xf32>
    %select_n3A_1306 = arith.select %lt3A_1304, %add3A_42, %select_n3A_1303 : vector<256x128xi1>, vector<256x128xi32>
    %lt3A_1307 = arith.cmpf olt, %select_n3A_1240, %select_n3A_1305 : vector<256x128xf32>
    %select_n3A_1308 = arith.select %lt3A_1307, %select_n3A_1240, %select_n3A_1305 : vector<256x128xi1>, vector<256x128xf32>
    %select_n3A_1309 = arith.select %lt3A_1307, %add3A_45, %select_n3A_1306 : vector<256x128xi1>, vector<256x128xi32>
    %lt3A_1310 = arith.cmpf olt, %select_n3A_1245, %select_n3A_1308 : vector<256x128xf32>
    %select_n3A_1311 = arith.select %lt3A_1310, %select_n3A_1245, %select_n3A_1308 : vector<256x128xi1>, vector<256x128xf32>
    %select_n3A_1312 = arith.select %lt3A_1310, %add3A_48, %select_n3A_1309 : vector<256x128xi1>, vector<256x128xi32>
    %lt3A_1313 = arith.cmpf olt, %select_n3A_1250, %select_n3A_1311 : vector<256x128xf32>
    %select_n3A_1314 = arith.select %lt3A_1313, %select_n3A_1250, %select_n3A_1311 : vector<256x128xi1>, vector<256x128xf32>
    %select_n3A_1315 = arith.select %lt3A_1313, %add3A_51, %select_n3A_1312 : vector<256x128xi1>, vector<256x128xi32>
    %lt3A_1316 = arith.cmpf olt, %select_n3A_1255, %select_n3A_1314 : vector<256x128xf32>
    %select_n3A_1317 = arith.select %lt3A_1316, %select_n3A_1255, %select_n3A_1314 : vector<256x128xi1>, vector<256x128xf32>
    %select_n3A_1318 = arith.select %lt3A_1316, %add3A_54, %select_n3A_1315 : vector<256x128xi1>, vector<256x128xi32>
    %lt3A_1319 = arith.cmpf olt, %select_n3A_1260, %select_n3A_1317 : vector<256x128xf32>
    %select_n3A_1320 = arith.select %lt3A_1319, %select_n3A_1260, %select_n3A_1317 : vector<256x128xi1>, vector<256x128xf32>
    %select_n3A_1321 = arith.select %lt3A_1319, %add3A_57, %select_n3A_1318 : vector<256x128xi1>, vector<256x128xi32>
    %lt3A_1322 = arith.cmpf olt, %select_n3A_1265, %select_n3A_1320 : vector<256x128xf32>
    %select_n3A_1323 = arith.select %lt3A_1322, %select_n3A_1265, %select_n3A_1320 : vector<256x128xi1>, vector<256x128xf32>
    %select_n3A_1324 = arith.select %lt3A_1322, %add3A_60, %select_n3A_1321 : vector<256x128xi1>, vector<256x128xi32>
    %lt3A_1325 = arith.cmpf olt, %select_n3A_1270, %select_n3A_1323 : vector<256x128xf32>
    %select_n3A_1326 = arith.select %lt3A_1325, %select_n3A_1270, %select_n3A_1323 : vector<256x128xi1>, vector<256x128xf32>
    %select_n3A_1327 = arith.select %lt3A_1325, %add3A_63, %select_n3A_1324 : vector<256x128xi1>, vector<256x128xi32>
    %lt3A_1328 = arith.cmpf olt, %select_n3A_1275, %select_n3A_1326 : vector<256x128xf32>
    %select_n3A_1329 = arith.select %lt3A_1328, %select_n3A_1275, %select_n3A_1326 : vector<256x128xi1>, vector<256x128xf32>
    %select_n3A_1330 = arith.select %lt3A_1328, %add3A_66, %select_n3A_1327 : vector<256x128xi1>, vector<256x128xi32>
    %lt3A_1331 = arith.cmpf olt, %select_n3A_1280, %select_n3A_1329 : vector<256x128xf32>
    %select_n3A_1332 = arith.select %lt3A_1331, %select_n3A_1280, %select_n3A_1329 : vector<256x128xi1>, vector<256x128xf32>
    %select_n3A_1333 = arith.select %lt3A_1331, %add3A_69, %select_n3A_1330 : vector<256x128xi1>, vector<256x128xi32>
    %lt3A_1334 = arith.cmpf olt, %select_n3A_1285, %select_n3A_1332 : vector<256x128xf32>
    %select_n3A_1335 = arith.select %lt3A_1334, %select_n3A_1285, %select_n3A_1332 : vector<256x128xi1>, vector<256x128xf32>
    %select_n3A_1336 = arith.select %lt3A_1334, %add3A_72, %select_n3A_1333 : vector<256x128xi1>, vector<256x128xi32>
    %lt3A_1337 = arith.cmpf olt, %select_n3A_1290, %select_n3A_1335 : vector<256x128xf32>
    %select_n3A_1338 = arith.select %lt3A_1337, %select_n3A_1290, %select_n3A_1335 : vector<256x128xi1>, vector<256x128xf32>
    %select_n3A_1339 = arith.select %lt3A_1337, %add3A_75, %select_n3A_1336 : vector<256x128xi1>, vector<256x128xi32>
    %lt3A_1340 = arith.cmpf olt, %select_n3A_1295, %select_n3A_1338 : vector<256x128xf32>
    %select_n3A_1341 = arith.select %lt3A_1340, %select_n3A_1295, %select_n3A_1338 : vector<256x128xi1>, vector<256x128xf32>
    %select_n3A_1342 = arith.select %lt3A_1340, %add3A_78, %select_n3A_1339 : vector<256x128xi1>, vector<256x128xi32>
    %lt3A_1343 = arith.cmpf olt, %select_n3A_1300, %select_n3A_1341 : vector<256x128xf32>
    %select_n3A_1344 = arith.select %lt3A_1343, %select_n3A_1300, %select_n3A_1341 : vector<256x128xi1>, vector<256x128xf32>
    %select_n3A_1345 = arith.select %lt3A_1343, %add3A_81, %select_n3A_1342 : vector<256x128xi1>, vector<256x128xi32>
    %reduce_min3A_1346 = arith.constant dense<0x7F800000> : vector<256xf32>
    %reduce_min3A_1347 = vector.multi_reduction <minimumf>, %select_n3A_1344, %reduce_min3A_1346 [1] : vector<256x128xf32> to vector<256xf32>
    %broadcast_in_dim3A_1348 = vector.shape_cast %reduce_min3A_1347 : vector<256xf32> to vector<256x1xf32>
    %eq3A_1349 = vector.broadcast %broadcast_in_dim3A_1348 : vector<256x1xf32> to vector<256x128xf32>
    %eq3A_1350 = arith.cmpf oeq, %select_n3A_1344, %eq3A_1349 : vector<256x128xf32>
    %jit3A_1351 = arith.constant 2048 : i32
    %broadcast_in_dim3A_1352 = vector.broadcast %jit3A_1351 : i32 to vector<256x128xi32>
    %select_n3A_1353 = arith.select %eq3A_1350, %select_n3A_1345, %broadcast_in_dim3A_1352 : vector<256x128xi1>, vector<256x128xi32>
    %reduce_min3A_1354 = arith.constant dense<2147483647> : vector<256xi32>
    %reduce_min3A_1355 = vector.multi_reduction <minsi>, %select_n3A_1353, %reduce_min3A_1354 [1] : vector<256x128xi32> to vector<256xi32>
    %broadcast_in_dim3A_1356 = vector.shape_cast %reduce_min3A_1355 : vector<256xi32> to vector<256x1xi32>
    %eq3A_1357 = vector.broadcast %broadcast_in_dim3A_1356 : vector<256x1xi32> to vector<256x128xi32>
    %eq3A_1358 = arith.cmpi eq, %add3A_36, %eq3A_1357 : vector<256x128xi32>
    %jit3A_1359 = arith.constant 3.000000e+38 : f32
    %broadcast_in_dim3A_1360 = vector.broadcast %jit3A_1359 : f32 to vector<256x128xf32>
    %select_n3A_1361 = arith.select %eq3A_1358, %broadcast_in_dim3A_1360, %select_n3A_1225 : vector<256x128xi1>, vector<256x128xf32>
    %eq3A_1362 = vector.broadcast %broadcast_in_dim3A_1356 : vector<256x1xi32> to vector<256x128xi32>
    %eq3A_1363 = arith.cmpi eq, %add3A_39, %eq3A_1362 : vector<256x128xi32>
    %jit3A_1364 = arith.constant 3.000000e+38 : f32
    %broadcast_in_dim3A_1365 = vector.broadcast %jit3A_1364 : f32 to vector<256x128xf32>
    %select_n3A_1366 = arith.select %eq3A_1363, %broadcast_in_dim3A_1365, %select_n3A_1230 : vector<256x128xi1>, vector<256x128xf32>
    %eq3A_1367 = vector.broadcast %broadcast_in_dim3A_1356 : vector<256x1xi32> to vector<256x128xi32>
    %eq3A_1368 = arith.cmpi eq, %add3A_42, %eq3A_1367 : vector<256x128xi32>
    %jit3A_1369 = arith.constant 3.000000e+38 : f32
    %broadcast_in_dim3A_1370 = vector.broadcast %jit3A_1369 : f32 to vector<256x128xf32>
    %select_n3A_1371 = arith.select %eq3A_1368, %broadcast_in_dim3A_1370, %select_n3A_1235 : vector<256x128xi1>, vector<256x128xf32>
    %eq3A_1372 = vector.broadcast %broadcast_in_dim3A_1356 : vector<256x1xi32> to vector<256x128xi32>
    %eq3A_1373 = arith.cmpi eq, %add3A_45, %eq3A_1372 : vector<256x128xi32>
    %jit3A_1374 = arith.constant 3.000000e+38 : f32
    %broadcast_in_dim3A_1375 = vector.broadcast %jit3A_1374 : f32 to vector<256x128xf32>
    %select_n3A_1376 = arith.select %eq3A_1373, %broadcast_in_dim3A_1375, %select_n3A_1240 : vector<256x128xi1>, vector<256x128xf32>
    %eq3A_1377 = vector.broadcast %broadcast_in_dim3A_1356 : vector<256x1xi32> to vector<256x128xi32>
    %eq3A_1378 = arith.cmpi eq, %add3A_48, %eq3A_1377 : vector<256x128xi32>
    %jit3A_1379 = arith.constant 3.000000e+38 : f32
    %broadcast_in_dim3A_1380 = vector.broadcast %jit3A_1379 : f32 to vector<256x128xf32>
    %select_n3A_1381 = arith.select %eq3A_1378, %broadcast_in_dim3A_1380, %select_n3A_1245 : vector<256x128xi1>, vector<256x128xf32>
    %eq3A_1382 = vector.broadcast %broadcast_in_dim3A_1356 : vector<256x1xi32> to vector<256x128xi32>
    %eq3A_1383 = arith.cmpi eq, %add3A_51, %eq3A_1382 : vector<256x128xi32>
    %jit3A_1384 = arith.constant 3.000000e+38 : f32
    %broadcast_in_dim3A_1385 = vector.broadcast %jit3A_1384 : f32 to vector<256x128xf32>
    %select_n3A_1386 = arith.select %eq3A_1383, %broadcast_in_dim3A_1385, %select_n3A_1250 : vector<256x128xi1>, vector<256x128xf32>
    %eq3A_1387 = vector.broadcast %broadcast_in_dim3A_1356 : vector<256x1xi32> to vector<256x128xi32>
    %eq3A_1388 = arith.cmpi eq, %add3A_54, %eq3A_1387 : vector<256x128xi32>
    %jit3A_1389 = arith.constant 3.000000e+38 : f32
    %broadcast_in_dim3A_1390 = vector.broadcast %jit3A_1389 : f32 to vector<256x128xf32>
    %select_n3A_1391 = arith.select %eq3A_1388, %broadcast_in_dim3A_1390, %select_n3A_1255 : vector<256x128xi1>, vector<256x128xf32>
    %eq3A_1392 = vector.broadcast %broadcast_in_dim3A_1356 : vector<256x1xi32> to vector<256x128xi32>
    %eq3A_1393 = arith.cmpi eq, %add3A_57, %eq3A_1392 : vector<256x128xi32>
    %jit3A_1394 = arith.constant 3.000000e+38 : f32
    %broadcast_in_dim3A_1395 = vector.broadcast %jit3A_1394 : f32 to vector<256x128xf32>
    %select_n3A_1396 = arith.select %eq3A_1393, %broadcast_in_dim3A_1395, %select_n3A_1260 : vector<256x128xi1>, vector<256x128xf32>
    %eq3A_1397 = vector.broadcast %broadcast_in_dim3A_1356 : vector<256x1xi32> to vector<256x128xi32>
    %eq3A_1398 = arith.cmpi eq, %add3A_60, %eq3A_1397 : vector<256x128xi32>
    %jit3A_1399 = arith.constant 3.000000e+38 : f32
    %broadcast_in_dim3A_1400 = vector.broadcast %jit3A_1399 : f32 to vector<256x128xf32>
    %select_n3A_1401 = arith.select %eq3A_1398, %broadcast_in_dim3A_1400, %select_n3A_1265 : vector<256x128xi1>, vector<256x128xf32>
    %eq3A_1402 = vector.broadcast %broadcast_in_dim3A_1356 : vector<256x1xi32> to vector<256x128xi32>
    %eq3A_1403 = arith.cmpi eq, %add3A_63, %eq3A_1402 : vector<256x128xi32>
    %jit3A_1404 = arith.constant 3.000000e+38 : f32
    %broadcast_in_dim3A_1405 = vector.broadcast %jit3A_1404 : f32 to vector<256x128xf32>
    %select_n3A_1406 = arith.select %eq3A_1403, %broadcast_in_dim3A_1405, %select_n3A_1270 : vector<256x128xi1>, vector<256x128xf32>
    %eq3A_1407 = vector.broadcast %broadcast_in_dim3A_1356 : vector<256x1xi32> to vector<256x128xi32>
    %eq3A_1408 = arith.cmpi eq, %add3A_66, %eq3A_1407 : vector<256x128xi32>
    %jit3A_1409 = arith.constant 3.000000e+38 : f32
    %broadcast_in_dim3A_1410 = vector.broadcast %jit3A_1409 : f32 to vector<256x128xf32>
    %select_n3A_1411 = arith.select %eq3A_1408, %broadcast_in_dim3A_1410, %select_n3A_1275 : vector<256x128xi1>, vector<256x128xf32>
    %eq3A_1412 = vector.broadcast %broadcast_in_dim3A_1356 : vector<256x1xi32> to vector<256x128xi32>
    %eq3A_1413 = arith.cmpi eq, %add3A_69, %eq3A_1412 : vector<256x128xi32>
    %jit3A_1414 = arith.constant 3.000000e+38 : f32
    %broadcast_in_dim3A_1415 = vector.broadcast %jit3A_1414 : f32 to vector<256x128xf32>
    %select_n3A_1416 = arith.select %eq3A_1413, %broadcast_in_dim3A_1415, %select_n3A_1280 : vector<256x128xi1>, vector<256x128xf32>
    %eq3A_1417 = vector.broadcast %broadcast_in_dim3A_1356 : vector<256x1xi32> to vector<256x128xi32>
    %eq3A_1418 = arith.cmpi eq, %add3A_72, %eq3A_1417 : vector<256x128xi32>
    %jit3A_1419 = arith.constant 3.000000e+38 : f32
    %broadcast_in_dim3A_1420 = vector.broadcast %jit3A_1419 : f32 to vector<256x128xf32>
    %select_n3A_1421 = arith.select %eq3A_1418, %broadcast_in_dim3A_1420, %select_n3A_1285 : vector<256x128xi1>, vector<256x128xf32>
    %eq3A_1422 = vector.broadcast %broadcast_in_dim3A_1356 : vector<256x1xi32> to vector<256x128xi32>
    %eq3A_1423 = arith.cmpi eq, %add3A_75, %eq3A_1422 : vector<256x128xi32>
    %jit3A_1424 = arith.constant 3.000000e+38 : f32
    %broadcast_in_dim3A_1425 = vector.broadcast %jit3A_1424 : f32 to vector<256x128xf32>
    %select_n3A_1426 = arith.select %eq3A_1423, %broadcast_in_dim3A_1425, %select_n3A_1290 : vector<256x128xi1>, vector<256x128xf32>
    %eq3A_1427 = vector.broadcast %broadcast_in_dim3A_1356 : vector<256x1xi32> to vector<256x128xi32>
    %eq3A_1428 = arith.cmpi eq, %add3A_78, %eq3A_1427 : vector<256x128xi32>
    %jit3A_1429 = arith.constant 3.000000e+38 : f32
    %broadcast_in_dim3A_1430 = vector.broadcast %jit3A_1429 : f32 to vector<256x128xf32>
    %select_n3A_1431 = arith.select %eq3A_1428, %broadcast_in_dim3A_1430, %select_n3A_1295 : vector<256x128xi1>, vector<256x128xf32>
    %eq3A_1432 = vector.broadcast %broadcast_in_dim3A_1356 : vector<256x1xi32> to vector<256x128xi32>
    %eq3A_1433 = arith.cmpi eq, %add3A_81, %eq3A_1432 : vector<256x128xi32>
    %jit3A_1434 = arith.constant 3.000000e+38 : f32
    %broadcast_in_dim3A_1435 = vector.broadcast %jit3A_1434 : f32 to vector<256x128xf32>
    %select_n3A_1436 = arith.select %eq3A_1433, %broadcast_in_dim3A_1435, %select_n3A_1300 : vector<256x128xi1>, vector<256x128xf32>
    %lt3A_1437 = arith.cmpf olt, %select_n3A_1366, %select_n3A_1361 : vector<256x128xf32>
    %select_n3A_1438 = arith.select %lt3A_1437, %select_n3A_1366, %select_n3A_1361 : vector<256x128xi1>, vector<256x128xf32>
    %select_n3A_1439 = arith.select %lt3A_1437, %add3A_39, %add3A_36 : vector<256x128xi1>, vector<256x128xi32>
    %lt3A_1440 = arith.cmpf olt, %select_n3A_1371, %select_n3A_1438 : vector<256x128xf32>
    %select_n3A_1441 = arith.select %lt3A_1440, %select_n3A_1371, %select_n3A_1438 : vector<256x128xi1>, vector<256x128xf32>
    %select_n3A_1442 = arith.select %lt3A_1440, %add3A_42, %select_n3A_1439 : vector<256x128xi1>, vector<256x128xi32>
    %lt3A_1443 = arith.cmpf olt, %select_n3A_1376, %select_n3A_1441 : vector<256x128xf32>
    %select_n3A_1444 = arith.select %lt3A_1443, %select_n3A_1376, %select_n3A_1441 : vector<256x128xi1>, vector<256x128xf32>
    %select_n3A_1445 = arith.select %lt3A_1443, %add3A_45, %select_n3A_1442 : vector<256x128xi1>, vector<256x128xi32>
    %lt3A_1446 = arith.cmpf olt, %select_n3A_1381, %select_n3A_1444 : vector<256x128xf32>
    %select_n3A_1447 = arith.select %lt3A_1446, %select_n3A_1381, %select_n3A_1444 : vector<256x128xi1>, vector<256x128xf32>
    %select_n3A_1448 = arith.select %lt3A_1446, %add3A_48, %select_n3A_1445 : vector<256x128xi1>, vector<256x128xi32>
    %lt3A_1449 = arith.cmpf olt, %select_n3A_1386, %select_n3A_1447 : vector<256x128xf32>
    %select_n3A_1450 = arith.select %lt3A_1449, %select_n3A_1386, %select_n3A_1447 : vector<256x128xi1>, vector<256x128xf32>
    %select_n3A_1451 = arith.select %lt3A_1449, %add3A_51, %select_n3A_1448 : vector<256x128xi1>, vector<256x128xi32>
    %lt3A_1452 = arith.cmpf olt, %select_n3A_1391, %select_n3A_1450 : vector<256x128xf32>
    %select_n3A_1453 = arith.select %lt3A_1452, %select_n3A_1391, %select_n3A_1450 : vector<256x128xi1>, vector<256x128xf32>
    %select_n3A_1454 = arith.select %lt3A_1452, %add3A_54, %select_n3A_1451 : vector<256x128xi1>, vector<256x128xi32>
    %lt3A_1455 = arith.cmpf olt, %select_n3A_1396, %select_n3A_1453 : vector<256x128xf32>
    %select_n3A_1456 = arith.select %lt3A_1455, %select_n3A_1396, %select_n3A_1453 : vector<256x128xi1>, vector<256x128xf32>
    %select_n3A_1457 = arith.select %lt3A_1455, %add3A_57, %select_n3A_1454 : vector<256x128xi1>, vector<256x128xi32>
    %lt3A_1458 = arith.cmpf olt, %select_n3A_1401, %select_n3A_1456 : vector<256x128xf32>
    %select_n3A_1459 = arith.select %lt3A_1458, %select_n3A_1401, %select_n3A_1456 : vector<256x128xi1>, vector<256x128xf32>
    %select_n3A_1460 = arith.select %lt3A_1458, %add3A_60, %select_n3A_1457 : vector<256x128xi1>, vector<256x128xi32>
    %lt3A_1461 = arith.cmpf olt, %select_n3A_1406, %select_n3A_1459 : vector<256x128xf32>
    %select_n3A_1462 = arith.select %lt3A_1461, %select_n3A_1406, %select_n3A_1459 : vector<256x128xi1>, vector<256x128xf32>
    %select_n3A_1463 = arith.select %lt3A_1461, %add3A_63, %select_n3A_1460 : vector<256x128xi1>, vector<256x128xi32>
    %lt3A_1464 = arith.cmpf olt, %select_n3A_1411, %select_n3A_1462 : vector<256x128xf32>
    %select_n3A_1465 = arith.select %lt3A_1464, %select_n3A_1411, %select_n3A_1462 : vector<256x128xi1>, vector<256x128xf32>
    %select_n3A_1466 = arith.select %lt3A_1464, %add3A_66, %select_n3A_1463 : vector<256x128xi1>, vector<256x128xi32>
    %lt3A_1467 = arith.cmpf olt, %select_n3A_1416, %select_n3A_1465 : vector<256x128xf32>
    %select_n3A_1468 = arith.select %lt3A_1467, %select_n3A_1416, %select_n3A_1465 : vector<256x128xi1>, vector<256x128xf32>
    %select_n3A_1469 = arith.select %lt3A_1467, %add3A_69, %select_n3A_1466 : vector<256x128xi1>, vector<256x128xi32>
    %lt3A_1470 = arith.cmpf olt, %select_n3A_1421, %select_n3A_1468 : vector<256x128xf32>
    %select_n3A_1471 = arith.select %lt3A_1470, %select_n3A_1421, %select_n3A_1468 : vector<256x128xi1>, vector<256x128xf32>
    %select_n3A_1472 = arith.select %lt3A_1470, %add3A_72, %select_n3A_1469 : vector<256x128xi1>, vector<256x128xi32>
    %lt3A_1473 = arith.cmpf olt, %select_n3A_1426, %select_n3A_1471 : vector<256x128xf32>
    %select_n3A_1474 = arith.select %lt3A_1473, %select_n3A_1426, %select_n3A_1471 : vector<256x128xi1>, vector<256x128xf32>
    %select_n3A_1475 = arith.select %lt3A_1473, %add3A_75, %select_n3A_1472 : vector<256x128xi1>, vector<256x128xi32>
    %lt3A_1476 = arith.cmpf olt, %select_n3A_1431, %select_n3A_1474 : vector<256x128xf32>
    %select_n3A_1477 = arith.select %lt3A_1476, %select_n3A_1431, %select_n3A_1474 : vector<256x128xi1>, vector<256x128xf32>
    %select_n3A_1478 = arith.select %lt3A_1476, %add3A_78, %select_n3A_1475 : vector<256x128xi1>, vector<256x128xi32>
    %lt3A_1479 = arith.cmpf olt, %select_n3A_1436, %select_n3A_1477 : vector<256x128xf32>
    %select_n3A_1480 = arith.select %lt3A_1479, %select_n3A_1436, %select_n3A_1477 : vector<256x128xi1>, vector<256x128xf32>
    %select_n3A_1481 = arith.select %lt3A_1479, %add3A_81, %select_n3A_1478 : vector<256x128xi1>, vector<256x128xi32>
    %reduce_min3A_1482 = arith.constant dense<0x7F800000> : vector<256xf32>
    %reduce_min3A_1483 = vector.multi_reduction <minimumf>, %select_n3A_1480, %reduce_min3A_1482 [1] : vector<256x128xf32> to vector<256xf32>
    %broadcast_in_dim3A_1484 = vector.shape_cast %reduce_min3A_1483 : vector<256xf32> to vector<256x1xf32>
    %eq3A_1485 = vector.broadcast %broadcast_in_dim3A_1484 : vector<256x1xf32> to vector<256x128xf32>
    %eq3A_1486 = arith.cmpf oeq, %select_n3A_1480, %eq3A_1485 : vector<256x128xf32>
    %jit3A_1487 = arith.constant 2048 : i32
    %broadcast_in_dim3A_1488 = vector.broadcast %jit3A_1487 : i32 to vector<256x128xi32>
    %select_n3A_1489 = arith.select %eq3A_1486, %select_n3A_1481, %broadcast_in_dim3A_1488 : vector<256x128xi1>, vector<256x128xi32>
    %reduce_min3A_1490 = arith.constant dense<2147483647> : vector<256xi32>
    %reduce_min3A_1491 = vector.multi_reduction <minsi>, %select_n3A_1489, %reduce_min3A_1490 [1] : vector<256x128xi32> to vector<256xi32>
    %broadcast_in_dim3A_1492 = vector.shape_cast %reduce_min3A_1491 : vector<256xi32> to vector<256x1xi32>
    %eq3A_1493 = vector.broadcast %broadcast_in_dim3A_1492 : vector<256x1xi32> to vector<256x128xi32>
    %eq3A_1494 = arith.cmpi eq, %add3A_36, %eq3A_1493 : vector<256x128xi32>
    %jit3A_1495 = arith.constant 3.000000e+38 : f32
    %broadcast_in_dim3A_1496 = vector.broadcast %jit3A_1495 : f32 to vector<256x128xf32>
    %select_n3A_1497 = arith.select %eq3A_1494, %broadcast_in_dim3A_1496, %select_n3A_1361 : vector<256x128xi1>, vector<256x128xf32>
    %eq3A_1498 = vector.broadcast %broadcast_in_dim3A_1492 : vector<256x1xi32> to vector<256x128xi32>
    %eq3A_1499 = arith.cmpi eq, %add3A_39, %eq3A_1498 : vector<256x128xi32>
    %jit3A_1500 = arith.constant 3.000000e+38 : f32
    %broadcast_in_dim3A_1501 = vector.broadcast %jit3A_1500 : f32 to vector<256x128xf32>
    %select_n3A_1502 = arith.select %eq3A_1499, %broadcast_in_dim3A_1501, %select_n3A_1366 : vector<256x128xi1>, vector<256x128xf32>
    %eq3A_1503 = vector.broadcast %broadcast_in_dim3A_1492 : vector<256x1xi32> to vector<256x128xi32>
    %eq3A_1504 = arith.cmpi eq, %add3A_42, %eq3A_1503 : vector<256x128xi32>
    %jit3A_1505 = arith.constant 3.000000e+38 : f32
    %broadcast_in_dim3A_1506 = vector.broadcast %jit3A_1505 : f32 to vector<256x128xf32>
    %select_n3A_1507 = arith.select %eq3A_1504, %broadcast_in_dim3A_1506, %select_n3A_1371 : vector<256x128xi1>, vector<256x128xf32>
    %eq3A_1508 = vector.broadcast %broadcast_in_dim3A_1492 : vector<256x1xi32> to vector<256x128xi32>
    %eq3A_1509 = arith.cmpi eq, %add3A_45, %eq3A_1508 : vector<256x128xi32>
    %jit3A_1510 = arith.constant 3.000000e+38 : f32
    %broadcast_in_dim3A_1511 = vector.broadcast %jit3A_1510 : f32 to vector<256x128xf32>
    %select_n3A_1512 = arith.select %eq3A_1509, %broadcast_in_dim3A_1511, %select_n3A_1376 : vector<256x128xi1>, vector<256x128xf32>
    %eq3A_1513 = vector.broadcast %broadcast_in_dim3A_1492 : vector<256x1xi32> to vector<256x128xi32>
    %eq3A_1514 = arith.cmpi eq, %add3A_48, %eq3A_1513 : vector<256x128xi32>
    %jit3A_1515 = arith.constant 3.000000e+38 : f32
    %broadcast_in_dim3A_1516 = vector.broadcast %jit3A_1515 : f32 to vector<256x128xf32>
    %select_n3A_1517 = arith.select %eq3A_1514, %broadcast_in_dim3A_1516, %select_n3A_1381 : vector<256x128xi1>, vector<256x128xf32>
    %eq3A_1518 = vector.broadcast %broadcast_in_dim3A_1492 : vector<256x1xi32> to vector<256x128xi32>
    %eq3A_1519 = arith.cmpi eq, %add3A_51, %eq3A_1518 : vector<256x128xi32>
    %jit3A_1520 = arith.constant 3.000000e+38 : f32
    %broadcast_in_dim3A_1521 = vector.broadcast %jit3A_1520 : f32 to vector<256x128xf32>
    %select_n3A_1522 = arith.select %eq3A_1519, %broadcast_in_dim3A_1521, %select_n3A_1386 : vector<256x128xi1>, vector<256x128xf32>
    %eq3A_1523 = vector.broadcast %broadcast_in_dim3A_1492 : vector<256x1xi32> to vector<256x128xi32>
    %eq3A_1524 = arith.cmpi eq, %add3A_54, %eq3A_1523 : vector<256x128xi32>
    %jit3A_1525 = arith.constant 3.000000e+38 : f32
    %broadcast_in_dim3A_1526 = vector.broadcast %jit3A_1525 : f32 to vector<256x128xf32>
    %select_n3A_1527 = arith.select %eq3A_1524, %broadcast_in_dim3A_1526, %select_n3A_1391 : vector<256x128xi1>, vector<256x128xf32>
    %eq3A_1528 = vector.broadcast %broadcast_in_dim3A_1492 : vector<256x1xi32> to vector<256x128xi32>
    %eq3A_1529 = arith.cmpi eq, %add3A_57, %eq3A_1528 : vector<256x128xi32>
    %jit3A_1530 = arith.constant 3.000000e+38 : f32
    %broadcast_in_dim3A_1531 = vector.broadcast %jit3A_1530 : f32 to vector<256x128xf32>
    %select_n3A_1532 = arith.select %eq3A_1529, %broadcast_in_dim3A_1531, %select_n3A_1396 : vector<256x128xi1>, vector<256x128xf32>
    %eq3A_1533 = vector.broadcast %broadcast_in_dim3A_1492 : vector<256x1xi32> to vector<256x128xi32>
    %eq3A_1534 = arith.cmpi eq, %add3A_60, %eq3A_1533 : vector<256x128xi32>
    %jit3A_1535 = arith.constant 3.000000e+38 : f32
    %broadcast_in_dim3A_1536 = vector.broadcast %jit3A_1535 : f32 to vector<256x128xf32>
    %select_n3A_1537 = arith.select %eq3A_1534, %broadcast_in_dim3A_1536, %select_n3A_1401 : vector<256x128xi1>, vector<256x128xf32>
    %eq3A_1538 = vector.broadcast %broadcast_in_dim3A_1492 : vector<256x1xi32> to vector<256x128xi32>
    %eq3A_1539 = arith.cmpi eq, %add3A_63, %eq3A_1538 : vector<256x128xi32>
    %jit3A_1540 = arith.constant 3.000000e+38 : f32
    %broadcast_in_dim3A_1541 = vector.broadcast %jit3A_1540 : f32 to vector<256x128xf32>
    %select_n3A_1542 = arith.select %eq3A_1539, %broadcast_in_dim3A_1541, %select_n3A_1406 : vector<256x128xi1>, vector<256x128xf32>
    %eq3A_1543 = vector.broadcast %broadcast_in_dim3A_1492 : vector<256x1xi32> to vector<256x128xi32>
    %eq3A_1544 = arith.cmpi eq, %add3A_66, %eq3A_1543 : vector<256x128xi32>
    %jit3A_1545 = arith.constant 3.000000e+38 : f32
    %broadcast_in_dim3A_1546 = vector.broadcast %jit3A_1545 : f32 to vector<256x128xf32>
    %select_n3A_1547 = arith.select %eq3A_1544, %broadcast_in_dim3A_1546, %select_n3A_1411 : vector<256x128xi1>, vector<256x128xf32>
    %eq3A_1548 = vector.broadcast %broadcast_in_dim3A_1492 : vector<256x1xi32> to vector<256x128xi32>
    %eq3A_1549 = arith.cmpi eq, %add3A_69, %eq3A_1548 : vector<256x128xi32>
    %jit3A_1550 = arith.constant 3.000000e+38 : f32
    %broadcast_in_dim3A_1551 = vector.broadcast %jit3A_1550 : f32 to vector<256x128xf32>
    %select_n3A_1552 = arith.select %eq3A_1549, %broadcast_in_dim3A_1551, %select_n3A_1416 : vector<256x128xi1>, vector<256x128xf32>
    %eq3A_1553 = vector.broadcast %broadcast_in_dim3A_1492 : vector<256x1xi32> to vector<256x128xi32>
    %eq3A_1554 = arith.cmpi eq, %add3A_72, %eq3A_1553 : vector<256x128xi32>
    %jit3A_1555 = arith.constant 3.000000e+38 : f32
    %broadcast_in_dim3A_1556 = vector.broadcast %jit3A_1555 : f32 to vector<256x128xf32>
    %select_n3A_1557 = arith.select %eq3A_1554, %broadcast_in_dim3A_1556, %select_n3A_1421 : vector<256x128xi1>, vector<256x128xf32>
    %eq3A_1558 = vector.broadcast %broadcast_in_dim3A_1492 : vector<256x1xi32> to vector<256x128xi32>
    %eq3A_1559 = arith.cmpi eq, %add3A_75, %eq3A_1558 : vector<256x128xi32>
    %jit3A_1560 = arith.constant 3.000000e+38 : f32
    %broadcast_in_dim3A_1561 = vector.broadcast %jit3A_1560 : f32 to vector<256x128xf32>
    %select_n3A_1562 = arith.select %eq3A_1559, %broadcast_in_dim3A_1561, %select_n3A_1426 : vector<256x128xi1>, vector<256x128xf32>
    %eq3A_1563 = vector.broadcast %broadcast_in_dim3A_1492 : vector<256x1xi32> to vector<256x128xi32>
    %eq3A_1564 = arith.cmpi eq, %add3A_78, %eq3A_1563 : vector<256x128xi32>
    %jit3A_1565 = arith.constant 3.000000e+38 : f32
    %broadcast_in_dim3A_1566 = vector.broadcast %jit3A_1565 : f32 to vector<256x128xf32>
    %select_n3A_1567 = arith.select %eq3A_1564, %broadcast_in_dim3A_1566, %select_n3A_1431 : vector<256x128xi1>, vector<256x128xf32>
    %eq3A_1568 = vector.broadcast %broadcast_in_dim3A_1492 : vector<256x1xi32> to vector<256x128xi32>
    %eq3A_1569 = arith.cmpi eq, %add3A_81, %eq3A_1568 : vector<256x128xi32>
    %jit3A_1570 = arith.constant 3.000000e+38 : f32
    %broadcast_in_dim3A_1571 = vector.broadcast %jit3A_1570 : f32 to vector<256x128xf32>
    %select_n3A_1572 = arith.select %eq3A_1569, %broadcast_in_dim3A_1571, %select_n3A_1436 : vector<256x128xi1>, vector<256x128xf32>
    %lt3A_1573 = arith.cmpf olt, %select_n3A_1502, %select_n3A_1497 : vector<256x128xf32>
    %select_n3A_1574 = arith.select %lt3A_1573, %select_n3A_1502, %select_n3A_1497 : vector<256x128xi1>, vector<256x128xf32>
    %select_n3A_1575 = arith.select %lt3A_1573, %add3A_39, %add3A_36 : vector<256x128xi1>, vector<256x128xi32>
    %lt3A_1576 = arith.cmpf olt, %select_n3A_1507, %select_n3A_1574 : vector<256x128xf32>
    %select_n3A_1577 = arith.select %lt3A_1576, %select_n3A_1507, %select_n3A_1574 : vector<256x128xi1>, vector<256x128xf32>
    %select_n3A_1578 = arith.select %lt3A_1576, %add3A_42, %select_n3A_1575 : vector<256x128xi1>, vector<256x128xi32>
    %lt3A_1579 = arith.cmpf olt, %select_n3A_1512, %select_n3A_1577 : vector<256x128xf32>
    %select_n3A_1580 = arith.select %lt3A_1579, %select_n3A_1512, %select_n3A_1577 : vector<256x128xi1>, vector<256x128xf32>
    %select_n3A_1581 = arith.select %lt3A_1579, %add3A_45, %select_n3A_1578 : vector<256x128xi1>, vector<256x128xi32>
    %lt3A_1582 = arith.cmpf olt, %select_n3A_1517, %select_n3A_1580 : vector<256x128xf32>
    %select_n3A_1583 = arith.select %lt3A_1582, %select_n3A_1517, %select_n3A_1580 : vector<256x128xi1>, vector<256x128xf32>
    %select_n3A_1584 = arith.select %lt3A_1582, %add3A_48, %select_n3A_1581 : vector<256x128xi1>, vector<256x128xi32>
    %lt3A_1585 = arith.cmpf olt, %select_n3A_1522, %select_n3A_1583 : vector<256x128xf32>
    %select_n3A_1586 = arith.select %lt3A_1585, %select_n3A_1522, %select_n3A_1583 : vector<256x128xi1>, vector<256x128xf32>
    %select_n3A_1587 = arith.select %lt3A_1585, %add3A_51, %select_n3A_1584 : vector<256x128xi1>, vector<256x128xi32>
    %lt3A_1588 = arith.cmpf olt, %select_n3A_1527, %select_n3A_1586 : vector<256x128xf32>
    %select_n3A_1589 = arith.select %lt3A_1588, %select_n3A_1527, %select_n3A_1586 : vector<256x128xi1>, vector<256x128xf32>
    %select_n3A_1590 = arith.select %lt3A_1588, %add3A_54, %select_n3A_1587 : vector<256x128xi1>, vector<256x128xi32>
    %lt3A_1591 = arith.cmpf olt, %select_n3A_1532, %select_n3A_1589 : vector<256x128xf32>
    %select_n3A_1592 = arith.select %lt3A_1591, %select_n3A_1532, %select_n3A_1589 : vector<256x128xi1>, vector<256x128xf32>
    %select_n3A_1593 = arith.select %lt3A_1591, %add3A_57, %select_n3A_1590 : vector<256x128xi1>, vector<256x128xi32>
    %lt3A_1594 = arith.cmpf olt, %select_n3A_1537, %select_n3A_1592 : vector<256x128xf32>
    %select_n3A_1595 = arith.select %lt3A_1594, %select_n3A_1537, %select_n3A_1592 : vector<256x128xi1>, vector<256x128xf32>
    %select_n3A_1596 = arith.select %lt3A_1594, %add3A_60, %select_n3A_1593 : vector<256x128xi1>, vector<256x128xi32>
    %lt3A_1597 = arith.cmpf olt, %select_n3A_1542, %select_n3A_1595 : vector<256x128xf32>
    %select_n3A_1598 = arith.select %lt3A_1597, %select_n3A_1542, %select_n3A_1595 : vector<256x128xi1>, vector<256x128xf32>
    %select_n3A_1599 = arith.select %lt3A_1597, %add3A_63, %select_n3A_1596 : vector<256x128xi1>, vector<256x128xi32>
    %lt3A_1600 = arith.cmpf olt, %select_n3A_1547, %select_n3A_1598 : vector<256x128xf32>
    %select_n3A_1601 = arith.select %lt3A_1600, %select_n3A_1547, %select_n3A_1598 : vector<256x128xi1>, vector<256x128xf32>
    %select_n3A_1602 = arith.select %lt3A_1600, %add3A_66, %select_n3A_1599 : vector<256x128xi1>, vector<256x128xi32>
    %lt3A_1603 = arith.cmpf olt, %select_n3A_1552, %select_n3A_1601 : vector<256x128xf32>
    %select_n3A_1604 = arith.select %lt3A_1603, %select_n3A_1552, %select_n3A_1601 : vector<256x128xi1>, vector<256x128xf32>
    %select_n3A_1605 = arith.select %lt3A_1603, %add3A_69, %select_n3A_1602 : vector<256x128xi1>, vector<256x128xi32>
    %lt3A_1606 = arith.cmpf olt, %select_n3A_1557, %select_n3A_1604 : vector<256x128xf32>
    %select_n3A_1607 = arith.select %lt3A_1606, %select_n3A_1557, %select_n3A_1604 : vector<256x128xi1>, vector<256x128xf32>
    %select_n3A_1608 = arith.select %lt3A_1606, %add3A_72, %select_n3A_1605 : vector<256x128xi1>, vector<256x128xi32>
    %lt3A_1609 = arith.cmpf olt, %select_n3A_1562, %select_n3A_1607 : vector<256x128xf32>
    %select_n3A_1610 = arith.select %lt3A_1609, %select_n3A_1562, %select_n3A_1607 : vector<256x128xi1>, vector<256x128xf32>
    %select_n3A_1611 = arith.select %lt3A_1609, %add3A_75, %select_n3A_1608 : vector<256x128xi1>, vector<256x128xi32>
    %lt3A_1612 = arith.cmpf olt, %select_n3A_1567, %select_n3A_1610 : vector<256x128xf32>
    %select_n3A_1613 = arith.select %lt3A_1612, %select_n3A_1567, %select_n3A_1610 : vector<256x128xi1>, vector<256x128xf32>
    %select_n3A_1614 = arith.select %lt3A_1612, %add3A_78, %select_n3A_1611 : vector<256x128xi1>, vector<256x128xi32>
    %lt3A_1615 = arith.cmpf olt, %select_n3A_1572, %select_n3A_1613 : vector<256x128xf32>
    %select_n3A_1616 = arith.select %lt3A_1615, %select_n3A_1572, %select_n3A_1613 : vector<256x128xi1>, vector<256x128xf32>
    %select_n3A_1617 = arith.select %lt3A_1615, %add3A_81, %select_n3A_1614 : vector<256x128xi1>, vector<256x128xi32>
    %reduce_min3A_1618 = arith.constant dense<0x7F800000> : vector<256xf32>
    %reduce_min3A_1619 = vector.multi_reduction <minimumf>, %select_n3A_1616, %reduce_min3A_1618 [1] : vector<256x128xf32> to vector<256xf32>
    %broadcast_in_dim3A_1620 = vector.shape_cast %reduce_min3A_1619 : vector<256xf32> to vector<256x1xf32>
    %eq3A_1621 = vector.broadcast %broadcast_in_dim3A_1620 : vector<256x1xf32> to vector<256x128xf32>
    %eq3A_1622 = arith.cmpf oeq, %select_n3A_1616, %eq3A_1621 : vector<256x128xf32>
    %jit3A_1623 = arith.constant 2048 : i32
    %broadcast_in_dim3A_1624 = vector.broadcast %jit3A_1623 : i32 to vector<256x128xi32>
    %select_n3A_1625 = arith.select %eq3A_1622, %select_n3A_1617, %broadcast_in_dim3A_1624 : vector<256x128xi1>, vector<256x128xi32>
    %reduce_min3A_1626 = arith.constant dense<2147483647> : vector<256xi32>
    %reduce_min3A_1627 = vector.multi_reduction <minsi>, %select_n3A_1625, %reduce_min3A_1626 [1] : vector<256x128xi32> to vector<256xi32>
    %broadcast_in_dim3A_1628 = vector.shape_cast %reduce_min3A_1627 : vector<256xi32> to vector<256x1xi32>
    %eq3A_1629 = vector.broadcast %broadcast_in_dim3A_1628 : vector<256x1xi32> to vector<256x128xi32>
    %eq3A_1630 = arith.cmpi eq, %add3A_36, %eq3A_1629 : vector<256x128xi32>
    %jit3A_1631 = arith.constant 3.000000e+38 : f32
    %broadcast_in_dim3A_1632 = vector.broadcast %jit3A_1631 : f32 to vector<256x128xf32>
    %select_n3A_1633 = arith.select %eq3A_1630, %broadcast_in_dim3A_1632, %select_n3A_1497 : vector<256x128xi1>, vector<256x128xf32>
    %eq3A_1634 = vector.broadcast %broadcast_in_dim3A_1628 : vector<256x1xi32> to vector<256x128xi32>
    %eq3A_1635 = arith.cmpi eq, %add3A_39, %eq3A_1634 : vector<256x128xi32>
    %jit3A_1636 = arith.constant 3.000000e+38 : f32
    %broadcast_in_dim3A_1637 = vector.broadcast %jit3A_1636 : f32 to vector<256x128xf32>
    %select_n3A_1638 = arith.select %eq3A_1635, %broadcast_in_dim3A_1637, %select_n3A_1502 : vector<256x128xi1>, vector<256x128xf32>
    %eq3A_1639 = vector.broadcast %broadcast_in_dim3A_1628 : vector<256x1xi32> to vector<256x128xi32>
    %eq3A_1640 = arith.cmpi eq, %add3A_42, %eq3A_1639 : vector<256x128xi32>
    %jit3A_1641 = arith.constant 3.000000e+38 : f32
    %broadcast_in_dim3A_1642 = vector.broadcast %jit3A_1641 : f32 to vector<256x128xf32>
    %select_n3A_1643 = arith.select %eq3A_1640, %broadcast_in_dim3A_1642, %select_n3A_1507 : vector<256x128xi1>, vector<256x128xf32>
    %eq3A_1644 = vector.broadcast %broadcast_in_dim3A_1628 : vector<256x1xi32> to vector<256x128xi32>
    %eq3A_1645 = arith.cmpi eq, %add3A_45, %eq3A_1644 : vector<256x128xi32>
    %jit3A_1646 = arith.constant 3.000000e+38 : f32
    %broadcast_in_dim3A_1647 = vector.broadcast %jit3A_1646 : f32 to vector<256x128xf32>
    %select_n3A_1648 = arith.select %eq3A_1645, %broadcast_in_dim3A_1647, %select_n3A_1512 : vector<256x128xi1>, vector<256x128xf32>
    %eq3A_1649 = vector.broadcast %broadcast_in_dim3A_1628 : vector<256x1xi32> to vector<256x128xi32>
    %eq3A_1650 = arith.cmpi eq, %add3A_48, %eq3A_1649 : vector<256x128xi32>
    %jit3A_1651 = arith.constant 3.000000e+38 : f32
    %broadcast_in_dim3A_1652 = vector.broadcast %jit3A_1651 : f32 to vector<256x128xf32>
    %select_n3A_1653 = arith.select %eq3A_1650, %broadcast_in_dim3A_1652, %select_n3A_1517 : vector<256x128xi1>, vector<256x128xf32>
    %eq3A_1654 = vector.broadcast %broadcast_in_dim3A_1628 : vector<256x1xi32> to vector<256x128xi32>
    %eq3A_1655 = arith.cmpi eq, %add3A_51, %eq3A_1654 : vector<256x128xi32>
    %jit3A_1656 = arith.constant 3.000000e+38 : f32
    %broadcast_in_dim3A_1657 = vector.broadcast %jit3A_1656 : f32 to vector<256x128xf32>
    %select_n3A_1658 = arith.select %eq3A_1655, %broadcast_in_dim3A_1657, %select_n3A_1522 : vector<256x128xi1>, vector<256x128xf32>
    %eq3A_1659 = vector.broadcast %broadcast_in_dim3A_1628 : vector<256x1xi32> to vector<256x128xi32>
    %eq3A_1660 = arith.cmpi eq, %add3A_54, %eq3A_1659 : vector<256x128xi32>
    %jit3A_1661 = arith.constant 3.000000e+38 : f32
    %broadcast_in_dim3A_1662 = vector.broadcast %jit3A_1661 : f32 to vector<256x128xf32>
    %select_n3A_1663 = arith.select %eq3A_1660, %broadcast_in_dim3A_1662, %select_n3A_1527 : vector<256x128xi1>, vector<256x128xf32>
    %eq3A_1664 = vector.broadcast %broadcast_in_dim3A_1628 : vector<256x1xi32> to vector<256x128xi32>
    %eq3A_1665 = arith.cmpi eq, %add3A_57, %eq3A_1664 : vector<256x128xi32>
    %jit3A_1666 = arith.constant 3.000000e+38 : f32
    %broadcast_in_dim3A_1667 = vector.broadcast %jit3A_1666 : f32 to vector<256x128xf32>
    %select_n3A_1668 = arith.select %eq3A_1665, %broadcast_in_dim3A_1667, %select_n3A_1532 : vector<256x128xi1>, vector<256x128xf32>
    %eq3A_1669 = vector.broadcast %broadcast_in_dim3A_1628 : vector<256x1xi32> to vector<256x128xi32>
    %eq3A_1670 = arith.cmpi eq, %add3A_60, %eq3A_1669 : vector<256x128xi32>
    %jit3A_1671 = arith.constant 3.000000e+38 : f32
    %broadcast_in_dim3A_1672 = vector.broadcast %jit3A_1671 : f32 to vector<256x128xf32>
    %select_n3A_1673 = arith.select %eq3A_1670, %broadcast_in_dim3A_1672, %select_n3A_1537 : vector<256x128xi1>, vector<256x128xf32>
    %eq3A_1674 = vector.broadcast %broadcast_in_dim3A_1628 : vector<256x1xi32> to vector<256x128xi32>
    %eq3A_1675 = arith.cmpi eq, %add3A_63, %eq3A_1674 : vector<256x128xi32>
    %jit3A_1676 = arith.constant 3.000000e+38 : f32
    %broadcast_in_dim3A_1677 = vector.broadcast %jit3A_1676 : f32 to vector<256x128xf32>
    %select_n3A_1678 = arith.select %eq3A_1675, %broadcast_in_dim3A_1677, %select_n3A_1542 : vector<256x128xi1>, vector<256x128xf32>
    %eq3A_1679 = vector.broadcast %broadcast_in_dim3A_1628 : vector<256x1xi32> to vector<256x128xi32>
    %eq3A_1680 = arith.cmpi eq, %add3A_66, %eq3A_1679 : vector<256x128xi32>
    %jit3A_1681 = arith.constant 3.000000e+38 : f32
    %broadcast_in_dim3A_1682 = vector.broadcast %jit3A_1681 : f32 to vector<256x128xf32>
    %select_n3A_1683 = arith.select %eq3A_1680, %broadcast_in_dim3A_1682, %select_n3A_1547 : vector<256x128xi1>, vector<256x128xf32>
    %eq3A_1684 = vector.broadcast %broadcast_in_dim3A_1628 : vector<256x1xi32> to vector<256x128xi32>
    %eq3A_1685 = arith.cmpi eq, %add3A_69, %eq3A_1684 : vector<256x128xi32>
    %jit3A_1686 = arith.constant 3.000000e+38 : f32
    %broadcast_in_dim3A_1687 = vector.broadcast %jit3A_1686 : f32 to vector<256x128xf32>
    %select_n3A_1688 = arith.select %eq3A_1685, %broadcast_in_dim3A_1687, %select_n3A_1552 : vector<256x128xi1>, vector<256x128xf32>
    %eq3A_1689 = vector.broadcast %broadcast_in_dim3A_1628 : vector<256x1xi32> to vector<256x128xi32>
    %eq3A_1690 = arith.cmpi eq, %add3A_72, %eq3A_1689 : vector<256x128xi32>
    %jit3A_1691 = arith.constant 3.000000e+38 : f32
    %broadcast_in_dim3A_1692 = vector.broadcast %jit3A_1691 : f32 to vector<256x128xf32>
    %select_n3A_1693 = arith.select %eq3A_1690, %broadcast_in_dim3A_1692, %select_n3A_1557 : vector<256x128xi1>, vector<256x128xf32>
    %eq3A_1694 = vector.broadcast %broadcast_in_dim3A_1628 : vector<256x1xi32> to vector<256x128xi32>
    %eq3A_1695 = arith.cmpi eq, %add3A_75, %eq3A_1694 : vector<256x128xi32>
    %jit3A_1696 = arith.constant 3.000000e+38 : f32
    %broadcast_in_dim3A_1697 = vector.broadcast %jit3A_1696 : f32 to vector<256x128xf32>
    %select_n3A_1698 = arith.select %eq3A_1695, %broadcast_in_dim3A_1697, %select_n3A_1562 : vector<256x128xi1>, vector<256x128xf32>
    %eq3A_1699 = vector.broadcast %broadcast_in_dim3A_1628 : vector<256x1xi32> to vector<256x128xi32>
    %eq3A_1700 = arith.cmpi eq, %add3A_78, %eq3A_1699 : vector<256x128xi32>
    %jit3A_1701 = arith.constant 3.000000e+38 : f32
    %broadcast_in_dim3A_1702 = vector.broadcast %jit3A_1701 : f32 to vector<256x128xf32>
    %select_n3A_1703 = arith.select %eq3A_1700, %broadcast_in_dim3A_1702, %select_n3A_1567 : vector<256x128xi1>, vector<256x128xf32>
    %eq3A_1704 = vector.broadcast %broadcast_in_dim3A_1628 : vector<256x1xi32> to vector<256x128xi32>
    %eq3A_1705 = arith.cmpi eq, %add3A_81, %eq3A_1704 : vector<256x128xi32>
    %jit3A_1706 = arith.constant 3.000000e+38 : f32
    %broadcast_in_dim3A_1707 = vector.broadcast %jit3A_1706 : f32 to vector<256x128xf32>
    %select_n3A_1708 = arith.select %eq3A_1705, %broadcast_in_dim3A_1707, %select_n3A_1572 : vector<256x128xi1>, vector<256x128xf32>
    %lt3A_1709 = arith.cmpf olt, %select_n3A_1638, %select_n3A_1633 : vector<256x128xf32>
    %select_n3A_1710 = arith.select %lt3A_1709, %select_n3A_1638, %select_n3A_1633 : vector<256x128xi1>, vector<256x128xf32>
    %select_n3A_1711 = arith.select %lt3A_1709, %add3A_39, %add3A_36 : vector<256x128xi1>, vector<256x128xi32>
    %lt3A_1712 = arith.cmpf olt, %select_n3A_1643, %select_n3A_1710 : vector<256x128xf32>
    %select_n3A_1713 = arith.select %lt3A_1712, %select_n3A_1643, %select_n3A_1710 : vector<256x128xi1>, vector<256x128xf32>
    %select_n3A_1714 = arith.select %lt3A_1712, %add3A_42, %select_n3A_1711 : vector<256x128xi1>, vector<256x128xi32>
    %lt3A_1715 = arith.cmpf olt, %select_n3A_1648, %select_n3A_1713 : vector<256x128xf32>
    %select_n3A_1716 = arith.select %lt3A_1715, %select_n3A_1648, %select_n3A_1713 : vector<256x128xi1>, vector<256x128xf32>
    %select_n3A_1717 = arith.select %lt3A_1715, %add3A_45, %select_n3A_1714 : vector<256x128xi1>, vector<256x128xi32>
    %lt3A_1718 = arith.cmpf olt, %select_n3A_1653, %select_n3A_1716 : vector<256x128xf32>
    %select_n3A_1719 = arith.select %lt3A_1718, %select_n3A_1653, %select_n3A_1716 : vector<256x128xi1>, vector<256x128xf32>
    %select_n3A_1720 = arith.select %lt3A_1718, %add3A_48, %select_n3A_1717 : vector<256x128xi1>, vector<256x128xi32>
    %lt3A_1721 = arith.cmpf olt, %select_n3A_1658, %select_n3A_1719 : vector<256x128xf32>
    %select_n3A_1722 = arith.select %lt3A_1721, %select_n3A_1658, %select_n3A_1719 : vector<256x128xi1>, vector<256x128xf32>
    %select_n3A_1723 = arith.select %lt3A_1721, %add3A_51, %select_n3A_1720 : vector<256x128xi1>, vector<256x128xi32>
    %lt3A_1724 = arith.cmpf olt, %select_n3A_1663, %select_n3A_1722 : vector<256x128xf32>
    %select_n3A_1725 = arith.select %lt3A_1724, %select_n3A_1663, %select_n3A_1722 : vector<256x128xi1>, vector<256x128xf32>
    %select_n3A_1726 = arith.select %lt3A_1724, %add3A_54, %select_n3A_1723 : vector<256x128xi1>, vector<256x128xi32>
    %lt3A_1727 = arith.cmpf olt, %select_n3A_1668, %select_n3A_1725 : vector<256x128xf32>
    %select_n3A_1728 = arith.select %lt3A_1727, %select_n3A_1668, %select_n3A_1725 : vector<256x128xi1>, vector<256x128xf32>
    %select_n3A_1729 = arith.select %lt3A_1727, %add3A_57, %select_n3A_1726 : vector<256x128xi1>, vector<256x128xi32>
    %lt3A_1730 = arith.cmpf olt, %select_n3A_1673, %select_n3A_1728 : vector<256x128xf32>
    %select_n3A_1731 = arith.select %lt3A_1730, %select_n3A_1673, %select_n3A_1728 : vector<256x128xi1>, vector<256x128xf32>
    %select_n3A_1732 = arith.select %lt3A_1730, %add3A_60, %select_n3A_1729 : vector<256x128xi1>, vector<256x128xi32>
    %lt3A_1733 = arith.cmpf olt, %select_n3A_1678, %select_n3A_1731 : vector<256x128xf32>
    %select_n3A_1734 = arith.select %lt3A_1733, %select_n3A_1678, %select_n3A_1731 : vector<256x128xi1>, vector<256x128xf32>
    %select_n3A_1735 = arith.select %lt3A_1733, %add3A_63, %select_n3A_1732 : vector<256x128xi1>, vector<256x128xi32>
    %lt3A_1736 = arith.cmpf olt, %select_n3A_1683, %select_n3A_1734 : vector<256x128xf32>
    %select_n3A_1737 = arith.select %lt3A_1736, %select_n3A_1683, %select_n3A_1734 : vector<256x128xi1>, vector<256x128xf32>
    %select_n3A_1738 = arith.select %lt3A_1736, %add3A_66, %select_n3A_1735 : vector<256x128xi1>, vector<256x128xi32>
    %lt3A_1739 = arith.cmpf olt, %select_n3A_1688, %select_n3A_1737 : vector<256x128xf32>
    %select_n3A_1740 = arith.select %lt3A_1739, %select_n3A_1688, %select_n3A_1737 : vector<256x128xi1>, vector<256x128xf32>
    %select_n3A_1741 = arith.select %lt3A_1739, %add3A_69, %select_n3A_1738 : vector<256x128xi1>, vector<256x128xi32>
    %lt3A_1742 = arith.cmpf olt, %select_n3A_1693, %select_n3A_1740 : vector<256x128xf32>
    %select_n3A_1743 = arith.select %lt3A_1742, %select_n3A_1693, %select_n3A_1740 : vector<256x128xi1>, vector<256x128xf32>
    %select_n3A_1744 = arith.select %lt3A_1742, %add3A_72, %select_n3A_1741 : vector<256x128xi1>, vector<256x128xi32>
    %lt3A_1745 = arith.cmpf olt, %select_n3A_1698, %select_n3A_1743 : vector<256x128xf32>
    %select_n3A_1746 = arith.select %lt3A_1745, %select_n3A_1698, %select_n3A_1743 : vector<256x128xi1>, vector<256x128xf32>
    %select_n3A_1747 = arith.select %lt3A_1745, %add3A_75, %select_n3A_1744 : vector<256x128xi1>, vector<256x128xi32>
    %lt3A_1748 = arith.cmpf olt, %select_n3A_1703, %select_n3A_1746 : vector<256x128xf32>
    %select_n3A_1749 = arith.select %lt3A_1748, %select_n3A_1703, %select_n3A_1746 : vector<256x128xi1>, vector<256x128xf32>
    %select_n3A_1750 = arith.select %lt3A_1748, %add3A_78, %select_n3A_1747 : vector<256x128xi1>, vector<256x128xi32>
    %lt3A_1751 = arith.cmpf olt, %select_n3A_1708, %select_n3A_1749 : vector<256x128xf32>
    %select_n3A_1752 = arith.select %lt3A_1751, %select_n3A_1708, %select_n3A_1749 : vector<256x128xi1>, vector<256x128xf32>
    %select_n3A_1753 = arith.select %lt3A_1751, %add3A_81, %select_n3A_1750 : vector<256x128xi1>, vector<256x128xi32>
    %reduce_min3A_1754 = arith.constant dense<0x7F800000> : vector<256xf32>
    %reduce_min3A_1755 = vector.multi_reduction <minimumf>, %select_n3A_1752, %reduce_min3A_1754 [1] : vector<256x128xf32> to vector<256xf32>
    %broadcast_in_dim3A_1756 = vector.shape_cast %reduce_min3A_1755 : vector<256xf32> to vector<256x1xf32>
    %eq3A_1757 = vector.broadcast %broadcast_in_dim3A_1756 : vector<256x1xf32> to vector<256x128xf32>
    %eq3A_1758 = arith.cmpf oeq, %select_n3A_1752, %eq3A_1757 : vector<256x128xf32>
    %jit3A_1759 = arith.constant 2048 : i32
    %broadcast_in_dim3A_1760 = vector.broadcast %jit3A_1759 : i32 to vector<256x128xi32>
    %select_n3A_1761 = arith.select %eq3A_1758, %select_n3A_1753, %broadcast_in_dim3A_1760 : vector<256x128xi1>, vector<256x128xi32>
    %reduce_min3A_1762 = arith.constant dense<2147483647> : vector<256xi32>
    %reduce_min3A_1763 = vector.multi_reduction <minsi>, %select_n3A_1761, %reduce_min3A_1762 [1] : vector<256x128xi32> to vector<256xi32>
    %broadcast_in_dim3A_1764 = vector.shape_cast %reduce_min3A_1763 : vector<256xi32> to vector<256x1xi32>
    %eq3A_1765 = vector.broadcast %broadcast_in_dim3A_1764 : vector<256x1xi32> to vector<256x128xi32>
    %eq3A_1766 = arith.cmpi eq, %add3A_36, %eq3A_1765 : vector<256x128xi32>
    %jit3A_1767 = arith.constant 3.000000e+38 : f32
    %broadcast_in_dim3A_1768 = vector.broadcast %jit3A_1767 : f32 to vector<256x128xf32>
    %select_n3A_1769 = arith.select %eq3A_1766, %broadcast_in_dim3A_1768, %select_n3A_1633 : vector<256x128xi1>, vector<256x128xf32>
    %eq3A_1770 = vector.broadcast %broadcast_in_dim3A_1764 : vector<256x1xi32> to vector<256x128xi32>
    %eq3A_1771 = arith.cmpi eq, %add3A_39, %eq3A_1770 : vector<256x128xi32>
    %jit3A_1772 = arith.constant 3.000000e+38 : f32
    %broadcast_in_dim3A_1773 = vector.broadcast %jit3A_1772 : f32 to vector<256x128xf32>
    %select_n3A_1774 = arith.select %eq3A_1771, %broadcast_in_dim3A_1773, %select_n3A_1638 : vector<256x128xi1>, vector<256x128xf32>
    %eq3A_1775 = vector.broadcast %broadcast_in_dim3A_1764 : vector<256x1xi32> to vector<256x128xi32>
    %eq3A_1776 = arith.cmpi eq, %add3A_42, %eq3A_1775 : vector<256x128xi32>
    %jit3A_1777 = arith.constant 3.000000e+38 : f32
    %broadcast_in_dim3A_1778 = vector.broadcast %jit3A_1777 : f32 to vector<256x128xf32>
    %select_n3A_1779 = arith.select %eq3A_1776, %broadcast_in_dim3A_1778, %select_n3A_1643 : vector<256x128xi1>, vector<256x128xf32>
    %eq3A_1780 = vector.broadcast %broadcast_in_dim3A_1764 : vector<256x1xi32> to vector<256x128xi32>
    %eq3A_1781 = arith.cmpi eq, %add3A_45, %eq3A_1780 : vector<256x128xi32>
    %jit3A_1782 = arith.constant 3.000000e+38 : f32
    %broadcast_in_dim3A_1783 = vector.broadcast %jit3A_1782 : f32 to vector<256x128xf32>
    %select_n3A_1784 = arith.select %eq3A_1781, %broadcast_in_dim3A_1783, %select_n3A_1648 : vector<256x128xi1>, vector<256x128xf32>
    %eq3A_1785 = vector.broadcast %broadcast_in_dim3A_1764 : vector<256x1xi32> to vector<256x128xi32>
    %eq3A_1786 = arith.cmpi eq, %add3A_48, %eq3A_1785 : vector<256x128xi32>
    %jit3A_1787 = arith.constant 3.000000e+38 : f32
    %broadcast_in_dim3A_1788 = vector.broadcast %jit3A_1787 : f32 to vector<256x128xf32>
    %select_n3A_1789 = arith.select %eq3A_1786, %broadcast_in_dim3A_1788, %select_n3A_1653 : vector<256x128xi1>, vector<256x128xf32>
    %eq3A_1790 = vector.broadcast %broadcast_in_dim3A_1764 : vector<256x1xi32> to vector<256x128xi32>
    %eq3A_1791 = arith.cmpi eq, %add3A_51, %eq3A_1790 : vector<256x128xi32>
    %jit3A_1792 = arith.constant 3.000000e+38 : f32
    %broadcast_in_dim3A_1793 = vector.broadcast %jit3A_1792 : f32 to vector<256x128xf32>
    %select_n3A_1794 = arith.select %eq3A_1791, %broadcast_in_dim3A_1793, %select_n3A_1658 : vector<256x128xi1>, vector<256x128xf32>
    %eq3A_1795 = vector.broadcast %broadcast_in_dim3A_1764 : vector<256x1xi32> to vector<256x128xi32>
    %eq3A_1796 = arith.cmpi eq, %add3A_54, %eq3A_1795 : vector<256x128xi32>
    %jit3A_1797 = arith.constant 3.000000e+38 : f32
    %broadcast_in_dim3A_1798 = vector.broadcast %jit3A_1797 : f32 to vector<256x128xf32>
    %select_n3A_1799 = arith.select %eq3A_1796, %broadcast_in_dim3A_1798, %select_n3A_1663 : vector<256x128xi1>, vector<256x128xf32>
    %eq3A_1800 = vector.broadcast %broadcast_in_dim3A_1764 : vector<256x1xi32> to vector<256x128xi32>
    %eq3A_1801 = arith.cmpi eq, %add3A_57, %eq3A_1800 : vector<256x128xi32>
    %jit3A_1802 = arith.constant 3.000000e+38 : f32
    %broadcast_in_dim3A_1803 = vector.broadcast %jit3A_1802 : f32 to vector<256x128xf32>
    %select_n3A_1804 = arith.select %eq3A_1801, %broadcast_in_dim3A_1803, %select_n3A_1668 : vector<256x128xi1>, vector<256x128xf32>
    %eq3A_1805 = vector.broadcast %broadcast_in_dim3A_1764 : vector<256x1xi32> to vector<256x128xi32>
    %eq3A_1806 = arith.cmpi eq, %add3A_60, %eq3A_1805 : vector<256x128xi32>
    %jit3A_1807 = arith.constant 3.000000e+38 : f32
    %broadcast_in_dim3A_1808 = vector.broadcast %jit3A_1807 : f32 to vector<256x128xf32>
    %select_n3A_1809 = arith.select %eq3A_1806, %broadcast_in_dim3A_1808, %select_n3A_1673 : vector<256x128xi1>, vector<256x128xf32>
    %eq3A_1810 = vector.broadcast %broadcast_in_dim3A_1764 : vector<256x1xi32> to vector<256x128xi32>
    %eq3A_1811 = arith.cmpi eq, %add3A_63, %eq3A_1810 : vector<256x128xi32>
    %jit3A_1812 = arith.constant 3.000000e+38 : f32
    %broadcast_in_dim3A_1813 = vector.broadcast %jit3A_1812 : f32 to vector<256x128xf32>
    %select_n3A_1814 = arith.select %eq3A_1811, %broadcast_in_dim3A_1813, %select_n3A_1678 : vector<256x128xi1>, vector<256x128xf32>
    %eq3A_1815 = vector.broadcast %broadcast_in_dim3A_1764 : vector<256x1xi32> to vector<256x128xi32>
    %eq3A_1816 = arith.cmpi eq, %add3A_66, %eq3A_1815 : vector<256x128xi32>
    %jit3A_1817 = arith.constant 3.000000e+38 : f32
    %broadcast_in_dim3A_1818 = vector.broadcast %jit3A_1817 : f32 to vector<256x128xf32>
    %select_n3A_1819 = arith.select %eq3A_1816, %broadcast_in_dim3A_1818, %select_n3A_1683 : vector<256x128xi1>, vector<256x128xf32>
    %eq3A_1820 = vector.broadcast %broadcast_in_dim3A_1764 : vector<256x1xi32> to vector<256x128xi32>
    %eq3A_1821 = arith.cmpi eq, %add3A_69, %eq3A_1820 : vector<256x128xi32>
    %jit3A_1822 = arith.constant 3.000000e+38 : f32
    %broadcast_in_dim3A_1823 = vector.broadcast %jit3A_1822 : f32 to vector<256x128xf32>
    %select_n3A_1824 = arith.select %eq3A_1821, %broadcast_in_dim3A_1823, %select_n3A_1688 : vector<256x128xi1>, vector<256x128xf32>
    %eq3A_1825 = vector.broadcast %broadcast_in_dim3A_1764 : vector<256x1xi32> to vector<256x128xi32>
    %eq3A_1826 = arith.cmpi eq, %add3A_72, %eq3A_1825 : vector<256x128xi32>
    %jit3A_1827 = arith.constant 3.000000e+38 : f32
    %broadcast_in_dim3A_1828 = vector.broadcast %jit3A_1827 : f32 to vector<256x128xf32>
    %select_n3A_1829 = arith.select %eq3A_1826, %broadcast_in_dim3A_1828, %select_n3A_1693 : vector<256x128xi1>, vector<256x128xf32>
    %eq3A_1830 = vector.broadcast %broadcast_in_dim3A_1764 : vector<256x1xi32> to vector<256x128xi32>
    %eq3A_1831 = arith.cmpi eq, %add3A_75, %eq3A_1830 : vector<256x128xi32>
    %jit3A_1832 = arith.constant 3.000000e+38 : f32
    %broadcast_in_dim3A_1833 = vector.broadcast %jit3A_1832 : f32 to vector<256x128xf32>
    %select_n3A_1834 = arith.select %eq3A_1831, %broadcast_in_dim3A_1833, %select_n3A_1698 : vector<256x128xi1>, vector<256x128xf32>
    %eq3A_1835 = vector.broadcast %broadcast_in_dim3A_1764 : vector<256x1xi32> to vector<256x128xi32>
    %eq3A_1836 = arith.cmpi eq, %add3A_78, %eq3A_1835 : vector<256x128xi32>
    %jit3A_1837 = arith.constant 3.000000e+38 : f32
    %broadcast_in_dim3A_1838 = vector.broadcast %jit3A_1837 : f32 to vector<256x128xf32>
    %select_n3A_1839 = arith.select %eq3A_1836, %broadcast_in_dim3A_1838, %select_n3A_1703 : vector<256x128xi1>, vector<256x128xf32>
    %eq3A_1840 = vector.broadcast %broadcast_in_dim3A_1764 : vector<256x1xi32> to vector<256x128xi32>
    %eq3A_1841 = arith.cmpi eq, %add3A_81, %eq3A_1840 : vector<256x128xi32>
    %jit3A_1842 = arith.constant 3.000000e+38 : f32
    %broadcast_in_dim3A_1843 = vector.broadcast %jit3A_1842 : f32 to vector<256x128xf32>
    %select_n3A_1844 = arith.select %eq3A_1841, %broadcast_in_dim3A_1843, %select_n3A_1708 : vector<256x128xi1>, vector<256x128xf32>
    %lt3A_1845 = arith.cmpf olt, %select_n3A_1774, %select_n3A_1769 : vector<256x128xf32>
    %select_n3A_1846 = arith.select %lt3A_1845, %select_n3A_1774, %select_n3A_1769 : vector<256x128xi1>, vector<256x128xf32>
    %select_n3A_1847 = arith.select %lt3A_1845, %add3A_39, %add3A_36 : vector<256x128xi1>, vector<256x128xi32>
    %lt3A_1848 = arith.cmpf olt, %select_n3A_1779, %select_n3A_1846 : vector<256x128xf32>
    %select_n3A_1849 = arith.select %lt3A_1848, %select_n3A_1779, %select_n3A_1846 : vector<256x128xi1>, vector<256x128xf32>
    %select_n3A_1850 = arith.select %lt3A_1848, %add3A_42, %select_n3A_1847 : vector<256x128xi1>, vector<256x128xi32>
    %lt3A_1851 = arith.cmpf olt, %select_n3A_1784, %select_n3A_1849 : vector<256x128xf32>
    %select_n3A_1852 = arith.select %lt3A_1851, %select_n3A_1784, %select_n3A_1849 : vector<256x128xi1>, vector<256x128xf32>
    %select_n3A_1853 = arith.select %lt3A_1851, %add3A_45, %select_n3A_1850 : vector<256x128xi1>, vector<256x128xi32>
    %lt3A_1854 = arith.cmpf olt, %select_n3A_1789, %select_n3A_1852 : vector<256x128xf32>
    %select_n3A_1855 = arith.select %lt3A_1854, %select_n3A_1789, %select_n3A_1852 : vector<256x128xi1>, vector<256x128xf32>
    %select_n3A_1856 = arith.select %lt3A_1854, %add3A_48, %select_n3A_1853 : vector<256x128xi1>, vector<256x128xi32>
    %lt3A_1857 = arith.cmpf olt, %select_n3A_1794, %select_n3A_1855 : vector<256x128xf32>
    %select_n3A_1858 = arith.select %lt3A_1857, %select_n3A_1794, %select_n3A_1855 : vector<256x128xi1>, vector<256x128xf32>
    %select_n3A_1859 = arith.select %lt3A_1857, %add3A_51, %select_n3A_1856 : vector<256x128xi1>, vector<256x128xi32>
    %lt3A_1860 = arith.cmpf olt, %select_n3A_1799, %select_n3A_1858 : vector<256x128xf32>
    %select_n3A_1861 = arith.select %lt3A_1860, %select_n3A_1799, %select_n3A_1858 : vector<256x128xi1>, vector<256x128xf32>
    %select_n3A_1862 = arith.select %lt3A_1860, %add3A_54, %select_n3A_1859 : vector<256x128xi1>, vector<256x128xi32>
    %lt3A_1863 = arith.cmpf olt, %select_n3A_1804, %select_n3A_1861 : vector<256x128xf32>
    %select_n3A_1864 = arith.select %lt3A_1863, %select_n3A_1804, %select_n3A_1861 : vector<256x128xi1>, vector<256x128xf32>
    %select_n3A_1865 = arith.select %lt3A_1863, %add3A_57, %select_n3A_1862 : vector<256x128xi1>, vector<256x128xi32>
    %lt3A_1866 = arith.cmpf olt, %select_n3A_1809, %select_n3A_1864 : vector<256x128xf32>
    %select_n3A_1867 = arith.select %lt3A_1866, %select_n3A_1809, %select_n3A_1864 : vector<256x128xi1>, vector<256x128xf32>
    %select_n3A_1868 = arith.select %lt3A_1866, %add3A_60, %select_n3A_1865 : vector<256x128xi1>, vector<256x128xi32>
    %lt3A_1869 = arith.cmpf olt, %select_n3A_1814, %select_n3A_1867 : vector<256x128xf32>
    %select_n3A_1870 = arith.select %lt3A_1869, %select_n3A_1814, %select_n3A_1867 : vector<256x128xi1>, vector<256x128xf32>
    %select_n3A_1871 = arith.select %lt3A_1869, %add3A_63, %select_n3A_1868 : vector<256x128xi1>, vector<256x128xi32>
    %lt3A_1872 = arith.cmpf olt, %select_n3A_1819, %select_n3A_1870 : vector<256x128xf32>
    %select_n3A_1873 = arith.select %lt3A_1872, %select_n3A_1819, %select_n3A_1870 : vector<256x128xi1>, vector<256x128xf32>
    %select_n3A_1874 = arith.select %lt3A_1872, %add3A_66, %select_n3A_1871 : vector<256x128xi1>, vector<256x128xi32>
    %lt3A_1875 = arith.cmpf olt, %select_n3A_1824, %select_n3A_1873 : vector<256x128xf32>
    %select_n3A_1876 = arith.select %lt3A_1875, %select_n3A_1824, %select_n3A_1873 : vector<256x128xi1>, vector<256x128xf32>
    %select_n3A_1877 = arith.select %lt3A_1875, %add3A_69, %select_n3A_1874 : vector<256x128xi1>, vector<256x128xi32>
    %lt3A_1878 = arith.cmpf olt, %select_n3A_1829, %select_n3A_1876 : vector<256x128xf32>
    %select_n3A_1879 = arith.select %lt3A_1878, %select_n3A_1829, %select_n3A_1876 : vector<256x128xi1>, vector<256x128xf32>
    %select_n3A_1880 = arith.select %lt3A_1878, %add3A_72, %select_n3A_1877 : vector<256x128xi1>, vector<256x128xi32>
    %lt3A_1881 = arith.cmpf olt, %select_n3A_1834, %select_n3A_1879 : vector<256x128xf32>
    %select_n3A_1882 = arith.select %lt3A_1881, %select_n3A_1834, %select_n3A_1879 : vector<256x128xi1>, vector<256x128xf32>
    %select_n3A_1883 = arith.select %lt3A_1881, %add3A_75, %select_n3A_1880 : vector<256x128xi1>, vector<256x128xi32>
    %lt3A_1884 = arith.cmpf olt, %select_n3A_1839, %select_n3A_1882 : vector<256x128xf32>
    %select_n3A_1885 = arith.select %lt3A_1884, %select_n3A_1839, %select_n3A_1882 : vector<256x128xi1>, vector<256x128xf32>
    %select_n3A_1886 = arith.select %lt3A_1884, %add3A_78, %select_n3A_1883 : vector<256x128xi1>, vector<256x128xi32>
    %lt3A_1887 = arith.cmpf olt, %select_n3A_1844, %select_n3A_1885 : vector<256x128xf32>
    %select_n3A_1888 = arith.select %lt3A_1887, %select_n3A_1844, %select_n3A_1885 : vector<256x128xi1>, vector<256x128xf32>
    %select_n3A_1889 = arith.select %lt3A_1887, %add3A_81, %select_n3A_1886 : vector<256x128xi1>, vector<256x128xi32>
    %reduce_min3A_1890 = arith.constant dense<0x7F800000> : vector<256xf32>
    %reduce_min3A_1891 = vector.multi_reduction <minimumf>, %select_n3A_1888, %reduce_min3A_1890 [1] : vector<256x128xf32> to vector<256xf32>
    %broadcast_in_dim3A_1892 = vector.shape_cast %reduce_min3A_1891 : vector<256xf32> to vector<256x1xf32>
    %eq3A_1893 = vector.broadcast %broadcast_in_dim3A_1892 : vector<256x1xf32> to vector<256x128xf32>
    %eq3A_1894 = arith.cmpf oeq, %select_n3A_1888, %eq3A_1893 : vector<256x128xf32>
    %jit3A_1895 = arith.constant 2048 : i32
    %broadcast_in_dim3A_1896 = vector.broadcast %jit3A_1895 : i32 to vector<256x128xi32>
    %select_n3A_1897 = arith.select %eq3A_1894, %select_n3A_1889, %broadcast_in_dim3A_1896 : vector<256x128xi1>, vector<256x128xi32>
    %reduce_min3A_1898 = arith.constant dense<2147483647> : vector<256xi32>
    %reduce_min3A_1899 = vector.multi_reduction <minsi>, %select_n3A_1897, %reduce_min3A_1898 [1] : vector<256x128xi32> to vector<256xi32>
    %broadcast_in_dim3A_1900 = vector.shape_cast %reduce_min3A_1899 : vector<256xi32> to vector<256x1xi32>
    %eq3A_1901 = vector.broadcast %broadcast_in_dim3A_1900 : vector<256x1xi32> to vector<256x128xi32>
    %eq3A_1902 = arith.cmpi eq, %add3A_36, %eq3A_1901 : vector<256x128xi32>
    %jit3A_1903 = arith.constant 3.000000e+38 : f32
    %broadcast_in_dim3A_1904 = vector.broadcast %jit3A_1903 : f32 to vector<256x128xf32>
    %select_n3A_1905 = arith.select %eq3A_1902, %broadcast_in_dim3A_1904, %select_n3A_1769 : vector<256x128xi1>, vector<256x128xf32>
    %eq3A_1906 = vector.broadcast %broadcast_in_dim3A_1900 : vector<256x1xi32> to vector<256x128xi32>
    %eq3A_1907 = arith.cmpi eq, %add3A_39, %eq3A_1906 : vector<256x128xi32>
    %jit3A_1908 = arith.constant 3.000000e+38 : f32
    %broadcast_in_dim3A_1909 = vector.broadcast %jit3A_1908 : f32 to vector<256x128xf32>
    %select_n3A_1910 = arith.select %eq3A_1907, %broadcast_in_dim3A_1909, %select_n3A_1774 : vector<256x128xi1>, vector<256x128xf32>
    %eq3A_1911 = vector.broadcast %broadcast_in_dim3A_1900 : vector<256x1xi32> to vector<256x128xi32>
    %eq3A_1912 = arith.cmpi eq, %add3A_42, %eq3A_1911 : vector<256x128xi32>
    %jit3A_1913 = arith.constant 3.000000e+38 : f32
    %broadcast_in_dim3A_1914 = vector.broadcast %jit3A_1913 : f32 to vector<256x128xf32>
    %select_n3A_1915 = arith.select %eq3A_1912, %broadcast_in_dim3A_1914, %select_n3A_1779 : vector<256x128xi1>, vector<256x128xf32>
    %eq3A_1916 = vector.broadcast %broadcast_in_dim3A_1900 : vector<256x1xi32> to vector<256x128xi32>
    %eq3A_1917 = arith.cmpi eq, %add3A_45, %eq3A_1916 : vector<256x128xi32>
    %jit3A_1918 = arith.constant 3.000000e+38 : f32
    %broadcast_in_dim3A_1919 = vector.broadcast %jit3A_1918 : f32 to vector<256x128xf32>
    %select_n3A_1920 = arith.select %eq3A_1917, %broadcast_in_dim3A_1919, %select_n3A_1784 : vector<256x128xi1>, vector<256x128xf32>
    %eq3A_1921 = vector.broadcast %broadcast_in_dim3A_1900 : vector<256x1xi32> to vector<256x128xi32>
    %eq3A_1922 = arith.cmpi eq, %add3A_48, %eq3A_1921 : vector<256x128xi32>
    %jit3A_1923 = arith.constant 3.000000e+38 : f32
    %broadcast_in_dim3A_1924 = vector.broadcast %jit3A_1923 : f32 to vector<256x128xf32>
    %select_n3A_1925 = arith.select %eq3A_1922, %broadcast_in_dim3A_1924, %select_n3A_1789 : vector<256x128xi1>, vector<256x128xf32>
    %eq3A_1926 = vector.broadcast %broadcast_in_dim3A_1900 : vector<256x1xi32> to vector<256x128xi32>
    %eq3A_1927 = arith.cmpi eq, %add3A_51, %eq3A_1926 : vector<256x128xi32>
    %jit3A_1928 = arith.constant 3.000000e+38 : f32
    %broadcast_in_dim3A_1929 = vector.broadcast %jit3A_1928 : f32 to vector<256x128xf32>
    %select_n3A_1930 = arith.select %eq3A_1927, %broadcast_in_dim3A_1929, %select_n3A_1794 : vector<256x128xi1>, vector<256x128xf32>
    %eq3A_1931 = vector.broadcast %broadcast_in_dim3A_1900 : vector<256x1xi32> to vector<256x128xi32>
    %eq3A_1932 = arith.cmpi eq, %add3A_54, %eq3A_1931 : vector<256x128xi32>
    %jit3A_1933 = arith.constant 3.000000e+38 : f32
    %broadcast_in_dim3A_1934 = vector.broadcast %jit3A_1933 : f32 to vector<256x128xf32>
    %select_n3A_1935 = arith.select %eq3A_1932, %broadcast_in_dim3A_1934, %select_n3A_1799 : vector<256x128xi1>, vector<256x128xf32>
    %eq3A_1936 = vector.broadcast %broadcast_in_dim3A_1900 : vector<256x1xi32> to vector<256x128xi32>
    %eq3A_1937 = arith.cmpi eq, %add3A_57, %eq3A_1936 : vector<256x128xi32>
    %jit3A_1938 = arith.constant 3.000000e+38 : f32
    %broadcast_in_dim3A_1939 = vector.broadcast %jit3A_1938 : f32 to vector<256x128xf32>
    %select_n3A_1940 = arith.select %eq3A_1937, %broadcast_in_dim3A_1939, %select_n3A_1804 : vector<256x128xi1>, vector<256x128xf32>
    %eq3A_1941 = vector.broadcast %broadcast_in_dim3A_1900 : vector<256x1xi32> to vector<256x128xi32>
    %eq3A_1942 = arith.cmpi eq, %add3A_60, %eq3A_1941 : vector<256x128xi32>
    %jit3A_1943 = arith.constant 3.000000e+38 : f32
    %broadcast_in_dim3A_1944 = vector.broadcast %jit3A_1943 : f32 to vector<256x128xf32>
    %select_n3A_1945 = arith.select %eq3A_1942, %broadcast_in_dim3A_1944, %select_n3A_1809 : vector<256x128xi1>, vector<256x128xf32>
    %eq3A_1946 = vector.broadcast %broadcast_in_dim3A_1900 : vector<256x1xi32> to vector<256x128xi32>
    %eq3A_1947 = arith.cmpi eq, %add3A_63, %eq3A_1946 : vector<256x128xi32>
    %jit3A_1948 = arith.constant 3.000000e+38 : f32
    %broadcast_in_dim3A_1949 = vector.broadcast %jit3A_1948 : f32 to vector<256x128xf32>
    %select_n3A_1950 = arith.select %eq3A_1947, %broadcast_in_dim3A_1949, %select_n3A_1814 : vector<256x128xi1>, vector<256x128xf32>
    %eq3A_1951 = vector.broadcast %broadcast_in_dim3A_1900 : vector<256x1xi32> to vector<256x128xi32>
    %eq3A_1952 = arith.cmpi eq, %add3A_66, %eq3A_1951 : vector<256x128xi32>
    %jit3A_1953 = arith.constant 3.000000e+38 : f32
    %broadcast_in_dim3A_1954 = vector.broadcast %jit3A_1953 : f32 to vector<256x128xf32>
    %select_n3A_1955 = arith.select %eq3A_1952, %broadcast_in_dim3A_1954, %select_n3A_1819 : vector<256x128xi1>, vector<256x128xf32>
    %eq3A_1956 = vector.broadcast %broadcast_in_dim3A_1900 : vector<256x1xi32> to vector<256x128xi32>
    %eq3A_1957 = arith.cmpi eq, %add3A_69, %eq3A_1956 : vector<256x128xi32>
    %jit3A_1958 = arith.constant 3.000000e+38 : f32
    %broadcast_in_dim3A_1959 = vector.broadcast %jit3A_1958 : f32 to vector<256x128xf32>
    %select_n3A_1960 = arith.select %eq3A_1957, %broadcast_in_dim3A_1959, %select_n3A_1824 : vector<256x128xi1>, vector<256x128xf32>
    %eq3A_1961 = vector.broadcast %broadcast_in_dim3A_1900 : vector<256x1xi32> to vector<256x128xi32>
    %eq3A_1962 = arith.cmpi eq, %add3A_72, %eq3A_1961 : vector<256x128xi32>
    %jit3A_1963 = arith.constant 3.000000e+38 : f32
    %broadcast_in_dim3A_1964 = vector.broadcast %jit3A_1963 : f32 to vector<256x128xf32>
    %select_n3A_1965 = arith.select %eq3A_1962, %broadcast_in_dim3A_1964, %select_n3A_1829 : vector<256x128xi1>, vector<256x128xf32>
    %eq3A_1966 = vector.broadcast %broadcast_in_dim3A_1900 : vector<256x1xi32> to vector<256x128xi32>
    %eq3A_1967 = arith.cmpi eq, %add3A_75, %eq3A_1966 : vector<256x128xi32>
    %jit3A_1968 = arith.constant 3.000000e+38 : f32
    %broadcast_in_dim3A_1969 = vector.broadcast %jit3A_1968 : f32 to vector<256x128xf32>
    %select_n3A_1970 = arith.select %eq3A_1967, %broadcast_in_dim3A_1969, %select_n3A_1834 : vector<256x128xi1>, vector<256x128xf32>
    %eq3A_1971 = vector.broadcast %broadcast_in_dim3A_1900 : vector<256x1xi32> to vector<256x128xi32>
    %eq3A_1972 = arith.cmpi eq, %add3A_78, %eq3A_1971 : vector<256x128xi32>
    %jit3A_1973 = arith.constant 3.000000e+38 : f32
    %broadcast_in_dim3A_1974 = vector.broadcast %jit3A_1973 : f32 to vector<256x128xf32>
    %select_n3A_1975 = arith.select %eq3A_1972, %broadcast_in_dim3A_1974, %select_n3A_1839 : vector<256x128xi1>, vector<256x128xf32>
    %eq3A_1976 = vector.broadcast %broadcast_in_dim3A_1900 : vector<256x1xi32> to vector<256x128xi32>
    %eq3A_1977 = arith.cmpi eq, %add3A_81, %eq3A_1976 : vector<256x128xi32>
    %jit3A_1978 = arith.constant 3.000000e+38 : f32
    %broadcast_in_dim3A_1979 = vector.broadcast %jit3A_1978 : f32 to vector<256x128xf32>
    %select_n3A_1980 = arith.select %eq3A_1977, %broadcast_in_dim3A_1979, %select_n3A_1844 : vector<256x128xi1>, vector<256x128xf32>
    %lt3A_1981 = arith.cmpf olt, %select_n3A_1910, %select_n3A_1905 : vector<256x128xf32>
    %select_n3A_1982 = arith.select %lt3A_1981, %select_n3A_1910, %select_n3A_1905 : vector<256x128xi1>, vector<256x128xf32>
    %select_n3A_1983 = arith.select %lt3A_1981, %add3A_39, %add3A_36 : vector<256x128xi1>, vector<256x128xi32>
    %lt3A_1984 = arith.cmpf olt, %select_n3A_1915, %select_n3A_1982 : vector<256x128xf32>
    %select_n3A_1985 = arith.select %lt3A_1984, %select_n3A_1915, %select_n3A_1982 : vector<256x128xi1>, vector<256x128xf32>
    %select_n3A_1986 = arith.select %lt3A_1984, %add3A_42, %select_n3A_1983 : vector<256x128xi1>, vector<256x128xi32>
    %lt3A_1987 = arith.cmpf olt, %select_n3A_1920, %select_n3A_1985 : vector<256x128xf32>
    %select_n3A_1988 = arith.select %lt3A_1987, %select_n3A_1920, %select_n3A_1985 : vector<256x128xi1>, vector<256x128xf32>
    %select_n3A_1989 = arith.select %lt3A_1987, %add3A_45, %select_n3A_1986 : vector<256x128xi1>, vector<256x128xi32>
    %lt3A_1990 = arith.cmpf olt, %select_n3A_1925, %select_n3A_1988 : vector<256x128xf32>
    %select_n3A_1991 = arith.select %lt3A_1990, %select_n3A_1925, %select_n3A_1988 : vector<256x128xi1>, vector<256x128xf32>
    %select_n3A_1992 = arith.select %lt3A_1990, %add3A_48, %select_n3A_1989 : vector<256x128xi1>, vector<256x128xi32>
    %lt3A_1993 = arith.cmpf olt, %select_n3A_1930, %select_n3A_1991 : vector<256x128xf32>
    %select_n3A_1994 = arith.select %lt3A_1993, %select_n3A_1930, %select_n3A_1991 : vector<256x128xi1>, vector<256x128xf32>
    %select_n3A_1995 = arith.select %lt3A_1993, %add3A_51, %select_n3A_1992 : vector<256x128xi1>, vector<256x128xi32>
    %lt3A_1996 = arith.cmpf olt, %select_n3A_1935, %select_n3A_1994 : vector<256x128xf32>
    %select_n3A_1997 = arith.select %lt3A_1996, %select_n3A_1935, %select_n3A_1994 : vector<256x128xi1>, vector<256x128xf32>
    %select_n3A_1998 = arith.select %lt3A_1996, %add3A_54, %select_n3A_1995 : vector<256x128xi1>, vector<256x128xi32>
    %lt3A_1999 = arith.cmpf olt, %select_n3A_1940, %select_n3A_1997 : vector<256x128xf32>
    %select_n3A_2000 = arith.select %lt3A_1999, %select_n3A_1940, %select_n3A_1997 : vector<256x128xi1>, vector<256x128xf32>
    %select_n3A_2001 = arith.select %lt3A_1999, %add3A_57, %select_n3A_1998 : vector<256x128xi1>, vector<256x128xi32>
    %lt3A_2002 = arith.cmpf olt, %select_n3A_1945, %select_n3A_2000 : vector<256x128xf32>
    %select_n3A_2003 = arith.select %lt3A_2002, %select_n3A_1945, %select_n3A_2000 : vector<256x128xi1>, vector<256x128xf32>
    %select_n3A_2004 = arith.select %lt3A_2002, %add3A_60, %select_n3A_2001 : vector<256x128xi1>, vector<256x128xi32>
    %lt3A_2005 = arith.cmpf olt, %select_n3A_1950, %select_n3A_2003 : vector<256x128xf32>
    %select_n3A_2006 = arith.select %lt3A_2005, %select_n3A_1950, %select_n3A_2003 : vector<256x128xi1>, vector<256x128xf32>
    %select_n3A_2007 = arith.select %lt3A_2005, %add3A_63, %select_n3A_2004 : vector<256x128xi1>, vector<256x128xi32>
    %lt3A_2008 = arith.cmpf olt, %select_n3A_1955, %select_n3A_2006 : vector<256x128xf32>
    %select_n3A_2009 = arith.select %lt3A_2008, %select_n3A_1955, %select_n3A_2006 : vector<256x128xi1>, vector<256x128xf32>
    %select_n3A_2010 = arith.select %lt3A_2008, %add3A_66, %select_n3A_2007 : vector<256x128xi1>, vector<256x128xi32>
    %lt3A_2011 = arith.cmpf olt, %select_n3A_1960, %select_n3A_2009 : vector<256x128xf32>
    %select_n3A_2012 = arith.select %lt3A_2011, %select_n3A_1960, %select_n3A_2009 : vector<256x128xi1>, vector<256x128xf32>
    %select_n3A_2013 = arith.select %lt3A_2011, %add3A_69, %select_n3A_2010 : vector<256x128xi1>, vector<256x128xi32>
    %lt3A_2014 = arith.cmpf olt, %select_n3A_1965, %select_n3A_2012 : vector<256x128xf32>
    %select_n3A_2015 = arith.select %lt3A_2014, %select_n3A_1965, %select_n3A_2012 : vector<256x128xi1>, vector<256x128xf32>
    %select_n3A_2016 = arith.select %lt3A_2014, %add3A_72, %select_n3A_2013 : vector<256x128xi1>, vector<256x128xi32>
    %lt3A_2017 = arith.cmpf olt, %select_n3A_1970, %select_n3A_2015 : vector<256x128xf32>
    %select_n3A_2018 = arith.select %lt3A_2017, %select_n3A_1970, %select_n3A_2015 : vector<256x128xi1>, vector<256x128xf32>
    %select_n3A_2019 = arith.select %lt3A_2017, %add3A_75, %select_n3A_2016 : vector<256x128xi1>, vector<256x128xi32>
    %lt3A_2020 = arith.cmpf olt, %select_n3A_1975, %select_n3A_2018 : vector<256x128xf32>
    %select_n3A_2021 = arith.select %lt3A_2020, %select_n3A_1975, %select_n3A_2018 : vector<256x128xi1>, vector<256x128xf32>
    %select_n3A_2022 = arith.select %lt3A_2020, %add3A_78, %select_n3A_2019 : vector<256x128xi1>, vector<256x128xi32>
    %lt3A_2023 = arith.cmpf olt, %select_n3A_1980, %select_n3A_2021 : vector<256x128xf32>
    %select_n3A_2024 = arith.select %lt3A_2023, %select_n3A_1980, %select_n3A_2021 : vector<256x128xi1>, vector<256x128xf32>
    %select_n3A_2025 = arith.select %lt3A_2023, %add3A_81, %select_n3A_2022 : vector<256x128xi1>, vector<256x128xi32>
    %reduce_min3A_2026 = arith.constant dense<0x7F800000> : vector<256xf32>
    %reduce_min3A_2027 = vector.multi_reduction <minimumf>, %select_n3A_2024, %reduce_min3A_2026 [1] : vector<256x128xf32> to vector<256xf32>
    %broadcast_in_dim3A_2028 = vector.shape_cast %reduce_min3A_2027 : vector<256xf32> to vector<256x1xf32>
    %eq3A_2029 = vector.broadcast %broadcast_in_dim3A_2028 : vector<256x1xf32> to vector<256x128xf32>
    %eq3A_2030 = arith.cmpf oeq, %select_n3A_2024, %eq3A_2029 : vector<256x128xf32>
    %jit3A_2031 = arith.constant 2048 : i32
    %broadcast_in_dim3A_2032 = vector.broadcast %jit3A_2031 : i32 to vector<256x128xi32>
    %select_n3A_2033 = arith.select %eq3A_2030, %select_n3A_2025, %broadcast_in_dim3A_2032 : vector<256x128xi1>, vector<256x128xi32>
    %reduce_min3A_2034 = arith.constant dense<2147483647> : vector<256xi32>
    %reduce_min3A_2035 = vector.multi_reduction <minsi>, %select_n3A_2033, %reduce_min3A_2034 [1] : vector<256x128xi32> to vector<256xi32>
    %broadcast_in_dim3A_2036 = vector.shape_cast %reduce_min3A_2035 : vector<256xi32> to vector<256x1xi32>
    %eq3A_2037 = vector.broadcast %broadcast_in_dim3A_2036 : vector<256x1xi32> to vector<256x128xi32>
    %eq3A_2038 = arith.cmpi eq, %add3A_36, %eq3A_2037 : vector<256x128xi32>
    %jit3A_2039 = arith.constant 3.000000e+38 : f32
    %broadcast_in_dim3A_2040 = vector.broadcast %jit3A_2039 : f32 to vector<256x128xf32>
    %select_n3A_2041 = arith.select %eq3A_2038, %broadcast_in_dim3A_2040, %select_n3A_1905 : vector<256x128xi1>, vector<256x128xf32>
    %eq3A_2042 = vector.broadcast %broadcast_in_dim3A_2036 : vector<256x1xi32> to vector<256x128xi32>
    %eq3A_2043 = arith.cmpi eq, %add3A_39, %eq3A_2042 : vector<256x128xi32>
    %jit3A_2044 = arith.constant 3.000000e+38 : f32
    %broadcast_in_dim3A_2045 = vector.broadcast %jit3A_2044 : f32 to vector<256x128xf32>
    %select_n3A_2046 = arith.select %eq3A_2043, %broadcast_in_dim3A_2045, %select_n3A_1910 : vector<256x128xi1>, vector<256x128xf32>
    %eq3A_2047 = vector.broadcast %broadcast_in_dim3A_2036 : vector<256x1xi32> to vector<256x128xi32>
    %eq3A_2048 = arith.cmpi eq, %add3A_42, %eq3A_2047 : vector<256x128xi32>
    %jit3A_2049 = arith.constant 3.000000e+38 : f32
    %broadcast_in_dim3A_2050 = vector.broadcast %jit3A_2049 : f32 to vector<256x128xf32>
    %select_n3A_2051 = arith.select %eq3A_2048, %broadcast_in_dim3A_2050, %select_n3A_1915 : vector<256x128xi1>, vector<256x128xf32>
    %eq3A_2052 = vector.broadcast %broadcast_in_dim3A_2036 : vector<256x1xi32> to vector<256x128xi32>
    %eq3A_2053 = arith.cmpi eq, %add3A_45, %eq3A_2052 : vector<256x128xi32>
    %jit3A_2054 = arith.constant 3.000000e+38 : f32
    %broadcast_in_dim3A_2055 = vector.broadcast %jit3A_2054 : f32 to vector<256x128xf32>
    %select_n3A_2056 = arith.select %eq3A_2053, %broadcast_in_dim3A_2055, %select_n3A_1920 : vector<256x128xi1>, vector<256x128xf32>
    %eq3A_2057 = vector.broadcast %broadcast_in_dim3A_2036 : vector<256x1xi32> to vector<256x128xi32>
    %eq3A_2058 = arith.cmpi eq, %add3A_48, %eq3A_2057 : vector<256x128xi32>
    %jit3A_2059 = arith.constant 3.000000e+38 : f32
    %broadcast_in_dim3A_2060 = vector.broadcast %jit3A_2059 : f32 to vector<256x128xf32>
    %select_n3A_2061 = arith.select %eq3A_2058, %broadcast_in_dim3A_2060, %select_n3A_1925 : vector<256x128xi1>, vector<256x128xf32>
    %eq3A_2062 = vector.broadcast %broadcast_in_dim3A_2036 : vector<256x1xi32> to vector<256x128xi32>
    %eq3A_2063 = arith.cmpi eq, %add3A_51, %eq3A_2062 : vector<256x128xi32>
    %jit3A_2064 = arith.constant 3.000000e+38 : f32
    %broadcast_in_dim3A_2065 = vector.broadcast %jit3A_2064 : f32 to vector<256x128xf32>
    %select_n3A_2066 = arith.select %eq3A_2063, %broadcast_in_dim3A_2065, %select_n3A_1930 : vector<256x128xi1>, vector<256x128xf32>
    %eq3A_2067 = vector.broadcast %broadcast_in_dim3A_2036 : vector<256x1xi32> to vector<256x128xi32>
    %eq3A_2068 = arith.cmpi eq, %add3A_54, %eq3A_2067 : vector<256x128xi32>
    %jit3A_2069 = arith.constant 3.000000e+38 : f32
    %broadcast_in_dim3A_2070 = vector.broadcast %jit3A_2069 : f32 to vector<256x128xf32>
    %select_n3A_2071 = arith.select %eq3A_2068, %broadcast_in_dim3A_2070, %select_n3A_1935 : vector<256x128xi1>, vector<256x128xf32>
    %eq3A_2072 = vector.broadcast %broadcast_in_dim3A_2036 : vector<256x1xi32> to vector<256x128xi32>
    %eq3A_2073 = arith.cmpi eq, %add3A_57, %eq3A_2072 : vector<256x128xi32>
    %jit3A_2074 = arith.constant 3.000000e+38 : f32
    %broadcast_in_dim3A_2075 = vector.broadcast %jit3A_2074 : f32 to vector<256x128xf32>
    %select_n3A_2076 = arith.select %eq3A_2073, %broadcast_in_dim3A_2075, %select_n3A_1940 : vector<256x128xi1>, vector<256x128xf32>
    %eq3A_2077 = vector.broadcast %broadcast_in_dim3A_2036 : vector<256x1xi32> to vector<256x128xi32>
    %eq3A_2078 = arith.cmpi eq, %add3A_60, %eq3A_2077 : vector<256x128xi32>
    %jit3A_2079 = arith.constant 3.000000e+38 : f32
    %broadcast_in_dim3A_2080 = vector.broadcast %jit3A_2079 : f32 to vector<256x128xf32>
    %select_n3A_2081 = arith.select %eq3A_2078, %broadcast_in_dim3A_2080, %select_n3A_1945 : vector<256x128xi1>, vector<256x128xf32>
    %eq3A_2082 = vector.broadcast %broadcast_in_dim3A_2036 : vector<256x1xi32> to vector<256x128xi32>
    %eq3A_2083 = arith.cmpi eq, %add3A_63, %eq3A_2082 : vector<256x128xi32>
    %jit3A_2084 = arith.constant 3.000000e+38 : f32
    %broadcast_in_dim3A_2085 = vector.broadcast %jit3A_2084 : f32 to vector<256x128xf32>
    %select_n3A_2086 = arith.select %eq3A_2083, %broadcast_in_dim3A_2085, %select_n3A_1950 : vector<256x128xi1>, vector<256x128xf32>
    %eq3A_2087 = vector.broadcast %broadcast_in_dim3A_2036 : vector<256x1xi32> to vector<256x128xi32>
    %eq3A_2088 = arith.cmpi eq, %add3A_66, %eq3A_2087 : vector<256x128xi32>
    %jit3A_2089 = arith.constant 3.000000e+38 : f32
    %broadcast_in_dim3A_2090 = vector.broadcast %jit3A_2089 : f32 to vector<256x128xf32>
    %select_n3A_2091 = arith.select %eq3A_2088, %broadcast_in_dim3A_2090, %select_n3A_1955 : vector<256x128xi1>, vector<256x128xf32>
    %eq3A_2092 = vector.broadcast %broadcast_in_dim3A_2036 : vector<256x1xi32> to vector<256x128xi32>
    %eq3A_2093 = arith.cmpi eq, %add3A_69, %eq3A_2092 : vector<256x128xi32>
    %jit3A_2094 = arith.constant 3.000000e+38 : f32
    %broadcast_in_dim3A_2095 = vector.broadcast %jit3A_2094 : f32 to vector<256x128xf32>
    %select_n3A_2096 = arith.select %eq3A_2093, %broadcast_in_dim3A_2095, %select_n3A_1960 : vector<256x128xi1>, vector<256x128xf32>
    %eq3A_2097 = vector.broadcast %broadcast_in_dim3A_2036 : vector<256x1xi32> to vector<256x128xi32>
    %eq3A_2098 = arith.cmpi eq, %add3A_72, %eq3A_2097 : vector<256x128xi32>
    %jit3A_2099 = arith.constant 3.000000e+38 : f32
    %broadcast_in_dim3A_2100 = vector.broadcast %jit3A_2099 : f32 to vector<256x128xf32>
    %select_n3A_2101 = arith.select %eq3A_2098, %broadcast_in_dim3A_2100, %select_n3A_1965 : vector<256x128xi1>, vector<256x128xf32>
    %eq3A_2102 = vector.broadcast %broadcast_in_dim3A_2036 : vector<256x1xi32> to vector<256x128xi32>
    %eq3A_2103 = arith.cmpi eq, %add3A_75, %eq3A_2102 : vector<256x128xi32>
    %jit3A_2104 = arith.constant 3.000000e+38 : f32
    %broadcast_in_dim3A_2105 = vector.broadcast %jit3A_2104 : f32 to vector<256x128xf32>
    %select_n3A_2106 = arith.select %eq3A_2103, %broadcast_in_dim3A_2105, %select_n3A_1970 : vector<256x128xi1>, vector<256x128xf32>
    %eq3A_2107 = vector.broadcast %broadcast_in_dim3A_2036 : vector<256x1xi32> to vector<256x128xi32>
    %eq3A_2108 = arith.cmpi eq, %add3A_78, %eq3A_2107 : vector<256x128xi32>
    %jit3A_2109 = arith.constant 3.000000e+38 : f32
    %broadcast_in_dim3A_2110 = vector.broadcast %jit3A_2109 : f32 to vector<256x128xf32>
    %select_n3A_2111 = arith.select %eq3A_2108, %broadcast_in_dim3A_2110, %select_n3A_1975 : vector<256x128xi1>, vector<256x128xf32>
    %eq3A_2112 = vector.broadcast %broadcast_in_dim3A_2036 : vector<256x1xi32> to vector<256x128xi32>
    %eq3A_2113 = arith.cmpi eq, %add3A_81, %eq3A_2112 : vector<256x128xi32>
    %jit3A_2114 = arith.constant 3.000000e+38 : f32
    %broadcast_in_dim3A_2115 = vector.broadcast %jit3A_2114 : f32 to vector<256x128xf32>
    %select_n3A_2116 = arith.select %eq3A_2113, %broadcast_in_dim3A_2115, %select_n3A_1980 : vector<256x128xi1>, vector<256x128xf32>
    %lt3A_2117 = arith.cmpf olt, %select_n3A_2046, %select_n3A_2041 : vector<256x128xf32>
    %select_n3A_2118 = arith.select %lt3A_2117, %select_n3A_2046, %select_n3A_2041 : vector<256x128xi1>, vector<256x128xf32>
    %select_n3A_2119 = arith.select %lt3A_2117, %add3A_39, %add3A_36 : vector<256x128xi1>, vector<256x128xi32>
    %lt3A_2120 = arith.cmpf olt, %select_n3A_2051, %select_n3A_2118 : vector<256x128xf32>
    %select_n3A_2121 = arith.select %lt3A_2120, %select_n3A_2051, %select_n3A_2118 : vector<256x128xi1>, vector<256x128xf32>
    %select_n3A_2122 = arith.select %lt3A_2120, %add3A_42, %select_n3A_2119 : vector<256x128xi1>, vector<256x128xi32>
    %lt3A_2123 = arith.cmpf olt, %select_n3A_2056, %select_n3A_2121 : vector<256x128xf32>
    %select_n3A_2124 = arith.select %lt3A_2123, %select_n3A_2056, %select_n3A_2121 : vector<256x128xi1>, vector<256x128xf32>
    %select_n3A_2125 = arith.select %lt3A_2123, %add3A_45, %select_n3A_2122 : vector<256x128xi1>, vector<256x128xi32>
    %lt3A_2126 = arith.cmpf olt, %select_n3A_2061, %select_n3A_2124 : vector<256x128xf32>
    %select_n3A_2127 = arith.select %lt3A_2126, %select_n3A_2061, %select_n3A_2124 : vector<256x128xi1>, vector<256x128xf32>
    %select_n3A_2128 = arith.select %lt3A_2126, %add3A_48, %select_n3A_2125 : vector<256x128xi1>, vector<256x128xi32>
    %lt3A_2129 = arith.cmpf olt, %select_n3A_2066, %select_n3A_2127 : vector<256x128xf32>
    %select_n3A_2130 = arith.select %lt3A_2129, %select_n3A_2066, %select_n3A_2127 : vector<256x128xi1>, vector<256x128xf32>
    %select_n3A_2131 = arith.select %lt3A_2129, %add3A_51, %select_n3A_2128 : vector<256x128xi1>, vector<256x128xi32>
    %lt3A_2132 = arith.cmpf olt, %select_n3A_2071, %select_n3A_2130 : vector<256x128xf32>
    %select_n3A_2133 = arith.select %lt3A_2132, %select_n3A_2071, %select_n3A_2130 : vector<256x128xi1>, vector<256x128xf32>
    %select_n3A_2134 = arith.select %lt3A_2132, %add3A_54, %select_n3A_2131 : vector<256x128xi1>, vector<256x128xi32>
    %lt3A_2135 = arith.cmpf olt, %select_n3A_2076, %select_n3A_2133 : vector<256x128xf32>
    %select_n3A_2136 = arith.select %lt3A_2135, %select_n3A_2076, %select_n3A_2133 : vector<256x128xi1>, vector<256x128xf32>
    %select_n3A_2137 = arith.select %lt3A_2135, %add3A_57, %select_n3A_2134 : vector<256x128xi1>, vector<256x128xi32>
    %lt3A_2138 = arith.cmpf olt, %select_n3A_2081, %select_n3A_2136 : vector<256x128xf32>
    %select_n3A_2139 = arith.select %lt3A_2138, %select_n3A_2081, %select_n3A_2136 : vector<256x128xi1>, vector<256x128xf32>
    %select_n3A_2140 = arith.select %lt3A_2138, %add3A_60, %select_n3A_2137 : vector<256x128xi1>, vector<256x128xi32>
    %lt3A_2141 = arith.cmpf olt, %select_n3A_2086, %select_n3A_2139 : vector<256x128xf32>
    %select_n3A_2142 = arith.select %lt3A_2141, %select_n3A_2086, %select_n3A_2139 : vector<256x128xi1>, vector<256x128xf32>
    %select_n3A_2143 = arith.select %lt3A_2141, %add3A_63, %select_n3A_2140 : vector<256x128xi1>, vector<256x128xi32>
    %lt3A_2144 = arith.cmpf olt, %select_n3A_2091, %select_n3A_2142 : vector<256x128xf32>
    %select_n3A_2145 = arith.select %lt3A_2144, %select_n3A_2091, %select_n3A_2142 : vector<256x128xi1>, vector<256x128xf32>
    %select_n3A_2146 = arith.select %lt3A_2144, %add3A_66, %select_n3A_2143 : vector<256x128xi1>, vector<256x128xi32>
    %lt3A_2147 = arith.cmpf olt, %select_n3A_2096, %select_n3A_2145 : vector<256x128xf32>
    %select_n3A_2148 = arith.select %lt3A_2147, %select_n3A_2096, %select_n3A_2145 : vector<256x128xi1>, vector<256x128xf32>
    %select_n3A_2149 = arith.select %lt3A_2147, %add3A_69, %select_n3A_2146 : vector<256x128xi1>, vector<256x128xi32>
    %lt3A_2150 = arith.cmpf olt, %select_n3A_2101, %select_n3A_2148 : vector<256x128xf32>
    %select_n3A_2151 = arith.select %lt3A_2150, %select_n3A_2101, %select_n3A_2148 : vector<256x128xi1>, vector<256x128xf32>
    %select_n3A_2152 = arith.select %lt3A_2150, %add3A_72, %select_n3A_2149 : vector<256x128xi1>, vector<256x128xi32>
    %lt3A_2153 = arith.cmpf olt, %select_n3A_2106, %select_n3A_2151 : vector<256x128xf32>
    %select_n3A_2154 = arith.select %lt3A_2153, %select_n3A_2106, %select_n3A_2151 : vector<256x128xi1>, vector<256x128xf32>
    %select_n3A_2155 = arith.select %lt3A_2153, %add3A_75, %select_n3A_2152 : vector<256x128xi1>, vector<256x128xi32>
    %lt3A_2156 = arith.cmpf olt, %select_n3A_2111, %select_n3A_2154 : vector<256x128xf32>
    %select_n3A_2157 = arith.select %lt3A_2156, %select_n3A_2111, %select_n3A_2154 : vector<256x128xi1>, vector<256x128xf32>
    %select_n3A_2158 = arith.select %lt3A_2156, %add3A_78, %select_n3A_2155 : vector<256x128xi1>, vector<256x128xi32>
    %lt3A_2159 = arith.cmpf olt, %select_n3A_2116, %select_n3A_2157 : vector<256x128xf32>
    %select_n3A_2160 = arith.select %lt3A_2159, %select_n3A_2116, %select_n3A_2157 : vector<256x128xi1>, vector<256x128xf32>
    %select_n3A_2161 = arith.select %lt3A_2159, %add3A_81, %select_n3A_2158 : vector<256x128xi1>, vector<256x128xi32>
    %reduce_min3A_2162 = arith.constant dense<0x7F800000> : vector<256xf32>
    %reduce_min3A_2163 = vector.multi_reduction <minimumf>, %select_n3A_2160, %reduce_min3A_2162 [1] : vector<256x128xf32> to vector<256xf32>
    %broadcast_in_dim3A_2164 = vector.shape_cast %reduce_min3A_2163 : vector<256xf32> to vector<256x1xf32>
    %eq3A_2165 = vector.broadcast %broadcast_in_dim3A_2164 : vector<256x1xf32> to vector<256x128xf32>
    %eq3A_2166 = arith.cmpf oeq, %select_n3A_2160, %eq3A_2165 : vector<256x128xf32>
    %jit3A_2167 = arith.constant 2048 : i32
    %broadcast_in_dim3A_2168 = vector.broadcast %jit3A_2167 : i32 to vector<256x128xi32>
    %select_n3A_2169 = arith.select %eq3A_2166, %select_n3A_2161, %broadcast_in_dim3A_2168 : vector<256x128xi1>, vector<256x128xi32>
    %reduce_min3A_2170 = arith.constant dense<2147483647> : vector<256xi32>
    %reduce_min3A_2171 = vector.multi_reduction <minsi>, %select_n3A_2169, %reduce_min3A_2170 [1] : vector<256x128xi32> to vector<256xi32>
    %broadcast_in_dim3A_2172 = vector.shape_cast %reduce_min3A_2171 : vector<256xi32> to vector<256x1xi32>
    %concatenate3A = tpu.concatenate %broadcast_in_dim3A_132, %broadcast_in_dim3A_268, %broadcast_in_dim3A_404, %broadcast_in_dim3A_540, %broadcast_in_dim3A_676, %broadcast_in_dim3A_812, %broadcast_in_dim3A_948, %broadcast_in_dim3A_1084, %broadcast_in_dim3A_1220, %broadcast_in_dim3A_1356, %broadcast_in_dim3A_1492, %broadcast_in_dim3A_1628, %broadcast_in_dim3A_1764, %broadcast_in_dim3A_1900, %broadcast_in_dim3A_2036, %broadcast_in_dim3A_2172 in 1 : vector<256x1xi32>, vector<256x1xi32>, vector<256x1xi32>, vector<256x1xi32>, vector<256x1xi32>, vector<256x1xi32>, vector<256x1xi32>, vector<256x1xi32>, vector<256x1xi32>, vector<256x1xi32>, vector<256x1xi32>, vector<256x1xi32>, vector<256x1xi32>, vector<256x1xi32>, vector<256x1xi32>, vector<256x1xi32> -> vector<256x16xi32>
    %mul3A_2173 = arith.constant 2048 : i32
    %mul3A_2174 = arith.muli %arg0, %mul3A_2173 : i32
    %add3A_2175 = vector.broadcast %mul3A_2174 : i32 to vector<256x16xi32>
    %add3A_2176 = arith.addi %concatenate3A, %add3A_2175 : vector<256x16xi32>
    %swap3A = arith.constant 0 : index
    %swap3A_2177 = arith.constant 0 : index
    %swap3A_2178 = vector.load %arg5[%swap3A, %swap3A_2177] : memref<256x16xi32, #tpu.memory_space<vmem>>, vector<256x16xi32>
    tpu.vector_store %arg5[%swap3A, %swap3A_2177], %add3A_2176 {strides = array<i32>} : memref<256x16xi32, #tpu.memory_space<vmem>>, vector<256x16xi32>,
    return
  }
  func.func @transform_0(%arg0: i32, %arg1: i32) -> (i32, i32) {
    %mul3A = arith.constant 8 : i32
    %mul3A_0 = arith.muli %arg0, %mul3A : i32
    %add3A = arith.addi %mul3A_0, %arg1 : i32
    %c0_i32 = arith.constant 0 : i32
    %c0_i32_1 = arith.constant 0 : i32
    return %add3A, %c0_i32 : i32, i32
  }
  func.func @transform_1(%arg0: i32, %arg1: i32) -> (i32, i32) {
    %c0_i32 = arith.constant 0 : i32
    %c0_i32_0 = arith.constant 0 : i32
    return %arg0, %c0_i32 : i32, i32
  }
  func.func @transform_2(%arg0: i32, %arg1: i32) -> (i32, i32) {
    %c0_i32 = arith.constant 0 : i32
    %c0_i32_0 = arith.constant 0 : i32
    return %c0_i32, %arg0 : i32, i32
  }
  func.func @transform_3(%arg0: i32, %arg1: i32) -> (i32, i32) {
    %mul3A = arith.constant 8 : i32
    %mul3A_0 = arith.muli %arg0, %mul3A : i32
    %add3A = arith.addi %mul3A_0, %arg1 : i32
    %c0_i32 = arith.constant 0 : i32
    %c0_i32_1 = arith.constant 0 : i32
    return %add3A, %c0_i32 : i32, i32
  }
}

module attributes {stable_mosaic.version = 14 : i64} {
  func.func @_stats_body(%arg0: i32, %arg1: memref<512x256xf32, #tpu.memory_space<vmem>>, %arg2: memref<512x64xf32, #tpu.memory_space<vmem>>, %arg3: memref<1x64xf32, #tpu.memory_space<vmem>>, %arg4: memref<1x64xf32, #tpu.memory_space<vmem>>, %arg5: memref<2x64xf32, #tpu.memory_space<vmem>>, %arg6: memref<8x64xf32, #tpu.memory_space<vmem>>) attributes {dimension_semantics = [#tpu.dimension_semantics<arbitrary>], iteration_bounds = array<i64: 32>, scalar_prefetch = 0 : i64, scratch_operands = 1 : i64, tpu.core_type = #tpu.core_type<tc>, window_params = [{transform_indices = @transform_0, window_bounds = array<i64: 512, 256>}, {transform_indices = @transform_1, window_bounds = array<i64: 512, 64>}, {pipeline_mode = #tpu.pipeline_mode<synchronous>, transform_indices = @transform_2, window_bounds = array<i64: 1, 64>}, {pipeline_mode = #tpu.pipeline_mode<synchronous>, transform_indices = @transform_3, window_bounds = array<i64: 1, 64>}, {pipeline_mode = #tpu.pipeline_mode<synchronous>, transform_indices = @transform_4, window_bounds = array<i64: 2, 64>}]} {
    %eq3A = arith.constant 0 : i32
    %eq3A_0 = arith.cmpi eq, %arg0, %eq3A : i32
    %convert_element_type3A = arith.extui %eq3A_0 : i1 to i32
    %cond3A = arith.constant 0 : i32
    %cond3A_1 = arith.cmpi ne, %convert_element_type3A, %cond3A : i32
    scf.if %cond3A_1 {
      %broadcast_in_dim3A_60 = arith.constant 0.000000e+00 : f32
      %broadcast_in_dim3A_61 = vector.broadcast %broadcast_in_dim3A_60 : f32 to vector<8x64xf32>
      %swap3A_62 = arith.constant 0 : index
      %swap3A_63 = arith.constant 0 : index
      %swap3A_64 = vector.load %arg6[%swap3A_62, %swap3A_63] : memref<8x64xf32, #tpu.memory_space<vmem>>, vector<8x64xf32>
      tpu.vector_store %arg6[%swap3A_62, %swap3A_63], %broadcast_in_dim3A_61 {strides = array<i32>} : memref<8x64xf32, #tpu.memory_space<vmem>>, vector<8x64xf32>,
    } else {
    }
    %get3A = arith.constant 0 : index
    %get3A_2 = arith.constant 0 : index
    %get3A_3 = vector.load %arg1[%get3A, %get3A_2] : memref<512x256xf32, #tpu.memory_space<vmem>>, vector<512x256xf32>
    %slice3A = vector.extract_strided_slice %get3A_3 {offsets = [0, 128], sizes = [512, 64], strides = [1, 1]} : vector<512x256xf32> to vector<512x64xf32>
    %slice3A_4 = vector.extract_strided_slice %get3A_3 {offsets = [0, 192], sizes = [512, 64], strides = [1, 1]} : vector<512x256xf32> to vector<512x64xf32>
    %get3A_5 = arith.constant 0 : index
    %get3A_6 = arith.constant 0 : index
    %get3A_7 = vector.load %arg2[%get3A_5, %get3A_6] : memref<512x64xf32, #tpu.memory_space<vmem>>, vector<512x64xf32>
    %get3A_8 = arith.constant 0 : index
    %get3A_9 = arith.constant 0 : index
    %get3A_10 = vector.load %arg6[%get3A_8, %get3A_9] : memref<8x64xf32, #tpu.memory_space<vmem>>, vector<1x64xf32>
    %reduce_sum3A = arith.constant dense<0.000000e+00> : vector<64xf32>
    %reduce_sum3A_11 = vector.multi_reduction <add>, %slice3A, %reduce_sum3A [0] : vector<512x64xf32> to vector<64xf32>
    %broadcast_in_dim3A = vector.shape_cast %reduce_sum3A_11 : vector<64xf32> to vector<1x64xf32>
    %add3A = arith.addf %get3A_10, %broadcast_in_dim3A : vector<1x64xf32>
    %swap3A = arith.constant 0 : index
    %swap3A_12 = arith.constant 0 : index
    %swap3A_13 = vector.load %arg6[%swap3A, %swap3A_12] : memref<8x64xf32, #tpu.memory_space<vmem>>, vector<1x64xf32>
    tpu.vector_store %arg6[%swap3A, %swap3A_12], %add3A {strides = array<i32>} : memref<8x64xf32, #tpu.memory_space<vmem>>, vector<1x64xf32>,
    %get3A_14 = arith.constant 1 : index
    %get3A_15 = arith.constant 0 : index
    %get3A_16 = vector.load %arg6[%get3A_14, %get3A_15] : memref<8x64xf32, #tpu.memory_space<vmem>>, vector<1x64xf32>
    %reduce_sum3A_17 = arith.constant dense<0.000000e+00> : vector<64xf32>
    %reduce_sum3A_18 = vector.multi_reduction <add>, %slice3A_4, %reduce_sum3A_17 [0] : vector<512x64xf32> to vector<64xf32>
    %broadcast_in_dim3A_19 = vector.shape_cast %reduce_sum3A_18 : vector<64xf32> to vector<1x64xf32>
    %add3A_20 = arith.addf %get3A_16, %broadcast_in_dim3A_19 : vector<1x64xf32>
    %swap3A_21 = arith.constant 1 : index
    %swap3A_22 = arith.constant 0 : index
    %swap3A_23 = vector.load %arg6[%swap3A_21, %swap3A_22] : memref<8x64xf32, #tpu.memory_space<vmem>>, vector<1x64xf32>
    tpu.vector_store %arg6[%swap3A_21, %swap3A_22], %add3A_20 {strides = array<i32>} : memref<8x64xf32, #tpu.memory_space<vmem>>, vector<1x64xf32>,
    %get3A_24 = arith.constant 2 : index
    %get3A_25 = arith.constant 0 : index
    %get3A_26 = vector.load %arg6[%get3A_24, %get3A_25] : memref<8x64xf32, #tpu.memory_space<vmem>>, vector<1x64xf32>
    %mul3A = arith.mulf %get3A_7, %slice3A : vector<512x64xf32>
    %reduce_sum3A_27 = arith.constant dense<0.000000e+00> : vector<64xf32>
    %reduce_sum3A_28 = vector.multi_reduction <add>, %mul3A, %reduce_sum3A_27 [0] : vector<512x64xf32> to vector<64xf32>
    %broadcast_in_dim3A_29 = vector.shape_cast %reduce_sum3A_28 : vector<64xf32> to vector<1x64xf32>
    %add3A_30 = arith.addf %get3A_26, %broadcast_in_dim3A_29 : vector<1x64xf32>
    %swap3A_31 = arith.constant 2 : index
    %swap3A_32 = arith.constant 0 : index
    %swap3A_33 = vector.load %arg6[%swap3A_31, %swap3A_32] : memref<8x64xf32, #tpu.memory_space<vmem>>, vector<1x64xf32>
    tpu.vector_store %arg6[%swap3A_31, %swap3A_32], %add3A_30 {strides = array<i32>} : memref<8x64xf32, #tpu.memory_space<vmem>>, vector<1x64xf32>,
    %get3A_34 = arith.constant 3 : index
    %get3A_35 = arith.constant 0 : index
    %get3A_36 = vector.load %arg6[%get3A_34, %get3A_35] : memref<8x64xf32, #tpu.memory_space<vmem>>, vector<1x64xf32>
    %reduce_sum3A_37 = arith.constant dense<0.000000e+00> : vector<64xf32>
    %reduce_sum3A_38 = vector.multi_reduction <add>, %get3A_7, %reduce_sum3A_37 [0] : vector<512x64xf32> to vector<64xf32>
    %broadcast_in_dim3A_39 = vector.shape_cast %reduce_sum3A_38 : vector<64xf32> to vector<1x64xf32>
    %add3A_40 = arith.addf %get3A_36, %broadcast_in_dim3A_39 : vector<1x64xf32>
    %swap3A_41 = arith.constant 3 : index
    %swap3A_42 = arith.constant 0 : index
    %swap3A_43 = vector.load %arg6[%swap3A_41, %swap3A_42] : memref<8x64xf32, #tpu.memory_space<vmem>>, vector<1x64xf32>
    tpu.vector_store %arg6[%swap3A_41, %swap3A_42], %add3A_40 {strides = array<i32>} : memref<8x64xf32, #tpu.memory_space<vmem>>, vector<1x64xf32>,
    %get3A_44 = arith.constant 4 : index
    %get3A_45 = arith.constant 0 : index
    %get3A_46 = vector.load %arg6[%get3A_44, %get3A_45] : memref<8x64xf32, #tpu.memory_space<vmem>>, vector<1x64xf32>
    %mul3A_47 = arith.mulf %get3A_7, %get3A_7 : vector<512x64xf32>
    %reduce_sum3A_48 = arith.constant dense<0.000000e+00> : vector<64xf32>
    %reduce_sum3A_49 = vector.multi_reduction <add>, %mul3A_47, %reduce_sum3A_48 [0] : vector<512x64xf32> to vector<64xf32>
    %broadcast_in_dim3A_50 = vector.shape_cast %reduce_sum3A_49 : vector<64xf32> to vector<1x64xf32>
    %add3A_51 = arith.addf %get3A_46, %broadcast_in_dim3A_50 : vector<1x64xf32>
    %swap3A_52 = arith.constant 4 : index
    %swap3A_53 = arith.constant 0 : index
    %swap3A_54 = vector.load %arg6[%swap3A_52, %swap3A_53] : memref<8x64xf32, #tpu.memory_space<vmem>>, vector<1x64xf32>
    tpu.vector_store %arg6[%swap3A_52, %swap3A_53], %add3A_51 {strides = array<i32>} : memref<8x64xf32, #tpu.memory_space<vmem>>, vector<1x64xf32>,
    %eq3A_55 = arith.constant 31 : i32
    %eq3A_56 = arith.cmpi eq, %arg0, %eq3A_55 : i32
    %convert_element_type3A_57 = arith.extui %eq3A_56 : i1 to i32
    %cond3A_58 = arith.constant 0 : i32
    %cond3A_59 = arith.cmpi ne, %convert_element_type3A_57, %cond3A_58 : i32
    scf.if %cond3A_59 {
      %get3A_60 = arith.constant 0 : index
      %get3A_61 = arith.constant 0 : index
      %get3A_62 = vector.load %arg6[%get3A_60, %get3A_61] : memref<8x64xf32, #tpu.memory_space<vmem>>, vector<1x64xf32>
      %get3A_63 = arith.constant 1 : index
      %get3A_64 = arith.constant 0 : index
      %get3A_65 = vector.load %arg6[%get3A_63, %get3A_64] : memref<8x64xf32, #tpu.memory_space<vmem>>, vector<1x64xf32>
      %get3A_66 = arith.constant 2 : index
      %get3A_67 = arith.constant 0 : index
      %get3A_68 = vector.load %arg6[%get3A_66, %get3A_67] : memref<8x64xf32, #tpu.memory_space<vmem>>, vector<1x64xf32>
      %get3A_69 = arith.constant 3 : index
      %get3A_70 = arith.constant 0 : index
      %get3A_71 = vector.load %arg6[%get3A_69, %get3A_70] : memref<8x64xf32, #tpu.memory_space<vmem>>, vector<1x64xf32>
      %get3A_72 = arith.constant 4 : index
      %get3A_73 = arith.constant 0 : index
      %get3A_74 = vector.load %arg6[%get3A_72, %get3A_73] : memref<8x64xf32, #tpu.memory_space<vmem>>, vector<1x64xf32>
      %mul3A_75 = arith.constant 1.600000e+01 : f32
      %mul3A_76 = vector.broadcast %mul3A_75 : f32 to vector<1x64xf32>
      %mul3A_77 = arith.mulf %mul3A_76, %get3A_71 : vector<1x64xf32>
      %add3A_78 = arith.addf %get3A_62, %mul3A_77 : vector<1x64xf32>
      %div3A = arith.constant 2.621440e+05 : f32
      %div3A_79 = vector.broadcast %div3A : f32 to vector<1x64xf32>
      %div3A_80 = arith.divf %add3A_78, %div3A_79 : vector<1x64xf32>
      %mul3A_81 = arith.constant 2.000000e+00 : f32
      %mul3A_82 = vector.broadcast %mul3A_81 : f32 to vector<1x64xf32>
      %mul3A_83 = arith.mulf %mul3A_82, %get3A_68 : vector<1x64xf32>
      %add3A_84 = arith.addf %get3A_65, %mul3A_83 : vector<1x64xf32>
      %mul3A_85 = arith.constant 1.600000e+01 : f32
      %mul3A_86 = vector.broadcast %mul3A_85 : f32 to vector<1x64xf32>
      %mul3A_87 = arith.mulf %mul3A_86, %get3A_74 : vector<1x64xf32>
      %add3A_88 = arith.addf %add3A_84, %mul3A_87 : vector<1x64xf32>
      %div3A_89 = arith.constant 2.621440e+05 : f32
      %div3A_90 = vector.broadcast %div3A_89 : f32 to vector<1x64xf32>
      %div3A_91 = arith.divf %add3A_88, %div3A_90 : vector<1x64xf32>
      %mul3A_92 = arith.mulf %div3A_80, %div3A_80 : vector<1x64xf32>
      %sub3A = arith.subf %div3A_91, %mul3A_92 : vector<1x64xf32>
      %get3A_93 = arith.constant 0 : index
      %get3A_94 = arith.constant 0 : index
      %get3A_95 = vector.load %arg3[%get3A_93, %get3A_94] : memref<1x64xf32, #tpu.memory_space<vmem>>, vector<1x64xf32>
      %add3A_96 = arith.constant 9.99999974E-6 : f32
      %add3A_97 = vector.broadcast %add3A_96 : f32 to vector<1x64xf32>
      %add3A_98 = arith.addf %sub3A, %add3A_97 : vector<1x64xf32>
      %rsqrt3A = math.rsqrt %add3A_98 : vector<1x64xf32>
      %mul3A_99 = arith.mulf %get3A_95, %rsqrt3A : vector<1x64xf32>
      %get3A_100 = arith.constant 0 : index
      %get3A_101 = arith.constant 0 : index
      %get3A_102 = vector.load %arg4[%get3A_100, %get3A_101] : memref<1x64xf32, #tpu.memory_space<vmem>>, vector<1x64xf32>
      %mul3A_103 = arith.mulf %div3A_80, %mul3A_99 : vector<1x64xf32>
      %sub3A_104 = arith.subf %get3A_102, %mul3A_103 : vector<1x64xf32>
      %swap3A_105 = arith.constant 0 : index
      %swap3A_106 = arith.constant 0 : index
      %swap3A_107 = vector.load %arg5[%swap3A_105, %swap3A_106] : memref<2x64xf32, #tpu.memory_space<vmem>>, vector<1x64xf32>
      tpu.vector_store %arg5[%swap3A_105, %swap3A_106], %mul3A_99 {strides = array<i32>} : memref<2x64xf32, #tpu.memory_space<vmem>>, vector<1x64xf32>,
      %swap3A_108 = arith.constant 1 : index
      %swap3A_109 = arith.constant 0 : index
      %swap3A_110 = vector.load %arg5[%swap3A_108, %swap3A_109] : memref<2x64xf32, #tpu.memory_space<vmem>>, vector<1x64xf32>
      tpu.vector_store %arg5[%swap3A_108, %swap3A_109], %sub3A_104 {strides = array<i32>} : memref<2x64xf32, #tpu.memory_space<vmem>>, vector<1x64xf32>,
    } else {
    }
    return
  }
  func.func @transform_0(%arg0: i32) -> (i32, i32) {
    %c0_i32 = arith.constant 0 : i32
    %c0_i32_0 = arith.constant 0 : i32
    return %arg0, %c0_i32 : i32, i32
  }
  func.func @transform_1(%arg0: i32) -> (i32, i32) {
    %c0_i32 = arith.constant 0 : i32
    %c0_i32_0 = arith.constant 0 : i32
    return %arg0, %c0_i32 : i32, i32
  }
  func.func @transform_2(%arg0: i32) -> (i32, i32) {
    %c0_i32 = arith.constant 0 : i32
    %c0_i32_0 = arith.constant 0 : i32
    %c0_i32_1 = arith.constant 0 : i32
    return %c0_i32, %c0_i32_0 : i32, i32
  }
  func.func @transform_3(%arg0: i32) -> (i32, i32) {
    %c0_i32 = arith.constant 0 : i32
    %c0_i32_0 = arith.constant 0 : i32
    %c0_i32_1 = arith.constant 0 : i32
    return %c0_i32, %c0_i32_0 : i32, i32
  }
  func.func @transform_4(%arg0: i32) -> (i32, i32) {
    %c0_i32 = arith.constant 0 : i32
    %c0_i32_0 = arith.constant 0 : i32
    %c0_i32_1 = arith.constant 0 : i32
    return %c0_i32, %c0_i32_0 : i32, i32
  }
}

module attributes {stable_mosaic.version = 14 : i64} {
  func.func @_fin_body(%arg0: i32, %arg1: memref<512x64xf32, #tpu.memory_space<vmem>>, %arg2: memref<512x256xf32, #tpu.memory_space<vmem>>, %arg3: memref<2x64xf32, #tpu.memory_space<vmem>>, %arg4: memref<512x64xf32, #tpu.memory_space<vmem>>) attributes {dimension_semantics = [#tpu.dimension_semantics<arbitrary>], iteration_bounds = array<i64: 32>, scalar_prefetch = 0 : i64, scratch_operands = 0 : i64, tpu.core_type = #tpu.core_type<tc>, window_params = [{transform_indices = @transform_0, window_bounds = array<i64: 512, 64>}, {transform_indices = @transform_1, window_bounds = array<i64: 512, 256>}, {pipeline_mode = #tpu.pipeline_mode<synchronous>, transform_indices = @transform_2, window_bounds = array<i64: 2, 64>}, {transform_indices = @transform_3, window_bounds = array<i64: 512, 64>}]} {
    %get3A = arith.constant 0 : index
    %get3A_0 = arith.constant 0 : index
    %get3A_1 = vector.load %arg3[%get3A, %get3A_0] : memref<2x64xf32, #tpu.memory_space<vmem>>, vector<1x64xf32>
    %get3A_2 = arith.constant 1 : index
    %get3A_3 = arith.constant 0 : index
    %get3A_4 = vector.load %arg3[%get3A_2, %get3A_3] : memref<2x64xf32, #tpu.memory_space<vmem>>, vector<1x64xf32>
    %get3A_5 = arith.constant 0 : index
    %get3A_6 = arith.constant 0 : index
    %get3A_7 = vector.load %arg2[%get3A_5, %get3A_6] : memref<512x256xf32, #tpu.memory_space<vmem>>, vector<512x256xf32>
    %ge3A = arith.constant 0.000000e+00 : f32
    %ge3A_8 = vector.broadcast %ge3A : f32 to vector<1x64xf32>
    %ge3A_9 = arith.cmpf oge, %get3A_1, %ge3A_8 : vector<1x64xf32>
    %slice3A = vector.extract_strided_slice %get3A_7 {offsets = [0, 0], sizes = [512, 64], strides = [1, 1]} : vector<512x256xf32> to vector<512x64xf32>
    %slice3A_10 = vector.extract_strided_slice %get3A_7 {offsets = [0, 64], sizes = [512, 64], strides = [1, 1]} : vector<512x256xf32> to vector<512x64xf32>
    %broadcast_in_dim3A = vector.shape_cast %ge3A_9 : vector<1x64xi1> to vector<1x64xi1>
    %broadcast_in_dim3A_11 = vector.broadcast %broadcast_in_dim3A : vector<1x64xi1> to vector<512x64xi1>
    %select_n3A = arith.select %broadcast_in_dim3A_11, %slice3A, %slice3A_10 : vector<512x64xi1>, vector<512x64xf32>
    %get3A_12 = arith.constant 0 : index
    %get3A_13 = arith.constant 0 : index
    %get3A_14 = vector.load %arg1[%get3A_12, %get3A_13] : memref<512x64xf32, #tpu.memory_space<vmem>>, vector<512x64xf32>
    %add3A = arith.addf %get3A_14, %select_n3A : vector<512x64xf32>
    %mul3A = vector.broadcast %get3A_1 : vector<1x64xf32> to vector<512x64xf32>
    %mul3A_15 = arith.mulf %add3A, %mul3A : vector<512x64xf32>
    %add3A_16 = vector.broadcast %get3A_4 : vector<1x64xf32> to vector<512x64xf32>
    %add3A_17 = arith.addf %mul3A_15, %add3A_16 : vector<512x64xf32>
    %ge3A_18 = arith.constant 0.000000e+00 : f32
    %ge3A_19 = vector.broadcast %ge3A_18 : f32 to vector<512x64xf32>
    %ge3A_20 = arith.cmpf oge, %add3A_17, %ge3A_19 : vector<512x64xf32>
    %mul3A_21 = arith.constant 2.000000e-01 : f32
    %mul3A_22 = vector.broadcast %mul3A_21 : f32 to vector<512x64xf32>
    %mul3A_23 = arith.mulf %mul3A_22, %add3A_17 : vector<512x64xf32>
    %select_n3A_24 = arith.select %ge3A_20, %add3A_17, %mul3A_23 : vector<512x64xi1>, vector<512x64xf32>
    %swap3A = arith.constant 0 : index
    %swap3A_25 = arith.constant 0 : index
    %swap3A_26 = vector.load %arg4[%swap3A, %swap3A_25] : memref<512x64xf32, #tpu.memory_space<vmem>>, vector<512x64xf32>
    tpu.vector_store %arg4[%swap3A, %swap3A_25], %select_n3A_24 {strides = array<i32>} : memref<512x64xf32, #tpu.memory_space<vmem>>, vector<512x64xf32>,
    return
  }
  func.func @transform_0(%arg0: i32) -> (i32, i32) {
    %c0_i32 = arith.constant 0 : i32
    %c0_i32_0 = arith.constant 0 : i32
    return %arg0, %c0_i32 : i32, i32
  }
  func.func @transform_1(%arg0: i32) -> (i32, i32) {
    %c0_i32 = arith.constant 0 : i32
    %c0_i32_0 = arith.constant 0 : i32
    return %arg0, %c0_i32 : i32, i32
  }
  func.func @transform_2(%arg0: i32) -> (i32, i32) {
    %c0_i32 = arith.constant 0 : i32
    %c0_i32_0 = arith.constant 0 : i32
    %c0_i32_1 = arith.constant 0 : i32
    return %c0_i32, %c0_i32_0 : i32, i32
  }
  func.func @transform_3(%arg0: i32) -> (i32, i32) {
    %c0_i32 = arith.constant 0 : i32
    %c0_i32_0 = arith.constant 0 : i32
    return %arg0, %c0_i32 : i32, i32
  }
}

</mosaic_0001>

<sc_bundles>
// kernel: kernel.7.cloned.1.call-start
scs
__scs_entry_jumppad:
0x0: {  	(pc) =	sbr.rel $0x88, $3  }
0x1: {  	(tag) =	ssettag $0x0;
	lr =	simm.s32 $0x1  }
0x2: {  	[smem:$0x3F9D] =	sst lr;
	_ =	strace $0xD0000000  }
0x3: {  	_ = 	snop  }
0x4: {  	_ = 	snop  }
0x5: {  	_ = 	snop  }
0x6: {  	_ = 	snop  }
0x7: {  	_ = 	snop  }
__scs_overlays_trampoline_lowered:
0x8: {  	[smem:$0x3FAC] =	sst s0  }
0x9: {  	[smem:$0x3FAD] =	sst s1  }
0xa: {  	[smem:$0x3FAE] =	sst s2  }
0xb: {  	[smem:$0x3FAF] =	sst s3  }
0xc: {  	[smem:$0x3FB0] =	sst s4  }
0xd: {  	[smem:$0x3FB1] =	sst s5  }
0xe: {  	[smem:$0x3FB2] =	sst s6  }
0xf: {  	[smem:$0x3FB3] =	sst s7  }
0x10: {  	[smem:$0x3FB4] =	sst s8  }
0x11: {  	[smem:$0x3FB5] =	sst s9;
	s0 =	simm.s32 @!p0 $0x0  }
0x12: {  	s1 =	sld [smem:$0x3F9B];
	s0 =	simm.s32 @p0 $0x1  }
0x13: {  	[smem:$0x3FB6] =	sst s0;
	s0 =	simm.s32 @!p1 $0x0  }
0x14: {  	s2 =	sld [smem:$0x3F9A];
	s0 =	simm.s32 @p1 $0x1  }
0x15: {  	[smem:$0x3FB7] =	sst s0;
	s0 =	simm.s32 @!p2 $0x0  }
0x16: {  	s3 =	sld [smem:$0x3FDB];
	s0 =	simm.s32 @p2 $0x1  }
0x17: {  	s4 =	simm.s32 $0x1BF5;
	[smem:$0x3FB9] =	sst s0  }
0x18: {  	s0 =	sld [smem:$0x3F9C];
	_ =	swait.ge [sflag:s4], $0x0  }
0x19: {  	s7 =	sld [smem:$0x3F9D]  }
0x1a: {  	s8 =	sadd.s32 $0xFFFFE003, lr  }
0x1b: {  	s9 =	sadd.s32 $0xFFFFFEF7, lr;
	s5 =	simm.s32 $0xFFFFFFFF;
	p2 =	slt.u32 s8, $0xFFFFF086  }
0x1c: {  	p1 =	slt.u32 s9, $0xF7A;
	s5 =	simm.s32 @!p2 $0x0  }
0x1d: {  	s5 =	simm.s32 @p1 $0x1;
	p0 =	seq.s32 s7, s2  }
0x1e: {  	s7 =	smul.u32 @!p0 $0xF7A, s2;
	p2 =	seq.s32 @!p0 s5, $0x0  }
0x1f: {  	s9 =	smul.u32 $0xF7A, s1;
	s8 =	simm.s32 @!p0 $0x1BF5;
	p2 =	por !p2, p0  }
0x20: {  	[sflag:s8] =	ssyncset.s32 @!p0 $0xFFFFF086;
	s6 =	sadd.s32 @!p0 s3, s7;
	s7 =	simm.s32 @!p0 $0x108  }
0x21: {  	s3 =	sadd.s32 s3, s9;
	s6 =	sadd.s32 @!p0 $0x88, s6;
	s7 =	simm.s32 @p2 $0x1082  }
0x22: {  	[simem:s7], [sflag:s8] =	dma.local @!p0 [hbm:s6], $0xF7A  }
0x23: {  	s9 =	sor.u32 $0xD0000000, s2;
	s6 =	simm.s32 $0x108;
	_ =	swait.ge @!p0 [sflag:s8], $0x0  }
0x24: {  	s3 =	sadd.s32 $0x88, s3;
	s6 =	simm.s32 @!p1 $0x1082;
	[sflag:s4] =	ssyncset.s32 $0xFFFFF086  }
0x25: {  	[simem:s6], [sflag:s4] =	dma.local [hbm:s3], $0xF7A  }
0x26: {  	[smem:$0x3F9D] =	sst s1;
	(tag) =	ssettag s2;
	_ =	strace s9  }
0x27: {  	s1 =	sld [smem:$0x3FAD]  }
0x28: {  	s2 =	sld [smem:$0x3FAE]  }
0x29: {  	s4 =	sld [smem:$0x3FB0]  }
0x2a: {  	p0 =	seq.s32 s5, $0x0;
	s5 =	sld [smem:$0x3FB1]  }
0x2b: {  	s6 =	sld [smem:$0x3FB2]  }
0x2c: {  	s7 =	sld [smem:$0x3FB3]  }
0x2d: {  	s3 =	simm.s32 $0x108;
	s8 =	sld [smem:$0x3FB4]  }
0x2e: {  	s3 =	simm.s32 @!p0 $0x1082;
	s9 =	sld [smem:$0x3FB5]  }
0x2f: {  	lr =	sadd.s32 s0, s3;
	s0 =	sld [smem:$0x3FAC]  }
0x30: {  	s3 =	sld [smem:$0x3FAF]  }
0x31: {  	[smem:$0x3FB8] =	sst s10  }
0x32: {  	s10 =	sld [smem:$0x3FB6];
	_ =	sdelay $0x3  }
0x33: {  	p0 =	seq.s32 s10, $0x1;
	s10 =	sld [smem:$0x3FB8];
	_ =	sdelay $0x3  }
0x34: {  	[smem:$0x3FB8] =	sst s10  }
0x35: {  	s10 =	sld [smem:$0x3FB7];
	_ =	sdelay $0x3  }
0x36: {  	p1 =	seq.s32 s10, $0x1;
	s10 =	sld [smem:$0x3FB8];
	_ =	sdelay $0x3  }
0x37: {  	[smem:$0x3FB8] =	sst s10  }
0x38: {  	s10 =	sld [smem:$0x3FB9]  }
0x39: {  	_ = 	snop;
	(pc) =	sbr.ind lr, $3  }
0x3a: {  	_ = 	snop  }
0x3b: {  	_ = 	snop  }
0x3c: {  	p2 =	seq.s32 s10, $0x1;
	s10 =	sld [smem:$0x3FB8]  }
0x3d: {  	_ =	shalt  }
0x3e: {  	_ =	shalt  }
0x3f: {  	_ =	shalt  }
0x40: {  	_ =	shalt  }
0x41: {  	_ =	shalt  }
0x42: {  	_ =	shalt  }
0x43: {  	_ =	shalt  }
0x44: {  	_ =	shalt  }
0x45: {  	_ =	shalt  }
0x46: {  	_ =	shalt  }
0x47: {  	_ =	shalt  }
0x48: {  	_ =	shalt  }
0x49: {  	_ =	shalt  }
0x4a: {  	_ =	shalt  }
0x4b: {  	_ =	shalt  }
0x4c: {  	_ =	shalt  }
0x4d: {  	_ =	shalt  }
0x4e: {  	_ =	shalt  }
0x4f: {  	_ =	shalt  }
0x50: {  	_ =	shalt  }
0x51: {  	_ =	shalt  }
0x52: {  	_ =	shalt  }
0x53: {  	_ =	shalt  }
0x54: {  	_ =	shalt  }
0x55: {  	_ =	shalt  }
0x56: {  	_ =	shalt  }
0x57: {  	_ =	shalt  }
0x58: {  	_ =	shalt  }
0x59: {  	_ =	shalt  }
0x5a: {  	_ =	shalt  }
0x5b: {  	_ =	shalt  }
0x5c: {  	_ =	shalt  }
0x5d: {  	_ =	shalt  }
0x5e: {  	_ =	shalt  }
0x5f: {  	_ =	shalt  }
0x60: {  	_ =	shalt  }
0x61: {  	_ =	shalt  }
0x62: {  	_ =	shalt  }
0x63: {  	_ =	shalt  }
0x64: {  	_ =	shalt  }
0x65: {  	_ =	shalt  }
0x66: {  	_ =	shalt  }
0x67: {  	_ =	shalt  }
0x68: {  	_ =	shalt  }
0x69: {  	_ =	shalt  }
0x6a: {  	_ =	shalt  }
0x6b: {  	_ =	shalt  }
0x6c: {  	_ =	shalt  }
0x6d: {  	_ =	shalt  }
0x6e: {  	_ =	shalt  }
0x6f: {  	_ =	shalt  }
0x70: {  	_ =	shalt  }
0x71: {  	_ =	shalt  }
0x72: {  	_ =	shalt  }
0x73: {  	_ =	shalt  }
0x74: {  	_ =	shalt  }
0x75: {  	_ =	shalt  }
0x76: {  	_ =	shalt  }
0x77: {  	_ =	shalt  }
0x78: {  	_ =	shalt  }
0x79: {  	_ =	shalt  }
0x7a: {  	_ =	shalt  }
0x7b: {  	_ =	shalt  }
0x7c: {  	_ =	shalt  }
0x7d: {  	_ =	shalt  }
0x7e: {  	_ =	shalt  }
0x7f: {  	_ =	shalt  }
0x80: {  	_ =	shalt  }
0x81: {  	_ =	shalt  }
0x82: {  	_ =	shalt  }
0x83: {  	_ =	shalt  }
0x84: {  	_ =	shalt  }
0x85: {  	_ =	shalt  }
0x86: {  	_ =	shalt  }
0x87: {  	_ =	shalt  }
.Lfunc_end0:
.L_simem_size_0:
called_computation_lowered:
.L_overlay_start_0:
0x88: {  	s2 =	sld [smem:$0x3FD9]  }
0x89: {  	s3 =	sld [smem:$0x3FFE];
	_ =	sdelay $0x1  }
0x8a: {  	s1 =	srdreg.scid  }
0x8b: {  	s0 =	sand.u32 $0x1, s1  }
0x8c: {  	s17 =	sshll.u32 s0, $0xA;
	s2 =	sadd.s32 s3, s2  }
0x8d: {  	s2 =	sadd.s32 s2, s17  }
0x8e: {  	[smem:$0x3FC4] =	sst s2  }
0x8f: {  	_ = 	snop  }
0x90: {  	s2 =	sld [smem:$0x3FD0];
	(tm) =	ssettm $0x1  }
0x91: {  	s18 =	sld [smem:$0x3FFB];
	_ =	sdelay $0x3  }
0x92: {  	_ =	strace s18  }
0x93: {  	s3 =	sld [smem:$0x3FFC];
	_ =	sdelay $0x3  }
0x94: {  	_ =	strace s3  }
0x95: {  	s3 =	sld [smem:$0x3FFD];
	_ =	sdelay $0x3  }
0x96: {  	_ =	strace s3  }
0x97: {  	_ =	strace $0x8FFFFFFF  }
0x98: {  	s19 =	sld [smem:$0x3FDB];
	_ =	sdelay $0x1  }
0x99: {  	s4 =	simm.s32 $_scs_section_size  }
0x9a: {  	s5 =	simm.s32 $_size__tile_overlayer_lowered;
	s6 =	simm.s32 $_tile_overlayer_lowered  }
0x9b: {  	s22 =	simm.s32 $0x1BFF;
	s21 =	sshll.u32 s6, $0x1;
	s3 =	sadd.s32 s4, s19  }
0x9c: {  	s7 =	simm.s32 $0x0;
	s20 =	sshll.u32 s5, $0x1;
	s5 =	sadd.s32 s21, s3  }
0x9d: {  	[timem:s7], [sflag:s22] =	dma.local [hbm:s5], s20  }
0x9e: {  	_ =	swait.ge [sflag:s22], s20  }
0x9f: {  	s4 =	ssub.s32 $0x0, s20;
	[sflag:s22] =	ssyncset.done $0x0  }
0xa0: {  	[sflag:s22] =	ssyncadd.s32 s4;
	_ =	sdelay $0x1  }
0xa1: {  	s23 =	simm.s32 $0x1B8B  }
0xa2: {  	_ =	swait.ge [sflag:s23], $0x1  }
0xa3: {  	[sflag:s23] =	ssyncset.done $0x0  }
0xa4: {  	s25 =	simm.s32 $0x1B8E;
	s24 =	sld [smem:$0x3FFE];
	[sflag:s23] =	ssyncadd.s32 $0xFFFFFFFF  }
0xa5: {  	s26 =	simm.s32 $execute0_lowered;
	[smem:$0x3FD2] =	sst s25  }
0xa6: {  	s5 =	sshll.u32 s26, $0x1;
	_ =	strace $0x80000046;
	[dreg:$0x1] =	wrdreg $0xFFFFFFFF  }
0xa7: {  	s28 =	simm.s32 $_size_execute0_lowered;
	s3 =	sadd.s32 s3, s5;
	[dreg:$0x0] =	wrdreg $0x0  }
0xa8: {  	s5 =	sshll.u32 s28, $0x1;
	[dreg:$0x2] =	wrdreg s3  }
0xa9: {  	[dreg:$0x3] =	wrdreg s5  }
0xaa: {  	[dreg:$0x4] =	wrdreg $0xC0  }
0xab: {  	_ =	task [dreg:s7], $0x5FFFF  }
0xac: {  	[dreg:$0x1] =	wrdreg $0xFFFFFFFF  }
0xad: {  	[dreg:$0x0] =	wrdreg $0x60  }
0xae: {  	[dreg:$0x2] =	wrdreg s2  }
0xaf: {  	[dreg:$0x3] =	wrdreg s24  }
0xb0: {  	[dreg:$0x4] =	wrdreg $0x9  }
0xb1: {  	_ =	task.clear_ibuf [dreg:s7], $0x5FFFF;
	_ =	strace $0x90000046  }
0xb2: {  	s29 =	simm.s32 $0x9;
	_ =	strace $0x80000048  }
0xb3: {  	_ =	swait.ge [sflag:s29], $0x1  }
0xb4: {  	[sflag:s29] =	ssyncadd.s32 $0xFFFFFFFF  }
0xb5: {  	_ =	strace $0x90000048  }
0xb6: {  	_ =	sfence  }
0xb7: {  	s30 =	sld [smem:$0x0];
	_ =	sdelay $0x2  }
0xb8: {  	s31 =	sshll.u32 s1, $0xD;
	s1 =	sshrl.u32 s1, $0x2  }
0xb9: {  	s3 =	sand.u32 $0x4000, s31;
	s1 =	sadd.s32 s1, s30  }
0xba: {  	s0 =	sor.u32 s3, s0;
	s1 =	sshll.u32 s1, $0x11  }
0xbb: {  	s0 =	sor.u32 s1, s0  }
0xbc: {  	s0 =	sadd.s32 $0x8F2B, s0  }
0xbd: {  	[sflag:s0] =	ssyncadd.remote.s32 $0x1  }
0xbe: {  	_ =	sfence.sel $0xFFFF  }
0xbf: {  	[dreg:$0x0] =	wrdreg $0xFFFFFFFF;
	(pc) =	sbr.abs _section_cstart, $3  }
0xc0: {  	[dreg:$0x1] =	wrdreg $0xFFFFFFFF  }
0xc1: {  	_ =	task.clear_ibuf [dreg:s7], $0x2FFFF;
	_ =	strace $0x9FFFFFFF  }
0xc2: {  	(tm) =	ssettm $0x7FFFFFFF  }
0xc3: {  	_ =	shalt  }
tec
execute0_lowered:
.L_overlay_start_1:
0x0: {  	(tag) =	ssettag $0x1  }
0x1: {  	s1 =	srdreg.scid;
	s2 =	rddreg [dreg:$0x0]  }
0x2: {  	s0 =	stileid.u32;
	s6 =	rddreg [dreg:$0x1];
	s3 =	simm.s32 $0x0  }
0x3: {  	s10 =	simm.s32 $0x2000;
	s11 =	simm.s32 $0x4000;
	s12 =	simm.s32 $0x1  }
0x4: {  	s13 =	simm.s32 $0x6000;
	s14 =	simm.s32 $0x2;
	s15 =	simm.s32 $0x6800  }
0x5: {  	s16 =	simm.s32 $0x3;
	s17 =	simm.s32 $0x4;
	s18 =	simm.s32 $0x0  }
0x6: {  	s5 =	sand.u32 $0x1, s1;
	s4 =	sshll.u32 s0, $0x7;
	s1 =	rddreg [dreg:$0x2]  }
.Ltmp0:
0x7: {  	[smem:$0x7FF] =	sst s3;
	s7 =	sshll.u32 s5, $0x6;
	(pc) =	sbr.rel .LBB2_1-.Ltmp0, $4  }
0x8: {  	s8 =	ssub.s32 $0x2, s5;
	_ =	strace $0x80000047;
	s4 =	sor.u32 s7, s4  }
0x9: {  	s5 =	sadd.s32 $0x49000, s6;
	s9 =	sshrl.u32 s8, $0x1;
	s7 =	sshll.u32 s4, $0x4  }
0xa: {  	s8 =	ssub.s32 s8, s9;
	s9 =	simm.s32 $0x80;
	s7 =	sadd.s32 s7, s6  }
0xb: {  	s6 =	sadd.s32 $0x41000, s7;
	s7 =	smax.u32 s8, $0x1;
	s8 =	simm.s32 $0x5  }
.LBB2_8:
0xc: {  	s18 =	sadd.s32 $0x1, s18  }
0xd: {  	_ =	swait.ge [sflag:s16], $0x800;
	p0 =	sne.s32 s18, s7  }
.Ltmp1:
0xe: {  	[sflag:s16] =	ssyncset.done $0x0;
	(pc) =	sbr.rel @!p0 .LBB2_9-.Ltmp1, $4  }
0xf: {  	[sflag:s16] =	ssyncadd.s32 $0xFFFFF800  }
0x10: {  	_ =	swait.ge [sflag:s17], $0x800  }
0x11: {  	[sflag:s17] =	ssyncset.done $0x0  }
0x12: {  	[sflag:s17] =	ssyncadd.s32 $0xFFFFF800  }
.LBB2_1:
0x13: {  	[tilespmem:s3], [sflag:$0x5] =	stream.linear.gather [hbm4b:s6+s3], $0x2000, $0x38;
	[tilespmem:$0x7000] =	vst v63  }
0x14: {  	_ =	swait.ge [sflag:s8], $0x2000  }
0x15: {  	[sflag:s8] =	ssyncset.done $0x0  }
0x16: {  	[sflag:s8] =	ssyncadd.s32 $0xFFFFE000  }
0x17: {  	[tilespmem:s10], [sflag:$0x1] =	stream.indirect.gather [hbm4b:s2+s9], $0x40, s3, s9, $0xb8;
	[tilespmem:$0x7000] =	vst v63  }
0x18: {  	s19 =	simm.s32 $0x0  }
0x19: {  	[tilespmem:s11], [sflag:$0x2] =	stream.indirect.gather [hbm4b:s2+s9], $0x40, s9, s9, $0xb8;
	[tilespmem:$0x7000] =	vst v63  }
.LBB2_2:
0x1a: {  	_ =	swait.ge [sflag:s12], $0x2000  }
0x1b: {  	p0 =	seq.s32 s19, $0x0;
	[sflag:s12] =	ssyncset.done $0x0  }
0x1c: {  	s20 =	simm.s32 @!p0 $0x3;
	[sflag:s12] =	ssyncadd.s32 $0xFFFFE000  }
0x1d: {  	_ =	swait.ge @!p0 [sflag:s20], $0x800  }
0x1e: {  	[sflag:s20] =	ssyncset.done @!p0 $0x0  }
0x1f: {  	s21 =	simm.s32 $0x2200;
	[sflag:s20] =	ssyncadd.s32 @!p0 $0xFFFFF800  }
0x20: {  	v0 =	vld [tilespmem:s21+$0xFFFFFE40]  }
0x21: {  	v1 =	vld [tilespmem:s21+$0xFFFFFE00];
	_ =	sdelay $0x1  }
0x22: {  	v2 =	vld [tilespmem:s21+$0xFFFFFE80];
	_ =	sdelay $0x1  }
0x23: {  	v3 =	vld [tilespmem:s21+$0xFFFFFEC0]  }
0x24: {  	v4 =	vmul.f32 v1, v1;
	v6 =	vmul.f32 v0, v0  }
0x25: {  	v7 =	vld [tilespmem:s21+$0xFFFFFF00];
	v5 =	vadd.f32 v0, v1  }
0x26: {  	v9 =	vmul.f32 v2, v2;
	v4 =	vadd.f32 v6, v4  }
0x27: {  	v8 =	vmin.f32 v1, v0;
	v0 =	vmax.f32 v1, v0;
	v1 =	vld [tilespmem:s21+$0xFFFFFF40];
	v5 =	vadd.f32 v2, v5  }
0x28: {  	v46 =	vmul.f32 v3, v3;
	v4 =	vadd.f32 v9, v4  }
0x29: {  	v45 =	vmin.f32 v8, v2;
	v0 =	vmax.f32 v0, v2;
	v2 =	vld [tilespmem:s21+$0xFFFFFF80];
	v5 =	vadd.f32 v3, v5  }
0x2a: {  	v47 =	vmul.f32 v7, v7;
	v4 =	vadd.f32 v46, v4  }
0x2b: {  	v6 =	vmin.f32 v45, v3;
	v0 =	vmax.f32 v0, v3;
	v3 =	vld [tilespmem:s21+$0xFFFFFFC0];
	v5 =	vadd.f32 v7, v5  }
0x2c: {  	v48 =	vmul.f32 v1, v1;
	v4 =	vadd.f32 v47, v4  }
0x2d: {  	v49 =	vld [tilespmem:s21+$0x0];
	v6 =	vmin.f32 v6, v7;
	v5 =	vadd.f32 v1, v5  }
0x2e: {  	v0 =	vmax.f32 v0, v7;
	v50 =	vmul.f32 v2, v2;
	v4 =	vadd.f32 v48, v4  }
0x2f: {  	v6 =	vmin.f32 v6, v1;
	v0 =	vmax.f32 v0, v1;
	v1 =	vld [tilespmem:s21+$0x40];
	v5 =	vadd.f32 v2, v5  }
0x30: {  	v51 =	vmul.f32 v3, v3;
	v4 =	vadd.f32 v50, v4  }
0x31: {  	v6 =	vmin.f32 v6, v2;
	v0 =	vmax.f32 v0, v2;
	v2 =	vld [tilespmem:s21+$0x80];
	v5 =	vadd.f32 v3, v5  }
0x32: {  	v10 =	vmul.f32 v49, v49;
	v4 =	vadd.f32 v51, v4  }
0x33: {  	v52 =	vld [tilespmem:s21+$0xC0];
	v5 =	vadd.f32 v49, v5  }
0x34: {  	v0 =	vmax.f32 v0, v3;
	v54 =	vmul.f32 v1, v1;
	v4 =	vadd.f32 v10, v4  }
0x35: {  	v53 =	vld [tilespmem:s21+$0x100];
	v6 =	vmin.f32 v6, v3;
	v0 =	vmax.f32 v0, v49;
	v5 =	vadd.f32 v1, v5  }
0x36: {  	v3 =	vmin.f32 v6, v49;
	v56 =	vmul.f32 v2, v2;
	v4 =	vadd.f32 v54, v4  }
0x37: {  	v55 =	vld [tilespmem:s21+$0x140];
	v3 =	vmin.f32 v3, v1;
	v0 =	vmax.f32 v0, v1;
	v5 =	vadd.f32 v2, v5  }
0x38: {  	v1 =	vmin.f32 v3, v2;
	v3 =	vmul.f32 v52, v52;
	v4 =	vadd.f32 v56, v4  }
0x39: {  	v57 =	vld [tilespmem:s21+$0x180];
	v5 =	vadd.f32 v52, v5  }
0x3a: {  	v58 =	vmul.f32 v53, v53;
	v0 =	vmax.f32 v0, v2;
	v3 =	vadd.f32 v3, v4  }
0x3b: {  	v0 =	vmax.f32 v0, v52;
	v1 =	vmin.f32 v1, v52;
	v2 =	vld [tilespmem:s21+$0x1C0];
	v4 =	vadd.f32 v53, v5  }
0x3c: {  	v0 =	vmax.f32 v0, v53;
	v5 =	vmul.f32 v55, v55;
	v3 =	vadd.f32 v58, v3  }
0x3d: {  	v1 =	vmin.f32 v1, v53;
	v0 =	vmax.f32 v0, v55;
	v4 =	vadd.f32 v55, v4  }
0x3e: {  	v1 =	vmin.f32 v1, v55;
	v3 =	vadd.f32 v5, v3;
	v5 =	vmul.f32 v57, v57  }
0x3f: {  	v0 =	vmax.f32 v0, v57;
	v1 =	vmin.f32 v1, v57;
	v4 =	vadd.f32 v57, v4  }
0x40: {  	s22 =	simm.s32 $0x0;
	v1 =	vmin.f32 v1, v2;
	v3 =	vadd.f32 v5, v3;
	v5 =	vmul.f32 v2, v2  }
0x41: {  	v0 =	vmax.f32 v0, v2;
	[tilespmem:s22+$0x6040] =	vst v1;
	v4 =	vadd.f32 v2, v4  }
0x42: {  	[tilespmem:s22+$0x6000] =	vst v0;
	v1 =	vadd.f32 v5, v3  }
0x43: {  	[tilespmem:s22+$0x6080] =	vst v4  }
0x44: {  	[tilespmem:s22+$0x60C0] =	vst v1  }
0x45: {  	v0 =	vld [tilespmem:s21+$0xFFFFFE10]  }
0x46: {  	v1 =	vld [tilespmem:s21+$0xFFFFFE50];
	_ =	sdelay $0x1  }
0x47: {  	v2 =	vld [tilespmem:s21+$0xFFFFFE90];
	_ =	sdelay $0x1  }
0x48: {  	v3 =	vld [tilespmem:s21+$0xFFFFFED0]  }
0x49: {  	v4 =	vmul.f32 v0, v0;
	v5 =	vmul.f32 v1, v1  }
0x4a: {  	v60 =	vld [tilespmem:s21+$0xFFFFFF10];
	v59 =	vadd.f32 v1, v0  }
0x4b: {  	v4 =	vadd.f32 v5, v4;
	v5 =	vmul.f32 v2, v2  }
0x4c: {  	v61 =	vld [tilespmem:s21+$0xFFFFFF50];
	v6 =	vadd.f32 v2, v59  }
0x4d: {  	v62 =	vld [tilespmem:s21+$0xFFFFFF90];
	v4 =	vadd.f32 v5, v4;
	v5 =	vmul.f32 v3, v3  }
0x4e: {  	v63 =	vld [tilespmem:s21+$0xFFFFFFD0];
	v6 =	vadd.f32 v3, v6  }
0x4f: {  	v4 =	vadd.f32 v5, v4;
	v5 =	vmul.f32 v60, v60  }
0x50: {  	v12 =	vld [tilespmem:s21+$0x10];
	v6 =	vadd.f32 v60, v6  }
0x51: {  	v17 =	vld [tilespmem:s21+$0xD0];
	v4 =	vadd.f32 v5, v4;
	v5 =	vmul.f32 v61, v61  }
0x52: {  	v19 =	vld [tilespmem:s21+$0x110];
	v11 =	vmax.f32 v0, v1;
	v0 =	vmin.f32 v0, v1;
	v6 =	vadd.f32 v61, v6  }
0x53: {  	v15 =	vmul.f32 v63, v63;
	v1 =	vadd.f32 v5, v4;
	v4 =	vmul.f32 v62, v62  }
0x54: {  	v0 =	vmin.f32 v0, v2;
	v5 =	vmax.f32 v11, v2;
	v2 =	vld [tilespmem:s21+$0x50];
	v6 =	vadd.f32 v62, v6  }
0x55: {  	v16 =	vmul.f32 v12, v12;
	v5 =	vmax.f32 v5, v3;
	v1 =	vadd.f32 v4, v1  }
0x56: {  	v0 =	vmin.f32 v0, v3;
	v3 =	vmax.f32 v5, v60;
	v4 =	vld [tilespmem:s21+$0x90];
	v5 =	vadd.f32 v63, v6  }
0x57: {  	v23 =	vmul.f32 v17, v17;
	v25 =	vmul.f32 v19, v19;
	v1 =	vadd.f32 v15, v1  }
0x58: {  	v0 =	vmin.f32 v0, v60;
	v3 =	vmax.f32 v3, v61;
	v5 =	vadd.f32 v12, v5  }
0x59: {  	v3 =	vmax.f32 v3, v62;
	v18 =	vmul.f32 v2, v2;
	v1 =	vadd.f32 v16, v1  }
0x5a: {  	v0 =	vmin.f32 v0, v61;
	v3 =	vmax.f32 v3, v63;
	v5 =	vadd.f32 v2, v5  }
0x5b: {  	v20 =	vld [tilespmem:s21+$0x150];
	v3 =	vmax.f32 v3, v12;
	v21 =	vmul.f32 v4, v4;
	v1 =	vadd.f32 v18, v1  }
0x5c: {  	v0 =	vmin.f32 v0, v62;
	v3 =	vmax.f32 v3, v2;
	v5 =	vadd.f32 v4, v5  }
0x5d: {  	v0 =	vmin.f32 v0, v63;
	v3 =	vmax.f32 v3, v4;
	v1 =	vadd.f32 v21, v1  }
0x5e: {  	v22 =	vld [tilespmem:s21+$0x190];
	v0 =	vmin.f32 v0, v12;
	v3 =	vmax.f32 v3, v17;
	v5 =	vadd.f32 v17, v5  }
0x5f: {  	v0 =	vmin.f32 v0, v2;
	v3 =	vmax.f32 v3, v19;
	v1 =	vadd.f32 v23, v1  }
0x60: {  	v24 =	vld [tilespmem:s21+$0x1D0];
	v0 =	vmin.f32 v0, v4;
	v2 =	vmax.f32 v3, v20;
	v3 =	vadd.f32 v19, v5  }
0x61: {  	v4 =	vmul.f32 v20, v20;
	v0 =	vmin.f32 v0, v17;
	v1 =	vadd.f32 v25, v1  }
0x62: {  	v0 =	vmin.f32 v0, v19;
	v3 =	vadd.f32 v20, v3  }
0x63: {  	v0 =	vmin.f32 v0, v20;
	v1 =	vadd.f32 v4, v1;
	v4 =	vmul.f32 v22, v22  }
0x64: {  	v0 =	vmin.f32 v0, v22;
	v2 =	vmax.f32 v2, v22;
	v3 =	vadd.f32 v22, v3  }
0x65: {  	v2 =	vmax.f32 v2, v24;
	v1 =	vadd.f32 v4, v1;
	v4 =	vmul.f32 v24, v24  }
0x66: {  	v0 =	vmin.f32 v0, v24;
	[tilespmem:s22+$0x6010] =	vst v2;
	v2 =	vadd.f32 v24, v3  }
0x67: {  	[tilespmem:s22+$0x6050] =	vst v0;
	v0 =	vadd.f32 v4, v1  }
0x68: {  	[tilespmem:s22+$0x6090] =	vst v2  }
0x69: {  	[tilespmem:s22+$0x60D0] =	vst v0  }
0x6a: {  	v0 =	vld [tilespmem:s21+$0xFFFFFE20]  }
0x6b: {  	v1 =	vld [tilespmem:s21+$0xFFFFFE60];
	_ =	sdelay $0x1  }
0x6c: {  	v2 =	vld [tilespmem:s21+$0xFFFFFEA0];
	_ =	sdelay $0x1  }
0x6d: {  	v3 =	vld [tilespmem:s21+$0xFFFFFEE0]  }
0x6e: {  	v4 =	vmul.f32 v0, v0;
	v5 =	vmul.f32 v1, v1  }
0x6f: {  	v26 =	vld [tilespmem:s21+$0xFFFFFF20];
	v27 =	vadd.f32 v1, v0  }
0x70: {  	v28 =	vmul.f32 v2, v2;
	v4 =	vadd.f32 v5, v4  }
0x71: {  	v5 =	vld [tilespmem:s21+$0xFFFFFF60];
	v7 =	vadd.f32 v2, v27  }
0x72: {  	v29 =	vmul.f32 v3, v3;
	v4 =	vadd.f32 v28, v4  }
0x73: {  	v30 =	vld [tilespmem:s21+$0xFFFFFFA0];
	v7 =	vadd.f32 v3, v7  }
0x74: {  	v31 =	vmul.f32 v26, v26;
	v4 =	vadd.f32 v29, v4  }
0x75: {  	v32 =	vld [tilespmem:s21+$0xFFFFFFE0];
	v7 =	vadd.f32 v26, v7  }
0x76: {  	v33 =	vmul.f32 v5, v5;
	v4 =	vadd.f32 v31, v4  }
0x77: {  	v35 =	vld [tilespmem:s21+$0x20];
	v34 =	vmax.f32 v0, v1;
	v7 =	vadd.f32 v5, v7  }
0x78: {  	v37 =	vld [tilespmem:s21+$0xA0];
	v0 =	vmin.f32 v0, v1;
	v1 =	vadd.f32 v33, v4;
	v4 =	vmul.f32 v30, v30  }
0x79: {  	v36 =	vmax.f32 v34, v2;
	v0 =	vmin.f32 v0, v2;
	v2 =	vld [tilespmem:s21+$0x60];
	v7 =	vadd.f32 v30, v7  }
0x7a: {  	v0 =	vmin.f32 v0, v3;
	v1 =	vadd.f32 v4, v1;
	v4 =	vmul.f32 v32, v32  }
0x7b: {  	v0 =	vmin.f32 v0, v26;
	v3 =	vmax.f32 v36, v3;
	v7 =	vadd.f32 v32, v7  }
0x7c: {  	v3 =	vmax.f32 v3, v26;
	v1 =	vadd.f32 v4, v1;
	v4 =	vmul.f32 v35, v35  }
0x7d: {  	v0 =	vmin.f32 v0, v5;
	v3 =	vmax.f32 v3, v5;
	v5 =	vld [tilespmem:s21+$0xE0];
	v38 =	vadd.f32 v35, v7  }
0x7e: {  	v40 =	vmul.f32 v37, v37;
	v1 =	vadd.f32 v4, v1;
	v4 =	vmul.f32 v2, v2  }
0x7f: {  	v39 =	vld [tilespmem:s21+$0x120];
	v0 =	vmin.f32 v0, v30;
	v3 =	vmax.f32 v3, v30;
	v6 =	vadd.f32 v2, v38  }
0x80: {  	v0 =	vmin.f32 v0, v32;
	v3 =	vmax.f32 v3, v32;
	v1 =	vadd.f32 v4, v1  }
0x81: {  	v0 =	vmin.f32 v0, v35;
	v3 =	vmax.f32 v3, v35;
	v4 =	vld [tilespmem:s21+$0x160];
	v6 =	vadd.f32 v37, v6  }
0x82: {  	v41 =	vld [tilespmem:s21+$0x1A0];
	v0 =	vmin.f32 v0, v2;
	v42 =	vmul.f32 v5, v5;
	v1 =	vadd.f32 v40, v1  }
0x83: {  	v0 =	vmin.f32 v0, v37;
	v2 =	vmax.f32 v3, v2;
	v3 =	vadd.f32 v5, v6  }
0x84: {  	v44 =	vmul.f32 v39, v39;
	v0 =	vmin.f32 v0, v5;
	v1 =	vadd.f32 v42, v1  }
0x85: {  	v43 =	vld [tilespmem:s21+$0x1E0];
	v0 =	vmin.f32 v0, v39;
	v2 =	vmax.f32 v2, v37;
	v3 =	vadd.f32 v39, v3  }
0x86: {  	v2 =	vmax.f32 v2, v5;
	v45 =	vmul.f32 v4, v4;
	v1 =	vadd.f32 v44, v1  }
0x87: {  	v2 =	vmax.f32 v2, v39;
	v5 =	vmul.f32 v41, v41;
	v3 =	vadd.f32 v4, v3  }
0x88: {  	v0 =	vmin.f32 v0, v4;
	v2 =	vmax.f32 v2, v4;
	v1 =	vadd.f32 v45, v1  }
0x89: {  	v0 =	vmin.f32 v0, v41;
	v2 =	vmax.f32 v2, v41;
	v3 =	vadd.f32 v41, v3  }
0x8a: {  	v4 =	vmul.f32 v43, v43;
	v0 =	vmin.f32 v0, v43;
	v1 =	vadd.f32 v5, v1  }
0x8b: {  	[tilespmem:s22+$0x6060] =	vst v0;
	v0 =	vmax.f32 v2, v43;
	v2 =	vadd.f32 v43, v3  }
0x8c: {  	[tilespmem:s22+$0x6020] =	vst v0;
	v0 =	vadd.f32 v4, v1  }
0x8d: {  	[tilespmem:s22+$0x60A0] =	vst v2  }
0x8e: {  	[tilespmem:s22+$0x60E0] =	vst v0  }
0x8f: {  	v0 =	vld [tilespmem:s21+$0xFFFFFE30]  }
0x90: {  	v1 =	vld [tilespmem:s21+$0xFFFFFE70]  }
0x91: {  	v2 =	vld [tilespmem:s21+$0xFFFFFEB0];
	_ =	sdelay $0x1  }
0x92: {  	v3 =	vld [tilespmem:s21+$0xFFFFFEF0];
	_ =	sdelay $0x1  }
0x93: {  	v5 =	vld [tilespmem:s21+$0xFFFFFF30];
	v4 =	vmul.f32 v0, v0;
	v47 =	vadd.f32 v1, v0;
	v48 =	vmul.f32 v1, v1  }
0x94: {  	v46 =	vmax.f32 v0, v1;
	v0 =	vmin.f32 v0, v1;
	v50 =	vmul.f32 v2, v2  }
0x95: {  	v49 =	vld [tilespmem:s21+$0xFFFFFF70];
	v1 =	vmax.f32 v46, v2;
	v4 =	vadd.f32 v48, v4;
	v7 =	vadd.f32 v2, v47  }
0x96: {  	v51 =	vmul.f32 v3, v3;
	v0 =	vmin.f32 v0, v2;
	v1 =	vmax.f32 v1, v3  }
0x97: {  	v2 =	vld [tilespmem:s21+$0xFFFFFFB0];
	v0 =	vmin.f32 v0, v3;
	v4 =	vadd.f32 v50, v4;
	v7 =	vadd.f32 v3, v7  }
0x98: {  	v52 =	vld [tilespmem:s21+$0xFFFFFFF0];
	v1 =	vmax.f32 v1, v5;
	v0 =	vmin.f32 v0, v5  }
0x99: {  	v53 =	vld [tilespmem:s21+$0x30];
	v3 =	vmul.f32 v5, v5;
	v4 =	vadd.f32 v51, v4;
	v5 =	vadd.f32 v5, v7  }
0x9a: {  	v55 =	vmul.f32 v49, v49;
	v1 =	vmax.f32 v1, v49  }
0x9b: {  	v54 =	vld [tilespmem:s21+$0x70];
	v0 =	vmin.f32 v0, v49;
	v3 =	vadd.f32 v3, v4;
	v4 =	vadd.f32 v49, v5  }
0x9c: {  	v0 =	vmin.f32 v0, v2;
	v1 =	vmax.f32 v1, v2;
	v5 =	vmul.f32 v2, v2  }
0x9d: {  	v56 =	vld [tilespmem:s21+$0xB0];
	v0 =	vmin.f32 v0, v52;
	v3 =	vadd.f32 v55, v3;
	v2 =	vadd.f32 v2, v4  }
0x9e: {  	v1 =	vmax.f32 v1, v52;
	v0 =	vmin.f32 v0, v53  }
0x9f: {  	v4 =	vld [tilespmem:s21+$0xF0];
	v3 =	vadd.f32 v5, v3;
	v2 =	vadd.f32 v52, v2;
	v5 =	vmul.f32 v52, v52  }
0xa0: {  	v1 =	vmax.f32 v1, v53;
	v0 =	vmin.f32 v0, v54  }
0xa1: {  	v57 =	vld [tilespmem:s21+$0x130];
	v3 =	vadd.f32 v5, v3;
	v2 =	vadd.f32 v53, v2;
	v5 =	vmul.f32 v53, v53  }
0xa2: {  	v58 =	vld [tilespmem:s21+$0x170];
	v1 =	vmax.f32 v1, v54;
	v0 =	vmin.f32 v0, v56  }
0xa3: {  	v59 =	vld [tilespmem:s21+$0x1B0];
	v3 =	vadd.f32 v5, v3;
	v2 =	vadd.f32 v54, v2;
	v5 =	vmul.f32 v54, v54  }
0xa4: {  	v61 =	vmul.f32 v56, v56;
	v1 =	vmax.f32 v1, v56;
	v60 =	vmin.f32 v0, v4  }
0xa5: {  	v1 =	vmax.f32 v1, v4;
	v3 =	vadd.f32 v5, v3;
	v2 =	vadd.f32 v56, v2  }
0xa6: {  	v0 =	vld [tilespmem:s21+$0x1F0];
	v62 =	vmul.f32 v4, v4;
	v7 =	vmin.f32 v60, v57;
	v1 =	vmax.f32 v1, v57  }
0xa7: {  	v5 =	vmin.f32 v7, v58;
	v3 =	vadd.f32 v61, v3;
	v2 =	vadd.f32 v4, v2  }
0xa8: {  	v1 =	vmax.f32 v1, v58;
	v4 =	vmin.f32 v5, v59  }
0xa9: {  	v5 =	vmul.f32 v57, v57;
	v3 =	vadd.f32 v62, v3;
	v2 =	vadd.f32 v57, v2  }
0xaa: {  	v63 =	vmul.f32 v58, v58;
	v1 =	vmax.f32 v1, v59  }
0xab: {  	v1 =	vmax.f32 v1, v0;
	v3 =	vadd.f32 v5, v3;
	v5 =	vadd.f32 v58, v2  }
0xac: {  	v4 =	vmin.f32 v4, v0;
	[tilespmem:s22+$0x6030] =	vst v1  }
0xad: {  	s23 =	simm.s32 $0x400;
	s20 =	sshll.u32 s19, $0x1;
	[tilespmem:s22+$0x6070] =	vst v4;
	v2 =	vadd.f32 v63, v3;
	v1 =	vadd.f32 v59, v5;
	v3 =	vmul.f32 v59, v59  }
.LBB2_3:
0xae: {  	p1 =	sne.s32 s23, $0x1C00  }
0xaf: {  	s21 =	sadd.s32 $0x400, s21;
	s24 =	smov.u32 s23;
	s23 =	sadd.s32 $0x400, s23  }
0xb0: {  	v2 =	vadd.f32 v3, v2;
	v1 =	vadd.f32 v0, v1;
	v0 =	vmul.f32 v0, v0;
	_ =	sdelay $0x1  }
0xb1: {  	v0 =	vadd.f32 v0, v2;
	[tilespmem:s22+$0x60B0] =	vst v1;
	_ =	sdelay $0x1  }
0xb2: {  	[tilespmem:s22+$0x60F0] =	vst v0;
	_ =	sdelay $0x1  }
0xb3: {  	v0 =	vld [tilespmem:s21+$0xFFFFFE40]  }
0xb4: {  	v1 =	vld [tilespmem:s21+$0xFFFFFE00]  }
0xb5: {  	v2 =	vld [tilespmem:s21+$0xFFFFFE80]  }
0xb6: {  	v3 =	vld [tilespmem:s21+$0xFFFFFEC0];
	_ =	sdelay $0x1  }
0xb7: {  	v4 =	vld [tilespmem:s21+$0xFFFFFF00]  }
0xb8: {  	v7 =	vmul.f32 v0, v0;
	v5 =	vmul.f32 v1, v1;
	v6 =	vadd.f32 v0, v1  }
0xb9: {  	v8 =	vmax.f32 v1, v0;
	v0 =	vmin.f32 v1, v0;
	v1 =	vmul.f32 v2, v2;
	v9 =	vld [tilespmem:s21+$0xFFFFFF40]  }
0xba: {  	v5 =	vadd.f32 v7, v5;
	v7 =	vmax.f32 v8, v2;
	v6 =	vadd.f32 v2, v6  }
0xbb: {  	v0 =	vmin.f32 v0, v2;
	v2 =	vmax.f32 v7, v3;
	v7 =	vld [tilespmem:s21+$0xFFFFFF80]  }
0xbc: {  	v1 =	vadd.f32 v1, v5;
	v5 =	vadd.f32 v3, v6;
	v6 =	vmul.f32 v3, v3  }
0xbd: {  	v0 =	vmin.f32 v0, v3;
	v2 =	vmax.f32 v2, v4;
	v3 =	vld [tilespmem:s21+$0xFFFFFFC0]  }
0xbe: {  	v1 =	vadd.f32 v6, v1;
	v5 =	vadd.f32 v4, v5;
	v6 =	vmul.f32 v4, v4  }
0xbf: {  	v0 =	vmin.f32 v0, v4;
	v2 =	vmax.f32 v2, v9  }
0xc0: {  	v1 =	vadd.f32 v6, v1;
	v4 =	vadd.f32 v9, v5;
	v5 =	vmul.f32 v9, v9;
	v6 =	vld [tilespmem:s21+$0x0]  }
0xc1: {  	v0 =	vmin.f32 v0, v9;
	v2 =	vmax.f32 v2, v7;
	v8 =	vld [tilespmem:s21+$0x40]  }
0xc2: {  	v1 =	vadd.f32 v5, v1;
	v4 =	vadd.f32 v7, v4;
	v5 =	vmul.f32 v7, v7;
	v9 =	vld [tilespmem:s21+$0x80]  }
0xc3: {  	v0 =	vmin.f32 v0, v7;
	v2 =	vmax.f32 v2, v3;
	v7 =	vld [tilespmem:s21+$0xC0]  }
0xc4: {  	v1 =	vadd.f32 v5, v1;
	v4 =	vadd.f32 v3, v4;
	v5 =	vmul.f32 v3, v3;
	v10 =	vld [tilespmem:s21+$0x100]  }
0xc5: {  	v0 =	vmin.f32 v0, v3;
	v2 =	vmax.f32 v2, v6;
	v3 =	vmul.f32 v6, v6;
	v11 =	vld [tilespmem:s21+$0x140]  }
0xc6: {  	v1 =	vadd.f32 v5, v1;
	v4 =	vadd.f32 v6, v4;
	v2 =	vmax.f32 v2, v8;
	v5 =	vld [tilespmem:s21+$0x180]  }
0xc7: {  	v0 =	vmin.f32 v0, v6;
	v6 =	vmul.f32 v8, v8;
	v2 =	vmax.f32 v2, v9  }
0xc8: {  	v1 =	vadd.f32 v3, v1;
	v3 =	vadd.f32 v8, v4;
	v2 =	vmax.f32 v2, v7  }
0xc9: {  	v0 =	vmin.f32 v0, v8;
	v4 =	vmul.f32 v9, v9;
	v2 =	vmax.f32 v2, v10  }
0xca: {  	v1 =	vadd.f32 v6, v1;
	v3 =	vadd.f32 v9, v3;
	v2 =	vmax.f32 v2, v11  }
0xcb: {  	v0 =	vmin.f32 v0, v9;
	v6 =	vmul.f32 v7, v7;
	v2 =	vmax.f32 v2, v5;
	v8 =	vld [tilespmem:s21+$0x1C0]  }
0xcc: {  	v0 =	vmin.f32 v0, v7;
	v1 =	vadd.f32 v4, v1;
	v3 =	vadd.f32 v7, v3  }
0xcd: {  	v0 =	vmin.f32 v0, v10;
	v4 =	vmul.f32 v10, v10  }
0xce: {  	v0 =	vmin.f32 v0, v11;
	v1 =	vadd.f32 v6, v1;
	v3 =	vadd.f32 v10, v3  }
0xcf: {  	v0 =	vmin.f32 v0, v5;
	v6 =	vmul.f32 v11, v11  }
0xd0: {  	v1 =	vadd.f32 v4, v1;
	v3 =	vadd.f32 v11, v3;
	v0 =	vmin.f32 v0, v8;
	_ =	sdelay $0x1  }
0xd1: {  	v4 =	vmul.f32 v5, v5;
	v1 =	vadd.f32 v6, v1;
	v3 =	vadd.f32 v5, v3;
	_ =	sdelay $0x1  }
0xd2: {  	s22 =	sshra.s32 s24, $0x2;
	v1 =	vadd.f32 v4, v1;
	v3 =	vadd.f32 v8, v3;
	v4 =	vmul.f32 v8, v8  }
0xd3: {  	[tilespmem:s22+$0x6040] =	vst v0  }
0xd4: {  	v0 =	vmax.f32 v2, v8;
	v1 =	vadd.f32 v4, v1;
	[tilespmem:s22+$0x6080] =	vst v3  }
0xd5: {  	[tilespmem:s22+$0x6000] =	vst v0  }
0xd6: {  	[tilespmem:s22+$0x60C0] =	vst v1  }
0xd7: {  	v0 =	vld [tilespmem:s21+$0xFFFFFE10]  }
0xd8: {  	v1 =	vld [tilespmem:s21+$0xFFFFFE50];
	_ =	sdelay $0x1  }
0xd9: {  	v2 =	vld [tilespmem:s21+$0xFFFFFE90];
	_ =	sdelay $0x1  }
0xda: {  	v3 =	vmul.f32 v0, v0;
	v4 =	vld [tilespmem:s21+$0xFFFFFED0]  }
0xdb: {  	v5 =	vmax.f32 v0, v1;
	v6 =	vadd.f32 v1, v0;
	v7 =	vmul.f32 v1, v1  }
0xdc: {  	v0 =	vmin.f32 v0, v1;
	v1 =	vld [tilespmem:s21+$0xFFFFFF10]  }
0xdd: {  	v3 =	vadd.f32 v7, v3;
	v6 =	vadd.f32 v2, v6;
	v7 =	vmul.f32 v2, v2  }
0xde: {  	v5 =	vmax.f32 v5, v2;
	v0 =	vmin.f32 v0, v2;
	v2 =	vld [tilespmem:s21+$0xFFFFFF50]  }
0xdf: {  	v3 =	vadd.f32 v7, v3;
	v6 =	vadd.f32 v4, v6;
	v7 =	vmul.f32 v4, v4  }
0xe0: {  	v5 =	vmax.f32 v5, v4;
	v0 =	vmin.f32 v0, v4;
	v4 =	vld [tilespmem:s21+$0xFFFFFF90]  }
0xe1: {  	v3 =	vadd.f32 v7, v3;
	v6 =	vadd.f32 v1, v6;
	v7 =	vmul.f32 v1, v1;
	v8 =	vld [tilespmem:s21+$0xFFFFFFD0]  }
0xe2: {  	v5 =	vmax.f32 v5, v1;
	v0 =	vmin.f32 v0, v1  }
0xe3: {  	v1 =	vadd.f32 v7, v3;
	v3 =	vadd.f32 v2, v6;
	v6 =	vmul.f32 v2, v2;
	v7 =	vld [tilespmem:s21+$0x10]  }
0xe4: {  	v5 =	vmax.f32 v5, v2;
	v0 =	vmin.f32 v0, v2;
	v2 =	vld [tilespmem:s21+$0x50]  }
0xe5: {  	v1 =	vadd.f32 v6, v1;
	v3 =	vadd.f32 v4, v3;
	v6 =	vmul.f32 v4, v4;
	v9 =	vld [tilespmem:s21+$0x90]  }
0xe6: {  	v5 =	vmax.f32 v5, v4;
	v0 =	vmin.f32 v0, v4;
	v4 =	vmul.f32 v8, v8;
	v10 =	vld [tilespmem:s21+$0xD0]  }
0xe7: {  	v5 =	vmax.f32 v5, v8;
	v1 =	vadd.f32 v6, v1;
	v3 =	vadd.f32 v8, v3;
	v6 =	vld [tilespmem:s21+$0x110]  }
0xe8: {  	v0 =	vmin.f32 v0, v8;
	v5 =	vmax.f32 v5, v7;
	v8 =	vmul.f32 v7, v7;
	v11 =	vld [tilespmem:s21+$0x150]  }
0xe9: {  	v1 =	vadd.f32 v4, v1;
	v3 =	vadd.f32 v7, v3;
	v4 =	vmax.f32 v5, v2;
	v5 =	vld [tilespmem:s21+$0x190]  }
0xea: {  	v0 =	vmin.f32 v0, v7;
	v7 =	vmul.f32 v2, v2;
	v4 =	vmax.f32 v4, v9;
	v12 =	vld [tilespmem:s21+$0x1D0]  }
0xeb: {  	v1 =	vadd.f32 v8, v1;
	v3 =	vadd.f32 v2, v3;
	v4 =	vmax.f32 v4, v10  }
0xec: {  	v0 =	vmin.f32 v0, v2;
	v2 =	vmul.f32 v9, v9;
	v4 =	vmax.f32 v4, v6  }
0xed: {  	v1 =	vadd.f32 v7, v1;
	v3 =	vadd.f32 v9, v3;
	v4 =	vmax.f32 v4, v11  }
0xee: {  	v0 =	vmin.f32 v0, v9;
	v7 =	vmul.f32 v10, v10;
	v4 =	vmax.f32 v4, v5  }
0xef: {  	v1 =	vadd.f32 v2, v1;
	v2 =	vadd.f32 v10, v3;
	v3 =	vmax.f32 v4, v12  }
0xf0: {  	v0 =	vmin.f32 v0, v10;
	v4 =	vmul.f32 v6, v6;
	[tilespmem:s22+$0x6010] =	vst v3  }
0xf1: {  	v0 =	vmin.f32 v0, v6;
	v1 =	vadd.f32 v7, v1;
	v2 =	vadd.f32 v6, v2  }
0xf2: {  	v0 =	vmin.f32 v0, v11;
	v3 =	vmul.f32 v11, v11  }
0xf3: {  	v0 =	vmin.f32 v0, v5;
	v1 =	vadd.f32 v4, v1;
	v2 =	vadd.f32 v11, v2  }
0xf4: {  	v0 =	vmin.f32 v0, v12  }
0xf5: {  	v1 =	vadd.f32 v3, v1;
	v2 =	vadd.f32 v5, v2;
	v3 =	vmul.f32 v5, v5;
	[tilespmem:s22+$0x6050] =	vst v0;
	_ =	sdelay $0x1  }
0xf6: {  	v0 =	vadd.f32 v3, v1;
	v1 =	vadd.f32 v12, v2;
	v2 =	vmul.f32 v12, v12;
	_ =	sdelay $0x1  }
0xf7: {  	v0 =	vadd.f32 v2, v0;
	[tilespmem:s22+$0x6090] =	vst v1;
	_ =	sdelay $0x1  }
0xf8: {  	[tilespmem:s22+$0x60D0] =	vst v0  }
0xf9: {  	v0 =	vld [tilespmem:s21+$0xFFFFFE20]  }
0xfa: {  	v1 =	vld [tilespmem:s21+$0xFFFFFE60]  }
0xfb: {  	v2 =	vld [tilespmem:s21+$0xFFFFFEA0]  }
0xfc: {  	v3 =	vld [tilespmem:s21+$0xFFFFFEE0]  }
0xfd: {  	v4 =	vld [tilespmem:s21+$0xFFFFFF20]  }
0xfe: {  	v5 =	vmul.f32 v0, v0;
	v6 =	vld [tilespmem:s21+$0xFFFFFF60]  }
0xff: {  	v7 =	vmax.f32 v0, v1;
	v8 =	vadd.f32 v1, v0;
	v9 =	vmul.f32 v1, v1;
	v10 =	vld [tilespmem:s21+$0xFFFFFFA0]  }
0x100: {  	v0 =	vmin.f32 v0, v1;
	v1 =	vmax.f32 v7, v2;
	v7 =	vmul.f32 v2, v2;
	v11 =	vld [tilespmem:s21+$0xFFFFFFE0]  }
0x101: {  	v0 =	vmin.f32 v0, v2;
	v5 =	vadd.f32 v9, v5;
	v2 =	vadd.f32 v2, v8;
	v8 =	vld [tilespmem:s21+$0x20]  }
0x102: {  	v1 =	vmax.f32 v1, v3;
	v0 =	vmin.f32 v0, v3;
	v9 =	vmul.f32 v3, v3;
	v12 =	vld [tilespmem:s21+$0x60]  }
0x103: {  	v0 =	vmin.f32 v0, v4;
	v5 =	vadd.f32 v7, v5;
	v2 =	vadd.f32 v3, v2  }
0x104: {  	v1 =	vmax.f32 v1, v4;
	v0 =	vmin.f32 v0, v6  }
0x105: {  	v3 =	vadd.f32 v9, v5;
	v2 =	vadd.f32 v4, v2;
	v4 =	vmul.f32 v4, v4  }
0x106: {  	v1 =	vmax.f32 v1, v6;
	v0 =	vmin.f32 v0, v10  }
0x107: {  	v3 =	vadd.f32 v4, v3;
	v2 =	vadd.f32 v6, v2;
	v4 =	vmul.f32 v6, v6  }
0x108: {  	v1 =	vmax.f32 v1, v10;
	v0 =	vmin.f32 v0, v11  }
0x109: {  	v3 =	vadd.f32 v4, v3;
	v2 =	vadd.f32 v10, v2;
	v4 =	vmul.f32 v10, v10;
	v5 =	vld [tilespmem:s21+$0xA0]  }
0x10a: {  	v1 =	vmax.f32 v1, v11;
	v0 =	vmin.f32 v0, v8  }
0x10b: {  	v3 =	vadd.f32 v4, v3;
	v2 =	vadd.f32 v11, v2;
	v4 =	vmul.f32 v11, v11;
	v6 =	vld [tilespmem:s21+$0xE0]  }
0x10c: {  	v1 =	vmax.f32 v1, v8;
	v0 =	vmin.f32 v0, v12;
	v7 =	vld [tilespmem:s21+$0x120]  }
0x10d: {  	v3 =	vadd.f32 v4, v3;
	v2 =	vadd.f32 v8, v2;
	v4 =	vmul.f32 v8, v8;
	v8 =	vld [tilespmem:s21+$0x160]  }
0x10e: {  	v1 =	vmax.f32 v1, v12;
	v0 =	vmin.f32 v0, v5;
	v9 =	vld [tilespmem:s21+$0x1A0]  }
0x10f: {  	v3 =	vadd.f32 v4, v3;
	v2 =	vadd.f32 v12, v2;
	v4 =	vmul.f32 v12, v12;
	v10 =	vld [tilespmem:s21+$0x1E0]  }
0x110: {  	v1 =	vmax.f32 v1, v5;
	v11 =	vmul.f32 v5, v5;
	v0 =	vmin.f32 v0, v6  }
0x111: {  	v3 =	vadd.f32 v4, v3;
	v2 =	vadd.f32 v5, v2;
	v0 =	vmin.f32 v0, v7  }
0x112: {  	v1 =	vmax.f32 v1, v6;
	v4 =	vmul.f32 v6, v6;
	v0 =	vmin.f32 v0, v8  }
0x113: {  	v3 =	vadd.f32 v11, v3;
	v2 =	vadd.f32 v6, v2;
	v0 =	vmin.f32 v0, v9  }
0x114: {  	v1 =	vmax.f32 v1, v7;
	v5 =	vmul.f32 v7, v7;
	v0 =	vmin.f32 v0, v10  }
0x115: {  	v1 =	vmax.f32 v1, v8;
	v3 =	vadd.f32 v4, v3;
	v2 =	vadd.f32 v7, v2;
	[tilespmem:s22+$0x6060] =	vst v0  }
0x116: {  	v1 =	vmax.f32 v1, v9;
	v0 =	vmul.f32 v8, v8  }
0x117: {  	v1 =	vmax.f32 v1, v10;
	v3 =	vadd.f32 v5, v3;
	v2 =	vadd.f32 v8, v2  }
0x118: {  	[tilespmem:s22+$0x6020] =	vst v1  }
0x119: {  	v0 =	vadd.f32 v0, v3;
	v1 =	vadd.f32 v9, v2;
	v2 =	vmul.f32 v9, v9;
	_ =	sdelay $0x1  }
0x11a: {  	v0 =	vadd.f32 v2, v0;
	v1 =	vadd.f32 v10, v1;
	v2 =	vmul.f32 v10, v10;
	_ =	sdelay $0x1  }
0x11b: {  	v0 =	vadd.f32 v2, v0;
	[tilespmem:s22+$0x60A0] =	vst v1;
	_ =	sdelay $0x1  }
0x11c: {  	[tilespmem:s22+$0x60E0] =	vst v0  }
0x11d: {  	v0 =	vld [tilespmem:s21+$0xFFFFFE30]  }
0x11e: {  	v1 =	vld [tilespmem:s21+$0xFFFFFE70]  }
0x11f: {  	v2 =	vld [tilespmem:s21+$0xFFFFFEB0]  }
0x120: {  	v3 =	vld [tilespmem:s21+$0xFFFFFEF0]  }
0x121: {  	v4 =	vld [tilespmem:s21+$0xFFFFFF30]  }
0x122: {  	v5 =	vmul.f32 v0, v0;
	v6 =	vld [tilespmem:s21+$0xFFFFFF70]  }
0x123: {  	v7 =	vmax.f32 v0, v1;
	v8 =	vadd.f32 v1, v0;
	v9 =	vmul.f32 v1, v1;
	v10 =	vld [tilespmem:s21+$0xFFFFFFB0]  }
0x124: {  	v0 =	vmin.f32 v0, v1;
	v1 =	vmax.f32 v7, v2;
	v7 =	vld [tilespmem:s21+$0xFFFFFFF0]  }
0x125: {  	v5 =	vadd.f32 v9, v5;
	v8 =	vadd.f32 v2, v8;
	v9 =	vmul.f32 v2, v2;
	v11 =	vld [tilespmem:s21+$0x30]  }
0x126: {  	v0 =	vmin.f32 v0, v2;
	v1 =	vmax.f32 v1, v3;
	v2 =	vld [tilespmem:s21+$0x70]  }
0x127: {  	v5 =	vadd.f32 v9, v5;
	v8 =	vadd.f32 v3, v8;
	v9 =	vmul.f32 v3, v3;
	v12 =	vld [tilespmem:s21+$0xB0]  }
0x128: {  	v0 =	vmin.f32 v0, v3;
	v1 =	vmax.f32 v1, v4;
	v3 =	vmul.f32 v4, v4;
	v13 =	vld [tilespmem:s21+$0x130]  }
0x129: {  	v0 =	vmin.f32 v0, v4;
	v5 =	vadd.f32 v9, v5;
	v4 =	vadd.f32 v4, v8;
	v8 =	vld [tilespmem:s21+$0x170]  }
0x12a: {  	v1 =	vmax.f32 v1, v6;
	v0 =	vmin.f32 v0, v6;
	v9 =	vmul.f32 v6, v6;
	v14 =	vld [tilespmem:s21+$0xF0]  }
0x12b: {  	v0 =	vmin.f32 v0, v10;
	v3 =	vadd.f32 v3, v5;
	v4 =	vadd.f32 v6, v4;
	v5 =	vld [tilespmem:s21+$0x1B0]  }
0x12c: {  	v1 =	vmax.f32 v1, v10;
	v15 =	vmin.f32 v0, v7;
	v6 =	vmul.f32 v10, v10;
	v0 =	vld [tilespmem:s21+$0x1F0]  }
0x12d: {  	v3 =	vadd.f32 v9, v3;
	v4 =	vadd.f32 v10, v4;
	v9 =	vmin.f32 v15, v11  }
0x12e: {  	v1 =	vmax.f32 v1, v7;
	v9 =	vmin.f32 v9, v2  }
0x12f: {  	v3 =	vadd.f32 v6, v3;
	v4 =	vadd.f32 v7, v4;
	v6 =	vmul.f32 v7, v7  }
0x130: {  	v1 =	vmax.f32 v1, v11;
	v7 =	vmin.f32 v9, v12  }
0x131: {  	v3 =	vadd.f32 v6, v3;
	v4 =	vadd.f32 v11, v4;
	v6 =	vmul.f32 v11, v11  }
0x132: {  	v1 =	vmax.f32 v1, v2;
	v7 =	vmin.f32 v7, v14  }
0x133: {  	v3 =	vadd.f32 v6, v3;
	v4 =	vadd.f32 v2, v4;
	v2 =	vmul.f32 v2, v2  }
0x134: {  	v1 =	vmax.f32 v1, v12;
	v7 =	vmin.f32 v7, v13;
	v6 =	vmul.f32 v12, v12  }
0x135: {  	v2 =	vadd.f32 v2, v3;
	v3 =	vadd.f32 v12, v4;
	v4 =	vmin.f32 v7, v8  }
0x136: {  	v1 =	vmax.f32 v1, v14;
	v7 =	vmul.f32 v14, v14;
	v4 =	vmin.f32 v4, v5  }
0x137: {  	v2 =	vadd.f32 v6, v2;
	v3 =	vadd.f32 v14, v3;
	v4 =	vmin.f32 v4, v0  }
0x138: {  	v1 =	vmax.f32 v1, v13;
	v6 =	vmul.f32 v13, v13;
	[tilespmem:s22+$0x6070] =	vst v4  }
.Ltmp2:
0x139: {  	v1 =	vmax.f32 v1, v8;
	v2 =	vadd.f32 v7, v2;
	v3 =	vadd.f32 v13, v3;
	(pc) =	sbr.rel @p1 .LBB2_3-.Ltmp2, $4  }
0x13a: {  	v1 =	vmax.f32 v1, v5;
	v4 =	vmul.f32 v8, v8  }
0x13b: {  	v1 =	vmax.f32 v1, v0;
	v2 =	vadd.f32 v6, v2;
	v3 =	vadd.f32 v8, v3  }
0x13c: {  	[tilespmem:s22+$0x6030] =	vst v1  }
0x13d: {  	v2 =	vadd.f32 v4, v2;
	v1 =	vadd.f32 v5, v3;
	v3 =	vmul.f32 v5, v5  }
0x13e: {  	_ = 	snop  }
0x13f: {  	v2 =	vadd.f32 v3, v2;
	v3 =	vmul.f32 v0, v0  }
0x140: {  	v0 =	vadd.f32 v0, v1  }
0x141: {  	s21 =	sadd.s32 s4, s20;
	v1 =	vadd.f32 v3, v2  }
0x142: {  	s21 =	sshll.u32 s21, $0x8;
	[tilespmem:s22+$0x60B0] =	vst v0  }
0x143: {  	p1 =	seq.s32 s19, $0x1F;
	s21 =	sadd.s32 s5, s21;
	[tilespmem:s22+$0x60F0] =	vst v1  }
0x144: {  	[hbm4b:s21+s3] =	stream.linear.scatter [tilespmem:s13], [sflag:$0x3], $0x800, $0x38;
	[tilespmem:$0x7000] =	vst v63  }
0x145: {  	s21 =	sshll.u32 @!p1 s19, $0x8  }
0x146: {  	s21 =	sand.u32 @!p1 $0x3FFFFF00, s21  }
0x147: {  	s23 =	simm.s32 @!p1 $0x2000;
	s22 =	simm.s32 @!p1 $0x80;
	s21 =	sadd.s32 @!p1 $0x100, s21  }
0x148: {  	[tilespmem:s23], [sflag:$0x1] =	stream.indirect.gather @!p1 [hbm4b:s2+s22], $0x40, s21, s22, $0xb8;
	[tilespmem:$0x7000] =	vst v63  }
0x149: {  	_ =	swait.ge [sflag:s14], $0x2000  }
0x14a: {  	[sflag:s14] =	ssyncset.done $0x0  }
0x14b: {  	s21 =	simm.s32 @!p0 $0x4;
	[sflag:s14] =	ssyncadd.s32 $0xFFFFE000  }
0x14c: {  	_ =	swait.ge @!p0 [sflag:s21], $0x800  }
0x14d: {  	[sflag:s21] =	ssyncset.done @!p0 $0x0  }
0x14e: {  	[sflag:s21] =	ssyncadd.s32 @!p0 $0xFFFFF800;
	s21 =	simm.s32 $0x43F0  }
0x14f: {  	v0 =	vld [tilespmem:s21+$0xFFFFFC50]  }
0x150: {  	v1 =	vld [tilespmem:s21+$0xFFFFFC10];
	_ =	sdelay $0x1  }
0x151: {  	v2 =	vld [tilespmem:s21+$0xFFFFFC90];
	_ =	sdelay $0x1  }
0x152: {  	v3 =	vld [tilespmem:s21+$0xFFFFFCD0]  }
0x153: {  	v4 =	vmul.f32 v1, v1;
	v6 =	vmul.f32 v0, v0  }
0x154: {  	v7 =	vld [tilespmem:s21+$0xFFFFFD10];
	v5 =	vadd.f32 v0, v1  }
0x155: {  	v9 =	vmul.f32 v2, v2;
	v4 =	vadd.f32 v6, v4  }
0x156: {  	v8 =	vmin.f32 v1, v0;
	v0 =	vmax.f32 v1, v0;
	v1 =	vld [tilespmem:s21+$0xFFFFFD50];
	v5 =	vadd.f32 v2, v5  }
0x157: {  	v46 =	vmul.f32 v3, v3;
	v4 =	vadd.f32 v9, v4  }
0x158: {  	v45 =	vmin.f32 v8, v2;
	v0 =	vmax.f32 v0, v2;
	v2 =	vld [tilespmem:s21+$0xFFFFFD90];
	v5 =	vadd.f32 v3, v5  }
0x159: {  	v47 =	vmul.f32 v7, v7;
	v4 =	vadd.f32 v46, v4  }
0x15a: {  	v6 =	vmin.f32 v45, v3;
	v0 =	vmax.f32 v0, v3;
	v3 =	vld [tilespmem:s21+$0xFFFFFDD0];
	v5 =	vadd.f32 v7, v5  }
0x15b: {  	v48 =	vmul.f32 v1, v1;
	v4 =	vadd.f32 v47, v4  }
0x15c: {  	v49 =	vld [tilespmem:s21+$0xFFFFFE10];
	v6 =	vmin.f32 v6, v7;
	v5 =	vadd.f32 v1, v5  }
0x15d: {  	v0 =	vmax.f32 v0, v7;
	v50 =	vmul.f32 v2, v2;
	v4 =	vadd.f32 v48, v4  }
0x15e: {  	v6 =	vmin.f32 v6, v1;
	v0 =	vmax.f32 v0, v1;
	v1 =	vld [tilespmem:s21+$0xFFFFFE50];
	v5 =	vadd.f32 v2, v5  }
0x15f: {  	v51 =	vmul.f32 v3, v3;
	v4 =	vadd.f32 v50, v4  }
0x160: {  	v6 =	vmin.f32 v6, v2;
	v0 =	vmax.f32 v0, v2;
	v2 =	vld [tilespmem:s21+$0xFFFFFE90];
	v5 =	vadd.f32 v3, v5  }
0x161: {  	v10 =	vmul.f32 v49, v49;
	v4 =	vadd.f32 v51, v4  }
0x162: {  	v52 =	vld [tilespmem:s21+$0xFFFFFED0];
	v5 =	vadd.f32 v49, v5  }
0x163: {  	v0 =	vmax.f32 v0, v3;
	v54 =	vmul.f32 v1, v1;
	v4 =	vadd.f32 v10, v4  }
0x164: {  	v53 =	vld [tilespmem:s21+$0xFFFFFF10];
	v6 =	vmin.f32 v6, v3;
	v0 =	vmax.f32 v0, v49;
	v5 =	vadd.f32 v1, v5  }
0x165: {  	v3 =	vmin.f32 v6, v49;
	v56 =	vmul.f32 v2, v2;
	v4 =	vadd.f32 v54, v4  }
0x166: {  	v55 =	vld [tilespmem:s21+$0xFFFFFF50];
	v3 =	vmin.f32 v3, v1;
	v0 =	vmax.f32 v0, v1;
	v5 =	vadd.f32 v2, v5  }
0x167: {  	v1 =	vmin.f32 v3, v2;
	v3 =	vmul.f32 v52, v52;
	v4 =	vadd.f32 v56, v4  }
0x168: {  	v57 =	vld [tilespmem:s21+$0xFFFFFF90];
	v5 =	vadd.f32 v52, v5  }
0x169: {  	v58 =	vmul.f32 v53, v53;
	v0 =	vmax.f32 v0, v2;
	v3 =	vadd.f32 v3, v4  }
0x16a: {  	v0 =	vmax.f32 v0, v52;
	v1 =	vmin.f32 v1, v52;
	v2 =	vld [tilespmem:s21+$0xFFFFFFD0];
	v4 =	vadd.f32 v53, v5  }
0x16b: {  	v0 =	vmax.f32 v0, v53;
	v5 =	vmul.f32 v55, v55;
	v3 =	vadd.f32 v58, v3  }
0x16c: {  	v1 =	vmin.f32 v1, v53;
	v0 =	vmax.f32 v0, v55;
	v4 =	vadd.f32 v55, v4  }
0x16d: {  	v1 =	vmin.f32 v1, v55;
	v3 =	vadd.f32 v5, v3;
	v5 =	vmul.f32 v57, v57  }
0x16e: {  	v0 =	vmax.f32 v0, v57;
	v1 =	vmin.f32 v1, v57;
	v4 =	vadd.f32 v57, v4  }
0x16f: {  	s22 =	simm.s32 $0x0;
	v1 =	vmin.f32 v1, v2;
	v3 =	vadd.f32 v5, v3;
	v5 =	vmul.f32 v2, v2  }
0x170: {  	v0 =	vmax.f32 v0, v2;
	[tilespmem:s22+$0x6840] =	vst v1;
	v4 =	vadd.f32 v2, v4  }
0x171: {  	[tilespmem:s22+$0x6800] =	vst v0;
	v1 =	vadd.f32 v5, v3  }
0x172: {  	[tilespmem:s22+$0x6880] =	vst v4  }
0x173: {  	[tilespmem:s22+$0x68C0] =	vst v1  }
0x174: {  	v0 =	vld [tilespmem:s21+$0xFFFFFC20]  }
0x175: {  	v1 =	vld [tilespmem:s21+$0xFFFFFC60];
	_ =	sdelay $0x1  }
0x176: {  	v2 =	vld [tilespmem:s21+$0xFFFFFCA0];
	_ =	sdelay $0x1  }
0x177: {  	v3 =	vld [tilespmem:s21+$0xFFFFFCE0]  }
0x178: {  	v4 =	vmul.f32 v0, v0;
	v5 =	vmul.f32 v1, v1  }
0x179: {  	v60 =	vld [tilespmem:s21+$0xFFFFFD20];
	v59 =	vadd.f32 v1, v0  }
0x17a: {  	v4 =	vadd.f32 v5, v4;
	v5 =	vmul.f32 v2, v2  }
0x17b: {  	v61 =	vld [tilespmem:s21+$0xFFFFFD60];
	v6 =	vadd.f32 v2, v59  }
0x17c: {  	v62 =	vld [tilespmem:s21+$0xFFFFFDA0];
	v4 =	vadd.f32 v5, v4;
	v5 =	vmul.f32 v3, v3  }
0x17d: {  	v63 =	vld [tilespmem:s21+$0xFFFFFDE0];
	v6 =	vadd.f32 v3, v6  }
0x17e: {  	v4 =	vadd.f32 v5, v4;
	v5 =	vmul.f32 v60, v60  }
0x17f: {  	v12 =	vld [tilespmem:s21+$0xFFFFFE20];
	v6 =	vadd.f32 v60, v6  }
0x180: {  	v17 =	vld [tilespmem:s21+$0xFFFFFEE0];
	v4 =	vadd.f32 v5, v4;
	v5 =	vmul.f32 v61, v61  }
0x181: {  	v19 =	vld [tilespmem:s21+$0xFFFFFF20];
	v11 =	vmax.f32 v0, v1;
	v0 =	vmin.f32 v0, v1;
	v6 =	vadd.f32 v61, v6  }
0x182: {  	v15 =	vmul.f32 v63, v63;
	v1 =	vadd.f32 v5, v4;
	v4 =	vmul.f32 v62, v62  }
0x183: {  	v0 =	vmin.f32 v0, v2;
	v5 =	vmax.f32 v11, v2;
	v2 =	vld [tilespmem:s21+$0xFFFFFE60];
	v6 =	vadd.f32 v62, v6  }
0x184: {  	v16 =	vmul.f32 v12, v12;
	v5 =	vmax.f32 v5, v3;
	v1 =	vadd.f32 v4, v1  }
0x185: {  	v0 =	vmin.f32 v0, v3;
	v3 =	vmax.f32 v5, v60;
	v4 =	vld [tilespmem:s21+$0xFFFFFEA0];
	v5 =	vadd.f32 v63, v6  }
0x186: {  	v23 =	vmul.f32 v17, v17;
	v25 =	vmul.f32 v19, v19;
	v1 =	vadd.f32 v15, v1  }
0x187: {  	v0 =	vmin.f32 v0, v60;
	v3 =	vmax.f32 v3, v61;
	v5 =	vadd.f32 v12, v5  }
0x188: {  	v3 =	vmax.f32 v3, v62;
	v18 =	vmul.f32 v2, v2;
	v1 =	vadd.f32 v16, v1  }
0x189: {  	v0 =	vmin.f32 v0, v61;
	v3 =	vmax.f32 v3, v63;
	v5 =	vadd.f32 v2, v5  }
0x18a: {  	v20 =	vld [tilespmem:s21+$0xFFFFFF60];
	v3 =	vmax.f32 v3, v12;
	v21 =	vmul.f32 v4, v4;
	v1 =	vadd.f32 v18, v1  }
0x18b: {  	v0 =	vmin.f32 v0, v62;
	v3 =	vmax.f32 v3, v2;
	v5 =	vadd.f32 v4, v5  }
0x18c: {  	v0 =	vmin.f32 v0, v63;
	v3 =	vmax.f32 v3, v4;
	v1 =	vadd.f32 v21, v1  }
0x18d: {  	v22 =	vld [tilespmem:s21+$0xFFFFFFA0];
	v0 =	vmin.f32 v0, v12;
	v3 =	vmax.f32 v3, v17;
	v5 =	vadd.f32 v17, v5  }
0x18e: {  	v0 =	vmin.f32 v0, v2;
	v3 =	vmax.f32 v3, v19;
	v1 =	vadd.f32 v23, v1  }
0x18f: {  	v24 =	vld [tilespmem:s21+$0xFFFFFFE0];
	v0 =	vmin.f32 v0, v4;
	v2 =	vmax.f32 v3, v20;
	v3 =	vadd.f32 v19, v5  }
0x190: {  	v4 =	vmul.f32 v20, v20;
	v0 =	vmin.f32 v0, v17;
	v1 =	vadd.f32 v25, v1  }
0x191: {  	v0 =	vmin.f32 v0, v19;
	v3 =	vadd.f32 v20, v3  }
0x192: {  	v0 =	vmin.f32 v0, v20;
	v1 =	vadd.f32 v4, v1;
	v4 =	vmul.f32 v22, v22  }
0x193: {  	v0 =	vmin.f32 v0, v22;
	v2 =	vmax.f32 v2, v22;
	v3 =	vadd.f32 v22, v3  }
0x194: {  	v2 =	vmax.f32 v2, v24;
	v1 =	vadd.f32 v4, v1;
	v4 =	vmul.f32 v24, v24  }
0x195: {  	v0 =	vmin.f32 v0, v24;
	[tilespmem:s22+$0x6810] =	vst v2;
	v2 =	vadd.f32 v24, v3  }
0x196: {  	[tilespmem:s22+$0x6850] =	vst v0;
	v0 =	vadd.f32 v4, v1  }
0x197: {  	[tilespmem:s22+$0x6890] =	vst v2  }
0x198: {  	[tilespmem:s22+$0x68D0] =	vst v0  }
0x199: {  	v0 =	vld [tilespmem:s21+$0xFFFFFC30]  }
0x19a: {  	v1 =	vld [tilespmem:s21+$0xFFFFFC70];
	_ =	sdelay $0x1  }
0x19b: {  	v2 =	vld [tilespmem:s21+$0xFFFFFCB0];
	_ =	sdelay $0x1  }
0x19c: {  	v3 =	vld [tilespmem:s21+$0xFFFFFCF0]  }
0x19d: {  	v4 =	vmul.f32 v0, v0;
	v5 =	vmul.f32 v1, v1  }
0x19e: {  	v26 =	vld [tilespmem:s21+$0xFFFFFD30];
	v27 =	vadd.f32 v1, v0  }
0x19f: {  	v28 =	vmul.f32 v2, v2;
	v4 =	vadd.f32 v5, v4  }
0x1a0: {  	v5 =	vld [tilespmem:s21+$0xFFFFFD70];
	v7 =	vadd.f32 v2, v27  }
0x1a1: {  	v29 =	vmul.f32 v3, v3;
	v4 =	vadd.f32 v28, v4  }
0x1a2: {  	v30 =	vld [tilespmem:s21+$0xFFFFFDB0];
	v7 =	vadd.f32 v3, v7  }
0x1a3: {  	v31 =	vmul.f32 v26, v26;
	v4 =	vadd.f32 v29, v4  }
0x1a4: {  	v32 =	vld [tilespmem:s21+$0xFFFFFDF0];
	v7 =	vadd.f32 v26, v7  }
0x1a5: {  	v33 =	vmul.f32 v5, v5;
	v4 =	vadd.f32 v31, v4  }
0x1a6: {  	v35 =	vld [tilespmem:s21+$0xFFFFFE30];
	v34 =	vmax.f32 v0, v1;
	v7 =	vadd.f32 v5, v7  }
0x1a7: {  	v37 =	vld [tilespmem:s21+$0xFFFFFEB0];
	v0 =	vmin.f32 v0, v1;
	v1 =	vadd.f32 v33, v4;
	v4 =	vmul.f32 v30, v30  }
0x1a8: {  	v36 =	vmax.f32 v34, v2;
	v0 =	vmin.f32 v0, v2;
	v2 =	vld [tilespmem:s21+$0xFFFFFE70];
	v7 =	vadd.f32 v30, v7  }
0x1a9: {  	v0 =	vmin.f32 v0, v3;
	v1 =	vadd.f32 v4, v1;
	v4 =	vmul.f32 v32, v32  }
0x1aa: {  	v0 =	vmin.f32 v0, v26;
	v3 =	vmax.f32 v36, v3;
	v7 =	vadd.f32 v32, v7  }
0x1ab: {  	v3 =	vmax.f32 v3, v26;
	v1 =	vadd.f32 v4, v1;
	v4 =	vmul.f32 v35, v35  }
0x1ac: {  	v0 =	vmin.f32 v0, v5;
	v3 =	vmax.f32 v3, v5;
	v5 =	vld [tilespmem:s21+$0xFFFFFEF0];
	v38 =	vadd.f32 v35, v7  }
0x1ad: {  	v40 =	vmul.f32 v37, v37;
	v1 =	vadd.f32 v4, v1;
	v4 =	vmul.f32 v2, v2  }
0x1ae: {  	v39 =	vld [tilespmem:s21+$0xFFFFFF30];
	v0 =	vmin.f32 v0, v30;
	v3 =	vmax.f32 v3, v30;
	v6 =	vadd.f32 v2, v38  }
0x1af: {  	v0 =	vmin.f32 v0, v32;
	v3 =	vmax.f32 v3, v32;
	v1 =	vadd.f32 v4, v1  }
0x1b0: {  	v0 =	vmin.f32 v0, v35;
	v3 =	vmax.f32 v3, v35;
	v4 =	vld [tilespmem:s21+$0xFFFFFF70];
	v6 =	vadd.f32 v37, v6  }
0x1b1: {  	v41 =	vld [tilespmem:s21+$0xFFFFFFB0];
	v0 =	vmin.f32 v0, v2;
	v42 =	vmul.f32 v5, v5;
	v1 =	vadd.f32 v40, v1  }
0x1b2: {  	v0 =	vmin.f32 v0, v37;
	v2 =	vmax.f32 v3, v2;
	v3 =	vadd.f32 v5, v6  }
0x1b3: {  	v44 =	vmul.f32 v39, v39;
	v0 =	vmin.f32 v0, v5;
	v1 =	vadd.f32 v42, v1  }
0x1b4: {  	v43 =	vld [tilespmem:s21+$0xFFFFFFF0];
	v0 =	vmin.f32 v0, v39;
	v2 =	vmax.f32 v2, v37;
	v3 =	vadd.f32 v39, v3  }
0x1b5: {  	v2 =	vmax.f32 v2, v5;
	v45 =	vmul.f32 v4, v4;
	v1 =	vadd.f32 v44, v1  }
0x1b6: {  	v2 =	vmax.f32 v2, v39;
	v5 =	vmul.f32 v41, v41;
	v3 =	vadd.f32 v4, v3  }
0x1b7: {  	v0 =	vmin.f32 v0, v4;
	v2 =	vmax.f32 v2, v4;
	v1 =	vadd.f32 v45, v1  }
0x1b8: {  	v0 =	vmin.f32 v0, v41;
	v2 =	vmax.f32 v2, v41;
	v3 =	vadd.f32 v41, v3  }
0x1b9: {  	v4 =	vmul.f32 v43, v43;
	v0 =	vmin.f32 v0, v43;
	v1 =	vadd.f32 v5, v1  }
0x1ba: {  	[tilespmem:s22+$0x6860] =	vst v0;
	v0 =	vmax.f32 v2, v43;
	v2 =	vadd.f32 v43, v3  }
0x1bb: {  	[tilespmem:s22+$0x6820] =	vst v0;
	v0 =	vadd.f32 v4, v1  }
0x1bc: {  	[tilespmem:s22+$0x68A0] =	vst v2  }
0x1bd: {  	[tilespmem:s22+$0x68E0] =	vst v0  }
0x1be: {  	v0 =	vld [tilespmem:s21+$0xFFFFFC40]  }
0x1bf: {  	v1 =	vld [tilespmem:s21+$0xFFFFFC80]  }
0x1c0: {  	v2 =	vld [tilespmem:s21+$0xFFFFFCC0];
	_ =	sdelay $0x1  }
0x1c1: {  	v3 =	vld [tilespmem:s21+$0xFFFFFD00];
	_ =	sdelay $0x1  }
0x1c2: {  	v5 =	vld [tilespmem:s21+$0xFFFFFD40];
	v4 =	vmul.f32 v0, v0;
	v47 =	vadd.f32 v1, v0;
	v48 =	vmul.f32 v1, v1  }
0x1c3: {  	v46 =	vmax.f32 v0, v1;
	v0 =	vmin.f32 v0, v1;
	v50 =	vmul.f32 v2, v2  }
0x1c4: {  	v49 =	vld [tilespmem:s21+$0xFFFFFD80];
	v1 =	vmax.f32 v46, v2;
	v4 =	vadd.f32 v48, v4;
	v7 =	vadd.f32 v2, v47  }
0x1c5: {  	v51 =	vmul.f32 v3, v3;
	v0 =	vmin.f32 v0, v2;
	v1 =	vmax.f32 v1, v3  }
0x1c6: {  	v2 =	vld [tilespmem:s21+$0xFFFFFDC0];
	v0 =	vmin.f32 v0, v3;
	v4 =	vadd.f32 v50, v4;
	v7 =	vadd.f32 v3, v7  }
0x1c7: {  	v52 =	vld [tilespmem:s21+$0xFFFFFE00];
	v1 =	vmax.f32 v1, v5;
	v0 =	vmin.f32 v0, v5  }
0x1c8: {  	v53 =	vld [tilespmem:s21+$0xFFFFFE40];
	v3 =	vmul.f32 v5, v5;
	v4 =	vadd.f32 v51, v4;
	v5 =	vadd.f32 v5, v7  }
0x1c9: {  	v55 =	vmul.f32 v49, v49;
	v1 =	vmax.f32 v1, v49  }
0x1ca: {  	v54 =	vld [tilespmem:s21+$0xFFFFFE80];
	v0 =	vmin.f32 v0, v49;
	v3 =	vadd.f32 v3, v4;
	v4 =	vadd.f32 v49, v5  }
0x1cb: {  	v0 =	vmin.f32 v0, v2;
	v1 =	vmax.f32 v1, v2;
	v5 =	vmul.f32 v2, v2  }
0x1cc: {  	v56 =	vld [tilespmem:s21+$0xFFFFFEC0];
	v0 =	vmin.f32 v0, v52;
	v3 =	vadd.f32 v55, v3;
	v2 =	vadd.f32 v2, v4  }
0x1cd: {  	v1 =	vmax.f32 v1, v52;
	v0 =	vmin.f32 v0, v53  }
0x1ce: {  	v4 =	vld [tilespmem:s21+$0xFFFFFF00];
	v3 =	vadd.f32 v5, v3;
	v2 =	vadd.f32 v52, v2;
	v5 =	vmul.f32 v52, v52  }
0x1cf: {  	v1 =	vmax.f32 v1, v53;
	v0 =	vmin.f32 v0, v54  }
0x1d0: {  	v57 =	vld [tilespmem:s21+$0xFFFFFF40];
	v3 =	vadd.f32 v5, v3;
	v2 =	vadd.f32 v53, v2;
	v5 =	vmul.f32 v53, v53  }
0x1d1: {  	v58 =	vld [tilespmem:s21+$0xFFFFFF80];
	v1 =	vmax.f32 v1, v54;
	v0 =	vmin.f32 v0, v56  }
0x1d2: {  	v59 =	vld [tilespmem:s21+$0xFFFFFFC0];
	v3 =	vadd.f32 v5, v3;
	v2 =	vadd.f32 v54, v2;
	v5 =	vmul.f32 v54, v54  }
0x1d3: {  	v61 =	vmul.f32 v56, v56;
	v1 =	vmax.f32 v1, v56;
	v60 =	vmin.f32 v0, v4  }
0x1d4: {  	v1 =	vmax.f32 v1, v4;
	v3 =	vadd.f32 v5, v3;
	v2 =	vadd.f32 v56, v2  }
0x1d5: {  	v0 =	vld [tilespmem:s21+$0x0];
	v62 =	vmul.f32 v4, v4;
	v7 =	vmin.f32 v60, v57;
	v1 =	vmax.f32 v1, v57  }
0x1d6: {  	v5 =	vmin.f32 v7, v58;
	v3 =	vadd.f32 v61, v3;
	v2 =	vadd.f32 v4, v2  }
0x1d7: {  	v1 =	vmax.f32 v1, v58;
	v4 =	vmin.f32 v5, v59  }
0x1d8: {  	v5 =	vmul.f32 v57, v57;
	v3 =	vadd.f32 v62, v3;
	v2 =	vadd.f32 v57, v2  }
0x1d9: {  	v63 =	vmul.f32 v58, v58;
	v1 =	vmax.f32 v1, v59  }
0x1da: {  	v1 =	vmax.f32 v1, v0;
	v3 =	vadd.f32 v5, v3;
	v5 =	vadd.f32 v58, v2  }
0x1db: {  	v4 =	vmin.f32 v4, v0;
	[tilespmem:s22+$0x6830] =	vst v1  }
0x1dc: {  	s20 =	sor.u32 $0x1, s20;
	s23 =	simm.s32 $0x400;
	[tilespmem:s22+$0x6870] =	vst v4;
	v2 =	vadd.f32 v63, v3;
	v1 =	vadd.f32 v59, v5;
	v3 =	vmul.f32 v59, v59  }
.LBB2_5:
0x1dd: {  	p0 =	sne.s32 s23, $0x1C00  }
0x1de: {  	s21 =	sadd.s32 $0x400, s21;
	s24 =	smov.u32 s23;
	s23 =	sadd.s32 $0x400, s23  }
0x1df: {  	v2 =	vadd.f32 v3, v2;
	v1 =	vadd.f32 v0, v1;
	v0 =	vmul.f32 v0, v0;
	_ =	sdelay $0x1  }
0x1e0: {  	v0 =	vadd.f32 v0, v2;
	[tilespmem:s22+$0x68B0] =	vst v1;
	_ =	sdelay $0x1  }
0x1e1: {  	[tilespmem:s22+$0x68F0] =	vst v0;
	_ =	sdelay $0x1  }
0x1e2: {  	v0 =	vld [tilespmem:s21+$0xFFFFFC50]  }
0x1e3: {  	v1 =	vld [tilespmem:s21+$0xFFFFFC10]  }
0x1e4: {  	v2 =	vld [tilespmem:s21+$0xFFFFFC90]  }
0x1e5: {  	v3 =	vld [tilespmem:s21+$0xFFFFFCD0];
	_ =	sdelay $0x1  }
0x1e6: {  	v4 =	vld [tilespmem:s21+$0xFFFFFD10]  }
0x1e7: {  	v7 =	vmul.f32 v0, v0;
	v5 =	vmul.f32 v1, v1;
	v6 =	vadd.f32 v0, v1  }
0x1e8: {  	v8 =	vmax.f32 v1, v0;
	v0 =	vmin.f32 v1, v0;
	v1 =	vmul.f32 v2, v2;
	v9 =	vld [tilespmem:s21+$0xFFFFFD50]  }
0x1e9: {  	v5 =	vadd.f32 v7, v5;
	v7 =	vmax.f32 v8, v2;
	v6 =	vadd.f32 v2, v6  }
0x1ea: {  	v0 =	vmin.f32 v0, v2;
	v2 =	vmax.f32 v7, v3;
	v7 =	vld [tilespmem:s21+$0xFFFFFD90]  }
0x1eb: {  	v1 =	vadd.f32 v1, v5;
	v5 =	vadd.f32 v3, v6;
	v6 =	vmul.f32 v3, v3  }
0x1ec: {  	v0 =	vmin.f32 v0, v3;
	v2 =	vmax.f32 v2, v4;
	v3 =	vld [tilespmem:s21+$0xFFFFFDD0]  }
0x1ed: {  	v1 =	vadd.f32 v6, v1;
	v5 =	vadd.f32 v4, v5;
	v6 =	vmul.f32 v4, v4  }
0x1ee: {  	v0 =	vmin.f32 v0, v4;
	v2 =	vmax.f32 v2, v9  }
0x1ef: {  	v1 =	vadd.f32 v6, v1;
	v4 =	vadd.f32 v9, v5;
	v5 =	vmul.f32 v9, v9;
	v6 =	vld [tilespmem:s21+$0xFFFFFE10]  }
0x1f0: {  	v0 =	vmin.f32 v0, v9;
	v2 =	vmax.f32 v2, v7;
	v8 =	vld [tilespmem:s21+$0xFFFFFE50]  }
0x1f1: {  	v1 =	vadd.f32 v5, v1;
	v4 =	vadd.f32 v7, v4;
	v5 =	vmul.f32 v7, v7;
	v9 =	vld [tilespmem:s21+$0xFFFFFE90]  }
0x1f2: {  	v0 =	vmin.f32 v0, v7;
	v2 =	vmax.f32 v2, v3;
	v7 =	vld [tilespmem:s21+$0xFFFFFED0]  }
0x1f3: {  	v1 =	vadd.f32 v5, v1;
	v4 =	vadd.f32 v3, v4;
	v5 =	vmul.f32 v3, v3;
	v10 =	vld [tilespmem:s21+$0xFFFFFF10]  }
0x1f4: {  	v0 =	vmin.f32 v0, v3;
	v2 =	vmax.f32 v2, v6;
	v3 =	vmul.f32 v6, v6;
	v11 =	vld [tilespmem:s21+$0xFFFFFF50]  }
0x1f5: {  	v1 =	vadd.f32 v5, v1;
	v4 =	vadd.f32 v6, v4;
	v2 =	vmax.f32 v2, v8;
	v5 =	vld [tilespmem:s21+$0xFFFFFF90]  }
0x1f6: {  	v0 =	vmin.f32 v0, v6;
	v6 =	vmul.f32 v8, v8;
	v2 =	vmax.f32 v2, v9  }
0x1f7: {  	v1 =	vadd.f32 v3, v1;
	v3 =	vadd.f32 v8, v4;
	v2 =	vmax.f32 v2, v7  }
0x1f8: {  	v0 =	vmin.f32 v0, v8;
	v4 =	vmul.f32 v9, v9;
	v2 =	vmax.f32 v2, v10  }
0x1f9: {  	v1 =	vadd.f32 v6, v1;
	v3 =	vadd.f32 v9, v3;
	v2 =	vmax.f32 v2, v11  }
0x1fa: {  	v0 =	vmin.f32 v0, v9;
	v6 =	vmul.f32 v7, v7;
	v2 =	vmax.f32 v2, v5;
	v8 =	vld [tilespmem:s21+$0xFFFFFFD0]  }
0x1fb: {  	v0 =	vmin.f32 v0, v7;
	v1 =	vadd.f32 v4, v1;
	v3 =	vadd.f32 v7, v3  }
0x1fc: {  	v0 =	vmin.f32 v0, v10;
	v4 =	vmul.f32 v10, v10  }
0x1fd: {  	v0 =	vmin.f32 v0, v11;
	v1 =	vadd.f32 v6, v1;
	v3 =	vadd.f32 v10, v3  }
0x1fe: {  	v0 =	vmin.f32 v0, v5;
	v6 =	vmul.f32 v11, v11  }
0x1ff: {  	v1 =	vadd.f32 v4, v1;
	v3 =	vadd.f32 v11, v3;
	v0 =	vmin.f32 v0, v8;
	_ =	sdelay $0x1  }
0x200: {  	v4 =	vmul.f32 v5, v5;
	v1 =	vadd.f32 v6, v1;
	v3 =	vadd.f32 v5, v3;
	_ =	sdelay $0x1  }
0x201: {  	s22 =	sshra.s32 s24, $0x2;
	v1 =	vadd.f32 v4, v1;
	v3 =	vadd.f32 v8, v3;
	v4 =	vmul.f32 v8, v8  }
0x202: {  	[tilespmem:s22+$0x6840] =	vst v0  }
0x203: {  	v0 =	vmax.f32 v2, v8;
	v1 =	vadd.f32 v4, v1;
	[tilespmem:s22+$0x6880] =	vst v3  }
0x204: {  	[tilespmem:s22+$0x6800] =	vst v0  }
0x205: {  	[tilespmem:s22+$0x68C0] =	vst v1  }
0x206: {  	v0 =	vld [tilespmem:s21+$0xFFFFFC20]  }
0x207: {  	v1 =	vld [tilespmem:s21+$0xFFFFFC60];
	_ =	sdelay $0x1  }
0x208: {  	v2 =	vld [tilespmem:s21+$0xFFFFFCA0];
	_ =	sdelay $0x1  }
0x209: {  	v3 =	vmul.f32 v0, v0;
	v4 =	vld [tilespmem:s21+$0xFFFFFCE0]  }
0x20a: {  	v5 =	vmax.f32 v0, v1;
	v6 =	vadd.f32 v1, v0;
	v7 =	vmul.f32 v1, v1  }
0x20b: {  	v0 =	vmin.f32 v0, v1;
	v1 =	vld [tilespmem:s21+$0xFFFFFD20]  }
0x20c: {  	v3 =	vadd.f32 v7, v3;
	v6 =	vadd.f32 v2, v6;
	v7 =	vmul.f32 v2, v2  }
0x20d: {  	v5 =	vmax.f32 v5, v2;
	v0 =	vmin.f32 v0, v2;
	v2 =	vld [tilespmem:s21+$0xFFFFFD60]  }
0x20e: {  	v3 =	vadd.f32 v7, v3;
	v6 =	vadd.f32 v4, v6;
	v7 =	vmul.f32 v4, v4  }
0x20f: {  	v5 =	vmax.f32 v5, v4;
	v0 =	vmin.f32 v0, v4;
	v4 =	vld [tilespmem:s21+$0xFFFFFDA0]  }
0x210: {  	v3 =	vadd.f32 v7, v3;
	v6 =	vadd.f32 v1, v6;
	v7 =	vmul.f32 v1, v1;
	v8 =	vld [tilespmem:s21+$0xFFFFFDE0]  }
0x211: {  	v5 =	vmax.f32 v5, v1;
	v0 =	vmin.f32 v0, v1  }
0x212: {  	v1 =	vadd.f32 v7, v3;
	v3 =	vadd.f32 v2, v6;
	v6 =	vmul.f32 v2, v2;
	v7 =	vld [tilespmem:s21+$0xFFFFFE20]  }
0x213: {  	v5 =	vmax.f32 v5, v2;
	v0 =	vmin.f32 v0, v2;
	v2 =	vld [tilespmem:s21+$0xFFFFFE60]  }
0x214: {  	v1 =	vadd.f32 v6, v1;
	v3 =	vadd.f32 v4, v3;
	v6 =	vmul.f32 v4, v4;
	v9 =	vld [tilespmem:s21+$0xFFFFFEA0]  }
0x215: {  	v5 =	vmax.f32 v5, v4;
	v0 =	vmin.f32 v0, v4;
	v4 =	vmul.f32 v8, v8;
	v10 =	vld [tilespmem:s21+$0xFFFFFEE0]  }
0x216: {  	v5 =	vmax.f32 v5, v8;
	v1 =	vadd.f32 v6, v1;
	v3 =	vadd.f32 v8, v3;
	v6 =	vld [tilespmem:s21+$0xFFFFFF20]  }
0x217: {  	v0 =	vmin.f32 v0, v8;
	v5 =	vmax.f32 v5, v7;
	v8 =	vmul.f32 v7, v7;
	v11 =	vld [tilespmem:s21+$0xFFFFFF60]  }
0x218: {  	v1 =	vadd.f32 v4, v1;
	v3 =	vadd.f32 v7, v3;
	v4 =	vmax.f32 v5, v2;
	v5 =	vld [tilespmem:s21+$0xFFFFFFA0]  }
0x219: {  	v0 =	vmin.f32 v0, v7;
	v7 =	vmul.f32 v2, v2;
	v4 =	vmax.f32 v4, v9;
	v12 =	vld [tilespmem:s21+$0xFFFFFFE0]  }
0x21a: {  	v1 =	vadd.f32 v8, v1;
	v3 =	vadd.f32 v2, v3;
	v4 =	vmax.f32 v4, v10  }
0x21b: {  	v0 =	vmin.f32 v0, v2;
	v2 =	vmul.f32 v9, v9;
	v4 =	vmax.f32 v4, v6  }
0x21c: {  	v1 =	vadd.f32 v7, v1;
	v3 =	vadd.f32 v9, v3;
	v4 =	vmax.f32 v4, v11  }
0x21d: {  	v0 =	vmin.f32 v0, v9;
	v7 =	vmul.f32 v10, v10;
	v4 =	vmax.f32 v4, v5  }
0x21e: {  	v1 =	vadd.f32 v2, v1;
	v2 =	vadd.f32 v10, v3;
	v3 =	vmax.f32 v4, v12  }
0x21f: {  	v0 =	vmin.f32 v0, v10;
	v4 =	vmul.f32 v6, v6;
	[tilespmem:s22+$0x6810] =	vst v3  }
0x220: {  	v0 =	vmin.f32 v0, v6;
	v1 =	vadd.f32 v7, v1;
	v2 =	vadd.f32 v6, v2  }
0x221: {  	v0 =	vmin.f32 v0, v11;
	v3 =	vmul.f32 v11, v11  }
0x222: {  	v0 =	vmin.f32 v0, v5;
	v1 =	vadd.f32 v4, v1;
	v2 =	vadd.f32 v11, v2  }
0x223: {  	v0 =	vmin.f32 v0, v12  }
0x224: {  	v1 =	vadd.f32 v3, v1;
	v2 =	vadd.f32 v5, v2;
	v3 =	vmul.f32 v5, v5;
	[tilespmem:s22+$0x6850] =	vst v0;
	_ =	sdelay $0x1  }
0x225: {  	v0 =	vadd.f32 v3, v1;
	v1 =	vadd.f32 v12, v2;
	v2 =	vmul.f32 v12, v12;
	_ =	sdelay $0x1  }
0x226: {  	v0 =	vadd.f32 v2, v0;
	[tilespmem:s22+$0x6890] =	vst v1;
	_ =	sdelay $0x1  }
0x227: {  	[tilespmem:s22+$0x68D0] =	vst v0  }
0x228: {  	v0 =	vld [tilespmem:s21+$0xFFFFFC30]  }
0x229: {  	v1 =	vld [tilespmem:s21+$0xFFFFFC70]  }
0x22a: {  	v2 =	vld [tilespmem:s21+$0xFFFFFCB0]  }
0x22b: {  	v3 =	vld [tilespmem:s21+$0xFFFFFCF0]  }
0x22c: {  	v4 =	vld [tilespmem:s21+$0xFFFFFD30]  }
0x22d: {  	v5 =	vmul.f32 v0, v0;
	v6 =	vld [tilespmem:s21+$0xFFFFFD70]  }
0x22e: {  	v7 =	vmax.f32 v0, v1;
	v8 =	vadd.f32 v1, v0;
	v9 =	vmul.f32 v1, v1;
	v10 =	vld [tilespmem:s21+$0xFFFFFDB0]  }
0x22f: {  	v0 =	vmin.f32 v0, v1;
	v1 =	vmax.f32 v7, v2;
	v7 =	vmul.f32 v2, v2;
	v11 =	vld [tilespmem:s21+$0xFFFFFDF0]  }
0x230: {  	v0 =	vmin.f32 v0, v2;
	v5 =	vadd.f32 v9, v5;
	v2 =	vadd.f32 v2, v8;
	v8 =	vld [tilespmem:s21+$0xFFFFFE30]  }
0x231: {  	v1 =	vmax.f32 v1, v3;
	v0 =	vmin.f32 v0, v3;
	v9 =	vmul.f32 v3, v3;
	v12 =	vld [tilespmem:s21+$0xFFFFFE70]  }
0x232: {  	v0 =	vmin.f32 v0, v4;
	v5 =	vadd.f32 v7, v5;
	v2 =	vadd.f32 v3, v2  }
0x233: {  	v1 =	vmax.f32 v1, v4;
	v0 =	vmin.f32 v0, v6  }
0x234: {  	v3 =	vadd.f32 v9, v5;
	v2 =	vadd.f32 v4, v2;
	v4 =	vmul.f32 v4, v4  }
0x235: {  	v1 =	vmax.f32 v1, v6;
	v0 =	vmin.f32 v0, v10  }
0x236: {  	v3 =	vadd.f32 v4, v3;
	v2 =	vadd.f32 v6, v2;
	v4 =	vmul.f32 v6, v6  }
0x237: {  	v1 =	vmax.f32 v1, v10;
	v0 =	vmin.f32 v0, v11  }
0x238: {  	v3 =	vadd.f32 v4, v3;
	v2 =	vadd.f32 v10, v2;
	v4 =	vmul.f32 v10, v10;
	v5 =	vld [tilespmem:s21+$0xFFFFFEB0]  }
0x239: {  	v1 =	vmax.f32 v1, v11;
	v0 =	vmin.f32 v0, v8  }
0x23a: {  	v3 =	vadd.f32 v4, v3;
	v2 =	vadd.f32 v11, v2;
	v4 =	vmul.f32 v11, v11;
	v6 =	vld [tilespmem:s21+$0xFFFFFEF0]  }
0x23b: {  	v1 =	vmax.f32 v1, v8;
	v0 =	vmin.f32 v0, v12;
	v7 =	vld [tilespmem:s21+$0xFFFFFF30]  }
0x23c: {  	v3 =	vadd.f32 v4, v3;
	v2 =	vadd.f32 v8, v2;
	v4 =	vmul.f32 v8, v8;
	v8 =	vld [tilespmem:s21+$0xFFFFFF70]  }
0x23d: {  	v1 =	vmax.f32 v1, v12;
	v0 =	vmin.f32 v0, v5;
	v9 =	vld [tilespmem:s21+$0xFFFFFFB0]  }
0x23e: {  	v3 =	vadd.f32 v4, v3;
	v2 =	vadd.f32 v12, v2;
	v4 =	vmul.f32 v12, v12;
	v10 =	vld [tilespmem:s21+$0xFFFFFFF0]  }
0x23f: {  	v1 =	vmax.f32 v1, v5;
	v11 =	vmul.f32 v5, v5;
	v0 =	vmin.f32 v0, v6  }
0x240: {  	v3 =	vadd.f32 v4, v3;
	v2 =	vadd.f32 v5, v2;
	v0 =	vmin.f32 v0, v7  }
0x241: {  	v1 =	vmax.f32 v1, v6;
	v4 =	vmul.f32 v6, v6;
	v0 =	vmin.f32 v0, v8  }
0x242: {  	v3 =	vadd.f32 v11, v3;
	v2 =	vadd.f32 v6, v2;
	v0 =	vmin.f32 v0, v9  }
0x243: {  	v1 =	vmax.f32 v1, v7;
	v5 =	vmul.f32 v7, v7;
	v0 =	vmin.f32 v0, v10  }
0x244: {  	v1 =	vmax.f32 v1, v8;
	v3 =	vadd.f32 v4, v3;
	v2 =	vadd.f32 v7, v2;
	[tilespmem:s22+$0x6860] =	vst v0  }
0x245: {  	v1 =	vmax.f32 v1, v9;
	v0 =	vmul.f32 v8, v8  }
0x246: {  	v1 =	vmax.f32 v1, v10;
	v3 =	vadd.f32 v5, v3;
	v2 =	vadd.f32 v8, v2  }
0x247: {  	[tilespmem:s22+$0x6820] =	vst v1  }
0x248: {  	v0 =	vadd.f32 v0, v3;
	v1 =	vadd.f32 v9, v2;
	v2 =	vmul.f32 v9, v9;
	_ =	sdelay $0x1  }
0x249: {  	v0 =	vadd.f32 v2, v0;
	v1 =	vadd.f32 v10, v1;
	v2 =	vmul.f32 v10, v10;
	_ =	sdelay $0x1  }
0x24a: {  	v0 =	vadd.f32 v2, v0;
	[tilespmem:s22+$0x68A0] =	vst v1;
	_ =	sdelay $0x1  }
0x24b: {  	[tilespmem:s22+$0x68E0] =	vst v0  }
0x24c: {  	v0 =	vld [tilespmem:s21+$0xFFFFFC40]  }
0x24d: {  	v1 =	vld [tilespmem:s21+$0xFFFFFC80]  }
0x24e: {  	v2 =	vld [tilespmem:s21+$0xFFFFFCC0]  }
0x24f: {  	v3 =	vld [tilespmem:s21+$0xFFFFFD00]  }
0x250: {  	v4 =	vld [tilespmem:s21+$0xFFFFFD40]  }
0x251: {  	v5 =	vmul.f32 v0, v0;
	v6 =	vld [tilespmem:s21+$0xFFFFFD80]  }
0x252: {  	v7 =	vmax.f32 v0, v1;
	v8 =	vadd.f32 v1, v0;
	v9 =	vmul.f32 v1, v1;
	v10 =	vld [tilespmem:s21+$0xFFFFFDC0]  }
0x253: {  	v0 =	vmin.f32 v0, v1;
	v1 =	vmax.f32 v7, v2;
	v7 =	vld [tilespmem:s21+$0xFFFFFE00]  }
0x254: {  	v5 =	vadd.f32 v9, v5;
	v8 =	vadd.f32 v2, v8;
	v9 =	vmul.f32 v2, v2;
	v11 =	vld [tilespmem:s21+$0xFFFFFE40]  }
0x255: {  	v0 =	vmin.f32 v0, v2;
	v1 =	vmax.f32 v1, v3;
	v2 =	vld [tilespmem:s21+$0xFFFFFE80]  }
0x256: {  	v5 =	vadd.f32 v9, v5;
	v8 =	vadd.f32 v3, v8;
	v9 =	vmul.f32 v3, v3;
	v12 =	vld [tilespmem:s21+$0xFFFFFEC0]  }
0x257: {  	v0 =	vmin.f32 v0, v3;
	v1 =	vmax.f32 v1, v4;
	v3 =	vmul.f32 v4, v4;
	v13 =	vld [tilespmem:s21+$0xFFFFFF40]  }
0x258: {  	v0 =	vmin.f32 v0, v4;
	v5 =	vadd.f32 v9, v5;
	v4 =	vadd.f32 v4, v8;
	v8 =	vld [tilespmem:s21+$0xFFFFFF80]  }
0x259: {  	v1 =	vmax.f32 v1, v6;
	v0 =	vmin.f32 v0, v6;
	v9 =	vmul.f32 v6, v6;
	v14 =	vld [tilespmem:s21+$0xFFFFFF00]  }
0x25a: {  	v0 =	vmin.f32 v0, v10;
	v3 =	vadd.f32 v3, v5;
	v4 =	vadd.f32 v6, v4;
	v5 =	vld [tilespmem:s21+$0xFFFFFFC0]  }
0x25b: {  	v1 =	vmax.f32 v1, v10;
	v15 =	vmin.f32 v0, v7;
	v6 =	vmul.f32 v10, v10;
	v0 =	vld [tilespmem:s21+$0x0]  }
0x25c: {  	v3 =	vadd.f32 v9, v3;
	v4 =	vadd.f32 v10, v4;
	v9 =	vmin.f32 v15, v11  }
0x25d: {  	v1 =	vmax.f32 v1, v7;
	v9 =	vmin.f32 v9, v2  }
0x25e: {  	v3 =	vadd.f32 v6, v3;
	v4 =	vadd.f32 v7, v4;
	v6 =	vmul.f32 v7, v7  }
0x25f: {  	v1 =	vmax.f32 v1, v11;
	v7 =	vmin.f32 v9, v12  }
0x260: {  	v3 =	vadd.f32 v6, v3;
	v4 =	vadd.f32 v11, v4;
	v6 =	vmul.f32 v11, v11  }
0x261: {  	v1 =	vmax.f32 v1, v2;
	v7 =	vmin.f32 v7, v14  }
0x262: {  	v3 =	vadd.f32 v6, v3;
	v4 =	vadd.f32 v2, v4;
	v2 =	vmul.f32 v2, v2  }
0x263: {  	v1 =	vmax.f32 v1, v12;
	v7 =	vmin.f32 v7, v13;
	v6 =	vmul.f32 v12, v12  }
0x264: {  	v2 =	vadd.f32 v2, v3;
	v3 =	vadd.f32 v12, v4;
	v4 =	vmin.f32 v7, v8  }
0x265: {  	v1 =	vmax.f32 v1, v14;
	v7 =	vmul.f32 v14, v14;
	v4 =	vmin.f32 v4, v5  }
0x266: {  	v2 =	vadd.f32 v6, v2;
	v3 =	vadd.f32 v14, v3;
	v4 =	vmin.f32 v4, v0  }
0x267: {  	v1 =	vmax.f32 v1, v13;
	v6 =	vmul.f32 v13, v13;
	[tilespmem:s22+$0x6870] =	vst v4  }
.Ltmp3:
0x268: {  	v1 =	vmax.f32 v1, v8;
	v2 =	vadd.f32 v7, v2;
	v3 =	vadd.f32 v13, v3;
	(pc) =	sbr.rel @p0 .LBB2_5-.Ltmp3, $4  }
0x269: {  	v1 =	vmax.f32 v1, v5;
	v4 =	vmul.f32 v8, v8  }
0x26a: {  	v1 =	vmax.f32 v1, v0;
	v2 =	vadd.f32 v6, v2;
	v3 =	vadd.f32 v8, v3  }
0x26b: {  	[tilespmem:s22+$0x6830] =	vst v1  }
0x26c: {  	v2 =	vadd.f32 v4, v2;
	v1 =	vadd.f32 v5, v3;
	v3 =	vmul.f32 v5, v5  }
0x26d: {  	_ = 	snop  }
0x26e: {  	v61 =	vmul.f32 v0, v0;
	v2 =	vadd.f32 v3, v2  }
.Ltmp4:
0x26f: {  	v62 =	vadd.f32 v0, v1;
	(pc) =	sbr.rel @p1 .LBB2_8-.Ltmp4, $4  }
0x270: {  	s20 =	sadd.s32 s4, s20;
	v63 =	vadd.f32 v61, v2  }
0x271: {  	s20 =	sshll.u32 s20, $0x8;
	[tilespmem:s22+$0x68B0] =	vst v62  }
0x272: {  	s20 =	sadd.s32 s5, s20;
	[tilespmem:s22+$0x68F0] =	vst v63  }
0x273: {  	[hbm4b:s20+s3] =	stream.linear.scatter [tilespmem:s15], [sflag:$0x4], $0x800, $0x38;
	[tilespmem:$0x7000] =	vst v63  }
.Ltmp5:
0x274: {  	(pc) =	sbr.rel .LBB2_2-.Ltmp5, $4  }
0x275: {  	s20 =	sshll.u32 s19, $0x8  }
0x276: {  	s20 =	sand.u32 $0x3FFFFF00, s20  }
0x277: {  	s19 =	sadd.s32 $0x1, s19;
	s20 =	sadd.s32 $0x180, s20  }
0x278: {  	[tilespmem:s11], [sflag:$0x2] =	stream.indirect.gather [hbm4b:s2+s9], $0x40, s20, s9, $0xb8;
	[tilespmem:$0x7000] =	vst v63  }
.LBB2_9:
0x279: {  	_ =	sfence.sel $0x180000  }
0x27a: {  	[bflag:$0x0] =	sbarrier.arrive $0xFFFF  }
0x27b: {  	p0 =	sne.s32 s0, $0x0;
	_ =	strace $0x90000047  }
0x27c: {  	s0 =	sadd.s32 @!p0 $0x100000, s1;
	[bflag:$0x2] =	sbarrier.arrive $0xFFFF  }
0x27d: {  	[sflag:s0] =	ssyncadd.tile.s32 @!p0 $0x1;
	_ =	shalt  }
.Lfunc_end2:
_tile_overlayer_lowered:
.L_overlay_start_2:
0x27e: {  	(tag) =	ssettag $0x2  }
0x27f: {  	s0 =	rddreg [dreg:$0x0];
	s2 =	stileid.u32  }
0x280: {  	s1 =	rddreg [dreg:$0x1];
	p0 =	sne.s32 s2, $0x0  }
0x281: {  	s3 =	rddreg [dreg:$0x2];
	[bflag:$0x3] =	sbarrier.arrive $0xFFFF;
	s2 =	simm.s32 @!p0 $0x1C05  }
0x282: {  	[timem:s3], [sflag:s2] =	dma.local @!p0 [hbm:s0], s1  }
0x283: {  	s0 =	simm.s32 @!p0 $0x5  }
0x284: {  	_ =	swait.ge @!p0 [sflag:s0], s1  }
0x285: {  	s1 =	ssub.s32 @!p0 $0x0, s1;
	[sflag:s0] =	ssyncset.done @!p0 $0x0  }
0x286: {  	[sflag:s0] =	ssyncadd.s32 @!p0 s1  }
0x287: {  	[bflag:$0x3] =	sbarrier.arrive $0xFFFF  }
0x288: {  	_ =	shalt  }

</sc_bundles>
